<compile_context>
chip_gen: v7x
topology: tpu7x:2x2x1
jax: 0.10.2.dev20260603
libtpu: 0.0.44.dev20260713+nightly
codegen_flags: <defaults>
</compile_context>

<pallas_src>
import functools

import jax
import jax.numpy as jnp
from jax import lax
from jax.experimental import pallas as pl
from jax.experimental.pallas import tpu as pltpu
from jax.experimental.pallas import tpu_sc as plsc

N = 10000
E = 320000
D = 128

NC = 2
NS = 16
NW = NC * NS
EPW = E // NW
K = 128
CHUNKS = EPW // K
TK = EPW - CHUNKS * K
NB = 2
GROUPS = CHUNKS // NB
RPT = 624
TAIL0 = NS * RPT
ZR = 40

_mesh = plsc.VectorSubcoreMesh(
    core_axis_name="c", subcore_axis_name="s", num_cores=NC, num_subcores=NS)


def _zero_fill(zbuf, rows, width):
    def row(i, _):
        for j in range(width // 16):
            zbuf[i, pl.ds(j * 16, 16)] = jnp.zeros((16,), jnp.float32)
        return 0
    lax.fori_loop(0, rows, row, 0)


def _zero_shared(sh, zbuf, sid):
    base = sid * RPT
    def z(i, _):
        pltpu.sync_copy(zbuf, sh.at[pl.ds(base + i * ZR, ZR)])
        return 0
    lax.fori_loop(0, 640 // ZR, z, 0)


def _writeback(src_sh, dst_hbm, sid):
    r0 = sid * RPT
    pltpu.sync_copy(src_sh.at[pl.ds(r0, RPT)], dst_hbm.at[pl.ds(r0, RPT)])
    @pl.when(sid == NS - 1)
    def _():
        pltpu.sync_copy(src_sh.at[pl.ds(TAIL0, N - TAIL0)],
                        dst_hbm.at[pl.ds(TAIL0, N - TAIL0)])


@functools.partial(
    pl.kernel,
    out_type=(jax.ShapeDtypeStruct((N, D), jnp.float32),
              jax.ShapeDtypeStruct((N, D), jnp.float32)),
    mesh=_mesh,
    scratch_types=(
        [pltpu.VMEM_SHARED((N, D), jnp.float32)]
        + [pltpu.VMEM((K,), jnp.int32)] * NB
        + [pltpu.VMEM((K,), jnp.int32)] * NB
        + [pltpu.VMEM((TK,), jnp.int32)] * 2
        + [pltpu.VMEM((K, D), jnp.float32)] * NB
        + [pltpu.VMEM((TK, D), jnp.float32)]
        + [pltpu.VMEM((ZR, D), jnp.float32)]
        + [pltpu.SemaphoreType.DMA] * (2 * NB)
    ),
)
def _sc_agg(x_hbm, src_hbm, dst_hbm, acc0_hbm, acc1_hbm, *s):
    acc_sh = s[0]
    sidx = s[1:1 + NB]
    didx = s[1 + NB:1 + 2 * NB]
    sidxt, didxt = s[1 + 2 * NB:3 + 2 * NB]
    rows = s[3 + 2 * NB:3 + 3 * NB]
    rowst = s[3 + 3 * NB]
    zbuf = s[4 + 3 * NB]
    semg = s[5 + 3 * NB:5 + 4 * NB]
    sems = s[5 + 4 * NB:5 + 5 * NB]
    cid = lax.axis_index("c")
    sid = lax.axis_index("s")
    wid = sid * NC + cid

    _zero_fill(zbuf, ZR, D)
    _zero_shared(acc_sh, zbuf, sid)
    plsc.subcore_barrier()

    ebase = wid * EPW

    def fire_gather(c, b):
        pltpu.sync_copy(src_hbm.at[pl.ds(ebase + c * K, K)], sidx[b])
        pltpu.async_copy(x_hbm.at[sidx[b]], rows[b], semg[b])
        pltpu.sync_copy(dst_hbm.at[pl.ds(ebase + c * K, K)], didx[b])

    for b in range(NB):
        fire_gather(b, b)

    def group(g, _):
        base = g * NB
        for b in range(NB):
            pltpu.make_async_copy(x_hbm.at[sidx[b]], rows[b], semg[b]).wait()
            pltpu.async_copy(rows[b], acc_sh.at[didx[b]], sems[b], add=True)
        for b in range(NB):
            c2 = base + NB + b
            pltpu.make_async_copy(rows[b], acc_sh.at[didx[b]], sems[b]).wait()
            @pl.when(c2 < CHUNKS)
            def _():
                fire_gather(c2, b)
        return 0
    lax.fori_loop(0, GROUPS, group, 0)

    tbase = ebase + CHUNKS * K
    pltpu.sync_copy(src_hbm.at[pl.ds(tbase, TK)], sidxt)
    pltpu.async_copy(x_hbm.at[sidxt], rowst, semg[0]).wait()
    pltpu.sync_copy(dst_hbm.at[pl.ds(tbase, TK)], didxt)
    pltpu.sync_copy(rowst, acc_sh.at[didxt], add=True)
    plsc.subcore_barrier()

    @pl.when(cid == 0)
    def _():
        _writeback(acc_sh, acc0_hbm, sid)
    @pl.when(cid == 1)
    def _():
        _writeback(acc_sh, acc1_hbm, sid)


@functools.partial(
    pl.kernel,
    out_type=(jax.ShapeDtypeStruct((N, D), jnp.float32),
              jax.ShapeDtypeStruct((N, D), jnp.float32)),
    mesh=_mesh,
    scratch_types=[
        pltpu.VMEM_SHARED((N, D), jnp.float32),
        pltpu.VMEM((K,), jnp.int32),
        pltpu.VMEM((K,), jnp.int32),
        pltpu.VMEM((TK,), jnp.int32),
        pltpu.VMEM((K, D), jnp.float32),
        pltpu.VMEM((ZR, D), jnp.float32),
        pltpu.SemaphoreType.DMA,
        pltpu.SemaphoreType.DMA,
    ],
)
def _sc_deg(dst_hbm, deg0_hbm, deg1_hbm, deg_sh, didx0, didx1, didxt,
            ones_v, zbuf, sems0, sems1):
    cid = lax.axis_index("c")
    sid = lax.axis_index("s")
    wid = sid * NC + cid

    _zero_fill(zbuf, ZR, D)
    def fill_ones(i, _):
        for j in range(D // 16):
            ones_v[i, pl.ds(j * 16, 16)] = jnp.ones((16,), jnp.float32)
        return 0
    lax.fori_loop(0, K, fill_ones, 0)
    _zero_shared(deg_sh, zbuf, sid)
    plsc.subcore_barrier()

    ebase = wid * EPW

    def fire(c, didx, sems):
        pltpu.sync_copy(dst_hbm.at[pl.ds(ebase + c * K, K)], didx)
        pltpu.async_copy(ones_v, deg_sh.at[didx], sems, add=True)

    fire(0, didx0, sems0)
    fire(1, didx1, sems1)
    def pair(p, _):
        c = 2 * p
        pltpu.make_async_copy(ones_v, deg_sh.at[didx0], sems0).wait()
        @pl.when(c + 2 < CHUNKS)
        def _():
            fire(c + 2, didx0, sems0)
        pltpu.make_async_copy(ones_v, deg_sh.at[didx1], sems1).wait()
        @pl.when(c + 3 < CHUNKS)
        def _():
            fire(c + 3, didx1, sems1)
        return 0
    lax.fori_loop(0, CHUNKS // 2, pair, 0)

    tbase = ebase + CHUNKS * K
    pltpu.sync_copy(dst_hbm.at[pl.ds(tbase, TK)], didxt)
    pltpu.sync_copy(ones_v.at[pl.ds(0, TK)], deg_sh.at[didxt], add=True)
    plsc.subcore_barrier()

    @pl.when(cid == 0)
    def _():
        _writeback(deg_sh, deg0_hbm, sid)
    @pl.when(cid == 1)
    def _():
        _writeback(deg_sh, deg1_hbm, sid)


BN = 1000


def _dense_body(relu, h_ref, a0_ref, a1_ref, d0_ref, d1_ref, ws_ref, wn_ref,
                b_ref, o_ref):
    deg = jnp.maximum(d0_ref[:, 0:1] + d1_ref[:, 0:1], 1.0)
    hn = (a0_ref[...] + a1_ref[...]) / deg
    out = (
        jnp.dot(h_ref[...], ws_ref[...], preferred_element_type=jnp.float32,
                precision=lax.Precision.HIGHEST)
        + jnp.dot(hn, wn_ref[...], preferred_element_type=jnp.float32,
                  precision=lax.Precision.HIGHEST)
        + b_ref[...]
    )
    if relu:
        out = jnp.maximum(out, 0.0)
    o_ref[...] = out


def _dense(h, a0, a1, d0, d1, ws, wn, b, relu):
    return pl.pallas_call(
        functools.partial(_dense_body, relu),
        out_shape=jax.ShapeDtypeStruct((N, D), jnp.float32),
        grid=(N // BN,),
        in_specs=[
            pl.BlockSpec((BN, D), lambda i: (i, 0)),
            pl.BlockSpec((BN, D), lambda i: (i, 0)),
            pl.BlockSpec((BN, D), lambda i: (i, 0)),
            pl.BlockSpec((BN, D), lambda i: (i, 0)),
            pl.BlockSpec((BN, D), lambda i: (i, 0)),
            pl.BlockSpec((D, D), lambda i: (0, 0)),
            pl.BlockSpec((D, D), lambda i: (0, 0)),
            pl.BlockSpec((1, D), lambda i: (0, 0)),
        ],
        out_specs=pl.BlockSpec((BN, D), lambda i: (i, 0)),
    )(h, a0, a1, d0, d1, ws, wn, b)


def kernel(x, edge_index, W_self_1, W_neigh_1, b_1,
           W_self_2, W_neigh_2, b_2, W_self_3, W_neigh_3, b_3):
    src = edge_index[0].astype(jnp.int32)
    dst = edge_index[1].astype(jnp.int32)
    deg0, deg1 = _sc_deg(dst)
    h = x
    layers = [
        (W_self_1, W_neigh_1, b_1, True),
        (W_self_2, W_neigh_2, b_2, True),
        (W_self_3, W_neigh_3, b_3, False),
    ]
    for ws, wn, b, relu in layers:
        a0, a1 = _sc_agg(h, src, dst)
        h = _dense(h, a0, a1, deg0, deg1, ws, wn, b.reshape(1, D), relu)
    return h

# --- scband reference (transcript-rebuilt; emitter-appended) ---
"""Pipeline reference for scband-sage-28398323761564 (READ-ONLY COPY).

The authoritative reference and input builder live on the scoring server;
editing this copy changes nothing except your own understanding.
"""

import jax, jax.numpy as jnp
import numpy as np

N = 10000
E = 320000
D = 128


def _sage_layer(x, src, dst, W_self, W_neigh, b):
    # DGL-style SAGEConv with mean aggregator:
    # h_neigh = mean over incoming neighbors; out = x @ W_self + h_neigh @ W_neigh + b
    msg = x[src]
    agg = jax.ops.segment_sum(msg, dst, num_segments=N)
    deg = jax.ops.segment_sum(jnp.ones((src.shape[0],), dtype=x.dtype), dst, num_segments=N)
    deg = jnp.clip(deg, 1.0, None)
    h_neigh = agg / deg[:, None]
    return x @ W_self + h_neigh @ W_neigh + b


def setup_inputs(seed: int = 0) -> dict:
    key = jax.random.key(seed)
    ks = jax.random.split(key, 12)
    scale = 1.0 / np.sqrt(D)
    inp = {}
    inp["x"] = jax.random.normal(ks[0], (N, D), dtype=jnp.float32)
    inp["edge_index"] = jax.random.randint(ks[1], (2, E), 0, N)
    for i in range(3):
        inp[f"W_self_{i+1}"] = jax.random.normal(ks[2 + 3 * i], (D, D), dtype=jnp.float32) * scale
        inp[f"W_neigh_{i+1}"] = jax.random.normal(ks[3 + 3 * i], (D, D), dtype=jnp.float32) * scale
        inp[f"b_{i+1}"] = jnp.zeros((D,), dtype=jnp.float32)
    return inp


def reference(x, edge_index, W_self_1, W_neigh_1, b_1, W_self_2, W_neigh_2, b_2, W_self_3, W_neigh_3, b_3):
    src = edge_index[0]
    dst = edge_index[1]
    # 3-layer SAGE, ngnn_type='none' -> plain SAGEConv per layer; dropout=0 (eval)
    h = _sage_layer(x, src, dst, W_self_1, W_neigh_1, b_1)
    h = jax.nn.relu(h)
    h = _sage_layer(h, src, dst, W_self_2, W_neigh_2, b_2)
    h = jax.nn.relu(h)
    h = _sage_layer(h, src, dst, W_self_3, W_neigh_3, b_3)
    return h

if __name__ == "__main__":
    import jax
    _d = setup_inputs()
    print(jax.jit(kernel)(*tuple(_d.values())))

</pallas_src>

<mosaic_0001>
#map = affine_map<(d0, d1) -> (0, 0)>
#map1 = affine_map<(d0, d1) -> (0)>
module attributes {stable_mosaic.version = 14 : i64} {
  func.func @_sc_agg(%arg0: i32, %arg1: i32, %arg2: memref<10000x128xf32, #tpu.memory_space<hbm>>, %arg3: memref<320000xi32, #tpu.memory_space<hbm>>, %arg4: memref<320000xi32, #tpu.memory_space<hbm>>, %arg5: memref<10000x128xf32, #tpu.memory_space<hbm>>, %arg6: memref<10000x128xf32, #tpu.memory_space<hbm>>, %arg7: memref<10000x128xf32, #tpu.memory_space<vmem_shared>>, %arg8: memref<128xi32, #tpu.memory_space<vmem>>, %arg9: memref<128xi32, #tpu.memory_space<vmem>>, %arg10: memref<128xi32, #tpu.memory_space<vmem>>, %arg11: memref<128xi32, #tpu.memory_space<vmem>>, %arg12: memref<16xi32, #tpu.memory_space<vmem>>, %arg13: memref<16xi32, #tpu.memory_space<vmem>>, %arg14: memref<128x128xf32, #tpu.memory_space<vmem>>, %arg15: memref<128x128xf32, #tpu.memory_space<vmem>>, %arg16: memref<16x128xf32, #tpu.memory_space<vmem>>, %arg17: memref<40x128xf32, #tpu.memory_space<vmem>>, %arg18: memref<!tpu.dma_semaphore, #tpu.memory_space<semaphore_mem>>, %arg19: memref<!tpu.dma_semaphore, #tpu.memory_space<semaphore_mem>>, %arg20: memref<!tpu.dma_semaphore, #tpu.memory_space<semaphore_mem>>, %arg21: memref<!tpu.dma_semaphore, #tpu.memory_space<semaphore_mem>>) attributes {dimension_semantics = [#tpu.dimension_semantics<core_parallel>, #tpu.dimension_semantics<subcore_parallel>], iteration_bounds = array<i64: 2, 16>, scalar_prefetch = 0 : i64, scratch_operands = 15 : i64, tpu.core_type = #tpu.core_type<sc_vector_subcore>, window_params = [{transform_indices = #map}, {transform_indices = #map1}, {transform_indices = #map1}, {transform_indices = #map}, {transform_indices = #map}]} {
    %mul3A = arith.constant 2 : i32
    %mul3A_0 = arith.muli %arg1, %mul3A : i32
    %add3A = arith.addi %mul3A_0, %arg0 : i32
    %scan3A = arith.constant 0 : i32
    %scan3A_1 = arith.constant 0 : i32
    %scan3A_2 = arith.constant 40 : i32
    %scan3A_3 = arith.addi %scan3A_1, %scan3A_2 : i32
    %scan3A_4 = arith.constant 1 : i32
    %scan3A_5 = scf.for %scan3A_53 = %scan3A_1 to %scan3A_3 step %scan3A_4 iter_args(%scan3A_54 = %scan3A) -> (i32)  : i32 {
      %broadcast_in_dim3A = arith.constant 0.000000e+00 : f32
      %broadcast_in_dim3A_55 = vector.broadcast %broadcast_in_dim3A : f32 to vector<16xf32>
      %swap3A = arith.index_cast %scan3A_53 : i32 to index
      %swap3A_56 = arith.constant 0 : index
      %swap3A_57 = tpu.vector_load %arg17[%swap3A, %swap3A_56] {strides = array<i32>} : memref<40x128xf32, #tpu.memory_space<vmem>>, vector<1x16xf32>,
      %swap3A_58 = vector.shape_cast %swap3A_57 : vector<1x16xf32> to vector<16xf32>
      %swap3A_59 = vector.shape_cast %broadcast_in_dim3A_55 : vector<16xf32> to vector<1x16xf32>
      tpu.vector_store %arg17[%swap3A, %swap3A_56], %swap3A_59 {strides = array<i32>} : memref<40x128xf32, #tpu.memory_space<vmem>>, vector<1x16xf32>,
      %broadcast_in_dim3A_60 = arith.constant 0.000000e+00 : f32
      %broadcast_in_dim3A_61 = vector.broadcast %broadcast_in_dim3A_60 : f32 to vector<16xf32>
      %swap3A_62 = arith.index_cast %scan3A_53 : i32 to index
      %swap3A_63 = arith.constant 16 : index
      %swap3A_64 = tpu.vector_load %arg17[%swap3A_62, %swap3A_63] {strides = array<i32>} : memref<40x128xf32, #tpu.memory_space<vmem>>, vector<1x16xf32>,
      %swap3A_65 = vector.shape_cast %swap3A_64 : vector<1x16xf32> to vector<16xf32>
      %swap3A_66 = vector.shape_cast %broadcast_in_dim3A_61 : vector<16xf32> to vector<1x16xf32>
      tpu.vector_store %arg17[%swap3A_62, %swap3A_63], %swap3A_66 {strides = array<i32>} : memref<40x128xf32, #tpu.memory_space<vmem>>, vector<1x16xf32>,
      %broadcast_in_dim3A_67 = arith.constant 0.000000e+00 : f32
      %broadcast_in_dim3A_68 = vector.broadcast %broadcast_in_dim3A_67 : f32 to vector<16xf32>
      %swap3A_69 = arith.index_cast %scan3A_53 : i32 to index
      %swap3A_70 = arith.constant 32 : index
      %swap3A_71 = tpu.vector_load %arg17[%swap3A_69, %swap3A_70] {strides = array<i32>} : memref<40x128xf32, #tpu.memory_space<vmem>>, vector<1x16xf32>,
      %swap3A_72 = vector.shape_cast %swap3A_71 : vector<1x16xf32> to vector<16xf32>
      %swap3A_73 = vector.shape_cast %broadcast_in_dim3A_68 : vector<16xf32> to vector<1x16xf32>
      tpu.vector_store %arg17[%swap3A_69, %swap3A_70], %swap3A_73 {strides = array<i32>} : memref<40x128xf32, #tpu.memory_space<vmem>>, vector<1x16xf32>,
      %broadcast_in_dim3A_74 = arith.constant 0.000000e+00 : f32
      %broadcast_in_dim3A_75 = vector.broadcast %broadcast_in_dim3A_74 : f32 to vector<16xf32>
      %swap3A_76 = arith.index_cast %scan3A_53 : i32 to index
      %swap3A_77 = arith.constant 48 : index
      %swap3A_78 = tpu.vector_load %arg17[%swap3A_76, %swap3A_77] {strides = array<i32>} : memref<40x128xf32, #tpu.memory_space<vmem>>, vector<1x16xf32>,
      %swap3A_79 = vector.shape_cast %swap3A_78 : vector<1x16xf32> to vector<16xf32>
      %swap3A_80 = vector.shape_cast %broadcast_in_dim3A_75 : vector<16xf32> to vector<1x16xf32>
      tpu.vector_store %arg17[%swap3A_76, %swap3A_77], %swap3A_80 {strides = array<i32>} : memref<40x128xf32, #tpu.memory_space<vmem>>, vector<1x16xf32>,
      %broadcast_in_dim3A_81 = arith.constant 0.000000e+00 : f32
      %broadcast_in_dim3A_82 = vector.broadcast %broadcast_in_dim3A_81 : f32 to vector<16xf32>
      %swap3A_83 = arith.index_cast %scan3A_53 : i32 to index
      %swap3A_84 = arith.constant 64 : index
      %swap3A_85 = tpu.vector_load %arg17[%swap3A_83, %swap3A_84] {strides = array<i32>} : memref<40x128xf32, #tpu.memory_space<vmem>>, vector<1x16xf32>,
      %swap3A_86 = vector.shape_cast %swap3A_85 : vector<1x16xf32> to vector<16xf32>
      %swap3A_87 = vector.shape_cast %broadcast_in_dim3A_82 : vector<16xf32> to vector<1x16xf32>
      tpu.vector_store %arg17[%swap3A_83, %swap3A_84], %swap3A_87 {strides = array<i32>} : memref<40x128xf32, #tpu.memory_space<vmem>>, vector<1x16xf32>,
      %broadcast_in_dim3A_88 = arith.constant 0.000000e+00 : f32
      %broadcast_in_dim3A_89 = vector.broadcast %broadcast_in_dim3A_88 : f32 to vector<16xf32>
      %swap3A_90 = arith.index_cast %scan3A_53 : i32 to index
      %swap3A_91 = arith.constant 80 : index
      %swap3A_92 = tpu.vector_load %arg17[%swap3A_90, %swap3A_91] {strides = array<i32>} : memref<40x128xf32, #tpu.memory_space<vmem>>, vector<1x16xf32>,
      %swap3A_93 = vector.shape_cast %swap3A_92 : vector<1x16xf32> to vector<16xf32>
      %swap3A_94 = vector.shape_cast %broadcast_in_dim3A_89 : vector<16xf32> to vector<1x16xf32>
      tpu.vector_store %arg17[%swap3A_90, %swap3A_91], %swap3A_94 {strides = array<i32>} : memref<40x128xf32, #tpu.memory_space<vmem>>, vector<1x16xf32>,
      %broadcast_in_dim3A_95 = arith.constant 0.000000e+00 : f32
      %broadcast_in_dim3A_96 = vector.broadcast %broadcast_in_dim3A_95 : f32 to vector<16xf32>
      %swap3A_97 = arith.index_cast %scan3A_53 : i32 to index
      %swap3A_98 = arith.constant 96 : index
      %swap3A_99 = tpu.vector_load %arg17[%swap3A_97, %swap3A_98] {strides = array<i32>} : memref<40x128xf32, #tpu.memory_space<vmem>>, vector<1x16xf32>,
      %swap3A_100 = vector.shape_cast %swap3A_99 : vector<1x16xf32> to vector<16xf32>
      %swap3A_101 = vector.shape_cast %broadcast_in_dim3A_96 : vector<16xf32> to vector<1x16xf32>
      tpu.vector_store %arg17[%swap3A_97, %swap3A_98], %swap3A_101 {strides = array<i32>} : memref<40x128xf32, #tpu.memory_space<vmem>>, vector<1x16xf32>,
      %broadcast_in_dim3A_102 = arith.constant 0.000000e+00 : f32
      %broadcast_in_dim3A_103 = vector.broadcast %broadcast_in_dim3A_102 : f32 to vector<16xf32>
      %swap3A_104 = arith.index_cast %scan3A_53 : i32 to index
      %swap3A_105 = arith.constant 112 : index
      %swap3A_106 = tpu.vector_load %arg17[%swap3A_104, %swap3A_105] {strides = array<i32>} : memref<40x128xf32, #tpu.memory_space<vmem>>, vector<1x16xf32>,
      %swap3A_107 = vector.shape_cast %swap3A_106 : vector<1x16xf32> to vector<16xf32>
      %swap3A_108 = vector.shape_cast %broadcast_in_dim3A_103 : vector<16xf32> to vector<1x16xf32>
      tpu.vector_store %arg17[%swap3A_104, %swap3A_105], %swap3A_108 {strides = array<i32>} : memref<40x128xf32, #tpu.memory_space<vmem>>, vector<1x16xf32>,
      %scan3A_109 = arith.constant 0 : i32
      scf.yield %scan3A_109 : i32
    }
    %scan3A_6 = arith.constant 40 : i32
    %mul3A_7 = arith.constant 624 : i32
    %mul3A_8 = arith.muli %arg1, %mul3A_7 : i32
    %scan3A_9 = arith.constant 0 : i32
    %scan3A_10 = arith.constant 0 : i32
    %scan3A_11 = arith.constant 16 : i32
    %scan3A_12 = arith.addi %scan3A_10, %scan3A_11 : i32
    %scan3A_13 = arith.constant 1 : i32
    %scan3A_14 = scf.for %scan3A_53 = %scan3A_10 to %scan3A_12 step %scan3A_13 iter_args(%scan3A_54 = %scan3A_9) -> (i32)  : i32 {
      %mul3A_55 = arith.constant 40 : i32
      %mul3A_56 = arith.muli %scan3A_53, %mul3A_55 : i32
      %add3A_57 = arith.addi %mul3A_8, %mul3A_56 : i32
      "tpu.region"() ({
        %run_scoped3A = tpu.sem_alloc : memref<!tpu.dma_semaphore, #tpu.memory_space<semaphore_mem>>
        %dma_start3A_59 = arith.constant 0 : i32
        %dma_start3A_60 = tpu.memref_slice %arg7[%add3A_57, %dma_start3A_59] : memref<10000x128xf32, #tpu.memory_space<vmem_shared>> -> memref<40x128xf32, #tpu.memory_space<vmem_shared>>
        %dma_start3A_61 = arith.constant 0 : i32
        %dma_start3A_62 = tpu.memref_slice %arg7[%add3A_57, %dma_start3A_61] : memref<10000x128xf32, #tpu.memory_space<vmem_shared>> -> memref<40x128xf32, #tpu.memory_space<vmem_shared>>
        tpu.enqueue_dma source(%arg17 : memref<40x128xf32, #tpu.memory_space<vmem>>) target(%dma_start3A_62 : memref<40x128xf32, #tpu.memory_space<vmem_shared>>) target_semaphore(%run_scoped3A : memref<!tpu.dma_semaphore, #tpu.memory_space<semaphore_mem>>)
        %dma_wait3A_63 = arith.constant 0 : i32
        %dma_wait3A_64 = tpu.memref_slice %arg7[%add3A_57, %dma_wait3A_63] : memref<10000x128xf32, #tpu.memory_space<vmem_shared>> -> memref<40x128xf32, #tpu.memory_space<vmem_shared>>
        %dma_wait3A_65 = arith.constant 0 : i32
        %dma_wait3A_66 = tpu.memref_slice %arg7[%add3A_57, %dma_wait3A_65] : memref<10000x128xf32, #tpu.memory_space<vmem_shared>> -> memref<40x128xf32, #tpu.memory_space<vmem_shared>>
        tpu.wait_dma2 semaphore(%run_scoped3A : memref<!tpu.dma_semaphore, #tpu.memory_space<semaphore_mem>>) src(%arg17 : memref<40x128xf32, #tpu.memory_space<vmem>>) dst(%dma_wait3A_66 : memref<40x128xf32, #tpu.memory_space<vmem_shared>>)
        tpu.yield
      }) : () -> ()
      %scan3A_58 = arith.constant 0 : i32
      scf.yield %scan3A_58 : i32
    }
    %scan3A_15 = arith.constant 16 : i32
    %barrier3A = arith.constant 0 : index
    tpu.barrier barrier_id(%barrier3A)
    %mul3A_16 = arith.constant 10000 : i32
    %mul3A_17 = arith.muli %add3A, %mul3A_16 : i32
    %add3A_18 = arith.constant 0 : i32
    %add3A_19 = arith.addi %mul3A_17, %add3A_18 : i32
    "tpu.region"() ({
      %run_scoped3A = tpu.sem_alloc : memref<!tpu.dma_semaphore, #tpu.memory_space<semaphore_mem>>
      %dma_start3A_53 = tpu.memref_slice %arg3[%add3A_19] : memref<320000xi32, #tpu.memory_space<hbm>> -> memref<128xi32, #tpu.memory_space<hbm>>
      %dma_start3A_54 = tpu.memref_slice %arg3[%add3A_19] : memref<320000xi32, #tpu.memory_space<hbm>> -> memref<128xi32, #tpu.memory_space<hbm>>
      tpu.enqueue_dma source(%dma_start3A_54 : memref<128xi32, #tpu.memory_space<hbm>>) target(%arg8 : memref<128xi32, #tpu.memory_space<vmem>>) target_semaphore(%run_scoped3A : memref<!tpu.dma_semaphore, #tpu.memory_space<semaphore_mem>>)
      %dma_wait3A_55 = tpu.memref_slice %arg3[%add3A_19] : memref<320000xi32, #tpu.memory_space<hbm>> -> memref<128xi32, #tpu.memory_space<hbm>>
      %dma_wait3A_56 = tpu.memref_slice %arg3[%add3A_19] : memref<320000xi32, #tpu.memory_space<hbm>> -> memref<128xi32, #tpu.memory_space<hbm>>
      tpu.wait_dma2 semaphore(%run_scoped3A : memref<!tpu.dma_semaphore, #tpu.memory_space<semaphore_mem>>) src(%dma_wait3A_56 : memref<128xi32, #tpu.memory_space<hbm>>) dst(%arg8 : memref<128xi32, #tpu.memory_space<vmem>>)
      tpu.yield
    }) : () -> ()
    %dma_start3A = arith.constant 0 : i32
    %dma_start3A_20 = arith.constant 0 : i32
    %dma_start3A_21 = tpu.memref_slice %arg2[%dma_start3A, %dma_start3A_20] : memref<10000x128xf32, #tpu.memory_space<hbm>> -> memref<10000x128xf32, #tpu.memory_space<hbm>>
    tpu.enqueue_indirect_dma source(%dma_start3A_21 : memref<10000x128xf32, #tpu.memory_space<hbm>>) target(%arg14 : memref<128x128xf32, #tpu.memory_space<vmem>>) offsets(%arg8 : memref<128xi32, #tpu.memory_space<vmem>>) semaphore(%arg18 : memref<!tpu.dma_semaphore, #tpu.memory_space<semaphore_mem>>)
    %add3A_22 = arith.constant 0 : i32
    %add3A_23 = arith.addi %mul3A_17, %add3A_22 : i32
    "tpu.region"() ({
      %run_scoped3A = tpu.sem_alloc : memref<!tpu.dma_semaphore, #tpu.memory_space<semaphore_mem>>
      %dma_start3A_53 = tpu.memref_slice %arg4[%add3A_23] : memref<320000xi32, #tpu.memory_space<hbm>> -> memref<128xi32, #tpu.memory_space<hbm>>
      %dma_start3A_54 = tpu.memref_slice %arg4[%add3A_23] : memref<320000xi32, #tpu.memory_space<hbm>> -> memref<128xi32, #tpu.memory_space<hbm>>
      tpu.enqueue_dma source(%dma_start3A_54 : memref<128xi32, #tpu.memory_space<hbm>>) target(%arg10 : memref<128xi32, #tpu.memory_space<vmem>>) target_semaphore(%run_scoped3A : memref<!tpu.dma_semaphore, #tpu.memory_space<semaphore_mem>>)
      %dma_wait3A_55 = tpu.memref_slice %arg4[%add3A_23] : memref<320000xi32, #tpu.memory_space<hbm>> -> memref<128xi32, #tpu.memory_space<hbm>>
      %dma_wait3A_56 = tpu.memref_slice %arg4[%add3A_23] : memref<320000xi32, #tpu.memory_space<hbm>> -> memref<128xi32, #tpu.memory_space<hbm>>
      tpu.wait_dma2 semaphore(%run_scoped3A : memref<!tpu.dma_semaphore, #tpu.memory_space<semaphore_mem>>) src(%dma_wait3A_56 : memref<128xi32, #tpu.memory_space<hbm>>) dst(%arg10 : memref<128xi32, #tpu.memory_space<vmem>>)
      tpu.yield
    }) : () -> ()
    %add3A_24 = arith.constant 128 : i32
    %add3A_25 = arith.addi %mul3A_17, %add3A_24 : i32
    "tpu.region"() ({
      %run_scoped3A = tpu.sem_alloc : memref<!tpu.dma_semaphore, #tpu.memory_space<semaphore_mem>>
      %dma_start3A_53 = tpu.memref_slice %arg3[%add3A_25] : memref<320000xi32, #tpu.memory_space<hbm>> -> memref<128xi32, #tpu.memory_space<hbm>>
      %dma_start3A_54 = tpu.memref_slice %arg3[%add3A_25] : memref<320000xi32, #tpu.memory_space<hbm>> -> memref<128xi32, #tpu.memory_space<hbm>>
      tpu.enqueue_dma source(%dma_start3A_54 : memref<128xi32, #tpu.memory_space<hbm>>) target(%arg9 : memref<128xi32, #tpu.memory_space<vmem>>) target_semaphore(%run_scoped3A : memref<!tpu.dma_semaphore, #tpu.memory_space<semaphore_mem>>)
      %dma_wait3A_55 = tpu.memref_slice %arg3[%add3A_25] : memref<320000xi32, #tpu.memory_space<hbm>> -> memref<128xi32, #tpu.memory_space<hbm>>
      %dma_wait3A_56 = tpu.memref_slice %arg3[%add3A_25] : memref<320000xi32, #tpu.memory_space<hbm>> -> memref<128xi32, #tpu.memory_space<hbm>>
      tpu.wait_dma2 semaphore(%run_scoped3A : memref<!tpu.dma_semaphore, #tpu.memory_space<semaphore_mem>>) src(%dma_wait3A_56 : memref<128xi32, #tpu.memory_space<hbm>>) dst(%arg9 : memref<128xi32, #tpu.memory_space<vmem>>)
      tpu.yield
    }) : () -> ()
    %dma_start3A_26 = arith.constant 0 : i32
    %dma_start3A_27 = arith.constant 0 : i32
    %dma_start3A_28 = tpu.memref_slice %arg2[%dma_start3A_26, %dma_start3A_27] : memref<10000x128xf32, #tpu.memory_space<hbm>> -> memref<10000x128xf32, #tpu.memory_space<hbm>>
    tpu.enqueue_indirect_dma source(%dma_start3A_28 : memref<10000x128xf32, #tpu.memory_space<hbm>>) target(%arg15 : memref<128x128xf32, #tpu.memory_space<vmem>>) offsets(%arg9 : memref<128xi32, #tpu.memory_space<vmem>>) semaphore(%arg19 : memref<!tpu.dma_semaphore, #tpu.memory_space<semaphore_mem>>)
    %add3A_29 = arith.constant 128 : i32
    %add3A_30 = arith.addi %mul3A_17, %add3A_29 : i32
    "tpu.region"() ({
      %run_scoped3A = tpu.sem_alloc : memref<!tpu.dma_semaphore, #tpu.memory_space<semaphore_mem>>
      %dma_start3A_53 = tpu.memref_slice %arg4[%add3A_30] : memref<320000xi32, #tpu.memory_space<hbm>> -> memref<128xi32, #tpu.memory_space<hbm>>
      %dma_start3A_54 = tpu.memref_slice %arg4[%add3A_30] : memref<320000xi32, #tpu.memory_space<hbm>> -> memref<128xi32, #tpu.memory_space<hbm>>
      tpu.enqueue_dma source(%dma_start3A_54 : memref<128xi32, #tpu.memory_space<hbm>>) target(%arg11 : memref<128xi32, #tpu.memory_space<vmem>>) target_semaphore(%run_scoped3A : memref<!tpu.dma_semaphore, #tpu.memory_space<semaphore_mem>>)
      %dma_wait3A_55 = tpu.memref_slice %arg4[%add3A_30] : memref<320000xi32, #tpu.memory_space<hbm>> -> memref<128xi32, #tpu.memory_space<hbm>>
      %dma_wait3A_56 = tpu.memref_slice %arg4[%add3A_30] : memref<320000xi32, #tpu.memory_space<hbm>> -> memref<128xi32, #tpu.memory_space<hbm>>
      tpu.wait_dma2 semaphore(%run_scoped3A : memref<!tpu.dma_semaphore, #tpu.memory_space<semaphore_mem>>) src(%dma_wait3A_56 : memref<128xi32, #tpu.memory_space<hbm>>) dst(%arg11 : memref<128xi32, #tpu.memory_space<vmem>>)
      tpu.yield
    }) : () -> ()
    %scan3A_31 = arith.constant 0 : i32
    %scan3A_32 = arith.constant 0 : i32
    %scan3A_33 = arith.constant 39 : i32
    %scan3A_34 = arith.addi %scan3A_32, %scan3A_33 : i32
    %scan3A_35 = arith.constant 1 : i32
    %scan3A_36 = scf.for %scan3A_53 = %scan3A_32 to %scan3A_34 step %scan3A_35 iter_args(%scan3A_54 = %scan3A_31) -> (i32)  : i32 {
      %mul3A_55 = arith.constant 2 : i32
      %mul3A_56 = arith.muli %scan3A_53, %mul3A_55 : i32
      %dma_wait3A_57 = arith.constant 0 : i32
      %dma_wait3A_58 = arith.constant 0 : i32
      %dma_wait3A_59 = tpu.memref_slice %arg2[%dma_wait3A_57, %dma_wait3A_58] : memref<10000x128xf32, #tpu.memory_space<hbm>> -> memref<10000x128xf32, #tpu.memory_space<hbm>>
      tpu.wait_indirect_dma semaphore(%arg18 : memref<!tpu.dma_semaphore, #tpu.memory_space<semaphore_mem>>) src(%dma_wait3A_59 : memref<10000x128xf32, #tpu.memory_space<hbm>>) dst(%arg14 : memref<128x128xf32, #tpu.memory_space<vmem>>)
      %dma_start3A_60 = arith.constant 0 : i32
      %dma_start3A_61 = arith.constant 0 : i32
      %dma_start3A_62 = tpu.memref_slice %arg7[%dma_start3A_60, %dma_start3A_61] : memref<10000x128xf32, #tpu.memory_space<vmem_shared>> -> memref<10000x128xf32, #tpu.memory_space<vmem_shared>>
      tpu.enqueue_indirect_dma source(%arg14 : memref<128x128xf32, #tpu.memory_space<vmem>>) target(%dma_start3A_62 : memref<10000x128xf32, #tpu.memory_space<vmem_shared>>) offsets(%arg10 : memref<128xi32, #tpu.memory_space<vmem>>) semaphore(%arg20 : memref<!tpu.dma_semaphore, #tpu.memory_space<semaphore_mem>>) {add = true}
      %dma_wait3A_63 = arith.constant 0 : i32
      %dma_wait3A_64 = arith.constant 0 : i32
      %dma_wait3A_65 = tpu.memref_slice %arg2[%dma_wait3A_63, %dma_wait3A_64] : memref<10000x128xf32, #tpu.memory_space<hbm>> -> memref<10000x128xf32, #tpu.memory_space<hbm>>
      tpu.wait_indirect_dma semaphore(%arg19 : memref<!tpu.dma_semaphore, #tpu.memory_space<semaphore_mem>>) src(%dma_wait3A_65 : memref<10000x128xf32, #tpu.memory_space<hbm>>) dst(%arg15 : memref<128x128xf32, #tpu.memory_space<vmem>>)
      %dma_start3A_66 = arith.constant 0 : i32
      %dma_start3A_67 = arith.constant 0 : i32
      %dma_start3A_68 = tpu.memref_slice %arg7[%dma_start3A_66, %dma_start3A_67] : memref<10000x128xf32, #tpu.memory_space<vmem_shared>> -> memref<10000x128xf32, #tpu.memory_space<vmem_shared>>
      tpu.enqueue_indirect_dma source(%arg15 : memref<128x128xf32, #tpu.memory_space<vmem>>) target(%dma_start3A_68 : memref<10000x128xf32, #tpu.memory_space<vmem_shared>>) offsets(%arg11 : memref<128xi32, #tpu.memory_space<vmem>>) semaphore(%arg21 : memref<!tpu.dma_semaphore, #tpu.memory_space<semaphore_mem>>) {add = true}
      %add3A_69 = arith.constant 2 : i32
      %add3A_70 = arith.addi %mul3A_56, %add3A_69 : i32
      %add3A_71 = arith.constant 0 : i32
      %add3A_72 = arith.addi %add3A_70, %add3A_71 : i32
      %dma_wait3A_73 = arith.constant 0 : i32
      %dma_wait3A_74 = arith.constant 0 : i32
      %dma_wait3A_75 = tpu.memref_slice %arg7[%dma_wait3A_73, %dma_wait3A_74] : memref<10000x128xf32, #tpu.memory_space<vmem_shared>> -> memref<10000x128xf32, #tpu.memory_space<vmem_shared>>
      tpu.wait_indirect_dma semaphore(%arg20 : memref<!tpu.dma_semaphore, #tpu.memory_space<semaphore_mem>>) src(%arg14 : memref<128x128xf32, #tpu.memory_space<vmem>>) dst(%dma_wait3A_75 : memref<10000x128xf32, #tpu.memory_space<vmem_shared>>)
      %lt3A = arith.constant 78 : i32
      %lt3A_76 = arith.cmpi slt, %add3A_72, %lt3A : i32
      %convert_element_type3A_77 = arith.extui %lt3A_76 : i1 to i32
      %cond3A_78 = arith.constant 0 : i32
      %cond3A_79 = arith.cmpi ne, %convert_element_type3A_77, %cond3A_78 : i32
      scf.if %cond3A_79 {
        %mul3A_93 = arith.constant 128 : i32
        %mul3A_94 = arith.muli %add3A_72, %mul3A_93 : i32
        %add3A_95 = arith.addi %mul3A_17, %mul3A_94 : i32
        "tpu.region"() ({
          %run_scoped3A = tpu.sem_alloc : memref<!tpu.dma_semaphore, #tpu.memory_space<semaphore_mem>>
          %dma_start3A_102 = tpu.memref_slice %arg3[%add3A_95] : memref<320000xi32, #tpu.memory_space<hbm>> -> memref<128xi32, #tpu.memory_space<hbm>>
          %dma_start3A_103 = tpu.memref_slice %arg3[%add3A_95] : memref<320000xi32, #tpu.memory_space<hbm>> -> memref<128xi32, #tpu.memory_space<hbm>>
          tpu.enqueue_dma source(%dma_start3A_103 : memref<128xi32, #tpu.memory_space<hbm>>) target(%arg8 : memref<128xi32, #tpu.memory_space<vmem>>) target_semaphore(%run_scoped3A : memref<!tpu.dma_semaphore, #tpu.memory_space<semaphore_mem>>)
          %dma_wait3A_104 = tpu.memref_slice %arg3[%add3A_95] : memref<320000xi32, #tpu.memory_space<hbm>> -> memref<128xi32, #tpu.memory_space<hbm>>
          %dma_wait3A_105 = tpu.memref_slice %arg3[%add3A_95] : memref<320000xi32, #tpu.memory_space<hbm>> -> memref<128xi32, #tpu.memory_space<hbm>>
          tpu.wait_dma2 semaphore(%run_scoped3A : memref<!tpu.dma_semaphore, #tpu.memory_space<semaphore_mem>>) src(%dma_wait3A_105 : memref<128xi32, #tpu.memory_space<hbm>>) dst(%arg8 : memref<128xi32, #tpu.memory_space<vmem>>)
          tpu.yield
        }) : () -> ()
        %dma_start3A_96 = arith.constant 0 : i32
        %dma_start3A_97 = arith.constant 0 : i32
        %dma_start3A_98 = tpu.memref_slice %arg2[%dma_start3A_96, %dma_start3A_97] : memref<10000x128xf32, #tpu.memory_space<hbm>> -> memref<10000x128xf32, #tpu.memory_space<hbm>>
        tpu.enqueue_indirect_dma source(%dma_start3A_98 : memref<10000x128xf32, #tpu.memory_space<hbm>>) target(%arg14 : memref<128x128xf32, #tpu.memory_space<vmem>>) offsets(%arg8 : memref<128xi32, #tpu.memory_space<vmem>>) semaphore(%arg18 : memref<!tpu.dma_semaphore, #tpu.memory_space<semaphore_mem>>)
        %mul3A_99 = arith.constant 128 : i32
        %mul3A_100 = arith.muli %add3A_72, %mul3A_99 : i32
        %add3A_101 = arith.addi %mul3A_17, %mul3A_100 : i32
        "tpu.region"() ({
          %run_scoped3A = tpu.sem_alloc : memref<!tpu.dma_semaphore, #tpu.memory_space<semaphore_mem>>
          %dma_start3A_102 = tpu.memref_slice %arg4[%add3A_101] : memref<320000xi32, #tpu.memory_space<hbm>> -> memref<128xi32, #tpu.memory_space<hbm>>
          %dma_start3A_103 = tpu.memref_slice %arg4[%add3A_101] : memref<320000xi32, #tpu.memory_space<hbm>> -> memref<128xi32, #tpu.memory_space<hbm>>
          tpu.enqueue_dma source(%dma_start3A_103 : memref<128xi32, #tpu.memory_space<hbm>>) target(%arg10 : memref<128xi32, #tpu.memory_space<vmem>>) target_semaphore(%run_scoped3A : memref<!tpu.dma_semaphore, #tpu.memory_space<semaphore_mem>>)
          %dma_wait3A_104 = tpu.memref_slice %arg4[%add3A_101] : memref<320000xi32, #tpu.memory_space<hbm>> -> memref<128xi32, #tpu.memory_space<hbm>>
          %dma_wait3A_105 = tpu.memref_slice %arg4[%add3A_101] : memref<320000xi32, #tpu.memory_space<hbm>> -> memref<128xi32, #tpu.memory_space<hbm>>
          tpu.wait_dma2 semaphore(%run_scoped3A : memref<!tpu.dma_semaphore, #tpu.memory_space<semaphore_mem>>) src(%dma_wait3A_105 : memref<128xi32, #tpu.memory_space<hbm>>) dst(%arg10 : memref<128xi32, #tpu.memory_space<vmem>>)
          tpu.yield
        }) : () -> ()
      } else {
      }
      %add3A_80 = arith.constant 2 : i32
      %add3A_81 = arith.addi %mul3A_56, %add3A_80 : i32
      %add3A_82 = arith.constant 1 : i32
      %add3A_83 = arith.addi %add3A_81, %add3A_82 : i32
      %dma_wait3A_84 = arith.constant 0 : i32
      %dma_wait3A_85 = arith.constant 0 : i32
      %dma_wait3A_86 = tpu.memref_slice %arg7[%dma_wait3A_84, %dma_wait3A_85] : memref<10000x128xf32, #tpu.memory_space<vmem_shared>> -> memref<10000x128xf32, #tpu.memory_space<vmem_shared>>
      tpu.wait_indirect_dma semaphore(%arg21 : memref<!tpu.dma_semaphore, #tpu.memory_space<semaphore_mem>>) src(%arg15 : memref<128x128xf32, #tpu.memory_space<vmem>>) dst(%dma_wait3A_86 : memref<10000x128xf32, #tpu.memory_space<vmem_shared>>)
      %lt3A_87 = arith.constant 78 : i32
      %lt3A_88 = arith.cmpi slt, %add3A_83, %lt3A_87 : i32
      %convert_element_type3A_89 = arith.extui %lt3A_88 : i1 to i32
      %cond3A_90 = arith.constant 0 : i32
      %cond3A_91 = arith.cmpi ne, %convert_element_type3A_89, %cond3A_90 : i32
      scf.if %cond3A_91 {
        %mul3A_93 = arith.constant 128 : i32
        %mul3A_94 = arith.muli %add3A_83, %mul3A_93 : i32
        %add3A_95 = arith.addi %mul3A_17, %mul3A_94 : i32
        "tpu.region"() ({
          %run_scoped3A = tpu.sem_alloc : memref<!tpu.dma_semaphore, #tpu.memory_space<semaphore_mem>>
          %dma_start3A_102 = tpu.memref_slice %arg3[%add3A_95] : memref<320000xi32, #tpu.memory_space<hbm>> -> memref<128xi32, #tpu.memory_space<hbm>>
          %dma_start3A_103 = tpu.memref_slice %arg3[%add3A_95] : memref<320000xi32, #tpu.memory_space<hbm>> -> memref<128xi32, #tpu.memory_space<hbm>>
          tpu.enqueue_dma source(%dma_start3A_103 : memref<128xi32, #tpu.memory_space<hbm>>) target(%arg9 : memref<128xi32, #tpu.memory_space<vmem>>) target_semaphore(%run_scoped3A : memref<!tpu.dma_semaphore, #tpu.memory_space<semaphore_mem>>)
          %dma_wait3A_104 = tpu.memref_slice %arg3[%add3A_95] : memref<320000xi32, #tpu.memory_space<hbm>> -> memref<128xi32, #tpu.memory_space<hbm>>
          %dma_wait3A_105 = tpu.memref_slice %arg3[%add3A_95] : memref<320000xi32, #tpu.memory_space<hbm>> -> memref<128xi32, #tpu.memory_space<hbm>>
          tpu.wait_dma2 semaphore(%run_scoped3A : memref<!tpu.dma_semaphore, #tpu.memory_space<semaphore_mem>>) src(%dma_wait3A_105 : memref<128xi32, #tpu.memory_space<hbm>>) dst(%arg9 : memref<128xi32, #tpu.memory_space<vmem>>)
          tpu.yield
        }) : () -> ()
        %dma_start3A_96 = arith.constant 0 : i32
        %dma_start3A_97 = arith.constant 0 : i32
        %dma_start3A_98 = tpu.memref_slice %arg2[%dma_start3A_96, %dma_start3A_97] : memref<10000x128xf32, #tpu.memory_space<hbm>> -> memref<10000x128xf32, #tpu.memory_space<hbm>>
        tpu.enqueue_indirect_dma source(%dma_start3A_98 : memref<10000x128xf32, #tpu.memory_space<hbm>>) target(%arg15 : memref<128x128xf32, #tpu.memory_space<vmem>>) offsets(%arg9 : memref<128xi32, #tpu.memory_space<vmem>>) semaphore(%arg19 : memref<!tpu.dma_semaphore, #tpu.memory_space<semaphore_mem>>)
        %mul3A_99 = arith.constant 128 : i32
        %mul3A_100 = arith.muli %add3A_83, %mul3A_99 : i32
        %add3A_101 = arith.addi %mul3A_17, %mul3A_100 : i32
        "tpu.region"() ({
          %run_scoped3A = tpu.sem_alloc : memref<!tpu.dma_semaphore, #tpu.memory_space<semaphore_mem>>
          %dma_start3A_102 = tpu.memref_slice %arg4[%add3A_101] : memref<320000xi32, #tpu.memory_space<hbm>> -> memref<128xi32, #tpu.memory_space<hbm>>
          %dma_start3A_103 = tpu.memref_slice %arg4[%add3A_101] : memref<320000xi32, #tpu.memory_space<hbm>> -> memref<128xi32, #tpu.memory_space<hbm>>
          tpu.enqueue_dma source(%dma_start3A_103 : memref<128xi32, #tpu.memory_space<hbm>>) target(%arg11 : memref<128xi32, #tpu.memory_space<vmem>>) target_semaphore(%run_scoped3A : memref<!tpu.dma_semaphore, #tpu.memory_space<semaphore_mem>>)
          %dma_wait3A_104 = tpu.memref_slice %arg4[%add3A_101] : memref<320000xi32, #tpu.memory_space<hbm>> -> memref<128xi32, #tpu.memory_space<hbm>>
          %dma_wait3A_105 = tpu.memref_slice %arg4[%add3A_101] : memref<320000xi32, #tpu.memory_space<hbm>> -> memref<128xi32, #tpu.memory_space<hbm>>
          tpu.wait_dma2 semaphore(%run_scoped3A : memref<!tpu.dma_semaphore, #tpu.memory_space<semaphore_mem>>) src(%dma_wait3A_105 : memref<128xi32, #tpu.memory_space<hbm>>) dst(%arg11 : memref<128xi32, #tpu.memory_space<vmem>>)
          tpu.yield
        }) : () -> ()
      } else {
      }
      %scan3A_92 = arith.constant 0 : i32
      scf.yield %scan3A_92 : i32
    }
    %scan3A_37 = arith.constant 39 : i32
    %add3A_38 = arith.constant 9984 : i32
    %add3A_39 = arith.addi %mul3A_17, %add3A_38 : i32
    "tpu.region"() ({
      %run_scoped3A = tpu.sem_alloc : memref<!tpu.dma_semaphore, #tpu.memory_space<semaphore_mem>>
      %dma_start3A_53 = tpu.memref_slice %arg3[%add3A_39] : memref<320000xi32, #tpu.memory_space<hbm>> -> memref<16xi32, #tpu.memory_space<hbm>>
      %dma_start3A_54 = tpu.memref_slice %arg3[%add3A_39] : memref<320000xi32, #tpu.memory_space<hbm>> -> memref<16xi32, #tpu.memory_space<hbm>>
      tpu.enqueue_dma source(%dma_start3A_54 : memref<16xi32, #tpu.memory_space<hbm>>) target(%arg12 : memref<16xi32, #tpu.memory_space<vmem>>) target_semaphore(%run_scoped3A : memref<!tpu.dma_semaphore, #tpu.memory_space<semaphore_mem>>)
      %dma_wait3A_55 = tpu.memref_slice %arg3[%add3A_39] : memref<320000xi32, #tpu.memory_space<hbm>> -> memref<16xi32, #tpu.memory_space<hbm>>
      %dma_wait3A_56 = tpu.memref_slice %arg3[%add3A_39] : memref<320000xi32, #tpu.memory_space<hbm>> -> memref<16xi32, #tpu.memory_space<hbm>>
      tpu.wait_dma2 semaphore(%run_scoped3A : memref<!tpu.dma_semaphore, #tpu.memory_space<semaphore_mem>>) src(%dma_wait3A_56 : memref<16xi32, #tpu.memory_space<hbm>>) dst(%arg12 : memref<16xi32, #tpu.memory_space<vmem>>)
      tpu.yield
    }) : () -> ()
    %dma_start3A_40 = arith.constant 0 : i32
    %dma_start3A_41 = arith.constant 0 : i32
    %dma_start3A_42 = tpu.memref_slice %arg2[%dma_start3A_40, %dma_start3A_41] : memref<10000x128xf32, #tpu.memory_space<hbm>> -> memref<10000x128xf32, #tpu.memory_space<hbm>>
    tpu.enqueue_indirect_dma source(%dma_start3A_42 : memref<10000x128xf32, #tpu.memory_space<hbm>>) target(%arg16 : memref<16x128xf32, #tpu.memory_space<vmem>>) offsets(%arg12 : memref<16xi32, #tpu.memory_space<vmem>>) semaphore(%arg18 : memref<!tpu.dma_semaphore, #tpu.memory_space<semaphore_mem>>)
    %dma_wait3A = arith.constant 0 : i32
    %dma_wait3A_43 = arith.constant 0 : i32
    %dma_wait3A_44 = tpu.memref_slice %arg2[%dma_wait3A, %dma_wait3A_43] : memref<10000x128xf32, #tpu.memory_space<hbm>> -> memref<10000x128xf32, #tpu.memory_space<hbm>>
    tpu.wait_indirect_dma semaphore(%arg18 : memref<!tpu.dma_semaphore, #tpu.memory_space<semaphore_mem>>) src(%dma_wait3A_44 : memref<10000x128xf32, #tpu.memory_space<hbm>>) dst(%arg16 : memref<16x128xf32, #tpu.memory_space<vmem>>)
    "tpu.region"() ({
      %run_scoped3A = tpu.sem_alloc : memref<!tpu.dma_semaphore, #tpu.memory_space<semaphore_mem>>
      %dma_start3A_53 = tpu.memref_slice %arg4[%add3A_39] : memref<320000xi32, #tpu.memory_space<hbm>> -> memref<16xi32, #tpu.memory_space<hbm>>
      %dma_start3A_54 = tpu.memref_slice %arg4[%add3A_39] : memref<320000xi32, #tpu.memory_space<hbm>> -> memref<16xi32, #tpu.memory_space<hbm>>
      tpu.enqueue_dma source(%dma_start3A_54 : memref<16xi32, #tpu.memory_space<hbm>>) target(%arg13 : memref<16xi32, #tpu.memory_space<vmem>>) target_semaphore(%run_scoped3A : memref<!tpu.dma_semaphore, #tpu.memory_space<semaphore_mem>>)
      %dma_wait3A_55 = tpu.memref_slice %arg4[%add3A_39] : memref<320000xi32, #tpu.memory_space<hbm>> -> memref<16xi32, #tpu.memory_space<hbm>>
      %dma_wait3A_56 = tpu.memref_slice %arg4[%add3A_39] : memref<320000xi32, #tpu.memory_space<hbm>> -> memref<16xi32, #tpu.memory_space<hbm>>
      tpu.wait_dma2 semaphore(%run_scoped3A : memref<!tpu.dma_semaphore, #tpu.memory_space<semaphore_mem>>) src(%dma_wait3A_56 : memref<16xi32, #tpu.memory_space<hbm>>) dst(%arg13 : memref<16xi32, #tpu.memory_space<vmem>>)
      tpu.yield
    }) : () -> ()
    "tpu.region"() ({
      %run_scoped3A = tpu.sem_alloc : memref<!tpu.dma_semaphore, #tpu.memory_space<semaphore_mem>>
      %dma_start3A_53 = arith.constant 0 : i32
      %dma_start3A_54 = arith.constant 0 : i32
      %dma_start3A_55 = tpu.memref_slice %arg7[%dma_start3A_53, %dma_start3A_54] : memref<10000x128xf32, #tpu.memory_space<vmem_shared>> -> memref<10000x128xf32, #tpu.memory_space<vmem_shared>>
      tpu.enqueue_indirect_dma source(%arg16 : memref<16x128xf32, #tpu.memory_space<vmem>>) target(%dma_start3A_55 : memref<10000x128xf32, #tpu.memory_space<vmem_shared>>) offsets(%arg13 : memref<16xi32, #tpu.memory_space<vmem>>) semaphore(%run_scoped3A : memref<!tpu.dma_semaphore, #tpu.memory_space<semaphore_mem>>) {add = true}
      %dma_wait3A_56 = arith.constant 0 : i32
      %dma_wait3A_57 = arith.constant 0 : i32
      %dma_wait3A_58 = tpu.memref_slice %arg7[%dma_wait3A_56, %dma_wait3A_57] : memref<10000x128xf32, #tpu.memory_space<vmem_shared>> -> memref<10000x128xf32, #tpu.memory_space<vmem_shared>>
      tpu.wait_indirect_dma semaphore(%run_scoped3A : memref<!tpu.dma_semaphore, #tpu.memory_space<semaphore_mem>>) src(%arg16 : memref<16x128xf32, #tpu.memory_space<vmem>>) dst(%dma_wait3A_58 : memref<10000x128xf32, #tpu.memory_space<vmem_shared>>)
      tpu.yield
    }) : () -> ()
    %barrier3A_45 = arith.constant 0 : index
    tpu.barrier barrier_id(%barrier3A_45)
    %eq3A = arith.constant 0 : i32
    %eq3A_46 = arith.cmpi eq, %arg0, %eq3A : i32
    %convert_element_type3A = arith.extui %eq3A_46 : i1 to i32
    %cond3A = arith.constant 0 : i32
    %cond3A_47 = arith.cmpi ne, %convert_element_type3A, %cond3A : i32
    scf.if %cond3A_47 {
      %mul3A_53 = arith.constant 624 : i32
      %mul3A_54 = arith.muli %arg1, %mul3A_53 : i32
      "tpu.region"() ({
        %run_scoped3A = tpu.sem_alloc : memref<!tpu.dma_semaphore, #tpu.memory_space<semaphore_mem>>
        %dma_start3A_60 = arith.constant 0 : i32
        %dma_start3A_61 = tpu.memref_slice %arg5[%mul3A_54, %dma_start3A_60] : memref<10000x128xf32, #tpu.memory_space<hbm>> -> memref<624x128xf32, #tpu.memory_space<hbm>>
        %dma_start3A_62 = arith.constant 0 : i32
        %dma_start3A_63 = tpu.memref_slice %arg7[%mul3A_54, %dma_start3A_62] : memref<10000x128xf32, #tpu.memory_space<vmem_shared>> -> memref<624x128xf32, #tpu.memory_space<vmem_shared>>
        tpu.enqueue_dma source(%dma_start3A_63 : memref<624x128xf32, #tpu.memory_space<vmem_shared>>) target(%dma_start3A_61 : memref<624x128xf32, #tpu.memory_space<hbm>>) target_semaphore(%run_scoped3A : memref<!tpu.dma_semaphore, #tpu.memory_space<semaphore_mem>>)
        %dma_wait3A_64 = arith.constant 0 : i32
        %dma_wait3A_65 = tpu.memref_slice %arg5[%mul3A_54, %dma_wait3A_64] : memref<10000x128xf32, #tpu.memory_space<hbm>> -> memref<624x128xf32, #tpu.memory_space<hbm>>
        %dma_wait3A_66 = arith.constant 0 : i32
        %dma_wait3A_67 = tpu.memref_slice %arg7[%mul3A_54, %dma_wait3A_66] : memref<10000x128xf32, #tpu.memory_space<vmem_shared>> -> memref<624x128xf32, #tpu.memory_space<vmem_shared>>
        tpu.wait_dma2 semaphore(%run_scoped3A : memref<!tpu.dma_semaphore, #tpu.memory_space<semaphore_mem>>) src(%dma_wait3A_67 : memref<624x128xf32, #tpu.memory_space<vmem_shared>>) dst(%dma_wait3A_65 : memref<624x128xf32, #tpu.memory_space<hbm>>)
        tpu.yield
      }) : () -> ()
      %eq3A_55 = arith.constant 15 : i32
      %eq3A_56 = arith.cmpi eq, %arg1, %eq3A_55 : i32
      %convert_element_type3A_57 = arith.extui %eq3A_56 : i1 to i32
      %cond3A_58 = arith.constant 0 : i32
      %cond3A_59 = arith.cmpi ne, %convert_element_type3A_57, %cond3A_58 : i32
      scf.if %cond3A_59 {
        "tpu.region"() ({
          %run_scoped3A = tpu.sem_alloc : memref<!tpu.dma_semaphore, #tpu.memory_space<semaphore_mem>>
          %dma_start3A_60 = arith.constant 9984 : i32
          %dma_start3A_61 = arith.constant 0 : i32
          %dma_start3A_62 = tpu.memref_slice %arg5[%dma_start3A_60, %dma_start3A_61] : memref<10000x128xf32, #tpu.memory_space<hbm>> -> memref<16x128xf32, #tpu.memory_space<hbm>>
          %dma_start3A_63 = arith.constant 9984 : i32
          %dma_start3A_64 = arith.constant 0 : i32
          %dma_start3A_65 = tpu.memref_slice %arg7[%dma_start3A_63, %dma_start3A_64] : memref<10000x128xf32, #tpu.memory_space<vmem_shared>> -> memref<16x128xf32, #tpu.memory_space<vmem_shared>>
          tpu.enqueue_dma source(%dma_start3A_65 : memref<16x128xf32, #tpu.memory_space<vmem_shared>>) target(%dma_start3A_62 : memref<16x128xf32, #tpu.memory_space<hbm>>) target_semaphore(%run_scoped3A : memref<!tpu.dma_semaphore, #tpu.memory_space<semaphore_mem>>)
          %dma_wait3A_66 = arith.constant 9984 : i32
          %dma_wait3A_67 = arith.constant 0 : i32
          %dma_wait3A_68 = tpu.memref_slice %arg5[%dma_wait3A_66, %dma_wait3A_67] : memref<10000x128xf32, #tpu.memory_space<hbm>> -> memref<16x128xf32, #tpu.memory_space<hbm>>
          %dma_wait3A_69 = arith.constant 9984 : i32
          %dma_wait3A_70 = arith.constant 0 : i32
          %dma_wait3A_71 = tpu.memref_slice %arg7[%dma_wait3A_69, %dma_wait3A_70] : memref<10000x128xf32, #tpu.memory_space<vmem_shared>> -> memref<16x128xf32, #tpu.memory_space<vmem_shared>>
          tpu.wait_dma2 semaphore(%run_scoped3A : memref<!tpu.dma_semaphore, #tpu.memory_space<semaphore_mem>>) src(%dma_wait3A_71 : memref<16x128xf32, #tpu.memory_space<vmem_shared>>) dst(%dma_wait3A_68 : memref<16x128xf32, #tpu.memory_space<hbm>>)
          tpu.yield
        }) : () -> ()
      } else {
      }
    } else {
    }
    %eq3A_48 = arith.constant 1 : i32
    %eq3A_49 = arith.cmpi eq, %arg0, %eq3A_48 : i32
    %convert_element_type3A_50 = arith.extui %eq3A_49 : i1 to i32
    %cond3A_51 = arith.constant 0 : i32
    %cond3A_52 = arith.cmpi ne, %convert_element_type3A_50, %cond3A_51 : i32
    scf.if %cond3A_52 {
      %mul3A_53 = arith.constant 624 : i32
      %mul3A_54 = arith.muli %arg1, %mul3A_53 : i32
      "tpu.region"() ({
        %run_scoped3A = tpu.sem_alloc : memref<!tpu.dma_semaphore, #tpu.memory_space<semaphore_mem>>
        %dma_start3A_60 = arith.constant 0 : i32
        %dma_start3A_61 = tpu.memref_slice %arg6[%mul3A_54, %dma_start3A_60] : memref<10000x128xf32, #tpu.memory_space<hbm>> -> memref<624x128xf32, #tpu.memory_space<hbm>>
        %dma_start3A_62 = arith.constant 0 : i32
        %dma_start3A_63 = tpu.memref_slice %arg7[%mul3A_54, %dma_start3A_62] : memref<10000x128xf32, #tpu.memory_space<vmem_shared>> -> memref<624x128xf32, #tpu.memory_space<vmem_shared>>
        tpu.enqueue_dma source(%dma_start3A_63 : memref<624x128xf32, #tpu.memory_space<vmem_shared>>) target(%dma_start3A_61 : memref<624x128xf32, #tpu.memory_space<hbm>>) target_semaphore(%run_scoped3A : memref<!tpu.dma_semaphore, #tpu.memory_space<semaphore_mem>>)
        %dma_wait3A_64 = arith.constant 0 : i32
        %dma_wait3A_65 = tpu.memref_slice %arg6[%mul3A_54, %dma_wait3A_64] : memref<10000x128xf32, #tpu.memory_space<hbm>> -> memref<624x128xf32, #tpu.memory_space<hbm>>
        %dma_wait3A_66 = arith.constant 0 : i32
        %dma_wait3A_67 = tpu.memref_slice %arg7[%mul3A_54, %dma_wait3A_66] : memref<10000x128xf32, #tpu.memory_space<vmem_shared>> -> memref<624x128xf32, #tpu.memory_space<vmem_shared>>
        tpu.wait_dma2 semaphore(%run_scoped3A : memref<!tpu.dma_semaphore, #tpu.memory_space<semaphore_mem>>) src(%dma_wait3A_67 : memref<624x128xf32, #tpu.memory_space<vmem_shared>>) dst(%dma_wait3A_65 : memref<624x128xf32, #tpu.memory_space<hbm>>)
        tpu.yield
      }) : () -> ()
      %eq3A_55 = arith.constant 15 : i32
      %eq3A_56 = arith.cmpi eq, %arg1, %eq3A_55 : i32
      %convert_element_type3A_57 = arith.extui %eq3A_56 : i1 to i32
      %cond3A_58 = arith.constant 0 : i32
      %cond3A_59 = arith.cmpi ne, %convert_element_type3A_57, %cond3A_58 : i32
      scf.if %cond3A_59 {
        "tpu.region"() ({
          %run_scoped3A = tpu.sem_alloc : memref<!tpu.dma_semaphore, #tpu.memory_space<semaphore_mem>>
          %dma_start3A_60 = arith.constant 9984 : i32
          %dma_start3A_61 = arith.constant 0 : i32
          %dma_start3A_62 = tpu.memref_slice %arg6[%dma_start3A_60, %dma_start3A_61] : memref<10000x128xf32, #tpu.memory_space<hbm>> -> memref<16x128xf32, #tpu.memory_space<hbm>>
          %dma_start3A_63 = arith.constant 9984 : i32
          %dma_start3A_64 = arith.constant 0 : i32
          %dma_start3A_65 = tpu.memref_slice %arg7[%dma_start3A_63, %dma_start3A_64] : memref<10000x128xf32, #tpu.memory_space<vmem_shared>> -> memref<16x128xf32, #tpu.memory_space<vmem_shared>>
          tpu.enqueue_dma source(%dma_start3A_65 : memref<16x128xf32, #tpu.memory_space<vmem_shared>>) target(%dma_start3A_62 : memref<16x128xf32, #tpu.memory_space<hbm>>) target_semaphore(%run_scoped3A : memref<!tpu.dma_semaphore, #tpu.memory_space<semaphore_mem>>)
          %dma_wait3A_66 = arith.constant 9984 : i32
          %dma_wait3A_67 = arith.constant 0 : i32
          %dma_wait3A_68 = tpu.memref_slice %arg6[%dma_wait3A_66, %dma_wait3A_67] : memref<10000x128xf32, #tpu.memory_space<hbm>> -> memref<16x128xf32, #tpu.memory_space<hbm>>
          %dma_wait3A_69 = arith.constant 9984 : i32
          %dma_wait3A_70 = arith.constant 0 : i32
          %dma_wait3A_71 = tpu.memref_slice %arg7[%dma_wait3A_69, %dma_wait3A_70] : memref<10000x128xf32, #tpu.memory_space<vmem_shared>> -> memref<16x128xf32, #tpu.memory_space<vmem_shared>>
          tpu.wait_dma2 semaphore(%run_scoped3A : memref<!tpu.dma_semaphore, #tpu.memory_space<semaphore_mem>>) src(%dma_wait3A_71 : memref<16x128xf32, #tpu.memory_space<vmem_shared>>) dst(%dma_wait3A_68 : memref<16x128xf32, #tpu.memory_space<hbm>>)
          tpu.yield
        }) : () -> ()
      } else {
      }
    } else {
    }
    return
  }
}

#map = affine_map<(d0, d1) -> (0)>
#map1 = affine_map<(d0, d1) -> (0, 0)>
module attributes {stable_mosaic.version = 14 : i64} {
  func.func @_sc_deg(%arg0: i32, %arg1: i32, %arg2: memref<320000xi32, #tpu.memory_space<hbm>>, %arg3: memref<10000x128xf32, #tpu.memory_space<hbm>>, %arg4: memref<10000x128xf32, #tpu.memory_space<hbm>>, %arg5: memref<10000x128xf32, #tpu.memory_space<vmem_shared>>, %arg6: memref<128xi32, #tpu.memory_space<vmem>>, %arg7: memref<128xi32, #tpu.memory_space<vmem>>, %arg8: memref<16xi32, #tpu.memory_space<vmem>>, %arg9: memref<128x128xf32, #tpu.memory_space<vmem>>, %arg10: memref<40x128xf32, #tpu.memory_space<vmem>>, %arg11: memref<!tpu.dma_semaphore, #tpu.memory_space<semaphore_mem>>, %arg12: memref<!tpu.dma_semaphore, #tpu.memory_space<semaphore_mem>>) attributes {dimension_semantics = [#tpu.dimension_semantics<core_parallel>, #tpu.dimension_semantics<subcore_parallel>], iteration_bounds = array<i64: 2, 16>, scalar_prefetch = 0 : i64, scratch_operands = 8 : i64, tpu.core_type = #tpu.core_type<sc_vector_subcore>, window_params = [{transform_indices = #map}, {transform_indices = #map1}, {transform_indices = #map1}]} {
    %mul3A = arith.constant 2 : i32
    %mul3A_0 = arith.muli %arg1, %mul3A : i32
    %add3A = arith.addi %mul3A_0, %arg0 : i32
    %scan3A = arith.constant 0 : i32
    %scan3A_1 = arith.constant 0 : i32
    %scan3A_2 = arith.constant 40 : i32
    %scan3A_3 = arith.addi %scan3A_1, %scan3A_2 : i32
    %scan3A_4 = arith.constant 1 : i32
    %scan3A_5 = scf.for %scan3A_51 = %scan3A_1 to %scan3A_3 step %scan3A_4 iter_args(%scan3A_52 = %scan3A) -> (i32)  : i32 {
      %broadcast_in_dim3A = arith.constant 0.000000e+00 : f32
      %broadcast_in_dim3A_53 = vector.broadcast %broadcast_in_dim3A : f32 to vector<16xf32>
      %swap3A = arith.index_cast %scan3A_51 : i32 to index
      %swap3A_54 = arith.constant 0 : index
      %swap3A_55 = tpu.vector_load %arg10[%swap3A, %swap3A_54] {strides = array<i32>} : memref<40x128xf32, #tpu.memory_space<vmem>>, vector<1x16xf32>,
      %swap3A_56 = vector.shape_cast %swap3A_55 : vector<1x16xf32> to vector<16xf32>
      %swap3A_57 = vector.shape_cast %broadcast_in_dim3A_53 : vector<16xf32> to vector<1x16xf32>
      tpu.vector_store %arg10[%swap3A, %swap3A_54], %swap3A_57 {strides = array<i32>} : memref<40x128xf32, #tpu.memory_space<vmem>>, vector<1x16xf32>,
      %broadcast_in_dim3A_58 = arith.constant 0.000000e+00 : f32
      %broadcast_in_dim3A_59 = vector.broadcast %broadcast_in_dim3A_58 : f32 to vector<16xf32>
      %swap3A_60 = arith.index_cast %scan3A_51 : i32 to index
      %swap3A_61 = arith.constant 16 : index
      %swap3A_62 = tpu.vector_load %arg10[%swap3A_60, %swap3A_61] {strides = array<i32>} : memref<40x128xf32, #tpu.memory_space<vmem>>, vector<1x16xf32>,
      %swap3A_63 = vector.shape_cast %swap3A_62 : vector<1x16xf32> to vector<16xf32>
      %swap3A_64 = vector.shape_cast %broadcast_in_dim3A_59 : vector<16xf32> to vector<1x16xf32>
      tpu.vector_store %arg10[%swap3A_60, %swap3A_61], %swap3A_64 {strides = array<i32>} : memref<40x128xf32, #tpu.memory_space<vmem>>, vector<1x16xf32>,
      %broadcast_in_dim3A_65 = arith.constant 0.000000e+00 : f32
      %broadcast_in_dim3A_66 = vector.broadcast %broadcast_in_dim3A_65 : f32 to vector<16xf32>
      %swap3A_67 = arith.index_cast %scan3A_51 : i32 to index
      %swap3A_68 = arith.constant 32 : index
      %swap3A_69 = tpu.vector_load %arg10[%swap3A_67, %swap3A_68] {strides = array<i32>} : memref<40x128xf32, #tpu.memory_space<vmem>>, vector<1x16xf32>,
      %swap3A_70 = vector.shape_cast %swap3A_69 : vector<1x16xf32> to vector<16xf32>
      %swap3A_71 = vector.shape_cast %broadcast_in_dim3A_66 : vector<16xf32> to vector<1x16xf32>
      tpu.vector_store %arg10[%swap3A_67, %swap3A_68], %swap3A_71 {strides = array<i32>} : memref<40x128xf32, #tpu.memory_space<vmem>>, vector<1x16xf32>,
      %broadcast_in_dim3A_72 = arith.constant 0.000000e+00 : f32
      %broadcast_in_dim3A_73 = vector.broadcast %broadcast_in_dim3A_72 : f32 to vector<16xf32>
      %swap3A_74 = arith.index_cast %scan3A_51 : i32 to index
      %swap3A_75 = arith.constant 48 : index
      %swap3A_76 = tpu.vector_load %arg10[%swap3A_74, %swap3A_75] {strides = array<i32>} : memref<40x128xf32, #tpu.memory_space<vmem>>, vector<1x16xf32>,
      %swap3A_77 = vector.shape_cast %swap3A_76 : vector<1x16xf32> to vector<16xf32>
      %swap3A_78 = vector.shape_cast %broadcast_in_dim3A_73 : vector<16xf32> to vector<1x16xf32>
      tpu.vector_store %arg10[%swap3A_74, %swap3A_75], %swap3A_78 {strides = array<i32>} : memref<40x128xf32, #tpu.memory_space<vmem>>, vector<1x16xf32>,
      %broadcast_in_dim3A_79 = arith.constant 0.000000e+00 : f32
      %broadcast_in_dim3A_80 = vector.broadcast %broadcast_in_dim3A_79 : f32 to vector<16xf32>
      %swap3A_81 = arith.index_cast %scan3A_51 : i32 to index
      %swap3A_82 = arith.constant 64 : index
      %swap3A_83 = tpu.vector_load %arg10[%swap3A_81, %swap3A_82] {strides = array<i32>} : memref<40x128xf32, #tpu.memory_space<vmem>>, vector<1x16xf32>,
      %swap3A_84 = vector.shape_cast %swap3A_83 : vector<1x16xf32> to vector<16xf32>
      %swap3A_85 = vector.shape_cast %broadcast_in_dim3A_80 : vector<16xf32> to vector<1x16xf32>
      tpu.vector_store %arg10[%swap3A_81, %swap3A_82], %swap3A_85 {strides = array<i32>} : memref<40x128xf32, #tpu.memory_space<vmem>>, vector<1x16xf32>,
      %broadcast_in_dim3A_86 = arith.constant 0.000000e+00 : f32
      %broadcast_in_dim3A_87 = vector.broadcast %broadcast_in_dim3A_86 : f32 to vector<16xf32>
      %swap3A_88 = arith.index_cast %scan3A_51 : i32 to index
      %swap3A_89 = arith.constant 80 : index
      %swap3A_90 = tpu.vector_load %arg10[%swap3A_88, %swap3A_89] {strides = array<i32>} : memref<40x128xf32, #tpu.memory_space<vmem>>, vector<1x16xf32>,
      %swap3A_91 = vector.shape_cast %swap3A_90 : vector<1x16xf32> to vector<16xf32>
      %swap3A_92 = vector.shape_cast %broadcast_in_dim3A_87 : vector<16xf32> to vector<1x16xf32>
      tpu.vector_store %arg10[%swap3A_88, %swap3A_89], %swap3A_92 {strides = array<i32>} : memref<40x128xf32, #tpu.memory_space<vmem>>, vector<1x16xf32>,
      %broadcast_in_dim3A_93 = arith.constant 0.000000e+00 : f32
      %broadcast_in_dim3A_94 = vector.broadcast %broadcast_in_dim3A_93 : f32 to vector<16xf32>
      %swap3A_95 = arith.index_cast %scan3A_51 : i32 to index
      %swap3A_96 = arith.constant 96 : index
      %swap3A_97 = tpu.vector_load %arg10[%swap3A_95, %swap3A_96] {strides = array<i32>} : memref<40x128xf32, #tpu.memory_space<vmem>>, vector<1x16xf32>,
      %swap3A_98 = vector.shape_cast %swap3A_97 : vector<1x16xf32> to vector<16xf32>
      %swap3A_99 = vector.shape_cast %broadcast_in_dim3A_94 : vector<16xf32> to vector<1x16xf32>
      tpu.vector_store %arg10[%swap3A_95, %swap3A_96], %swap3A_99 {strides = array<i32>} : memref<40x128xf32, #tpu.memory_space<vmem>>, vector<1x16xf32>,
      %broadcast_in_dim3A_100 = arith.constant 0.000000e+00 : f32
      %broadcast_in_dim3A_101 = vector.broadcast %broadcast_in_dim3A_100 : f32 to vector<16xf32>
      %swap3A_102 = arith.index_cast %scan3A_51 : i32 to index
      %swap3A_103 = arith.constant 112 : index
      %swap3A_104 = tpu.vector_load %arg10[%swap3A_102, %swap3A_103] {strides = array<i32>} : memref<40x128xf32, #tpu.memory_space<vmem>>, vector<1x16xf32>,
      %swap3A_105 = vector.shape_cast %swap3A_104 : vector<1x16xf32> to vector<16xf32>
      %swap3A_106 = vector.shape_cast %broadcast_in_dim3A_101 : vector<16xf32> to vector<1x16xf32>
      tpu.vector_store %arg10[%swap3A_102, %swap3A_103], %swap3A_106 {strides = array<i32>} : memref<40x128xf32, #tpu.memory_space<vmem>>, vector<1x16xf32>,
      %scan3A_107 = arith.constant 0 : i32
      scf.yield %scan3A_107 : i32
    }
    %scan3A_6 = arith.constant 40 : i32
    %scan3A_7 = arith.constant 0 : i32
    %scan3A_8 = arith.constant 0 : i32
    %scan3A_9 = arith.constant 128 : i32
    %scan3A_10 = arith.addi %scan3A_8, %scan3A_9 : i32
    %scan3A_11 = arith.constant 1 : i32
    %scan3A_12 = scf.for %scan3A_51 = %scan3A_8 to %scan3A_10 step %scan3A_11 iter_args(%scan3A_52 = %scan3A_7) -> (i32)  : i32 {
      %broadcast_in_dim3A = arith.constant 1.000000e+00 : f32
      %broadcast_in_dim3A_53 = vector.broadcast %broadcast_in_dim3A : f32 to vector<16xf32>
      %swap3A = arith.index_cast %scan3A_51 : i32 to index
      %swap3A_54 = arith.constant 0 : index
      %swap3A_55 = tpu.vector_load %arg9[%swap3A, %swap3A_54] {strides = array<i32>} : memref<128x128xf32, #tpu.memory_space<vmem>>, vector<1x16xf32>,
      %swap3A_56 = vector.shape_cast %swap3A_55 : vector<1x16xf32> to vector<16xf32>
      %swap3A_57 = vector.shape_cast %broadcast_in_dim3A_53 : vector<16xf32> to vector<1x16xf32>
      tpu.vector_store %arg9[%swap3A, %swap3A_54], %swap3A_57 {strides = array<i32>} : memref<128x128xf32, #tpu.memory_space<vmem>>, vector<1x16xf32>,
      %broadcast_in_dim3A_58 = arith.constant 1.000000e+00 : f32
      %broadcast_in_dim3A_59 = vector.broadcast %broadcast_in_dim3A_58 : f32 to vector<16xf32>
      %swap3A_60 = arith.index_cast %scan3A_51 : i32 to index
      %swap3A_61 = arith.constant 16 : index
      %swap3A_62 = tpu.vector_load %arg9[%swap3A_60, %swap3A_61] {strides = array<i32>} : memref<128x128xf32, #tpu.memory_space<vmem>>, vector<1x16xf32>,
      %swap3A_63 = vector.shape_cast %swap3A_62 : vector<1x16xf32> to vector<16xf32>
      %swap3A_64 = vector.shape_cast %broadcast_in_dim3A_59 : vector<16xf32> to vector<1x16xf32>
      tpu.vector_store %arg9[%swap3A_60, %swap3A_61], %swap3A_64 {strides = array<i32>} : memref<128x128xf32, #tpu.memory_space<vmem>>, vector<1x16xf32>,
      %broadcast_in_dim3A_65 = arith.constant 1.000000e+00 : f32
      %broadcast_in_dim3A_66 = vector.broadcast %broadcast_in_dim3A_65 : f32 to vector<16xf32>
      %swap3A_67 = arith.index_cast %scan3A_51 : i32 to index
      %swap3A_68 = arith.constant 32 : index
      %swap3A_69 = tpu.vector_load %arg9[%swap3A_67, %swap3A_68] {strides = array<i32>} : memref<128x128xf32, #tpu.memory_space<vmem>>, vector<1x16xf32>,
      %swap3A_70 = vector.shape_cast %swap3A_69 : vector<1x16xf32> to vector<16xf32>
      %swap3A_71 = vector.shape_cast %broadcast_in_dim3A_66 : vector<16xf32> to vector<1x16xf32>
      tpu.vector_store %arg9[%swap3A_67, %swap3A_68], %swap3A_71 {strides = array<i32>} : memref<128x128xf32, #tpu.memory_space<vmem>>, vector<1x16xf32>,
      %broadcast_in_dim3A_72 = arith.constant 1.000000e+00 : f32
      %broadcast_in_dim3A_73 = vector.broadcast %broadcast_in_dim3A_72 : f32 to vector<16xf32>
      %swap3A_74 = arith.index_cast %scan3A_51 : i32 to index
      %swap3A_75 = arith.constant 48 : index
      %swap3A_76 = tpu.vector_load %arg9[%swap3A_74, %swap3A_75] {strides = array<i32>} : memref<128x128xf32, #tpu.memory_space<vmem>>, vector<1x16xf32>,
      %swap3A_77 = vector.shape_cast %swap3A_76 : vector<1x16xf32> to vector<16xf32>
      %swap3A_78 = vector.shape_cast %broadcast_in_dim3A_73 : vector<16xf32> to vector<1x16xf32>
      tpu.vector_store %arg9[%swap3A_74, %swap3A_75], %swap3A_78 {strides = array<i32>} : memref<128x128xf32, #tpu.memory_space<vmem>>, vector<1x16xf32>,
      %broadcast_in_dim3A_79 = arith.constant 1.000000e+00 : f32
      %broadcast_in_dim3A_80 = vector.broadcast %broadcast_in_dim3A_79 : f32 to vector<16xf32>
      %swap3A_81 = arith.index_cast %scan3A_51 : i32 to index
      %swap3A_82 = arith.constant 64 : index
      %swap3A_83 = tpu.vector_load %arg9[%swap3A_81, %swap3A_82] {strides = array<i32>} : memref<128x128xf32, #tpu.memory_space<vmem>>, vector<1x16xf32>,
      %swap3A_84 = vector.shape_cast %swap3A_83 : vector<1x16xf32> to vector<16xf32>
      %swap3A_85 = vector.shape_cast %broadcast_in_dim3A_80 : vector<16xf32> to vector<1x16xf32>
      tpu.vector_store %arg9[%swap3A_81, %swap3A_82], %swap3A_85 {strides = array<i32>} : memref<128x128xf32, #tpu.memory_space<vmem>>, vector<1x16xf32>,
      %broadcast_in_dim3A_86 = arith.constant 1.000000e+00 : f32
      %broadcast_in_dim3A_87 = vector.broadcast %broadcast_in_dim3A_86 : f32 to vector<16xf32>
      %swap3A_88 = arith.index_cast %scan3A_51 : i32 to index
      %swap3A_89 = arith.constant 80 : index
      %swap3A_90 = tpu.vector_load %arg9[%swap3A_88, %swap3A_89] {strides = array<i32>} : memref<128x128xf32, #tpu.memory_space<vmem>>, vector<1x16xf32>,
      %swap3A_91 = vector.shape_cast %swap3A_90 : vector<1x16xf32> to vector<16xf32>
      %swap3A_92 = vector.shape_cast %broadcast_in_dim3A_87 : vector<16xf32> to vector<1x16xf32>
      tpu.vector_store %arg9[%swap3A_88, %swap3A_89], %swap3A_92 {strides = array<i32>} : memref<128x128xf32, #tpu.memory_space<vmem>>, vector<1x16xf32>,
      %broadcast_in_dim3A_93 = arith.constant 1.000000e+00 : f32
      %broadcast_in_dim3A_94 = vector.broadcast %broadcast_in_dim3A_93 : f32 to vector<16xf32>
      %swap3A_95 = arith.index_cast %scan3A_51 : i32 to index
      %swap3A_96 = arith.constant 96 : index
      %swap3A_97 = tpu.vector_load %arg9[%swap3A_95, %swap3A_96] {strides = array<i32>} : memref<128x128xf32, #tpu.memory_space<vmem>>, vector<1x16xf32>,
      %swap3A_98 = vector.shape_cast %swap3A_97 : vector<1x16xf32> to vector<16xf32>
      %swap3A_99 = vector.shape_cast %broadcast_in_dim3A_94 : vector<16xf32> to vector<1x16xf32>
      tpu.vector_store %arg9[%swap3A_95, %swap3A_96], %swap3A_99 {strides = array<i32>} : memref<128x128xf32, #tpu.memory_space<vmem>>, vector<1x16xf32>,
      %broadcast_in_dim3A_100 = arith.constant 1.000000e+00 : f32
      %broadcast_in_dim3A_101 = vector.broadcast %broadcast_in_dim3A_100 : f32 to vector<16xf32>
      %swap3A_102 = arith.index_cast %scan3A_51 : i32 to index
      %swap3A_103 = arith.constant 112 : index
      %swap3A_104 = tpu.vector_load %arg9[%swap3A_102, %swap3A_103] {strides = array<i32>} : memref<128x128xf32, #tpu.memory_space<vmem>>, vector<1x16xf32>,
      %swap3A_105 = vector.shape_cast %swap3A_104 : vector<1x16xf32> to vector<16xf32>
      %swap3A_106 = vector.shape_cast %broadcast_in_dim3A_101 : vector<16xf32> to vector<1x16xf32>
      tpu.vector_store %arg9[%swap3A_102, %swap3A_103], %swap3A_106 {strides = array<i32>} : memref<128x128xf32, #tpu.memory_space<vmem>>, vector<1x16xf32>,
      %scan3A_107 = arith.constant 0 : i32
      scf.yield %scan3A_107 : i32
    }
    %scan3A_13 = arith.constant 128 : i32
    %mul3A_14 = arith.constant 624 : i32
    %mul3A_15 = arith.muli %arg1, %mul3A_14 : i32
    %scan3A_16 = arith.constant 0 : i32
    %scan3A_17 = arith.constant 0 : i32
    %scan3A_18 = arith.constant 16 : i32
    %scan3A_19 = arith.addi %scan3A_17, %scan3A_18 : i32
    %scan3A_20 = arith.constant 1 : i32
    %scan3A_21 = scf.for %scan3A_51 = %scan3A_17 to %scan3A_19 step %scan3A_20 iter_args(%scan3A_52 = %scan3A_16) -> (i32)  : i32 {
      %mul3A_53 = arith.constant 40 : i32
      %mul3A_54 = arith.muli %scan3A_51, %mul3A_53 : i32
      %add3A_55 = arith.addi %mul3A_15, %mul3A_54 : i32
      "tpu.region"() ({
        %run_scoped3A = tpu.sem_alloc : memref<!tpu.dma_semaphore, #tpu.memory_space<semaphore_mem>>
        %dma_start3A_57 = arith.constant 0 : i32
        %dma_start3A_58 = tpu.memref_slice %arg5[%add3A_55, %dma_start3A_57] : memref<10000x128xf32, #tpu.memory_space<vmem_shared>> -> memref<40x128xf32, #tpu.memory_space<vmem_shared>>
        %dma_start3A_59 = arith.constant 0 : i32
        %dma_start3A_60 = tpu.memref_slice %arg5[%add3A_55, %dma_start3A_59] : memref<10000x128xf32, #tpu.memory_space<vmem_shared>> -> memref<40x128xf32, #tpu.memory_space<vmem_shared>>
        tpu.enqueue_dma source(%arg10 : memref<40x128xf32, #tpu.memory_space<vmem>>) target(%dma_start3A_60 : memref<40x128xf32, #tpu.memory_space<vmem_shared>>) target_semaphore(%run_scoped3A : memref<!tpu.dma_semaphore, #tpu.memory_space<semaphore_mem>>)
        %dma_wait3A = arith.constant 0 : i32
        %dma_wait3A_61 = tpu.memref_slice %arg5[%add3A_55, %dma_wait3A] : memref<10000x128xf32, #tpu.memory_space<vmem_shared>> -> memref<40x128xf32, #tpu.memory_space<vmem_shared>>
        %dma_wait3A_62 = arith.constant 0 : i32
        %dma_wait3A_63 = tpu.memref_slice %arg5[%add3A_55, %dma_wait3A_62] : memref<10000x128xf32, #tpu.memory_space<vmem_shared>> -> memref<40x128xf32, #tpu.memory_space<vmem_shared>>
        tpu.wait_dma2 semaphore(%run_scoped3A : memref<!tpu.dma_semaphore, #tpu.memory_space<semaphore_mem>>) src(%arg10 : memref<40x128xf32, #tpu.memory_space<vmem>>) dst(%dma_wait3A_63 : memref<40x128xf32, #tpu.memory_space<vmem_shared>>)
        tpu.yield
      }) : () -> ()
      %scan3A_56 = arith.constant 0 : i32
      scf.yield %scan3A_56 : i32
    }
    %scan3A_22 = arith.constant 16 : i32
    %barrier3A = arith.constant 0 : index
    tpu.barrier barrier_id(%barrier3A)
    %mul3A_23 = arith.constant 10000 : i32
    %mul3A_24 = arith.muli %add3A, %mul3A_23 : i32
    %add3A_25 = arith.constant 0 : i32
    %add3A_26 = arith.addi %mul3A_24, %add3A_25 : i32
    "tpu.region"() ({
      %run_scoped3A = tpu.sem_alloc : memref<!tpu.dma_semaphore, #tpu.memory_space<semaphore_mem>>
      %dma_start3A_51 = tpu.memref_slice %arg2[%add3A_26] : memref<320000xi32, #tpu.memory_space<hbm>> -> memref<128xi32, #tpu.memory_space<hbm>>
      %dma_start3A_52 = tpu.memref_slice %arg2[%add3A_26] : memref<320000xi32, #tpu.memory_space<hbm>> -> memref<128xi32, #tpu.memory_space<hbm>>
      tpu.enqueue_dma source(%dma_start3A_52 : memref<128xi32, #tpu.memory_space<hbm>>) target(%arg6 : memref<128xi32, #tpu.memory_space<vmem>>) target_semaphore(%run_scoped3A : memref<!tpu.dma_semaphore, #tpu.memory_space<semaphore_mem>>)
      %dma_wait3A = tpu.memref_slice %arg2[%add3A_26] : memref<320000xi32, #tpu.memory_space<hbm>> -> memref<128xi32, #tpu.memory_space<hbm>>
      %dma_wait3A_53 = tpu.memref_slice %arg2[%add3A_26] : memref<320000xi32, #tpu.memory_space<hbm>> -> memref<128xi32, #tpu.memory_space<hbm>>
      tpu.wait_dma2 semaphore(%run_scoped3A : memref<!tpu.dma_semaphore, #tpu.memory_space<semaphore_mem>>) src(%dma_wait3A_53 : memref<128xi32, #tpu.memory_space<hbm>>) dst(%arg6 : memref<128xi32, #tpu.memory_space<vmem>>)
      tpu.yield
    }) : () -> ()
    %dma_start3A = arith.constant 0 : i32
    %dma_start3A_27 = arith.constant 0 : i32
    %dma_start3A_28 = tpu.memref_slice %arg5[%dma_start3A, %dma_start3A_27] : memref<10000x128xf32, #tpu.memory_space<vmem_shared>> -> memref<10000x128xf32, #tpu.memory_space<vmem_shared>>
    tpu.enqueue_indirect_dma source(%arg9 : memref<128x128xf32, #tpu.memory_space<vmem>>) target(%dma_start3A_28 : memref<10000x128xf32, #tpu.memory_space<vmem_shared>>) offsets(%arg6 : memref<128xi32, #tpu.memory_space<vmem>>) semaphore(%arg11 : memref<!tpu.dma_semaphore, #tpu.memory_space<semaphore_mem>>) {add = true}
    %add3A_29 = arith.constant 128 : i32
    %add3A_30 = arith.addi %mul3A_24, %add3A_29 : i32
    "tpu.region"() ({
      %run_scoped3A = tpu.sem_alloc : memref<!tpu.dma_semaphore, #tpu.memory_space<semaphore_mem>>
      %dma_start3A_51 = tpu.memref_slice %arg2[%add3A_30] : memref<320000xi32, #tpu.memory_space<hbm>> -> memref<128xi32, #tpu.memory_space<hbm>>
      %dma_start3A_52 = tpu.memref_slice %arg2[%add3A_30] : memref<320000xi32, #tpu.memory_space<hbm>> -> memref<128xi32, #tpu.memory_space<hbm>>
      tpu.enqueue_dma source(%dma_start3A_52 : memref<128xi32, #tpu.memory_space<hbm>>) target(%arg7 : memref<128xi32, #tpu.memory_space<vmem>>) target_semaphore(%run_scoped3A : memref<!tpu.dma_semaphore, #tpu.memory_space<semaphore_mem>>)
      %dma_wait3A = tpu.memref_slice %arg2[%add3A_30] : memref<320000xi32, #tpu.memory_space<hbm>> -> memref<128xi32, #tpu.memory_space<hbm>>
      %dma_wait3A_53 = tpu.memref_slice %arg2[%add3A_30] : memref<320000xi32, #tpu.memory_space<hbm>> -> memref<128xi32, #tpu.memory_space<hbm>>
      tpu.wait_dma2 semaphore(%run_scoped3A : memref<!tpu.dma_semaphore, #tpu.memory_space<semaphore_mem>>) src(%dma_wait3A_53 : memref<128xi32, #tpu.memory_space<hbm>>) dst(%arg7 : memref<128xi32, #tpu.memory_space<vmem>>)
      tpu.yield
    }) : () -> ()
    %dma_start3A_31 = arith.constant 0 : i32
    %dma_start3A_32 = arith.constant 0 : i32
    %dma_start3A_33 = tpu.memref_slice %arg5[%dma_start3A_31, %dma_start3A_32] : memref<10000x128xf32, #tpu.memory_space<vmem_shared>> -> memref<10000x128xf32, #tpu.memory_space<vmem_shared>>
    tpu.enqueue_indirect_dma source(%arg9 : memref<128x128xf32, #tpu.memory_space<vmem>>) target(%dma_start3A_33 : memref<10000x128xf32, #tpu.memory_space<vmem_shared>>) offsets(%arg7 : memref<128xi32, #tpu.memory_space<vmem>>) semaphore(%arg12 : memref<!tpu.dma_semaphore, #tpu.memory_space<semaphore_mem>>) {add = true}
    %scan3A_34 = arith.constant 0 : i32
    %scan3A_35 = arith.constant 0 : i32
    %scan3A_36 = arith.constant 39 : i32
    %scan3A_37 = arith.addi %scan3A_35, %scan3A_36 : i32
    %scan3A_38 = arith.constant 1 : i32
    %scan3A_39 = scf.for %scan3A_51 = %scan3A_35 to %scan3A_37 step %scan3A_38 iter_args(%scan3A_52 = %scan3A_34) -> (i32)  : i32 {
      %mul3A_53 = arith.constant 2 : i32
      %mul3A_54 = arith.muli %mul3A_53, %scan3A_51 : i32
      %dma_wait3A = arith.constant 0 : i32
      %dma_wait3A_55 = arith.constant 0 : i32
      %dma_wait3A_56 = tpu.memref_slice %arg5[%dma_wait3A, %dma_wait3A_55] : memref<10000x128xf32, #tpu.memory_space<vmem_shared>> -> memref<10000x128xf32, #tpu.memory_space<vmem_shared>>
      tpu.wait_indirect_dma semaphore(%arg11 : memref<!tpu.dma_semaphore, #tpu.memory_space<semaphore_mem>>) src(%arg9 : memref<128x128xf32, #tpu.memory_space<vmem>>) dst(%dma_wait3A_56 : memref<10000x128xf32, #tpu.memory_space<vmem_shared>>)
      %add3A_57 = arith.constant 2 : i32
      %add3A_58 = arith.addi %mul3A_54, %add3A_57 : i32
      %lt3A = arith.constant 78 : i32
      %lt3A_59 = arith.cmpi slt, %add3A_58, %lt3A : i32
      %convert_element_type3A_60 = arith.extui %lt3A_59 : i1 to i32
      %cond3A_61 = arith.constant 0 : i32
      %cond3A_62 = arith.cmpi ne, %convert_element_type3A_60, %cond3A_61 : i32
      scf.if %cond3A_62 {
        %add3A_74 = arith.constant 2 : i32
        %add3A_75 = arith.addi %mul3A_54, %add3A_74 : i32
        %mul3A_76 = arith.constant 128 : i32
        %mul3A_77 = arith.muli %add3A_75, %mul3A_76 : i32
        %add3A_78 = arith.addi %mul3A_24, %mul3A_77 : i32
        "tpu.region"() ({
          %run_scoped3A = tpu.sem_alloc : memref<!tpu.dma_semaphore, #tpu.memory_space<semaphore_mem>>
          %dma_start3A_82 = tpu.memref_slice %arg2[%add3A_78] : memref<320000xi32, #tpu.memory_space<hbm>> -> memref<128xi32, #tpu.memory_space<hbm>>
          %dma_start3A_83 = tpu.memref_slice %arg2[%add3A_78] : memref<320000xi32, #tpu.memory_space<hbm>> -> memref<128xi32, #tpu.memory_space<hbm>>
          tpu.enqueue_dma source(%dma_start3A_83 : memref<128xi32, #tpu.memory_space<hbm>>) target(%arg6 : memref<128xi32, #tpu.memory_space<vmem>>) target_semaphore(%run_scoped3A : memref<!tpu.dma_semaphore, #tpu.memory_space<semaphore_mem>>)
          %dma_wait3A_84 = tpu.memref_slice %arg2[%add3A_78] : memref<320000xi32, #tpu.memory_space<hbm>> -> memref<128xi32, #tpu.memory_space<hbm>>
          %dma_wait3A_85 = tpu.memref_slice %arg2[%add3A_78] : memref<320000xi32, #tpu.memory_space<hbm>> -> memref<128xi32, #tpu.memory_space<hbm>>
          tpu.wait_dma2 semaphore(%run_scoped3A : memref<!tpu.dma_semaphore, #tpu.memory_space<semaphore_mem>>) src(%dma_wait3A_85 : memref<128xi32, #tpu.memory_space<hbm>>) dst(%arg6 : memref<128xi32, #tpu.memory_space<vmem>>)
          tpu.yield
        }) : () -> ()
        %dma_start3A_79 = arith.constant 0 : i32
        %dma_start3A_80 = arith.constant 0 : i32
        %dma_start3A_81 = tpu.memref_slice %arg5[%dma_start3A_79, %dma_start3A_80] : memref<10000x128xf32, #tpu.memory_space<vmem_shared>> -> memref<10000x128xf32, #tpu.memory_space<vmem_shared>>
        tpu.enqueue_indirect_dma source(%arg9 : memref<128x128xf32, #tpu.memory_space<vmem>>) target(%dma_start3A_81 : memref<10000x128xf32, #tpu.memory_space<vmem_shared>>) offsets(%arg6 : memref<128xi32, #tpu.memory_space<vmem>>) semaphore(%arg11 : memref<!tpu.dma_semaphore, #tpu.memory_space<semaphore_mem>>) {add = true}
      } else {
      }
      %dma_wait3A_63 = arith.constant 0 : i32
      %dma_wait3A_64 = arith.constant 0 : i32
      %dma_wait3A_65 = tpu.memref_slice %arg5[%dma_wait3A_63, %dma_wait3A_64] : memref<10000x128xf32, #tpu.memory_space<vmem_shared>> -> memref<10000x128xf32, #tpu.memory_space<vmem_shared>>
      tpu.wait_indirect_dma semaphore(%arg12 : memref<!tpu.dma_semaphore, #tpu.memory_space<semaphore_mem>>) src(%arg9 : memref<128x128xf32, #tpu.memory_space<vmem>>) dst(%dma_wait3A_65 : memref<10000x128xf32, #tpu.memory_space<vmem_shared>>)
      %add3A_66 = arith.constant 3 : i32
      %add3A_67 = arith.addi %mul3A_54, %add3A_66 : i32
      %lt3A_68 = arith.constant 78 : i32
      %lt3A_69 = arith.cmpi slt, %add3A_67, %lt3A_68 : i32
      %convert_element_type3A_70 = arith.extui %lt3A_69 : i1 to i32
      %cond3A_71 = arith.constant 0 : i32
      %cond3A_72 = arith.cmpi ne, %convert_element_type3A_70, %cond3A_71 : i32
      scf.if %cond3A_72 {
        %add3A_74 = arith.constant 3 : i32
        %add3A_75 = arith.addi %mul3A_54, %add3A_74 : i32
        %mul3A_76 = arith.constant 128 : i32
        %mul3A_77 = arith.muli %add3A_75, %mul3A_76 : i32
        %add3A_78 = arith.addi %mul3A_24, %mul3A_77 : i32
        "tpu.region"() ({
          %run_scoped3A = tpu.sem_alloc : memref<!tpu.dma_semaphore, #tpu.memory_space<semaphore_mem>>
          %dma_start3A_82 = tpu.memref_slice %arg2[%add3A_78] : memref<320000xi32, #tpu.memory_space<hbm>> -> memref<128xi32, #tpu.memory_space<hbm>>
          %dma_start3A_83 = tpu.memref_slice %arg2[%add3A_78] : memref<320000xi32, #tpu.memory_space<hbm>> -> memref<128xi32, #tpu.memory_space<hbm>>
          tpu.enqueue_dma source(%dma_start3A_83 : memref<128xi32, #tpu.memory_space<hbm>>) target(%arg7 : memref<128xi32, #tpu.memory_space<vmem>>) target_semaphore(%run_scoped3A : memref<!tpu.dma_semaphore, #tpu.memory_space<semaphore_mem>>)
          %dma_wait3A_84 = tpu.memref_slice %arg2[%add3A_78] : memref<320000xi32, #tpu.memory_space<hbm>> -> memref<128xi32, #tpu.memory_space<hbm>>
          %dma_wait3A_85 = tpu.memref_slice %arg2[%add3A_78] : memref<320000xi32, #tpu.memory_space<hbm>> -> memref<128xi32, #tpu.memory_space<hbm>>
          tpu.wait_dma2 semaphore(%run_scoped3A : memref<!tpu.dma_semaphore, #tpu.memory_space<semaphore_mem>>) src(%dma_wait3A_85 : memref<128xi32, #tpu.memory_space<hbm>>) dst(%arg7 : memref<128xi32, #tpu.memory_space<vmem>>)
          tpu.yield
        }) : () -> ()
        %dma_start3A_79 = arith.constant 0 : i32
        %dma_start3A_80 = arith.constant 0 : i32
        %dma_start3A_81 = tpu.memref_slice %arg5[%dma_start3A_79, %dma_start3A_80] : memref<10000x128xf32, #tpu.memory_space<vmem_shared>> -> memref<10000x128xf32, #tpu.memory_space<vmem_shared>>
        tpu.enqueue_indirect_dma source(%arg9 : memref<128x128xf32, #tpu.memory_space<vmem>>) target(%dma_start3A_81 : memref<10000x128xf32, #tpu.memory_space<vmem_shared>>) offsets(%arg7 : memref<128xi32, #tpu.memory_space<vmem>>) semaphore(%arg12 : memref<!tpu.dma_semaphore, #tpu.memory_space<semaphore_mem>>) {add = true}
      } else {
      }
      %scan3A_73 = arith.constant 0 : i32
      scf.yield %scan3A_73 : i32
    }
    %scan3A_40 = arith.constant 39 : i32
    %add3A_41 = arith.constant 9984 : i32
    %add3A_42 = arith.addi %mul3A_24, %add3A_41 : i32
    "tpu.region"() ({
      %run_scoped3A = tpu.sem_alloc : memref<!tpu.dma_semaphore, #tpu.memory_space<semaphore_mem>>
      %dma_start3A_51 = tpu.memref_slice %arg2[%add3A_42] : memref<320000xi32, #tpu.memory_space<hbm>> -> memref<16xi32, #tpu.memory_space<hbm>>
      %dma_start3A_52 = tpu.memref_slice %arg2[%add3A_42] : memref<320000xi32, #tpu.memory_space<hbm>> -> memref<16xi32, #tpu.memory_space<hbm>>
      tpu.enqueue_dma source(%dma_start3A_52 : memref<16xi32, #tpu.memory_space<hbm>>) target(%arg8 : memref<16xi32, #tpu.memory_space<vmem>>) target_semaphore(%run_scoped3A : memref<!tpu.dma_semaphore, #tpu.memory_space<semaphore_mem>>)
      %dma_wait3A = tpu.memref_slice %arg2[%add3A_42] : memref<320000xi32, #tpu.memory_space<hbm>> -> memref<16xi32, #tpu.memory_space<hbm>>
      %dma_wait3A_53 = tpu.memref_slice %arg2[%add3A_42] : memref<320000xi32, #tpu.memory_space<hbm>> -> memref<16xi32, #tpu.memory_space<hbm>>
      tpu.wait_dma2 semaphore(%run_scoped3A : memref<!tpu.dma_semaphore, #tpu.memory_space<semaphore_mem>>) src(%dma_wait3A_53 : memref<16xi32, #tpu.memory_space<hbm>>) dst(%arg8 : memref<16xi32, #tpu.memory_space<vmem>>)
      tpu.yield
    }) : () -> ()
    "tpu.region"() ({
      %run_scoped3A = tpu.sem_alloc : memref<!tpu.dma_semaphore, #tpu.memory_space<semaphore_mem>>
      %dma_start3A_51 = arith.constant 0 : i32
      %dma_start3A_52 = arith.constant 0 : i32
      %dma_start3A_53 = tpu.memref_slice %arg9[%dma_start3A_51, %dma_start3A_52] : memref<128x128xf32, #tpu.memory_space<vmem>> -> memref<16x128xf32, #tpu.memory_space<vmem>>
      %dma_start3A_54 = arith.constant 0 : i32
      %dma_start3A_55 = arith.constant 0 : i32
      %dma_start3A_56 = tpu.memref_slice %arg5[%dma_start3A_54, %dma_start3A_55] : memref<10000x128xf32, #tpu.memory_space<vmem_shared>> -> memref<10000x128xf32, #tpu.memory_space<vmem_shared>>
      tpu.enqueue_indirect_dma source(%dma_start3A_53 : memref<16x128xf32, #tpu.memory_space<vmem>>) target(%dma_start3A_56 : memref<10000x128xf32, #tpu.memory_space<vmem_shared>>) offsets(%arg8 : memref<16xi32, #tpu.memory_space<vmem>>) semaphore(%run_scoped3A : memref<!tpu.dma_semaphore, #tpu.memory_space<semaphore_mem>>) {add = true}
      %dma_wait3A = arith.constant 0 : i32
      %dma_wait3A_57 = arith.constant 0 : i32
      %dma_wait3A_58 = tpu.memref_slice %arg9[%dma_wait3A, %dma_wait3A_57] : memref<128x128xf32, #tpu.memory_space<vmem>> -> memref<16x128xf32, #tpu.memory_space<vmem>>
      %dma_wait3A_59 = arith.constant 0 : i32
      %dma_wait3A_60 = arith.constant 0 : i32
      %dma_wait3A_61 = tpu.memref_slice %arg5[%dma_wait3A_59, %dma_wait3A_60] : memref<10000x128xf32, #tpu.memory_space<vmem_shared>> -> memref<10000x128xf32, #tpu.memory_space<vmem_shared>>
      tpu.wait_indirect_dma semaphore(%run_scoped3A : memref<!tpu.dma_semaphore, #tpu.memory_space<semaphore_mem>>) src(%dma_wait3A_58 : memref<16x128xf32, #tpu.memory_space<vmem>>) dst(%dma_wait3A_61 : memref<10000x128xf32, #tpu.memory_space<vmem_shared>>)
      tpu.yield
    }) : () -> ()
    %barrier3A_43 = arith.constant 0 : index
    tpu.barrier barrier_id(%barrier3A_43)
    %eq3A = arith.constant 0 : i32
    %eq3A_44 = arith.cmpi eq, %arg0, %eq3A : i32
    %convert_element_type3A = arith.extui %eq3A_44 : i1 to i32
    %cond3A = arith.constant 0 : i32
    %cond3A_45 = arith.cmpi ne, %convert_element_type3A, %cond3A : i32
    scf.if %cond3A_45 {
      %mul3A_51 = arith.constant 624 : i32
      %mul3A_52 = arith.muli %arg1, %mul3A_51 : i32
      "tpu.region"() ({
        %run_scoped3A = tpu.sem_alloc : memref<!tpu.dma_semaphore, #tpu.memory_space<semaphore_mem>>
        %dma_start3A_58 = arith.constant 0 : i32
        %dma_start3A_59 = tpu.memref_slice %arg3[%mul3A_52, %dma_start3A_58] : memref<10000x128xf32, #tpu.memory_space<hbm>> -> memref<624x128xf32, #tpu.memory_space<hbm>>
        %dma_start3A_60 = arith.constant 0 : i32
        %dma_start3A_61 = tpu.memref_slice %arg5[%mul3A_52, %dma_start3A_60] : memref<10000x128xf32, #tpu.memory_space<vmem_shared>> -> memref<624x128xf32, #tpu.memory_space<vmem_shared>>
        tpu.enqueue_dma source(%dma_start3A_61 : memref<624x128xf32, #tpu.memory_space<vmem_shared>>) target(%dma_start3A_59 : memref<624x128xf32, #tpu.memory_space<hbm>>) target_semaphore(%run_scoped3A : memref<!tpu.dma_semaphore, #tpu.memory_space<semaphore_mem>>)
        %dma_wait3A = arith.constant 0 : i32
        %dma_wait3A_62 = tpu.memref_slice %arg3[%mul3A_52, %dma_wait3A] : memref<10000x128xf32, #tpu.memory_space<hbm>> -> memref<624x128xf32, #tpu.memory_space<hbm>>
        %dma_wait3A_63 = arith.constant 0 : i32
        %dma_wait3A_64 = tpu.memref_slice %arg5[%mul3A_52, %dma_wait3A_63] : memref<10000x128xf32, #tpu.memory_space<vmem_shared>> -> memref<624x128xf32, #tpu.memory_space<vmem_shared>>
        tpu.wait_dma2 semaphore(%run_scoped3A : memref<!tpu.dma_semaphore, #tpu.memory_space<semaphore_mem>>) src(%dma_wait3A_64 : memref<624x128xf32, #tpu.memory_space<vmem_shared>>) dst(%dma_wait3A_62 : memref<624x128xf32, #tpu.memory_space<hbm>>)
        tpu.yield
      }) : () -> ()
      %eq3A_53 = arith.constant 15 : i32
      %eq3A_54 = arith.cmpi eq, %arg1, %eq3A_53 : i32
      %convert_element_type3A_55 = arith.extui %eq3A_54 : i1 to i32
      %cond3A_56 = arith.constant 0 : i32
      %cond3A_57 = arith.cmpi ne, %convert_element_type3A_55, %cond3A_56 : i32
      scf.if %cond3A_57 {
        "tpu.region"() ({
          %run_scoped3A = tpu.sem_alloc : memref<!tpu.dma_semaphore, #tpu.memory_space<semaphore_mem>>
          %dma_start3A_58 = arith.constant 9984 : i32
          %dma_start3A_59 = arith.constant 0 : i32
          %dma_start3A_60 = tpu.memref_slice %arg3[%dma_start3A_58, %dma_start3A_59] : memref<10000x128xf32, #tpu.memory_space<hbm>> -> memref<16x128xf32, #tpu.memory_space<hbm>>
          %dma_start3A_61 = arith.constant 9984 : i32
          %dma_start3A_62 = arith.constant 0 : i32
          %dma_start3A_63 = tpu.memref_slice %arg5[%dma_start3A_61, %dma_start3A_62] : memref<10000x128xf32, #tpu.memory_space<vmem_shared>> -> memref<16x128xf32, #tpu.memory_space<vmem_shared>>
          tpu.enqueue_dma source(%dma_start3A_63 : memref<16x128xf32, #tpu.memory_space<vmem_shared>>) target(%dma_start3A_60 : memref<16x128xf32, #tpu.memory_space<hbm>>) target_semaphore(%run_scoped3A : memref<!tpu.dma_semaphore, #tpu.memory_space<semaphore_mem>>)
          %dma_wait3A = arith.constant 9984 : i32
          %dma_wait3A_64 = arith.constant 0 : i32
          %dma_wait3A_65 = tpu.memref_slice %arg3[%dma_wait3A, %dma_wait3A_64] : memref<10000x128xf32, #tpu.memory_space<hbm>> -> memref<16x128xf32, #tpu.memory_space<hbm>>
          %dma_wait3A_66 = arith.constant 9984 : i32
          %dma_wait3A_67 = arith.constant 0 : i32
          %dma_wait3A_68 = tpu.memref_slice %arg5[%dma_wait3A_66, %dma_wait3A_67] : memref<10000x128xf32, #tpu.memory_space<vmem_shared>> -> memref<16x128xf32, #tpu.memory_space<vmem_shared>>
          tpu.wait_dma2 semaphore(%run_scoped3A : memref<!tpu.dma_semaphore, #tpu.memory_space<semaphore_mem>>) src(%dma_wait3A_68 : memref<16x128xf32, #tpu.memory_space<vmem_shared>>) dst(%dma_wait3A_65 : memref<16x128xf32, #tpu.memory_space<hbm>>)
          tpu.yield
        }) : () -> ()
      } else {
      }
    } else {
    }
    %eq3A_46 = arith.constant 1 : i32
    %eq3A_47 = arith.cmpi eq, %arg0, %eq3A_46 : i32
    %convert_element_type3A_48 = arith.extui %eq3A_47 : i1 to i32
    %cond3A_49 = arith.constant 0 : i32
    %cond3A_50 = arith.cmpi ne, %convert_element_type3A_48, %cond3A_49 : i32
    scf.if %cond3A_50 {
      %mul3A_51 = arith.constant 624 : i32
      %mul3A_52 = arith.muli %arg1, %mul3A_51 : i32
      "tpu.region"() ({
        %run_scoped3A = tpu.sem_alloc : memref<!tpu.dma_semaphore, #tpu.memory_space<semaphore_mem>>
        %dma_start3A_58 = arith.constant 0 : i32
        %dma_start3A_59 = tpu.memref_slice %arg4[%mul3A_52, %dma_start3A_58] : memref<10000x128xf32, #tpu.memory_space<hbm>> -> memref<624x128xf32, #tpu.memory_space<hbm>>
        %dma_start3A_60 = arith.constant 0 : i32
        %dma_start3A_61 = tpu.memref_slice %arg5[%mul3A_52, %dma_start3A_60] : memref<10000x128xf32, #tpu.memory_space<vmem_shared>> -> memref<624x128xf32, #tpu.memory_space<vmem_shared>>
        tpu.enqueue_dma source(%dma_start3A_61 : memref<624x128xf32, #tpu.memory_space<vmem_shared>>) target(%dma_start3A_59 : memref<624x128xf32, #tpu.memory_space<hbm>>) target_semaphore(%run_scoped3A : memref<!tpu.dma_semaphore, #tpu.memory_space<semaphore_mem>>)
        %dma_wait3A = arith.constant 0 : i32
        %dma_wait3A_62 = tpu.memref_slice %arg4[%mul3A_52, %dma_wait3A] : memref<10000x128xf32, #tpu.memory_space<hbm>> -> memref<624x128xf32, #tpu.memory_space<hbm>>
        %dma_wait3A_63 = arith.constant 0 : i32
        %dma_wait3A_64 = tpu.memref_slice %arg5[%mul3A_52, %dma_wait3A_63] : memref<10000x128xf32, #tpu.memory_space<vmem_shared>> -> memref<624x128xf32, #tpu.memory_space<vmem_shared>>
        tpu.wait_dma2 semaphore(%run_scoped3A : memref<!tpu.dma_semaphore, #tpu.memory_space<semaphore_mem>>) src(%dma_wait3A_64 : memref<624x128xf32, #tpu.memory_space<vmem_shared>>) dst(%dma_wait3A_62 : memref<624x128xf32, #tpu.memory_space<hbm>>)
        tpu.yield
      }) : () -> ()
      %eq3A_53 = arith.constant 15 : i32
      %eq3A_54 = arith.cmpi eq, %arg1, %eq3A_53 : i32
      %convert_element_type3A_55 = arith.extui %eq3A_54 : i1 to i32
      %cond3A_56 = arith.constant 0 : i32
      %cond3A_57 = arith.cmpi ne, %convert_element_type3A_55, %cond3A_56 : i32
      scf.if %cond3A_57 {
        "tpu.region"() ({
          %run_scoped3A = tpu.sem_alloc : memref<!tpu.dma_semaphore, #tpu.memory_space<semaphore_mem>>
          %dma_start3A_58 = arith.constant 9984 : i32
          %dma_start3A_59 = arith.constant 0 : i32
          %dma_start3A_60 = tpu.memref_slice %arg4[%dma_start3A_58, %dma_start3A_59] : memref<10000x128xf32, #tpu.memory_space<hbm>> -> memref<16x128xf32, #tpu.memory_space<hbm>>
          %dma_start3A_61 = arith.constant 9984 : i32
          %dma_start3A_62 = arith.constant 0 : i32
          %dma_start3A_63 = tpu.memref_slice %arg5[%dma_start3A_61, %dma_start3A_62] : memref<10000x128xf32, #tpu.memory_space<vmem_shared>> -> memref<16x128xf32, #tpu.memory_space<vmem_shared>>
          tpu.enqueue_dma source(%dma_start3A_63 : memref<16x128xf32, #tpu.memory_space<vmem_shared>>) target(%dma_start3A_60 : memref<16x128xf32, #tpu.memory_space<hbm>>) target_semaphore(%run_scoped3A : memref<!tpu.dma_semaphore, #tpu.memory_space<semaphore_mem>>)
          %dma_wait3A = arith.constant 9984 : i32
          %dma_wait3A_64 = arith.constant 0 : i32
          %dma_wait3A_65 = tpu.memref_slice %arg4[%dma_wait3A, %dma_wait3A_64] : memref<10000x128xf32, #tpu.memory_space<hbm>> -> memref<16x128xf32, #tpu.memory_space<hbm>>
          %dma_wait3A_66 = arith.constant 9984 : i32
          %dma_wait3A_67 = arith.constant 0 : i32
          %dma_wait3A_68 = tpu.memref_slice %arg5[%dma_wait3A_66, %dma_wait3A_67] : memref<10000x128xf32, #tpu.memory_space<vmem_shared>> -> memref<16x128xf32, #tpu.memory_space<vmem_shared>>
          tpu.wait_dma2 semaphore(%run_scoped3A : memref<!tpu.dma_semaphore, #tpu.memory_space<semaphore_mem>>) src(%dma_wait3A_68 : memref<16x128xf32, #tpu.memory_space<vmem_shared>>) dst(%dma_wait3A_65 : memref<16x128xf32, #tpu.memory_space<hbm>>)
          tpu.yield
        }) : () -> ()
      } else {
      }
    } else {
    }
    return
  }
}

#map = affine_map<(d0, d1) -> (0, 0)>
#map1 = affine_map<(d0, d1) -> (0)>
module attributes {stable_mosaic.version = 14 : i64} {
  func.func @_sc_agg(%arg0: i32, %arg1: i32, %arg2: memref<10000x128xf32, #tpu.memory_space<hbm>>, %arg3: memref<320000xi32, #tpu.memory_space<hbm>>, %arg4: memref<320000xi32, #tpu.memory_space<hbm>>, %arg5: memref<10000x128xf32, #tpu.memory_space<hbm>>, %arg6: memref<10000x128xf32, #tpu.memory_space<hbm>>, %arg7: memref<10000x128xf32, #tpu.memory_space<vmem_shared>>, %arg8: memref<128xi32, #tpu.memory_space<vmem>>, %arg9: memref<128xi32, #tpu.memory_space<vmem>>, %arg10: memref<128xi32, #tpu.memory_space<vmem>>, %arg11: memref<128xi32, #tpu.memory_space<vmem>>, %arg12: memref<16xi32, #tpu.memory_space<vmem>>, %arg13: memref<16xi32, #tpu.memory_space<vmem>>, %arg14: memref<128x128xf32, #tpu.memory_space<vmem>>, %arg15: memref<128x128xf32, #tpu.memory_space<vmem>>, %arg16: memref<16x128xf32, #tpu.memory_space<vmem>>, %arg17: memref<40x128xf32, #tpu.memory_space<vmem>>, %arg18: memref<!tpu.dma_semaphore, #tpu.memory_space<semaphore_mem>>, %arg19: memref<!tpu.dma_semaphore, #tpu.memory_space<semaphore_mem>>, %arg20: memref<!tpu.dma_semaphore, #tpu.memory_space<semaphore_mem>>, %arg21: memref<!tpu.dma_semaphore, #tpu.memory_space<semaphore_mem>>) attributes {dimension_semantics = [#tpu.dimension_semantics<core_parallel>, #tpu.dimension_semantics<subcore_parallel>], iteration_bounds = array<i64: 2, 16>, scalar_prefetch = 0 : i64, scratch_operands = 15 : i64, tpu.core_type = #tpu.core_type<sc_vector_subcore>, window_params = [{transform_indices = #map}, {transform_indices = #map1}, {transform_indices = #map1}, {transform_indices = #map}, {transform_indices = #map}]} {
    %mul3A = arith.constant 2 : i32
    %mul3A_0 = arith.muli %arg1, %mul3A : i32
    %add3A = arith.addi %mul3A_0, %arg0 : i32
    %scan3A = arith.constant 0 : i32
    %scan3A_1 = arith.constant 0 : i32
    %scan3A_2 = arith.constant 40 : i32
    %scan3A_3 = arith.addi %scan3A_1, %scan3A_2 : i32
    %scan3A_4 = arith.constant 1 : i32
    %scan3A_5 = scf.for %scan3A_53 = %scan3A_1 to %scan3A_3 step %scan3A_4 iter_args(%scan3A_54 = %scan3A) -> (i32)  : i32 {
      %broadcast_in_dim3A = arith.constant 0.000000e+00 : f32
      %broadcast_in_dim3A_55 = vector.broadcast %broadcast_in_dim3A : f32 to vector<16xf32>
      %swap3A = arith.index_cast %scan3A_53 : i32 to index
      %swap3A_56 = arith.constant 0 : index
      %swap3A_57 = tpu.vector_load %arg17[%swap3A, %swap3A_56] {strides = array<i32>} : memref<40x128xf32, #tpu.memory_space<vmem>>, vector<1x16xf32>,
      %swap3A_58 = vector.shape_cast %swap3A_57 : vector<1x16xf32> to vector<16xf32>
      %swap3A_59 = vector.shape_cast %broadcast_in_dim3A_55 : vector<16xf32> to vector<1x16xf32>
      tpu.vector_store %arg17[%swap3A, %swap3A_56], %swap3A_59 {strides = array<i32>} : memref<40x128xf32, #tpu.memory_space<vmem>>, vector<1x16xf32>,
      %broadcast_in_dim3A_60 = arith.constant 0.000000e+00 : f32
      %broadcast_in_dim3A_61 = vector.broadcast %broadcast_in_dim3A_60 : f32 to vector<16xf32>
      %swap3A_62 = arith.index_cast %scan3A_53 : i32 to index
      %swap3A_63 = arith.constant 16 : index
      %swap3A_64 = tpu.vector_load %arg17[%swap3A_62, %swap3A_63] {strides = array<i32>} : memref<40x128xf32, #tpu.memory_space<vmem>>, vector<1x16xf32>,
      %swap3A_65 = vector.shape_cast %swap3A_64 : vector<1x16xf32> to vector<16xf32>
      %swap3A_66 = vector.shape_cast %broadcast_in_dim3A_61 : vector<16xf32> to vector<1x16xf32>
      tpu.vector_store %arg17[%swap3A_62, %swap3A_63], %swap3A_66 {strides = array<i32>} : memref<40x128xf32, #tpu.memory_space<vmem>>, vector<1x16xf32>,
      %broadcast_in_dim3A_67 = arith.constant 0.000000e+00 : f32
      %broadcast_in_dim3A_68 = vector.broadcast %broadcast_in_dim3A_67 : f32 to vector<16xf32>
      %swap3A_69 = arith.index_cast %scan3A_53 : i32 to index
      %swap3A_70 = arith.constant 32 : index
      %swap3A_71 = tpu.vector_load %arg17[%swap3A_69, %swap3A_70] {strides = array<i32>} : memref<40x128xf32, #tpu.memory_space<vmem>>, vector<1x16xf32>,
      %swap3A_72 = vector.shape_cast %swap3A_71 : vector<1x16xf32> to vector<16xf32>
      %swap3A_73 = vector.shape_cast %broadcast_in_dim3A_68 : vector<16xf32> to vector<1x16xf32>
      tpu.vector_store %arg17[%swap3A_69, %swap3A_70], %swap3A_73 {strides = array<i32>} : memref<40x128xf32, #tpu.memory_space<vmem>>, vector<1x16xf32>,
      %broadcast_in_dim3A_74 = arith.constant 0.000000e+00 : f32
      %broadcast_in_dim3A_75 = vector.broadcast %broadcast_in_dim3A_74 : f32 to vector<16xf32>
      %swap3A_76 = arith.index_cast %scan3A_53 : i32 to index
      %swap3A_77 = arith.constant 48 : index
      %swap3A_78 = tpu.vector_load %arg17[%swap3A_76, %swap3A_77] {strides = array<i32>} : memref<40x128xf32, #tpu.memory_space<vmem>>, vector<1x16xf32>,
      %swap3A_79 = vector.shape_cast %swap3A_78 : vector<1x16xf32> to vector<16xf32>
      %swap3A_80 = vector.shape_cast %broadcast_in_dim3A_75 : vector<16xf32> to vector<1x16xf32>
      tpu.vector_store %arg17[%swap3A_76, %swap3A_77], %swap3A_80 {strides = array<i32>} : memref<40x128xf32, #tpu.memory_space<vmem>>, vector<1x16xf32>,
      %broadcast_in_dim3A_81 = arith.constant 0.000000e+00 : f32
      %broadcast_in_dim3A_82 = vector.broadcast %broadcast_in_dim3A_81 : f32 to vector<16xf32>
      %swap3A_83 = arith.index_cast %scan3A_53 : i32 to index
      %swap3A_84 = arith.constant 64 : index
      %swap3A_85 = tpu.vector_load %arg17[%swap3A_83, %swap3A_84] {strides = array<i32>} : memref<40x128xf32, #tpu.memory_space<vmem>>, vector<1x16xf32>,
      %swap3A_86 = vector.shape_cast %swap3A_85 : vector<1x16xf32> to vector<16xf32>
      %swap3A_87 = vector.shape_cast %broadcast_in_dim3A_82 : vector<16xf32> to vector<1x16xf32>
      tpu.vector_store %arg17[%swap3A_83, %swap3A_84], %swap3A_87 {strides = array<i32>} : memref<40x128xf32, #tpu.memory_space<vmem>>, vector<1x16xf32>,
      %broadcast_in_dim3A_88 = arith.constant 0.000000e+00 : f32
      %broadcast_in_dim3A_89 = vector.broadcast %broadcast_in_dim3A_88 : f32 to vector<16xf32>
      %swap3A_90 = arith.index_cast %scan3A_53 : i32 to index
      %swap3A_91 = arith.constant 80 : index
      %swap3A_92 = tpu.vector_load %arg17[%swap3A_90, %swap3A_91] {strides = array<i32>} : memref<40x128xf32, #tpu.memory_space<vmem>>, vector<1x16xf32>,
      %swap3A_93 = vector.shape_cast %swap3A_92 : vector<1x16xf32> to vector<16xf32>
      %swap3A_94 = vector.shape_cast %broadcast_in_dim3A_89 : vector<16xf32> to vector<1x16xf32>
      tpu.vector_store %arg17[%swap3A_90, %swap3A_91], %swap3A_94 {strides = array<i32>} : memref<40x128xf32, #tpu.memory_space<vmem>>, vector<1x16xf32>,
      %broadcast_in_dim3A_95 = arith.constant 0.000000e+00 : f32
      %broadcast_in_dim3A_96 = vector.broadcast %broadcast_in_dim3A_95 : f32 to vector<16xf32>
      %swap3A_97 = arith.index_cast %scan3A_53 : i32 to index
      %swap3A_98 = arith.constant 96 : index
      %swap3A_99 = tpu.vector_load %arg17[%swap3A_97, %swap3A_98] {strides = array<i32>} : memref<40x128xf32, #tpu.memory_space<vmem>>, vector<1x16xf32>,
      %swap3A_100 = vector.shape_cast %swap3A_99 : vector<1x16xf32> to vector<16xf32>
      %swap3A_101 = vector.shape_cast %broadcast_in_dim3A_96 : vector<16xf32> to vector<1x16xf32>
      tpu.vector_store %arg17[%swap3A_97, %swap3A_98], %swap3A_101 {strides = array<i32>} : memref<40x128xf32, #tpu.memory_space<vmem>>, vector<1x16xf32>,
      %broadcast_in_dim3A_102 = arith.constant 0.000000e+00 : f32
      %broadcast_in_dim3A_103 = vector.broadcast %broadcast_in_dim3A_102 : f32 to vector<16xf32>
      %swap3A_104 = arith.index_cast %scan3A_53 : i32 to index
      %swap3A_105 = arith.constant 112 : index
      %swap3A_106 = tpu.vector_load %arg17[%swap3A_104, %swap3A_105] {strides = array<i32>} : memref<40x128xf32, #tpu.memory_space<vmem>>, vector<1x16xf32>,
      %swap3A_107 = vector.shape_cast %swap3A_106 : vector<1x16xf32> to vector<16xf32>
      %swap3A_108 = vector.shape_cast %broadcast_in_dim3A_103 : vector<16xf32> to vector<1x16xf32>
      tpu.vector_store %arg17[%swap3A_104, %swap3A_105], %swap3A_108 {strides = array<i32>} : memref<40x128xf32, #tpu.memory_space<vmem>>, vector<1x16xf32>,
      %scan3A_109 = arith.constant 0 : i32
      scf.yield %scan3A_109 : i32
    }
    %scan3A_6 = arith.constant 40 : i32
    %mul3A_7 = arith.constant 624 : i32
    %mul3A_8 = arith.muli %arg1, %mul3A_7 : i32
    %scan3A_9 = arith.constant 0 : i32
    %scan3A_10 = arith.constant 0 : i32
    %scan3A_11 = arith.constant 16 : i32
    %scan3A_12 = arith.addi %scan3A_10, %scan3A_11 : i32
    %scan3A_13 = arith.constant 1 : i32
    %scan3A_14 = scf.for %scan3A_53 = %scan3A_10 to %scan3A_12 step %scan3A_13 iter_args(%scan3A_54 = %scan3A_9) -> (i32)  : i32 {
      %mul3A_55 = arith.constant 40 : i32
      %mul3A_56 = arith.muli %scan3A_53, %mul3A_55 : i32
      %add3A_57 = arith.addi %mul3A_8, %mul3A_56 : i32
      "tpu.region"() ({
        %run_scoped3A = tpu.sem_alloc : memref<!tpu.dma_semaphore, #tpu.memory_space<semaphore_mem>>
        %dma_start3A_59 = arith.constant 0 : i32
        %dma_start3A_60 = tpu.memref_slice %arg7[%add3A_57, %dma_start3A_59] : memref<10000x128xf32, #tpu.memory_space<vmem_shared>> -> memref<40x128xf32, #tpu.memory_space<vmem_shared>>
        %dma_start3A_61 = arith.constant 0 : i32
        %dma_start3A_62 = tpu.memref_slice %arg7[%add3A_57, %dma_start3A_61] : memref<10000x128xf32, #tpu.memory_space<vmem_shared>> -> memref<40x128xf32, #tpu.memory_space<vmem_shared>>
        tpu.enqueue_dma source(%arg17 : memref<40x128xf32, #tpu.memory_space<vmem>>) target(%dma_start3A_62 : memref<40x128xf32, #tpu.memory_space<vmem_shared>>) target_semaphore(%run_scoped3A : memref<!tpu.dma_semaphore, #tpu.memory_space<semaphore_mem>>)
        %dma_wait3A_63 = arith.constant 0 : i32
        %dma_wait3A_64 = tpu.memref_slice %arg7[%add3A_57, %dma_wait3A_63] : memref<10000x128xf32, #tpu.memory_space<vmem_shared>> -> memref<40x128xf32, #tpu.memory_space<vmem_shared>>
        %dma_wait3A_65 = arith.constant 0 : i32
        %dma_wait3A_66 = tpu.memref_slice %arg7[%add3A_57, %dma_wait3A_65] : memref<10000x128xf32, #tpu.memory_space<vmem_shared>> -> memref<40x128xf32, #tpu.memory_space<vmem_shared>>
        tpu.wait_dma2 semaphore(%run_scoped3A : memref<!tpu.dma_semaphore, #tpu.memory_space<semaphore_mem>>) src(%arg17 : memref<40x128xf32, #tpu.memory_space<vmem>>) dst(%dma_wait3A_66 : memref<40x128xf32, #tpu.memory_space<vmem_shared>>)
        tpu.yield
      }) : () -> ()
      %scan3A_58 = arith.constant 0 : i32
      scf.yield %scan3A_58 : i32
    }
    %scan3A_15 = arith.constant 16 : i32
    %barrier3A = arith.constant 0 : index
    tpu.barrier barrier_id(%barrier3A)
    %mul3A_16 = arith.constant 10000 : i32
    %mul3A_17 = arith.muli %add3A, %mul3A_16 : i32
    %add3A_18 = arith.constant 0 : i32
    %add3A_19 = arith.addi %mul3A_17, %add3A_18 : i32
    "tpu.region"() ({
      %run_scoped3A = tpu.sem_alloc : memref<!tpu.dma_semaphore, #tpu.memory_space<semaphore_mem>>
      %dma_start3A_53 = tpu.memref_slice %arg3[%add3A_19] : memref<320000xi32, #tpu.memory_space<hbm>> -> memref<128xi32, #tpu.memory_space<hbm>>
      %dma_start3A_54 = tpu.memref_slice %arg3[%add3A_19] : memref<320000xi32, #tpu.memory_space<hbm>> -> memref<128xi32, #tpu.memory_space<hbm>>
      tpu.enqueue_dma source(%dma_start3A_54 : memref<128xi32, #tpu.memory_space<hbm>>) target(%arg8 : memref<128xi32, #tpu.memory_space<vmem>>) target_semaphore(%run_scoped3A : memref<!tpu.dma_semaphore, #tpu.memory_space<semaphore_mem>>)
      %dma_wait3A_55 = tpu.memref_slice %arg3[%add3A_19] : memref<320000xi32, #tpu.memory_space<hbm>> -> memref<128xi32, #tpu.memory_space<hbm>>
      %dma_wait3A_56 = tpu.memref_slice %arg3[%add3A_19] : memref<320000xi32, #tpu.memory_space<hbm>> -> memref<128xi32, #tpu.memory_space<hbm>>
      tpu.wait_dma2 semaphore(%run_scoped3A : memref<!tpu.dma_semaphore, #tpu.memory_space<semaphore_mem>>) src(%dma_wait3A_56 : memref<128xi32, #tpu.memory_space<hbm>>) dst(%arg8 : memref<128xi32, #tpu.memory_space<vmem>>)
      tpu.yield
    }) : () -> ()
    %dma_start3A = arith.constant 0 : i32
    %dma_start3A_20 = arith.constant 0 : i32
    %dma_start3A_21 = tpu.memref_slice %arg2[%dma_start3A, %dma_start3A_20] : memref<10000x128xf32, #tpu.memory_space<hbm>> -> memref<10000x128xf32, #tpu.memory_space<hbm>>
    tpu.enqueue_indirect_dma source(%dma_start3A_21 : memref<10000x128xf32, #tpu.memory_space<hbm>>) target(%arg14 : memref<128x128xf32, #tpu.memory_space<vmem>>) offsets(%arg8 : memref<128xi32, #tpu.memory_space<vmem>>) semaphore(%arg18 : memref<!tpu.dma_semaphore, #tpu.memory_space<semaphore_mem>>)
    %add3A_22 = arith.constant 0 : i32
    %add3A_23 = arith.addi %mul3A_17, %add3A_22 : i32
    "tpu.region"() ({
      %run_scoped3A = tpu.sem_alloc : memref<!tpu.dma_semaphore, #tpu.memory_space<semaphore_mem>>
      %dma_start3A_53 = tpu.memref_slice %arg4[%add3A_23] : memref<320000xi32, #tpu.memory_space<hbm>> -> memref<128xi32, #tpu.memory_space<hbm>>
      %dma_start3A_54 = tpu.memref_slice %arg4[%add3A_23] : memref<320000xi32, #tpu.memory_space<hbm>> -> memref<128xi32, #tpu.memory_space<hbm>>
      tpu.enqueue_dma source(%dma_start3A_54 : memref<128xi32, #tpu.memory_space<hbm>>) target(%arg10 : memref<128xi32, #tpu.memory_space<vmem>>) target_semaphore(%run_scoped3A : memref<!tpu.dma_semaphore, #tpu.memory_space<semaphore_mem>>)
      %dma_wait3A_55 = tpu.memref_slice %arg4[%add3A_23] : memref<320000xi32, #tpu.memory_space<hbm>> -> memref<128xi32, #tpu.memory_space<hbm>>
      %dma_wait3A_56 = tpu.memref_slice %arg4[%add3A_23] : memref<320000xi32, #tpu.memory_space<hbm>> -> memref<128xi32, #tpu.memory_space<hbm>>
      tpu.wait_dma2 semaphore(%run_scoped3A : memref<!tpu.dma_semaphore, #tpu.memory_space<semaphore_mem>>) src(%dma_wait3A_56 : memref<128xi32, #tpu.memory_space<hbm>>) dst(%arg10 : memref<128xi32, #tpu.memory_space<vmem>>)
      tpu.yield
    }) : () -> ()
    %add3A_24 = arith.constant 128 : i32
    %add3A_25 = arith.addi %mul3A_17, %add3A_24 : i32
    "tpu.region"() ({
      %run_scoped3A = tpu.sem_alloc : memref<!tpu.dma_semaphore, #tpu.memory_space<semaphore_mem>>
      %dma_start3A_53 = tpu.memref_slice %arg3[%add3A_25] : memref<320000xi32, #tpu.memory_space<hbm>> -> memref<128xi32, #tpu.memory_space<hbm>>
      %dma_start3A_54 = tpu.memref_slice %arg3[%add3A_25] : memref<320000xi32, #tpu.memory_space<hbm>> -> memref<128xi32, #tpu.memory_space<hbm>>
      tpu.enqueue_dma source(%dma_start3A_54 : memref<128xi32, #tpu.memory_space<hbm>>) target(%arg9 : memref<128xi32, #tpu.memory_space<vmem>>) target_semaphore(%run_scoped3A : memref<!tpu.dma_semaphore, #tpu.memory_space<semaphore_mem>>)
      %dma_wait3A_55 = tpu.memref_slice %arg3[%add3A_25] : memref<320000xi32, #tpu.memory_space<hbm>> -> memref<128xi32, #tpu.memory_space<hbm>>
      %dma_wait3A_56 = tpu.memref_slice %arg3[%add3A_25] : memref<320000xi32, #tpu.memory_space<hbm>> -> memref<128xi32, #tpu.memory_space<hbm>>
      tpu.wait_dma2 semaphore(%run_scoped3A : memref<!tpu.dma_semaphore, #tpu.memory_space<semaphore_mem>>) src(%dma_wait3A_56 : memref<128xi32, #tpu.memory_space<hbm>>) dst(%arg9 : memref<128xi32, #tpu.memory_space<vmem>>)
      tpu.yield
    }) : () -> ()
    %dma_start3A_26 = arith.constant 0 : i32
    %dma_start3A_27 = arith.constant 0 : i32
    %dma_start3A_28 = tpu.memref_slice %arg2[%dma_start3A_26, %dma_start3A_27] : memref<10000x128xf32, #tpu.memory_space<hbm>> -> memref<10000x128xf32, #tpu.memory_space<hbm>>
    tpu.enqueue_indirect_dma source(%dma_start3A_28 : memref<10000x128xf32, #tpu.memory_space<hbm>>) target(%arg15 : memref<128x128xf32, #tpu.memory_space<vmem>>) offsets(%arg9 : memref<128xi32, #tpu.memory_space<vmem>>) semaphore(%arg19 : memref<!tpu.dma_semaphore, #tpu.memory_space<semaphore_mem>>)
    %add3A_29 = arith.constant 128 : i32
    %add3A_30 = arith.addi %mul3A_17, %add3A_29 : i32
    "tpu.region"() ({
      %run_scoped3A = tpu.sem_alloc : memref<!tpu.dma_semaphore, #tpu.memory_space<semaphore_mem>>
      %dma_start3A_53 = tpu.memref_slice %arg4[%add3A_30] : memref<320000xi32, #tpu.memory_space<hbm>> -> memref<128xi32, #tpu.memory_space<hbm>>
      %dma_start3A_54 = tpu.memref_slice %arg4[%add3A_30] : memref<320000xi32, #tpu.memory_space<hbm>> -> memref<128xi32, #tpu.memory_space<hbm>>
      tpu.enqueue_dma source(%dma_start3A_54 : memref<128xi32, #tpu.memory_space<hbm>>) target(%arg11 : memref<128xi32, #tpu.memory_space<vmem>>) target_semaphore(%run_scoped3A : memref<!tpu.dma_semaphore, #tpu.memory_space<semaphore_mem>>)
      %dma_wait3A_55 = tpu.memref_slice %arg4[%add3A_30] : memref<320000xi32, #tpu.memory_space<hbm>> -> memref<128xi32, #tpu.memory_space<hbm>>
      %dma_wait3A_56 = tpu.memref_slice %arg4[%add3A_30] : memref<320000xi32, #tpu.memory_space<hbm>> -> memref<128xi32, #tpu.memory_space<hbm>>
      tpu.wait_dma2 semaphore(%run_scoped3A : memref<!tpu.dma_semaphore, #tpu.memory_space<semaphore_mem>>) src(%dma_wait3A_56 : memref<128xi32, #tpu.memory_space<hbm>>) dst(%arg11 : memref<128xi32, #tpu.memory_space<vmem>>)
      tpu.yield
    }) : () -> ()
    %scan3A_31 = arith.constant 0 : i32
    %scan3A_32 = arith.constant 0 : i32
    %scan3A_33 = arith.constant 39 : i32
    %scan3A_34 = arith.addi %scan3A_32, %scan3A_33 : i32
    %scan3A_35 = arith.constant 1 : i32
    %scan3A_36 = scf.for %scan3A_53 = %scan3A_32 to %scan3A_34 step %scan3A_35 iter_args(%scan3A_54 = %scan3A_31) -> (i32)  : i32 {
      %mul3A_55 = arith.constant 2 : i32
      %mul3A_56 = arith.muli %scan3A_53, %mul3A_55 : i32
      %dma_wait3A_57 = arith.constant 0 : i32
      %dma_wait3A_58 = arith.constant 0 : i32
      %dma_wait3A_59 = tpu.memref_slice %arg2[%dma_wait3A_57, %dma_wait3A_58] : memref<10000x128xf32, #tpu.memory_space<hbm>> -> memref<10000x128xf32, #tpu.memory_space<hbm>>
      tpu.wait_indirect_dma semaphore(%arg18 : memref<!tpu.dma_semaphore, #tpu.memory_space<semaphore_mem>>) src(%dma_wait3A_59 : memref<10000x128xf32, #tpu.memory_space<hbm>>) dst(%arg14 : memref<128x128xf32, #tpu.memory_space<vmem>>)
      %dma_start3A_60 = arith.constant 0 : i32
      %dma_start3A_61 = arith.constant 0 : i32
      %dma_start3A_62 = tpu.memref_slice %arg7[%dma_start3A_60, %dma_start3A_61] : memref<10000x128xf32, #tpu.memory_space<vmem_shared>> -> memref<10000x128xf32, #tpu.memory_space<vmem_shared>>
      tpu.enqueue_indirect_dma source(%arg14 : memref<128x128xf32, #tpu.memory_space<vmem>>) target(%dma_start3A_62 : memref<10000x128xf32, #tpu.memory_space<vmem_shared>>) offsets(%arg10 : memref<128xi32, #tpu.memory_space<vmem>>) semaphore(%arg20 : memref<!tpu.dma_semaphore, #tpu.memory_space<semaphore_mem>>) {add = true}
      %dma_wait3A_63 = arith.constant 0 : i32
      %dma_wait3A_64 = arith.constant 0 : i32
      %dma_wait3A_65 = tpu.memref_slice %arg2[%dma_wait3A_63, %dma_wait3A_64] : memref<10000x128xf32, #tpu.memory_space<hbm>> -> memref<10000x128xf32, #tpu.memory_space<hbm>>
      tpu.wait_indirect_dma semaphore(%arg19 : memref<!tpu.dma_semaphore, #tpu.memory_space<semaphore_mem>>) src(%dma_wait3A_65 : memref<10000x128xf32, #tpu.memory_space<hbm>>) dst(%arg15 : memref<128x128xf32, #tpu.memory_space<vmem>>)
      %dma_start3A_66 = arith.constant 0 : i32
      %dma_start3A_67 = arith.constant 0 : i32
      %dma_start3A_68 = tpu.memref_slice %arg7[%dma_start3A_66, %dma_start3A_67] : memref<10000x128xf32, #tpu.memory_space<vmem_shared>> -> memref<10000x128xf32, #tpu.memory_space<vmem_shared>>
      tpu.enqueue_indirect_dma source(%arg15 : memref<128x128xf32, #tpu.memory_space<vmem>>) target(%dma_start3A_68 : memref<10000x128xf32, #tpu.memory_space<vmem_shared>>) offsets(%arg11 : memref<128xi32, #tpu.memory_space<vmem>>) semaphore(%arg21 : memref<!tpu.dma_semaphore, #tpu.memory_space<semaphore_mem>>) {add = true}
      %add3A_69 = arith.constant 2 : i32
      %add3A_70 = arith.addi %mul3A_56, %add3A_69 : i32
      %add3A_71 = arith.constant 0 : i32
      %add3A_72 = arith.addi %add3A_70, %add3A_71 : i32
      %dma_wait3A_73 = arith.constant 0 : i32
      %dma_wait3A_74 = arith.constant 0 : i32
      %dma_wait3A_75 = tpu.memref_slice %arg7[%dma_wait3A_73, %dma_wait3A_74] : memref<10000x128xf32, #tpu.memory_space<vmem_shared>> -> memref<10000x128xf32, #tpu.memory_space<vmem_shared>>
      tpu.wait_indirect_dma semaphore(%arg20 : memref<!tpu.dma_semaphore, #tpu.memory_space<semaphore_mem>>) src(%arg14 : memref<128x128xf32, #tpu.memory_space<vmem>>) dst(%dma_wait3A_75 : memref<10000x128xf32, #tpu.memory_space<vmem_shared>>)
      %lt3A = arith.constant 78 : i32
      %lt3A_76 = arith.cmpi slt, %add3A_72, %lt3A : i32
      %convert_element_type3A_77 = arith.extui %lt3A_76 : i1 to i32
      %cond3A_78 = arith.constant 0 : i32
      %cond3A_79 = arith.cmpi ne, %convert_element_type3A_77, %cond3A_78 : i32
      scf.if %cond3A_79 {
        %mul3A_93 = arith.constant 128 : i32
        %mul3A_94 = arith.muli %add3A_72, %mul3A_93 : i32
        %add3A_95 = arith.addi %mul3A_17, %mul3A_94 : i32
        "tpu.region"() ({
          %run_scoped3A = tpu.sem_alloc : memref<!tpu.dma_semaphore, #tpu.memory_space<semaphore_mem>>
          %dma_start3A_102 = tpu.memref_slice %arg3[%add3A_95] : memref<320000xi32, #tpu.memory_space<hbm>> -> memref<128xi32, #tpu.memory_space<hbm>>
          %dma_start3A_103 = tpu.memref_slice %arg3[%add3A_95] : memref<320000xi32, #tpu.memory_space<hbm>> -> memref<128xi32, #tpu.memory_space<hbm>>
          tpu.enqueue_dma source(%dma_start3A_103 : memref<128xi32, #tpu.memory_space<hbm>>) target(%arg8 : memref<128xi32, #tpu.memory_space<vmem>>) target_semaphore(%run_scoped3A : memref<!tpu.dma_semaphore, #tpu.memory_space<semaphore_mem>>)
          %dma_wait3A_104 = tpu.memref_slice %arg3[%add3A_95] : memref<320000xi32, #tpu.memory_space<hbm>> -> memref<128xi32, #tpu.memory_space<hbm>>
          %dma_wait3A_105 = tpu.memref_slice %arg3[%add3A_95] : memref<320000xi32, #tpu.memory_space<hbm>> -> memref<128xi32, #tpu.memory_space<hbm>>
          tpu.wait_dma2 semaphore(%run_scoped3A : memref<!tpu.dma_semaphore, #tpu.memory_space<semaphore_mem>>) src(%dma_wait3A_105 : memref<128xi32, #tpu.memory_space<hbm>>) dst(%arg8 : memref<128xi32, #tpu.memory_space<vmem>>)
          tpu.yield
        }) : () -> ()
        %dma_start3A_96 = arith.constant 0 : i32
        %dma_start3A_97 = arith.constant 0 : i32
        %dma_start3A_98 = tpu.memref_slice %arg2[%dma_start3A_96, %dma_start3A_97] : memref<10000x128xf32, #tpu.memory_space<hbm>> -> memref<10000x128xf32, #tpu.memory_space<hbm>>
        tpu.enqueue_indirect_dma source(%dma_start3A_98 : memref<10000x128xf32, #tpu.memory_space<hbm>>) target(%arg14 : memref<128x128xf32, #tpu.memory_space<vmem>>) offsets(%arg8 : memref<128xi32, #tpu.memory_space<vmem>>) semaphore(%arg18 : memref<!tpu.dma_semaphore, #tpu.memory_space<semaphore_mem>>)
        %mul3A_99 = arith.constant 128 : i32
        %mul3A_100 = arith.muli %add3A_72, %mul3A_99 : i32
        %add3A_101 = arith.addi %mul3A_17, %mul3A_100 : i32
        "tpu.region"() ({
          %run_scoped3A = tpu.sem_alloc : memref<!tpu.dma_semaphore, #tpu.memory_space<semaphore_mem>>
          %dma_start3A_102 = tpu.memref_slice %arg4[%add3A_101] : memref<320000xi32, #tpu.memory_space<hbm>> -> memref<128xi32, #tpu.memory_space<hbm>>
          %dma_start3A_103 = tpu.memref_slice %arg4[%add3A_101] : memref<320000xi32, #tpu.memory_space<hbm>> -> memref<128xi32, #tpu.memory_space<hbm>>
          tpu.enqueue_dma source(%dma_start3A_103 : memref<128xi32, #tpu.memory_space<hbm>>) target(%arg10 : memref<128xi32, #tpu.memory_space<vmem>>) target_semaphore(%run_scoped3A : memref<!tpu.dma_semaphore, #tpu.memory_space<semaphore_mem>>)
          %dma_wait3A_104 = tpu.memref_slice %arg4[%add3A_101] : memref<320000xi32, #tpu.memory_space<hbm>> -> memref<128xi32, #tpu.memory_space<hbm>>
          %dma_wait3A_105 = tpu.memref_slice %arg4[%add3A_101] : memref<320000xi32, #tpu.memory_space<hbm>> -> memref<128xi32, #tpu.memory_space<hbm>>
          tpu.wait_dma2 semaphore(%run_scoped3A : memref<!tpu.dma_semaphore, #tpu.memory_space<semaphore_mem>>) src(%dma_wait3A_105 : memref<128xi32, #tpu.memory_space<hbm>>) dst(%arg10 : memref<128xi32, #tpu.memory_space<vmem>>)
          tpu.yield
        }) : () -> ()
      } else {
      }
      %add3A_80 = arith.constant 2 : i32
      %add3A_81 = arith.addi %mul3A_56, %add3A_80 : i32
      %add3A_82 = arith.constant 1 : i32
      %add3A_83 = arith.addi %add3A_81, %add3A_82 : i32
      %dma_wait3A_84 = arith.constant 0 : i32
      %dma_wait3A_85 = arith.constant 0 : i32
      %dma_wait3A_86 = tpu.memref_slice %arg7[%dma_wait3A_84, %dma_wait3A_85] : memref<10000x128xf32, #tpu.memory_space<vmem_shared>> -> memref<10000x128xf32, #tpu.memory_space<vmem_shared>>
      tpu.wait_indirect_dma semaphore(%arg21 : memref<!tpu.dma_semaphore, #tpu.memory_space<semaphore_mem>>) src(%arg15 : memref<128x128xf32, #tpu.memory_space<vmem>>) dst(%dma_wait3A_86 : memref<10000x128xf32, #tpu.memory_space<vmem_shared>>)
      %lt3A_87 = arith.constant 78 : i32
      %lt3A_88 = arith.cmpi slt, %add3A_83, %lt3A_87 : i32
      %convert_element_type3A_89 = arith.extui %lt3A_88 : i1 to i32
      %cond3A_90 = arith.constant 0 : i32
      %cond3A_91 = arith.cmpi ne, %convert_element_type3A_89, %cond3A_90 : i32
      scf.if %cond3A_91 {
        %mul3A_93 = arith.constant 128 : i32
        %mul3A_94 = arith.muli %add3A_83, %mul3A_93 : i32
        %add3A_95 = arith.addi %mul3A_17, %mul3A_94 : i32
        "tpu.region"() ({
          %run_scoped3A = tpu.sem_alloc : memref<!tpu.dma_semaphore, #tpu.memory_space<semaphore_mem>>
          %dma_start3A_102 = tpu.memref_slice %arg3[%add3A_95] : memref<320000xi32, #tpu.memory_space<hbm>> -> memref<128xi32, #tpu.memory_space<hbm>>
          %dma_start3A_103 = tpu.memref_slice %arg3[%add3A_95] : memref<320000xi32, #tpu.memory_space<hbm>> -> memref<128xi32, #tpu.memory_space<hbm>>
          tpu.enqueue_dma source(%dma_start3A_103 : memref<128xi32, #tpu.memory_space<hbm>>) target(%arg9 : memref<128xi32, #tpu.memory_space<vmem>>) target_semaphore(%run_scoped3A : memref<!tpu.dma_semaphore, #tpu.memory_space<semaphore_mem>>)
          %dma_wait3A_104 = tpu.memref_slice %arg3[%add3A_95] : memref<320000xi32, #tpu.memory_space<hbm>> -> memref<128xi32, #tpu.memory_space<hbm>>
          %dma_wait3A_105 = tpu.memref_slice %arg3[%add3A_95] : memref<320000xi32, #tpu.memory_space<hbm>> -> memref<128xi32, #tpu.memory_space<hbm>>
          tpu.wait_dma2 semaphore(%run_scoped3A : memref<!tpu.dma_semaphore, #tpu.memory_space<semaphore_mem>>) src(%dma_wait3A_105 : memref<128xi32, #tpu.memory_space<hbm>>) dst(%arg9 : memref<128xi32, #tpu.memory_space<vmem>>)
          tpu.yield
        }) : () -> ()
        %dma_start3A_96 = arith.constant 0 : i32
        %dma_start3A_97 = arith.constant 0 : i32
        %dma_start3A_98 = tpu.memref_slice %arg2[%dma_start3A_96, %dma_start3A_97] : memref<10000x128xf32, #tpu.memory_space<hbm>> -> memref<10000x128xf32, #tpu.memory_space<hbm>>
        tpu.enqueue_indirect_dma source(%dma_start3A_98 : memref<10000x128xf32, #tpu.memory_space<hbm>>) target(%arg15 : memref<128x128xf32, #tpu.memory_space<vmem>>) offsets(%arg9 : memref<128xi32, #tpu.memory_space<vmem>>) semaphore(%arg19 : memref<!tpu.dma_semaphore, #tpu.memory_space<semaphore_mem>>)
        %mul3A_99 = arith.constant 128 : i32
        %mul3A_100 = arith.muli %add3A_83, %mul3A_99 : i32
        %add3A_101 = arith.addi %mul3A_17, %mul3A_100 : i32
        "tpu.region"() ({
          %run_scoped3A = tpu.sem_alloc : memref<!tpu.dma_semaphore, #tpu.memory_space<semaphore_mem>>
          %dma_start3A_102 = tpu.memref_slice %arg4[%add3A_101] : memref<320000xi32, #tpu.memory_space<hbm>> -> memref<128xi32, #tpu.memory_space<hbm>>
          %dma_start3A_103 = tpu.memref_slice %arg4[%add3A_101] : memref<320000xi32, #tpu.memory_space<hbm>> -> memref<128xi32, #tpu.memory_space<hbm>>
          tpu.enqueue_dma source(%dma_start3A_103 : memref<128xi32, #tpu.memory_space<hbm>>) target(%arg11 : memref<128xi32, #tpu.memory_space<vmem>>) target_semaphore(%run_scoped3A : memref<!tpu.dma_semaphore, #tpu.memory_space<semaphore_mem>>)
          %dma_wait3A_104 = tpu.memref_slice %arg4[%add3A_101] : memref<320000xi32, #tpu.memory_space<hbm>> -> memref<128xi32, #tpu.memory_space<hbm>>
          %dma_wait3A_105 = tpu.memref_slice %arg4[%add3A_101] : memref<320000xi32, #tpu.memory_space<hbm>> -> memref<128xi32, #tpu.memory_space<hbm>>
          tpu.wait_dma2 semaphore(%run_scoped3A : memref<!tpu.dma_semaphore, #tpu.memory_space<semaphore_mem>>) src(%dma_wait3A_105 : memref<128xi32, #tpu.memory_space<hbm>>) dst(%arg11 : memref<128xi32, #tpu.memory_space<vmem>>)
          tpu.yield
        }) : () -> ()
      } else {
      }
      %scan3A_92 = arith.constant 0 : i32
      scf.yield %scan3A_92 : i32
    }
    %scan3A_37 = arith.constant 39 : i32
    %add3A_38 = arith.constant 9984 : i32
    %add3A_39 = arith.addi %mul3A_17, %add3A_38 : i32
    "tpu.region"() ({
      %run_scoped3A = tpu.sem_alloc : memref<!tpu.dma_semaphore, #tpu.memory_space<semaphore_mem>>
      %dma_start3A_53 = tpu.memref_slice %arg3[%add3A_39] : memref<320000xi32, #tpu.memory_space<hbm>> -> memref<16xi32, #tpu.memory_space<hbm>>
      %dma_start3A_54 = tpu.memref_slice %arg3[%add3A_39] : memref<320000xi32, #tpu.memory_space<hbm>> -> memref<16xi32, #tpu.memory_space<hbm>>
      tpu.enqueue_dma source(%dma_start3A_54 : memref<16xi32, #tpu.memory_space<hbm>>) target(%arg12 : memref<16xi32, #tpu.memory_space<vmem>>) target_semaphore(%run_scoped3A : memref<!tpu.dma_semaphore, #tpu.memory_space<semaphore_mem>>)
      %dma_wait3A_55 = tpu.memref_slice %arg3[%add3A_39] : memref<320000xi32, #tpu.memory_space<hbm>> -> memref<16xi32, #tpu.memory_space<hbm>>
      %dma_wait3A_56 = tpu.memref_slice %arg3[%add3A_39] : memref<320000xi32, #tpu.memory_space<hbm>> -> memref<16xi32, #tpu.memory_space<hbm>>
      tpu.wait_dma2 semaphore(%run_scoped3A : memref<!tpu.dma_semaphore, #tpu.memory_space<semaphore_mem>>) src(%dma_wait3A_56 : memref<16xi32, #tpu.memory_space<hbm>>) dst(%arg12 : memref<16xi32, #tpu.memory_space<vmem>>)
      tpu.yield
    }) : () -> ()
    %dma_start3A_40 = arith.constant 0 : i32
    %dma_start3A_41 = arith.constant 0 : i32
    %dma_start3A_42 = tpu.memref_slice %arg2[%dma_start3A_40, %dma_start3A_41] : memref<10000x128xf32, #tpu.memory_space<hbm>> -> memref<10000x128xf32, #tpu.memory_space<hbm>>
    tpu.enqueue_indirect_dma source(%dma_start3A_42 : memref<10000x128xf32, #tpu.memory_space<hbm>>) target(%arg16 : memref<16x128xf32, #tpu.memory_space<vmem>>) offsets(%arg12 : memref<16xi32, #tpu.memory_space<vmem>>) semaphore(%arg18 : memref<!tpu.dma_semaphore, #tpu.memory_space<semaphore_mem>>)
    %dma_wait3A = arith.constant 0 : i32
    %dma_wait3A_43 = arith.constant 0 : i32
    %dma_wait3A_44 = tpu.memref_slice %arg2[%dma_wait3A, %dma_wait3A_43] : memref<10000x128xf32, #tpu.memory_space<hbm>> -> memref<10000x128xf32, #tpu.memory_space<hbm>>
    tpu.wait_indirect_dma semaphore(%arg18 : memref<!tpu.dma_semaphore, #tpu.memory_space<semaphore_mem>>) src(%dma_wait3A_44 : memref<10000x128xf32, #tpu.memory_space<hbm>>) dst(%arg16 : memref<16x128xf32, #tpu.memory_space<vmem>>)
    "tpu.region"() ({
      %run_scoped3A = tpu.sem_alloc : memref<!tpu.dma_semaphore, #tpu.memory_space<semaphore_mem>>
      %dma_start3A_53 = tpu.memref_slice %arg4[%add3A_39] : memref<320000xi32, #tpu.memory_space<hbm>> -> memref<16xi32, #tpu.memory_space<hbm>>
      %dma_start3A_54 = tpu.memref_slice %arg4[%add3A_39] : memref<320000xi32, #tpu.memory_space<hbm>> -> memref<16xi32, #tpu.memory_space<hbm>>
      tpu.enqueue_dma source(%dma_start3A_54 : memref<16xi32, #tpu.memory_space<hbm>>) target(%arg13 : memref<16xi32, #tpu.memory_space<vmem>>) target_semaphore(%run_scoped3A : memref<!tpu.dma_semaphore, #tpu.memory_space<semaphore_mem>>)
      %dma_wait3A_55 = tpu.memref_slice %arg4[%add3A_39] : memref<320000xi32, #tpu.memory_space<hbm>> -> memref<16xi32, #tpu.memory_space<hbm>>
      %dma_wait3A_56 = tpu.memref_slice %arg4[%add3A_39] : memref<320000xi32, #tpu.memory_space<hbm>> -> memref<16xi32, #tpu.memory_space<hbm>>
      tpu.wait_dma2 semaphore(%run_scoped3A : memref<!tpu.dma_semaphore, #tpu.memory_space<semaphore_mem>>) src(%dma_wait3A_56 : memref<16xi32, #tpu.memory_space<hbm>>) dst(%arg13 : memref<16xi32, #tpu.memory_space<vmem>>)
      tpu.yield
    }) : () -> ()
    "tpu.region"() ({
      %run_scoped3A = tpu.sem_alloc : memref<!tpu.dma_semaphore, #tpu.memory_space<semaphore_mem>>
      %dma_start3A_53 = arith.constant 0 : i32
      %dma_start3A_54 = arith.constant 0 : i32
      %dma_start3A_55 = tpu.memref_slice %arg7[%dma_start3A_53, %dma_start3A_54] : memref<10000x128xf32, #tpu.memory_space<vmem_shared>> -> memref<10000x128xf32, #tpu.memory_space<vmem_shared>>
      tpu.enqueue_indirect_dma source(%arg16 : memref<16x128xf32, #tpu.memory_space<vmem>>) target(%dma_start3A_55 : memref<10000x128xf32, #tpu.memory_space<vmem_shared>>) offsets(%arg13 : memref<16xi32, #tpu.memory_space<vmem>>) semaphore(%run_scoped3A : memref<!tpu.dma_semaphore, #tpu.memory_space<semaphore_mem>>) {add = true}
      %dma_wait3A_56 = arith.constant 0 : i32
      %dma_wait3A_57 = arith.constant 0 : i32
      %dma_wait3A_58 = tpu.memref_slice %arg7[%dma_wait3A_56, %dma_wait3A_57] : memref<10000x128xf32, #tpu.memory_space<vmem_shared>> -> memref<10000x128xf32, #tpu.memory_space<vmem_shared>>
      tpu.wait_indirect_dma semaphore(%run_scoped3A : memref<!tpu.dma_semaphore, #tpu.memory_space<semaphore_mem>>) src(%arg16 : memref<16x128xf32, #tpu.memory_space<vmem>>) dst(%dma_wait3A_58 : memref<10000x128xf32, #tpu.memory_space<vmem_shared>>)
      tpu.yield
    }) : () -> ()
    %barrier3A_45 = arith.constant 0 : index
    tpu.barrier barrier_id(%barrier3A_45)
    %eq3A = arith.constant 0 : i32
    %eq3A_46 = arith.cmpi eq, %arg0, %eq3A : i32
    %convert_element_type3A = arith.extui %eq3A_46 : i1 to i32
    %cond3A = arith.constant 0 : i32
    %cond3A_47 = arith.cmpi ne, %convert_element_type3A, %cond3A : i32
    scf.if %cond3A_47 {
      %mul3A_53 = arith.constant 624 : i32
      %mul3A_54 = arith.muli %arg1, %mul3A_53 : i32
      "tpu.region"() ({
        %run_scoped3A = tpu.sem_alloc : memref<!tpu.dma_semaphore, #tpu.memory_space<semaphore_mem>>
        %dma_start3A_60 = arith.constant 0 : i32
        %dma_start3A_61 = tpu.memref_slice %arg5[%mul3A_54, %dma_start3A_60] : memref<10000x128xf32, #tpu.memory_space<hbm>> -> memref<624x128xf32, #tpu.memory_space<hbm>>
        %dma_start3A_62 = arith.constant 0 : i32
        %dma_start3A_63 = tpu.memref_slice %arg7[%mul3A_54, %dma_start3A_62] : memref<10000x128xf32, #tpu.memory_space<vmem_shared>> -> memref<624x128xf32, #tpu.memory_space<vmem_shared>>
        tpu.enqueue_dma source(%dma_start3A_63 : memref<624x128xf32, #tpu.memory_space<vmem_shared>>) target(%dma_start3A_61 : memref<624x128xf32, #tpu.memory_space<hbm>>) target_semaphore(%run_scoped3A : memref<!tpu.dma_semaphore, #tpu.memory_space<semaphore_mem>>)
        %dma_wait3A_64 = arith.constant 0 : i32
        %dma_wait3A_65 = tpu.memref_slice %arg5[%mul3A_54, %dma_wait3A_64] : memref<10000x128xf32, #tpu.memory_space<hbm>> -> memref<624x128xf32, #tpu.memory_space<hbm>>
        %dma_wait3A_66 = arith.constant 0 : i32
        %dma_wait3A_67 = tpu.memref_slice %arg7[%mul3A_54, %dma_wait3A_66] : memref<10000x128xf32, #tpu.memory_space<vmem_shared>> -> memref<624x128xf32, #tpu.memory_space<vmem_shared>>
        tpu.wait_dma2 semaphore(%run_scoped3A : memref<!tpu.dma_semaphore, #tpu.memory_space<semaphore_mem>>) src(%dma_wait3A_67 : memref<624x128xf32, #tpu.memory_space<vmem_shared>>) dst(%dma_wait3A_65 : memref<624x128xf32, #tpu.memory_space<hbm>>)
        tpu.yield
      }) : () -> ()
      %eq3A_55 = arith.constant 15 : i32
      %eq3A_56 = arith.cmpi eq, %arg1, %eq3A_55 : i32
      %convert_element_type3A_57 = arith.extui %eq3A_56 : i1 to i32
      %cond3A_58 = arith.constant 0 : i32
      %cond3A_59 = arith.cmpi ne, %convert_element_type3A_57, %cond3A_58 : i32
      scf.if %cond3A_59 {
        "tpu.region"() ({
          %run_scoped3A = tpu.sem_alloc : memref<!tpu.dma_semaphore, #tpu.memory_space<semaphore_mem>>
          %dma_start3A_60 = arith.constant 9984 : i32
          %dma_start3A_61 = arith.constant 0 : i32
          %dma_start3A_62 = tpu.memref_slice %arg5[%dma_start3A_60, %dma_start3A_61] : memref<10000x128xf32, #tpu.memory_space<hbm>> -> memref<16x128xf32, #tpu.memory_space<hbm>>
          %dma_start3A_63 = arith.constant 9984 : i32
          %dma_start3A_64 = arith.constant 0 : i32
          %dma_start3A_65 = tpu.memref_slice %arg7[%dma_start3A_63, %dma_start3A_64] : memref<10000x128xf32, #tpu.memory_space<vmem_shared>> -> memref<16x128xf32, #tpu.memory_space<vmem_shared>>
          tpu.enqueue_dma source(%dma_start3A_65 : memref<16x128xf32, #tpu.memory_space<vmem_shared>>) target(%dma_start3A_62 : memref<16x128xf32, #tpu.memory_space<hbm>>) target_semaphore(%run_scoped3A : memref<!tpu.dma_semaphore, #tpu.memory_space<semaphore_mem>>)
          %dma_wait3A_66 = arith.constant 9984 : i32
          %dma_wait3A_67 = arith.constant 0 : i32
          %dma_wait3A_68 = tpu.memref_slice %arg5[%dma_wait3A_66, %dma_wait3A_67] : memref<10000x128xf32, #tpu.memory_space<hbm>> -> memref<16x128xf32, #tpu.memory_space<hbm>>
          %dma_wait3A_69 = arith.constant 9984 : i32
          %dma_wait3A_70 = arith.constant 0 : i32
          %dma_wait3A_71 = tpu.memref_slice %arg7[%dma_wait3A_69, %dma_wait3A_70] : memref<10000x128xf32, #tpu.memory_space<vmem_shared>> -> memref<16x128xf32, #tpu.memory_space<vmem_shared>>
          tpu.wait_dma2 semaphore(%run_scoped3A : memref<!tpu.dma_semaphore, #tpu.memory_space<semaphore_mem>>) src(%dma_wait3A_71 : memref<16x128xf32, #tpu.memory_space<vmem_shared>>) dst(%dma_wait3A_68 : memref<16x128xf32, #tpu.memory_space<hbm>>)
          tpu.yield
        }) : () -> ()
      } else {
      }
    } else {
    }
    %eq3A_48 = arith.constant 1 : i32
    %eq3A_49 = arith.cmpi eq, %arg0, %eq3A_48 : i32
    %convert_element_type3A_50 = arith.extui %eq3A_49 : i1 to i32
    %cond3A_51 = arith.constant 0 : i32
    %cond3A_52 = arith.cmpi ne, %convert_element_type3A_50, %cond3A_51 : i32
    scf.if %cond3A_52 {
      %mul3A_53 = arith.constant 624 : i32
      %mul3A_54 = arith.muli %arg1, %mul3A_53 : i32
      "tpu.region"() ({
        %run_scoped3A = tpu.sem_alloc : memref<!tpu.dma_semaphore, #tpu.memory_space<semaphore_mem>>
        %dma_start3A_60 = arith.constant 0 : i32
        %dma_start3A_61 = tpu.memref_slice %arg6[%mul3A_54, %dma_start3A_60] : memref<10000x128xf32, #tpu.memory_space<hbm>> -> memref<624x128xf32, #tpu.memory_space<hbm>>
        %dma_start3A_62 = arith.constant 0 : i32
        %dma_start3A_63 = tpu.memref_slice %arg7[%mul3A_54, %dma_start3A_62] : memref<10000x128xf32, #tpu.memory_space<vmem_shared>> -> memref<624x128xf32, #tpu.memory_space<vmem_shared>>
        tpu.enqueue_dma source(%dma_start3A_63 : memref<624x128xf32, #tpu.memory_space<vmem_shared>>) target(%dma_start3A_61 : memref<624x128xf32, #tpu.memory_space<hbm>>) target_semaphore(%run_scoped3A : memref<!tpu.dma_semaphore, #tpu.memory_space<semaphore_mem>>)
        %dma_wait3A_64 = arith.constant 0 : i32
        %dma_wait3A_65 = tpu.memref_slice %arg6[%mul3A_54, %dma_wait3A_64] : memref<10000x128xf32, #tpu.memory_space<hbm>> -> memref<624x128xf32, #tpu.memory_space<hbm>>
        %dma_wait3A_66 = arith.constant 0 : i32
        %dma_wait3A_67 = tpu.memref_slice %arg7[%mul3A_54, %dma_wait3A_66] : memref<10000x128xf32, #tpu.memory_space<vmem_shared>> -> memref<624x128xf32, #tpu.memory_space<vmem_shared>>
        tpu.wait_dma2 semaphore(%run_scoped3A : memref<!tpu.dma_semaphore, #tpu.memory_space<semaphore_mem>>) src(%dma_wait3A_67 : memref<624x128xf32, #tpu.memory_space<vmem_shared>>) dst(%dma_wait3A_65 : memref<624x128xf32, #tpu.memory_space<hbm>>)
        tpu.yield
      }) : () -> ()
      %eq3A_55 = arith.constant 15 : i32
      %eq3A_56 = arith.cmpi eq, %arg1, %eq3A_55 : i32
      %convert_element_type3A_57 = arith.extui %eq3A_56 : i1 to i32
      %cond3A_58 = arith.constant 0 : i32
      %cond3A_59 = arith.cmpi ne, %convert_element_type3A_57, %cond3A_58 : i32
      scf.if %cond3A_59 {
        "tpu.region"() ({
          %run_scoped3A = tpu.sem_alloc : memref<!tpu.dma_semaphore, #tpu.memory_space<semaphore_mem>>
          %dma_start3A_60 = arith.constant 9984 : i32
          %dma_start3A_61 = arith.constant 0 : i32
          %dma_start3A_62 = tpu.memref_slice %arg6[%dma_start3A_60, %dma_start3A_61] : memref<10000x128xf32, #tpu.memory_space<hbm>> -> memref<16x128xf32, #tpu.memory_space<hbm>>
          %dma_start3A_63 = arith.constant 9984 : i32
          %dma_start3A_64 = arith.constant 0 : i32
          %dma_start3A_65 = tpu.memref_slice %arg7[%dma_start3A_63, %dma_start3A_64] : memref<10000x128xf32, #tpu.memory_space<vmem_shared>> -> memref<16x128xf32, #tpu.memory_space<vmem_shared>>
          tpu.enqueue_dma source(%dma_start3A_65 : memref<16x128xf32, #tpu.memory_space<vmem_shared>>) target(%dma_start3A_62 : memref<16x128xf32, #tpu.memory_space<hbm>>) target_semaphore(%run_scoped3A : memref<!tpu.dma_semaphore, #tpu.memory_space<semaphore_mem>>)
          %dma_wait3A_66 = arith.constant 9984 : i32
          %dma_wait3A_67 = arith.constant 0 : i32
          %dma_wait3A_68 = tpu.memref_slice %arg6[%dma_wait3A_66, %dma_wait3A_67] : memref<10000x128xf32, #tpu.memory_space<hbm>> -> memref<16x128xf32, #tpu.memory_space<hbm>>
          %dma_wait3A_69 = arith.constant 9984 : i32
          %dma_wait3A_70 = arith.constant 0 : i32
          %dma_wait3A_71 = tpu.memref_slice %arg7[%dma_wait3A_69, %dma_wait3A_70] : memref<10000x128xf32, #tpu.memory_space<vmem_shared>> -> memref<16x128xf32, #tpu.memory_space<vmem_shared>>
          tpu.wait_dma2 semaphore(%run_scoped3A : memref<!tpu.dma_semaphore, #tpu.memory_space<semaphore_mem>>) src(%dma_wait3A_71 : memref<16x128xf32, #tpu.memory_space<vmem_shared>>) dst(%dma_wait3A_68 : memref<16x128xf32, #tpu.memory_space<hbm>>)
          tpu.yield
        }) : () -> ()
      } else {
      }
    } else {
    }
    return
  }
}

#map = affine_map<(d0, d1) -> (0, 0)>
#map1 = affine_map<(d0, d1) -> (0)>
module attributes {stable_mosaic.version = 14 : i64} {
  func.func @_sc_agg(%arg0: i32, %arg1: i32, %arg2: memref<10000x128xf32, #tpu.memory_space<hbm>>, %arg3: memref<320000xi32, #tpu.memory_space<hbm>>, %arg4: memref<320000xi32, #tpu.memory_space<hbm>>, %arg5: memref<10000x128xf32, #tpu.memory_space<hbm>>, %arg6: memref<10000x128xf32, #tpu.memory_space<hbm>>, %arg7: memref<10000x128xf32, #tpu.memory_space<vmem_shared>>, %arg8: memref<128xi32, #tpu.memory_space<vmem>>, %arg9: memref<128xi32, #tpu.memory_space<vmem>>, %arg10: memref<128xi32, #tpu.memory_space<vmem>>, %arg11: memref<128xi32, #tpu.memory_space<vmem>>, %arg12: memref<16xi32, #tpu.memory_space<vmem>>, %arg13: memref<16xi32, #tpu.memory_space<vmem>>, %arg14: memref<128x128xf32, #tpu.memory_space<vmem>>, %arg15: memref<128x128xf32, #tpu.memory_space<vmem>>, %arg16: memref<16x128xf32, #tpu.memory_space<vmem>>, %arg17: memref<40x128xf32, #tpu.memory_space<vmem>>, %arg18: memref<!tpu.dma_semaphore, #tpu.memory_space<semaphore_mem>>, %arg19: memref<!tpu.dma_semaphore, #tpu.memory_space<semaphore_mem>>, %arg20: memref<!tpu.dma_semaphore, #tpu.memory_space<semaphore_mem>>, %arg21: memref<!tpu.dma_semaphore, #tpu.memory_space<semaphore_mem>>) attributes {dimension_semantics = [#tpu.dimension_semantics<core_parallel>, #tpu.dimension_semantics<subcore_parallel>], iteration_bounds = array<i64: 2, 16>, scalar_prefetch = 0 : i64, scratch_operands = 15 : i64, tpu.core_type = #tpu.core_type<sc_vector_subcore>, window_params = [{transform_indices = #map}, {transform_indices = #map1}, {transform_indices = #map1}, {transform_indices = #map}, {transform_indices = #map}]} {
    %mul3A = arith.constant 2 : i32
    %mul3A_0 = arith.muli %arg1, %mul3A : i32
    %add3A = arith.addi %mul3A_0, %arg0 : i32
    %scan3A = arith.constant 0 : i32
    %scan3A_1 = arith.constant 0 : i32
    %scan3A_2 = arith.constant 40 : i32
    %scan3A_3 = arith.addi %scan3A_1, %scan3A_2 : i32
    %scan3A_4 = arith.constant 1 : i32
    %scan3A_5 = scf.for %scan3A_53 = %scan3A_1 to %scan3A_3 step %scan3A_4 iter_args(%scan3A_54 = %scan3A) -> (i32)  : i32 {
      %broadcast_in_dim3A = arith.constant 0.000000e+00 : f32
      %broadcast_in_dim3A_55 = vector.broadcast %broadcast_in_dim3A : f32 to vector<16xf32>
      %swap3A = arith.index_cast %scan3A_53 : i32 to index
      %swap3A_56 = arith.constant 0 : index
      %swap3A_57 = tpu.vector_load %arg17[%swap3A, %swap3A_56] {strides = array<i32>} : memref<40x128xf32, #tpu.memory_space<vmem>>, vector<1x16xf32>,
      %swap3A_58 = vector.shape_cast %swap3A_57 : vector<1x16xf32> to vector<16xf32>
      %swap3A_59 = vector.shape_cast %broadcast_in_dim3A_55 : vector<16xf32> to vector<1x16xf32>
      tpu.vector_store %arg17[%swap3A, %swap3A_56], %swap3A_59 {strides = array<i32>} : memref<40x128xf32, #tpu.memory_space<vmem>>, vector<1x16xf32>,
      %broadcast_in_dim3A_60 = arith.constant 0.000000e+00 : f32
      %broadcast_in_dim3A_61 = vector.broadcast %broadcast_in_dim3A_60 : f32 to vector<16xf32>
      %swap3A_62 = arith.index_cast %scan3A_53 : i32 to index
      %swap3A_63 = arith.constant 16 : index
      %swap3A_64 = tpu.vector_load %arg17[%swap3A_62, %swap3A_63] {strides = array<i32>} : memref<40x128xf32, #tpu.memory_space<vmem>>, vector<1x16xf32>,
      %swap3A_65 = vector.shape_cast %swap3A_64 : vector<1x16xf32> to vector<16xf32>
      %swap3A_66 = vector.shape_cast %broadcast_in_dim3A_61 : vector<16xf32> to vector<1x16xf32>
      tpu.vector_store %arg17[%swap3A_62, %swap3A_63], %swap3A_66 {strides = array<i32>} : memref<40x128xf32, #tpu.memory_space<vmem>>, vector<1x16xf32>,
      %broadcast_in_dim3A_67 = arith.constant 0.000000e+00 : f32
      %broadcast_in_dim3A_68 = vector.broadcast %broadcast_in_dim3A_67 : f32 to vector<16xf32>
      %swap3A_69 = arith.index_cast %scan3A_53 : i32 to index
      %swap3A_70 = arith.constant 32 : index
      %swap3A_71 = tpu.vector_load %arg17[%swap3A_69, %swap3A_70] {strides = array<i32>} : memref<40x128xf32, #tpu.memory_space<vmem>>, vector<1x16xf32>,
      %swap3A_72 = vector.shape_cast %swap3A_71 : vector<1x16xf32> to vector<16xf32>
      %swap3A_73 = vector.shape_cast %broadcast_in_dim3A_68 : vector<16xf32> to vector<1x16xf32>
      tpu.vector_store %arg17[%swap3A_69, %swap3A_70], %swap3A_73 {strides = array<i32>} : memref<40x128xf32, #tpu.memory_space<vmem>>, vector<1x16xf32>,
      %broadcast_in_dim3A_74 = arith.constant 0.000000e+00 : f32
      %broadcast_in_dim3A_75 = vector.broadcast %broadcast_in_dim3A_74 : f32 to vector<16xf32>
      %swap3A_76 = arith.index_cast %scan3A_53 : i32 to index
      %swap3A_77 = arith.constant 48 : index
      %swap3A_78 = tpu.vector_load %arg17[%swap3A_76, %swap3A_77] {strides = array<i32>} : memref<40x128xf32, #tpu.memory_space<vmem>>, vector<1x16xf32>,
      %swap3A_79 = vector.shape_cast %swap3A_78 : vector<1x16xf32> to vector<16xf32>
      %swap3A_80 = vector.shape_cast %broadcast_in_dim3A_75 : vector<16xf32> to vector<1x16xf32>
      tpu.vector_store %arg17[%swap3A_76, %swap3A_77], %swap3A_80 {strides = array<i32>} : memref<40x128xf32, #tpu.memory_space<vmem>>, vector<1x16xf32>,
      %broadcast_in_dim3A_81 = arith.constant 0.000000e+00 : f32
      %broadcast_in_dim3A_82 = vector.broadcast %broadcast_in_dim3A_81 : f32 to vector<16xf32>
      %swap3A_83 = arith.index_cast %scan3A_53 : i32 to index
      %swap3A_84 = arith.constant 64 : index
      %swap3A_85 = tpu.vector_load %arg17[%swap3A_83, %swap3A_84] {strides = array<i32>} : memref<40x128xf32, #tpu.memory_space<vmem>>, vector<1x16xf32>,
      %swap3A_86 = vector.shape_cast %swap3A_85 : vector<1x16xf32> to vector<16xf32>
      %swap3A_87 = vector.shape_cast %broadcast_in_dim3A_82 : vector<16xf32> to vector<1x16xf32>
      tpu.vector_store %arg17[%swap3A_83, %swap3A_84], %swap3A_87 {strides = array<i32>} : memref<40x128xf32, #tpu.memory_space<vmem>>, vector<1x16xf32>,
      %broadcast_in_dim3A_88 = arith.constant 0.000000e+00 : f32
      %broadcast_in_dim3A_89 = vector.broadcast %broadcast_in_dim3A_88 : f32 to vector<16xf32>
      %swap3A_90 = arith.index_cast %scan3A_53 : i32 to index
      %swap3A_91 = arith.constant 80 : index
      %swap3A_92 = tpu.vector_load %arg17[%swap3A_90, %swap3A_91] {strides = array<i32>} : memref<40x128xf32, #tpu.memory_space<vmem>>, vector<1x16xf32>,
      %swap3A_93 = vector.shape_cast %swap3A_92 : vector<1x16xf32> to vector<16xf32>
      %swap3A_94 = vector.shape_cast %broadcast_in_dim3A_89 : vector<16xf32> to vector<1x16xf32>
      tpu.vector_store %arg17[%swap3A_90, %swap3A_91], %swap3A_94 {strides = array<i32>} : memref<40x128xf32, #tpu.memory_space<vmem>>, vector<1x16xf32>,
      %broadcast_in_dim3A_95 = arith.constant 0.000000e+00 : f32
      %broadcast_in_dim3A_96 = vector.broadcast %broadcast_in_dim3A_95 : f32 to vector<16xf32>
      %swap3A_97 = arith.index_cast %scan3A_53 : i32 to index
      %swap3A_98 = arith.constant 96 : index
      %swap3A_99 = tpu.vector_load %arg17[%swap3A_97, %swap3A_98] {strides = array<i32>} : memref<40x128xf32, #tpu.memory_space<vmem>>, vector<1x16xf32>,
      %swap3A_100 = vector.shape_cast %swap3A_99 : vector<1x16xf32> to vector<16xf32>
      %swap3A_101 = vector.shape_cast %broadcast_in_dim3A_96 : vector<16xf32> to vector<1x16xf32>
      tpu.vector_store %arg17[%swap3A_97, %swap3A_98], %swap3A_101 {strides = array<i32>} : memref<40x128xf32, #tpu.memory_space<vmem>>, vector<1x16xf32>,
      %broadcast_in_dim3A_102 = arith.constant 0.000000e+00 : f32
      %broadcast_in_dim3A_103 = vector.broadcast %broadcast_in_dim3A_102 : f32 to vector<16xf32>
      %swap3A_104 = arith.index_cast %scan3A_53 : i32 to index
      %swap3A_105 = arith.constant 112 : index
      %swap3A_106 = tpu.vector_load %arg17[%swap3A_104, %swap3A_105] {strides = array<i32>} : memref<40x128xf32, #tpu.memory_space<vmem>>, vector<1x16xf32>,
      %swap3A_107 = vector.shape_cast %swap3A_106 : vector<1x16xf32> to vector<16xf32>
      %swap3A_108 = vector.shape_cast %broadcast_in_dim3A_103 : vector<16xf32> to vector<1x16xf32>
      tpu.vector_store %arg17[%swap3A_104, %swap3A_105], %swap3A_108 {strides = array<i32>} : memref<40x128xf32, #tpu.memory_space<vmem>>, vector<1x16xf32>,
      %scan3A_109 = arith.constant 0 : i32
      scf.yield %scan3A_109 : i32
    }
    %scan3A_6 = arith.constant 40 : i32
    %mul3A_7 = arith.constant 624 : i32
    %mul3A_8 = arith.muli %arg1, %mul3A_7 : i32
    %scan3A_9 = arith.constant 0 : i32
    %scan3A_10 = arith.constant 0 : i32
    %scan3A_11 = arith.constant 16 : i32
    %scan3A_12 = arith.addi %scan3A_10, %scan3A_11 : i32
    %scan3A_13 = arith.constant 1 : i32
    %scan3A_14 = scf.for %scan3A_53 = %scan3A_10 to %scan3A_12 step %scan3A_13 iter_args(%scan3A_54 = %scan3A_9) -> (i32)  : i32 {
      %mul3A_55 = arith.constant 40 : i32
      %mul3A_56 = arith.muli %scan3A_53, %mul3A_55 : i32
      %add3A_57 = arith.addi %mul3A_8, %mul3A_56 : i32
      "tpu.region"() ({
        %run_scoped3A = tpu.sem_alloc : memref<!tpu.dma_semaphore, #tpu.memory_space<semaphore_mem>>
        %dma_start3A_59 = arith.constant 0 : i32
        %dma_start3A_60 = tpu.memref_slice %arg7[%add3A_57, %dma_start3A_59] : memref<10000x128xf32, #tpu.memory_space<vmem_shared>> -> memref<40x128xf32, #tpu.memory_space<vmem_shared>>
        %dma_start3A_61 = arith.constant 0 : i32
        %dma_start3A_62 = tpu.memref_slice %arg7[%add3A_57, %dma_start3A_61] : memref<10000x128xf32, #tpu.memory_space<vmem_shared>> -> memref<40x128xf32, #tpu.memory_space<vmem_shared>>
        tpu.enqueue_dma source(%arg17 : memref<40x128xf32, #tpu.memory_space<vmem>>) target(%dma_start3A_62 : memref<40x128xf32, #tpu.memory_space<vmem_shared>>) target_semaphore(%run_scoped3A : memref<!tpu.dma_semaphore, #tpu.memory_space<semaphore_mem>>)
        %dma_wait3A_63 = arith.constant 0 : i32
        %dma_wait3A_64 = tpu.memref_slice %arg7[%add3A_57, %dma_wait3A_63] : memref<10000x128xf32, #tpu.memory_space<vmem_shared>> -> memref<40x128xf32, #tpu.memory_space<vmem_shared>>
        %dma_wait3A_65 = arith.constant 0 : i32
        %dma_wait3A_66 = tpu.memref_slice %arg7[%add3A_57, %dma_wait3A_65] : memref<10000x128xf32, #tpu.memory_space<vmem_shared>> -> memref<40x128xf32, #tpu.memory_space<vmem_shared>>
        tpu.wait_dma2 semaphore(%run_scoped3A : memref<!tpu.dma_semaphore, #tpu.memory_space<semaphore_mem>>) src(%arg17 : memref<40x128xf32, #tpu.memory_space<vmem>>) dst(%dma_wait3A_66 : memref<40x128xf32, #tpu.memory_space<vmem_shared>>)
        tpu.yield
      }) : () -> ()
      %scan3A_58 = arith.constant 0 : i32
      scf.yield %scan3A_58 : i32
    }
    %scan3A_15 = arith.constant 16 : i32
    %barrier3A = arith.constant 0 : index
    tpu.barrier barrier_id(%barrier3A)
    %mul3A_16 = arith.constant 10000 : i32
    %mul3A_17 = arith.muli %add3A, %mul3A_16 : i32
    %add3A_18 = arith.constant 0 : i32
    %add3A_19 = arith.addi %mul3A_17, %add3A_18 : i32
    "tpu.region"() ({
      %run_scoped3A = tpu.sem_alloc : memref<!tpu.dma_semaphore, #tpu.memory_space<semaphore_mem>>
      %dma_start3A_53 = tpu.memref_slice %arg3[%add3A_19] : memref<320000xi32, #tpu.memory_space<hbm>> -> memref<128xi32, #tpu.memory_space<hbm>>
      %dma_start3A_54 = tpu.memref_slice %arg3[%add3A_19] : memref<320000xi32, #tpu.memory_space<hbm>> -> memref<128xi32, #tpu.memory_space<hbm>>
      tpu.enqueue_dma source(%dma_start3A_54 : memref<128xi32, #tpu.memory_space<hbm>>) target(%arg8 : memref<128xi32, #tpu.memory_space<vmem>>) target_semaphore(%run_scoped3A : memref<!tpu.dma_semaphore, #tpu.memory_space<semaphore_mem>>)
      %dma_wait3A_55 = tpu.memref_slice %arg3[%add3A_19] : memref<320000xi32, #tpu.memory_space<hbm>> -> memref<128xi32, #tpu.memory_space<hbm>>
      %dma_wait3A_56 = tpu.memref_slice %arg3[%add3A_19] : memref<320000xi32, #tpu.memory_space<hbm>> -> memref<128xi32, #tpu.memory_space<hbm>>
      tpu.wait_dma2 semaphore(%run_scoped3A : memref<!tpu.dma_semaphore, #tpu.memory_space<semaphore_mem>>) src(%dma_wait3A_56 : memref<128xi32, #tpu.memory_space<hbm>>) dst(%arg8 : memref<128xi32, #tpu.memory_space<vmem>>)
      tpu.yield
    }) : () -> ()
    %dma_start3A = arith.constant 0 : i32
    %dma_start3A_20 = arith.constant 0 : i32
    %dma_start3A_21 = tpu.memref_slice %arg2[%dma_start3A, %dma_start3A_20] : memref<10000x128xf32, #tpu.memory_space<hbm>> -> memref<10000x128xf32, #tpu.memory_space<hbm>>
    tpu.enqueue_indirect_dma source(%dma_start3A_21 : memref<10000x128xf32, #tpu.memory_space<hbm>>) target(%arg14 : memref<128x128xf32, #tpu.memory_space<vmem>>) offsets(%arg8 : memref<128xi32, #tpu.memory_space<vmem>>) semaphore(%arg18 : memref<!tpu.dma_semaphore, #tpu.memory_space<semaphore_mem>>)
    %add3A_22 = arith.constant 0 : i32
    %add3A_23 = arith.addi %mul3A_17, %add3A_22 : i32
    "tpu.region"() ({
      %run_scoped3A = tpu.sem_alloc : memref<!tpu.dma_semaphore, #tpu.memory_space<semaphore_mem>>
      %dma_start3A_53 = tpu.memref_slice %arg4[%add3A_23] : memref<320000xi32, #tpu.memory_space<hbm>> -> memref<128xi32, #tpu.memory_space<hbm>>
      %dma_start3A_54 = tpu.memref_slice %arg4[%add3A_23] : memref<320000xi32, #tpu.memory_space<hbm>> -> memref<128xi32, #tpu.memory_space<hbm>>
      tpu.enqueue_dma source(%dma_start3A_54 : memref<128xi32, #tpu.memory_space<hbm>>) target(%arg10 : memref<128xi32, #tpu.memory_space<vmem>>) target_semaphore(%run_scoped3A : memref<!tpu.dma_semaphore, #tpu.memory_space<semaphore_mem>>)
      %dma_wait3A_55 = tpu.memref_slice %arg4[%add3A_23] : memref<320000xi32, #tpu.memory_space<hbm>> -> memref<128xi32, #tpu.memory_space<hbm>>
      %dma_wait3A_56 = tpu.memref_slice %arg4[%add3A_23] : memref<320000xi32, #tpu.memory_space<hbm>> -> memref<128xi32, #tpu.memory_space<hbm>>
      tpu.wait_dma2 semaphore(%run_scoped3A : memref<!tpu.dma_semaphore, #tpu.memory_space<semaphore_mem>>) src(%dma_wait3A_56 : memref<128xi32, #tpu.memory_space<hbm>>) dst(%arg10 : memref<128xi32, #tpu.memory_space<vmem>>)
      tpu.yield
    }) : () -> ()
    %add3A_24 = arith.constant 128 : i32
    %add3A_25 = arith.addi %mul3A_17, %add3A_24 : i32
    "tpu.region"() ({
      %run_scoped3A = tpu.sem_alloc : memref<!tpu.dma_semaphore, #tpu.memory_space<semaphore_mem>>
      %dma_start3A_53 = tpu.memref_slice %arg3[%add3A_25] : memref<320000xi32, #tpu.memory_space<hbm>> -> memref<128xi32, #tpu.memory_space<hbm>>
      %dma_start3A_54 = tpu.memref_slice %arg3[%add3A_25] : memref<320000xi32, #tpu.memory_space<hbm>> -> memref<128xi32, #tpu.memory_space<hbm>>
      tpu.enqueue_dma source(%dma_start3A_54 : memref<128xi32, #tpu.memory_space<hbm>>) target(%arg9 : memref<128xi32, #tpu.memory_space<vmem>>) target_semaphore(%run_scoped3A : memref<!tpu.dma_semaphore, #tpu.memory_space<semaphore_mem>>)
      %dma_wait3A_55 = tpu.memref_slice %arg3[%add3A_25] : memref<320000xi32, #tpu.memory_space<hbm>> -> memref<128xi32, #tpu.memory_space<hbm>>
      %dma_wait3A_56 = tpu.memref_slice %arg3[%add3A_25] : memref<320000xi32, #tpu.memory_space<hbm>> -> memref<128xi32, #tpu.memory_space<hbm>>
      tpu.wait_dma2 semaphore(%run_scoped3A : memref<!tpu.dma_semaphore, #tpu.memory_space<semaphore_mem>>) src(%dma_wait3A_56 : memref<128xi32, #tpu.memory_space<hbm>>) dst(%arg9 : memref<128xi32, #tpu.memory_space<vmem>>)
      tpu.yield
    }) : () -> ()
    %dma_start3A_26 = arith.constant 0 : i32
    %dma_start3A_27 = arith.constant 0 : i32
    %dma_start3A_28 = tpu.memref_slice %arg2[%dma_start3A_26, %dma_start3A_27] : memref<10000x128xf32, #tpu.memory_space<hbm>> -> memref<10000x128xf32, #tpu.memory_space<hbm>>
    tpu.enqueue_indirect_dma source(%dma_start3A_28 : memref<10000x128xf32, #tpu.memory_space<hbm>>) target(%arg15 : memref<128x128xf32, #tpu.memory_space<vmem>>) offsets(%arg9 : memref<128xi32, #tpu.memory_space<vmem>>) semaphore(%arg19 : memref<!tpu.dma_semaphore, #tpu.memory_space<semaphore_mem>>)
    %add3A_29 = arith.constant 128 : i32
    %add3A_30 = arith.addi %mul3A_17, %add3A_29 : i32
    "tpu.region"() ({
      %run_scoped3A = tpu.sem_alloc : memref<!tpu.dma_semaphore, #tpu.memory_space<semaphore_mem>>
      %dma_start3A_53 = tpu.memref_slice %arg4[%add3A_30] : memref<320000xi32, #tpu.memory_space<hbm>> -> memref<128xi32, #tpu.memory_space<hbm>>
      %dma_start3A_54 = tpu.memref_slice %arg4[%add3A_30] : memref<320000xi32, #tpu.memory_space<hbm>> -> memref<128xi32, #tpu.memory_space<hbm>>
      tpu.enqueue_dma source(%dma_start3A_54 : memref<128xi32, #tpu.memory_space<hbm>>) target(%arg11 : memref<128xi32, #tpu.memory_space<vmem>>) target_semaphore(%run_scoped3A : memref<!tpu.dma_semaphore, #tpu.memory_space<semaphore_mem>>)
      %dma_wait3A_55 = tpu.memref_slice %arg4[%add3A_30] : memref<320000xi32, #tpu.memory_space<hbm>> -> memref<128xi32, #tpu.memory_space<hbm>>
      %dma_wait3A_56 = tpu.memref_slice %arg4[%add3A_30] : memref<320000xi32, #tpu.memory_space<hbm>> -> memref<128xi32, #tpu.memory_space<hbm>>
      tpu.wait_dma2 semaphore(%run_scoped3A : memref<!tpu.dma_semaphore, #tpu.memory_space<semaphore_mem>>) src(%dma_wait3A_56 : memref<128xi32, #tpu.memory_space<hbm>>) dst(%arg11 : memref<128xi32, #tpu.memory_space<vmem>>)
      tpu.yield
    }) : () -> ()
    %scan3A_31 = arith.constant 0 : i32
    %scan3A_32 = arith.constant 0 : i32
    %scan3A_33 = arith.constant 39 : i32
    %scan3A_34 = arith.addi %scan3A_32, %scan3A_33 : i32
    %scan3A_35 = arith.constant 1 : i32
    %scan3A_36 = scf.for %scan3A_53 = %scan3A_32 to %scan3A_34 step %scan3A_35 iter_args(%scan3A_54 = %scan3A_31) -> (i32)  : i32 {
      %mul3A_55 = arith.constant 2 : i32
      %mul3A_56 = arith.muli %scan3A_53, %mul3A_55 : i32
      %dma_wait3A_57 = arith.constant 0 : i32
      %dma_wait3A_58 = arith.constant 0 : i32
      %dma_wait3A_59 = tpu.memref_slice %arg2[%dma_wait3A_57, %dma_wait3A_58] : memref<10000x128xf32, #tpu.memory_space<hbm>> -> memref<10000x128xf32, #tpu.memory_space<hbm>>
      tpu.wait_indirect_dma semaphore(%arg18 : memref<!tpu.dma_semaphore, #tpu.memory_space<semaphore_mem>>) src(%dma_wait3A_59 : memref<10000x128xf32, #tpu.memory_space<hbm>>) dst(%arg14 : memref<128x128xf32, #tpu.memory_space<vmem>>)
      %dma_start3A_60 = arith.constant 0 : i32
      %dma_start3A_61 = arith.constant 0 : i32
      %dma_start3A_62 = tpu.memref_slice %arg7[%dma_start3A_60, %dma_start3A_61] : memref<10000x128xf32, #tpu.memory_space<vmem_shared>> -> memref<10000x128xf32, #tpu.memory_space<vmem_shared>>
      tpu.enqueue_indirect_dma source(%arg14 : memref<128x128xf32, #tpu.memory_space<vmem>>) target(%dma_start3A_62 : memref<10000x128xf32, #tpu.memory_space<vmem_shared>>) offsets(%arg10 : memref<128xi32, #tpu.memory_space<vmem>>) semaphore(%arg20 : memref<!tpu.dma_semaphore, #tpu.memory_space<semaphore_mem>>) {add = true}
      %dma_wait3A_63 = arith.constant 0 : i32
      %dma_wait3A_64 = arith.constant 0 : i32
      %dma_wait3A_65 = tpu.memref_slice %arg2[%dma_wait3A_63, %dma_wait3A_64] : memref<10000x128xf32, #tpu.memory_space<hbm>> -> memref<10000x128xf32, #tpu.memory_space<hbm>>
      tpu.wait_indirect_dma semaphore(%arg19 : memref<!tpu.dma_semaphore, #tpu.memory_space<semaphore_mem>>) src(%dma_wait3A_65 : memref<10000x128xf32, #tpu.memory_space<hbm>>) dst(%arg15 : memref<128x128xf32, #tpu.memory_space<vmem>>)
      %dma_start3A_66 = arith.constant 0 : i32
      %dma_start3A_67 = arith.constant 0 : i32
      %dma_start3A_68 = tpu.memref_slice %arg7[%dma_start3A_66, %dma_start3A_67] : memref<10000x128xf32, #tpu.memory_space<vmem_shared>> -> memref<10000x128xf32, #tpu.memory_space<vmem_shared>>
      tpu.enqueue_indirect_dma source(%arg15 : memref<128x128xf32, #tpu.memory_space<vmem>>) target(%dma_start3A_68 : memref<10000x128xf32, #tpu.memory_space<vmem_shared>>) offsets(%arg11 : memref<128xi32, #tpu.memory_space<vmem>>) semaphore(%arg21 : memref<!tpu.dma_semaphore, #tpu.memory_space<semaphore_mem>>) {add = true}
      %add3A_69 = arith.constant 2 : i32
      %add3A_70 = arith.addi %mul3A_56, %add3A_69 : i32
      %add3A_71 = arith.constant 0 : i32
      %add3A_72 = arith.addi %add3A_70, %add3A_71 : i32
      %dma_wait3A_73 = arith.constant 0 : i32
      %dma_wait3A_74 = arith.constant 0 : i32
      %dma_wait3A_75 = tpu.memref_slice %arg7[%dma_wait3A_73, %dma_wait3A_74] : memref<10000x128xf32, #tpu.memory_space<vmem_shared>> -> memref<10000x128xf32, #tpu.memory_space<vmem_shared>>
      tpu.wait_indirect_dma semaphore(%arg20 : memref<!tpu.dma_semaphore, #tpu.memory_space<semaphore_mem>>) src(%arg14 : memref<128x128xf32, #tpu.memory_space<vmem>>) dst(%dma_wait3A_75 : memref<10000x128xf32, #tpu.memory_space<vmem_shared>>)
      %lt3A = arith.constant 78 : i32
      %lt3A_76 = arith.cmpi slt, %add3A_72, %lt3A : i32
      %convert_element_type3A_77 = arith.extui %lt3A_76 : i1 to i32
      %cond3A_78 = arith.constant 0 : i32
      %cond3A_79 = arith.cmpi ne, %convert_element_type3A_77, %cond3A_78 : i32
      scf.if %cond3A_79 {
        %mul3A_93 = arith.constant 128 : i32
        %mul3A_94 = arith.muli %add3A_72, %mul3A_93 : i32
        %add3A_95 = arith.addi %mul3A_17, %mul3A_94 : i32
        "tpu.region"() ({
          %run_scoped3A = tpu.sem_alloc : memref<!tpu.dma_semaphore, #tpu.memory_space<semaphore_mem>>
          %dma_start3A_102 = tpu.memref_slice %arg3[%add3A_95] : memref<320000xi32, #tpu.memory_space<hbm>> -> memref<128xi32, #tpu.memory_space<hbm>>
          %dma_start3A_103 = tpu.memref_slice %arg3[%add3A_95] : memref<320000xi32, #tpu.memory_space<hbm>> -> memref<128xi32, #tpu.memory_space<hbm>>
          tpu.enqueue_dma source(%dma_start3A_103 : memref<128xi32, #tpu.memory_space<hbm>>) target(%arg8 : memref<128xi32, #tpu.memory_space<vmem>>) target_semaphore(%run_scoped3A : memref<!tpu.dma_semaphore, #tpu.memory_space<semaphore_mem>>)
          %dma_wait3A_104 = tpu.memref_slice %arg3[%add3A_95] : memref<320000xi32, #tpu.memory_space<hbm>> -> memref<128xi32, #tpu.memory_space<hbm>>
          %dma_wait3A_105 = tpu.memref_slice %arg3[%add3A_95] : memref<320000xi32, #tpu.memory_space<hbm>> -> memref<128xi32, #tpu.memory_space<hbm>>
          tpu.wait_dma2 semaphore(%run_scoped3A : memref<!tpu.dma_semaphore, #tpu.memory_space<semaphore_mem>>) src(%dma_wait3A_105 : memref<128xi32, #tpu.memory_space<hbm>>) dst(%arg8 : memref<128xi32, #tpu.memory_space<vmem>>)
          tpu.yield
        }) : () -> ()
        %dma_start3A_96 = arith.constant 0 : i32
        %dma_start3A_97 = arith.constant 0 : i32
        %dma_start3A_98 = tpu.memref_slice %arg2[%dma_start3A_96, %dma_start3A_97] : memref<10000x128xf32, #tpu.memory_space<hbm>> -> memref<10000x128xf32, #tpu.memory_space<hbm>>
        tpu.enqueue_indirect_dma source(%dma_start3A_98 : memref<10000x128xf32, #tpu.memory_space<hbm>>) target(%arg14 : memref<128x128xf32, #tpu.memory_space<vmem>>) offsets(%arg8 : memref<128xi32, #tpu.memory_space<vmem>>) semaphore(%arg18 : memref<!tpu.dma_semaphore, #tpu.memory_space<semaphore_mem>>)
        %mul3A_99 = arith.constant 128 : i32
        %mul3A_100 = arith.muli %add3A_72, %mul3A_99 : i32
        %add3A_101 = arith.addi %mul3A_17, %mul3A_100 : i32
        "tpu.region"() ({
          %run_scoped3A = tpu.sem_alloc : memref<!tpu.dma_semaphore, #tpu.memory_space<semaphore_mem>>
          %dma_start3A_102 = tpu.memref_slice %arg4[%add3A_101] : memref<320000xi32, #tpu.memory_space<hbm>> -> memref<128xi32, #tpu.memory_space<hbm>>
          %dma_start3A_103 = tpu.memref_slice %arg4[%add3A_101] : memref<320000xi32, #tpu.memory_space<hbm>> -> memref<128xi32, #tpu.memory_space<hbm>>
          tpu.enqueue_dma source(%dma_start3A_103 : memref<128xi32, #tpu.memory_space<hbm>>) target(%arg10 : memref<128xi32, #tpu.memory_space<vmem>>) target_semaphore(%run_scoped3A : memref<!tpu.dma_semaphore, #tpu.memory_space<semaphore_mem>>)
          %dma_wait3A_104 = tpu.memref_slice %arg4[%add3A_101] : memref<320000xi32, #tpu.memory_space<hbm>> -> memref<128xi32, #tpu.memory_space<hbm>>
          %dma_wait3A_105 = tpu.memref_slice %arg4[%add3A_101] : memref<320000xi32, #tpu.memory_space<hbm>> -> memref<128xi32, #tpu.memory_space<hbm>>
          tpu.wait_dma2 semaphore(%run_scoped3A : memref<!tpu.dma_semaphore, #tpu.memory_space<semaphore_mem>>) src(%dma_wait3A_105 : memref<128xi32, #tpu.memory_space<hbm>>) dst(%arg10 : memref<128xi32, #tpu.memory_space<vmem>>)
          tpu.yield
        }) : () -> ()
      } else {
      }
      %add3A_80 = arith.constant 2 : i32
      %add3A_81 = arith.addi %mul3A_56, %add3A_80 : i32
      %add3A_82 = arith.constant 1 : i32
      %add3A_83 = arith.addi %add3A_81, %add3A_82 : i32
      %dma_wait3A_84 = arith.constant 0 : i32
      %dma_wait3A_85 = arith.constant 0 : i32
      %dma_wait3A_86 = tpu.memref_slice %arg7[%dma_wait3A_84, %dma_wait3A_85] : memref<10000x128xf32, #tpu.memory_space<vmem_shared>> -> memref<10000x128xf32, #tpu.memory_space<vmem_shared>>
      tpu.wait_indirect_dma semaphore(%arg21 : memref<!tpu.dma_semaphore, #tpu.memory_space<semaphore_mem>>) src(%arg15 : memref<128x128xf32, #tpu.memory_space<vmem>>) dst(%dma_wait3A_86 : memref<10000x128xf32, #tpu.memory_space<vmem_shared>>)
      %lt3A_87 = arith.constant 78 : i32
      %lt3A_88 = arith.cmpi slt, %add3A_83, %lt3A_87 : i32
      %convert_element_type3A_89 = arith.extui %lt3A_88 : i1 to i32
      %cond3A_90 = arith.constant 0 : i32
      %cond3A_91 = arith.cmpi ne, %convert_element_type3A_89, %cond3A_90 : i32
      scf.if %cond3A_91 {
        %mul3A_93 = arith.constant 128 : i32
        %mul3A_94 = arith.muli %add3A_83, %mul3A_93 : i32
        %add3A_95 = arith.addi %mul3A_17, %mul3A_94 : i32
        "tpu.region"() ({
          %run_scoped3A = tpu.sem_alloc : memref<!tpu.dma_semaphore, #tpu.memory_space<semaphore_mem>>
          %dma_start3A_102 = tpu.memref_slice %arg3[%add3A_95] : memref<320000xi32, #tpu.memory_space<hbm>> -> memref<128xi32, #tpu.memory_space<hbm>>
          %dma_start3A_103 = tpu.memref_slice %arg3[%add3A_95] : memref<320000xi32, #tpu.memory_space<hbm>> -> memref<128xi32, #tpu.memory_space<hbm>>
          tpu.enqueue_dma source(%dma_start3A_103 : memref<128xi32, #tpu.memory_space<hbm>>) target(%arg9 : memref<128xi32, #tpu.memory_space<vmem>>) target_semaphore(%run_scoped3A : memref<!tpu.dma_semaphore, #tpu.memory_space<semaphore_mem>>)
          %dma_wait3A_104 = tpu.memref_slice %arg3[%add3A_95] : memref<320000xi32, #tpu.memory_space<hbm>> -> memref<128xi32, #tpu.memory_space<hbm>>
          %dma_wait3A_105 = tpu.memref_slice %arg3[%add3A_95] : memref<320000xi32, #tpu.memory_space<hbm>> -> memref<128xi32, #tpu.memory_space<hbm>>
          tpu.wait_dma2 semaphore(%run_scoped3A : memref<!tpu.dma_semaphore, #tpu.memory_space<semaphore_mem>>) src(%dma_wait3A_105 : memref<128xi32, #tpu.memory_space<hbm>>) dst(%arg9 : memref<128xi32, #tpu.memory_space<vmem>>)
          tpu.yield
        }) : () -> ()
        %dma_start3A_96 = arith.constant 0 : i32
        %dma_start3A_97 = arith.constant 0 : i32
        %dma_start3A_98 = tpu.memref_slice %arg2[%dma_start3A_96, %dma_start3A_97] : memref<10000x128xf32, #tpu.memory_space<hbm>> -> memref<10000x128xf32, #tpu.memory_space<hbm>>
        tpu.enqueue_indirect_dma source(%dma_start3A_98 : memref<10000x128xf32, #tpu.memory_space<hbm>>) target(%arg15 : memref<128x128xf32, #tpu.memory_space<vmem>>) offsets(%arg9 : memref<128xi32, #tpu.memory_space<vmem>>) semaphore(%arg19 : memref<!tpu.dma_semaphore, #tpu.memory_space<semaphore_mem>>)
        %mul3A_99 = arith.constant 128 : i32
        %mul3A_100 = arith.muli %add3A_83, %mul3A_99 : i32
        %add3A_101 = arith.addi %mul3A_17, %mul3A_100 : i32
        "tpu.region"() ({
          %run_scoped3A = tpu.sem_alloc : memref<!tpu.dma_semaphore, #tpu.memory_space<semaphore_mem>>
          %dma_start3A_102 = tpu.memref_slice %arg4[%add3A_101] : memref<320000xi32, #tpu.memory_space<hbm>> -> memref<128xi32, #tpu.memory_space<hbm>>
          %dma_start3A_103 = tpu.memref_slice %arg4[%add3A_101] : memref<320000xi32, #tpu.memory_space<hbm>> -> memref<128xi32, #tpu.memory_space<hbm>>
          tpu.enqueue_dma source(%dma_start3A_103 : memref<128xi32, #tpu.memory_space<hbm>>) target(%arg11 : memref<128xi32, #tpu.memory_space<vmem>>) target_semaphore(%run_scoped3A : memref<!tpu.dma_semaphore, #tpu.memory_space<semaphore_mem>>)
          %dma_wait3A_104 = tpu.memref_slice %arg4[%add3A_101] : memref<320000xi32, #tpu.memory_space<hbm>> -> memref<128xi32, #tpu.memory_space<hbm>>
          %dma_wait3A_105 = tpu.memref_slice %arg4[%add3A_101] : memref<320000xi32, #tpu.memory_space<hbm>> -> memref<128xi32, #tpu.memory_space<hbm>>
          tpu.wait_dma2 semaphore(%run_scoped3A : memref<!tpu.dma_semaphore, #tpu.memory_space<semaphore_mem>>) src(%dma_wait3A_105 : memref<128xi32, #tpu.memory_space<hbm>>) dst(%arg11 : memref<128xi32, #tpu.memory_space<vmem>>)
          tpu.yield
        }) : () -> ()
      } else {
      }
      %scan3A_92 = arith.constant 0 : i32
      scf.yield %scan3A_92 : i32
    }
    %scan3A_37 = arith.constant 39 : i32
    %add3A_38 = arith.constant 9984 : i32
    %add3A_39 = arith.addi %mul3A_17, %add3A_38 : i32
    "tpu.region"() ({
      %run_scoped3A = tpu.sem_alloc : memref<!tpu.dma_semaphore, #tpu.memory_space<semaphore_mem>>
      %dma_start3A_53 = tpu.memref_slice %arg3[%add3A_39] : memref<320000xi32, #tpu.memory_space<hbm>> -> memref<16xi32, #tpu.memory_space<hbm>>
      %dma_start3A_54 = tpu.memref_slice %arg3[%add3A_39] : memref<320000xi32, #tpu.memory_space<hbm>> -> memref<16xi32, #tpu.memory_space<hbm>>
      tpu.enqueue_dma source(%dma_start3A_54 : memref<16xi32, #tpu.memory_space<hbm>>) target(%arg12 : memref<16xi32, #tpu.memory_space<vmem>>) target_semaphore(%run_scoped3A : memref<!tpu.dma_semaphore, #tpu.memory_space<semaphore_mem>>)
      %dma_wait3A_55 = tpu.memref_slice %arg3[%add3A_39] : memref<320000xi32, #tpu.memory_space<hbm>> -> memref<16xi32, #tpu.memory_space<hbm>>
      %dma_wait3A_56 = tpu.memref_slice %arg3[%add3A_39] : memref<320000xi32, #tpu.memory_space<hbm>> -> memref<16xi32, #tpu.memory_space<hbm>>
      tpu.wait_dma2 semaphore(%run_scoped3A : memref<!tpu.dma_semaphore, #tpu.memory_space<semaphore_mem>>) src(%dma_wait3A_56 : memref<16xi32, #tpu.memory_space<hbm>>) dst(%arg12 : memref<16xi32, #tpu.memory_space<vmem>>)
      tpu.yield
    }) : () -> ()
    %dma_start3A_40 = arith.constant 0 : i32
    %dma_start3A_41 = arith.constant 0 : i32
    %dma_start3A_42 = tpu.memref_slice %arg2[%dma_start3A_40, %dma_start3A_41] : memref<10000x128xf32, #tpu.memory_space<hbm>> -> memref<10000x128xf32, #tpu.memory_space<hbm>>
    tpu.enqueue_indirect_dma source(%dma_start3A_42 : memref<10000x128xf32, #tpu.memory_space<hbm>>) target(%arg16 : memref<16x128xf32, #tpu.memory_space<vmem>>) offsets(%arg12 : memref<16xi32, #tpu.memory_space<vmem>>) semaphore(%arg18 : memref<!tpu.dma_semaphore, #tpu.memory_space<semaphore_mem>>)
    %dma_wait3A = arith.constant 0 : i32
    %dma_wait3A_43 = arith.constant 0 : i32
    %dma_wait3A_44 = tpu.memref_slice %arg2[%dma_wait3A, %dma_wait3A_43] : memref<10000x128xf32, #tpu.memory_space<hbm>> -> memref<10000x128xf32, #tpu.memory_space<hbm>>
    tpu.wait_indirect_dma semaphore(%arg18 : memref<!tpu.dma_semaphore, #tpu.memory_space<semaphore_mem>>) src(%dma_wait3A_44 : memref<10000x128xf32, #tpu.memory_space<hbm>>) dst(%arg16 : memref<16x128xf32, #tpu.memory_space<vmem>>)
    "tpu.region"() ({
      %run_scoped3A = tpu.sem_alloc : memref<!tpu.dma_semaphore, #tpu.memory_space<semaphore_mem>>
      %dma_start3A_53 = tpu.memref_slice %arg4[%add3A_39] : memref<320000xi32, #tpu.memory_space<hbm>> -> memref<16xi32, #tpu.memory_space<hbm>>
      %dma_start3A_54 = tpu.memref_slice %arg4[%add3A_39] : memref<320000xi32, #tpu.memory_space<hbm>> -> memref<16xi32, #tpu.memory_space<hbm>>
      tpu.enqueue_dma source(%dma_start3A_54 : memref<16xi32, #tpu.memory_space<hbm>>) target(%arg13 : memref<16xi32, #tpu.memory_space<vmem>>) target_semaphore(%run_scoped3A : memref<!tpu.dma_semaphore, #tpu.memory_space<semaphore_mem>>)
      %dma_wait3A_55 = tpu.memref_slice %arg4[%add3A_39] : memref<320000xi32, #tpu.memory_space<hbm>> -> memref<16xi32, #tpu.memory_space<hbm>>
      %dma_wait3A_56 = tpu.memref_slice %arg4[%add3A_39] : memref<320000xi32, #tpu.memory_space<hbm>> -> memref<16xi32, #tpu.memory_space<hbm>>
      tpu.wait_dma2 semaphore(%run_scoped3A : memref<!tpu.dma_semaphore, #tpu.memory_space<semaphore_mem>>) src(%dma_wait3A_56 : memref<16xi32, #tpu.memory_space<hbm>>) dst(%arg13 : memref<16xi32, #tpu.memory_space<vmem>>)
      tpu.yield
    }) : () -> ()
    "tpu.region"() ({
      %run_scoped3A = tpu.sem_alloc : memref<!tpu.dma_semaphore, #tpu.memory_space<semaphore_mem>>
      %dma_start3A_53 = arith.constant 0 : i32
      %dma_start3A_54 = arith.constant 0 : i32
      %dma_start3A_55 = tpu.memref_slice %arg7[%dma_start3A_53, %dma_start3A_54] : memref<10000x128xf32, #tpu.memory_space<vmem_shared>> -> memref<10000x128xf32, #tpu.memory_space<vmem_shared>>
      tpu.enqueue_indirect_dma source(%arg16 : memref<16x128xf32, #tpu.memory_space<vmem>>) target(%dma_start3A_55 : memref<10000x128xf32, #tpu.memory_space<vmem_shared>>) offsets(%arg13 : memref<16xi32, #tpu.memory_space<vmem>>) semaphore(%run_scoped3A : memref<!tpu.dma_semaphore, #tpu.memory_space<semaphore_mem>>) {add = true}
      %dma_wait3A_56 = arith.constant 0 : i32
      %dma_wait3A_57 = arith.constant 0 : i32
      %dma_wait3A_58 = tpu.memref_slice %arg7[%dma_wait3A_56, %dma_wait3A_57] : memref<10000x128xf32, #tpu.memory_space<vmem_shared>> -> memref<10000x128xf32, #tpu.memory_space<vmem_shared>>
      tpu.wait_indirect_dma semaphore(%run_scoped3A : memref<!tpu.dma_semaphore, #tpu.memory_space<semaphore_mem>>) src(%arg16 : memref<16x128xf32, #tpu.memory_space<vmem>>) dst(%dma_wait3A_58 : memref<10000x128xf32, #tpu.memory_space<vmem_shared>>)
      tpu.yield
    }) : () -> ()
    %barrier3A_45 = arith.constant 0 : index
    tpu.barrier barrier_id(%barrier3A_45)
    %eq3A = arith.constant 0 : i32
    %eq3A_46 = arith.cmpi eq, %arg0, %eq3A : i32
    %convert_element_type3A = arith.extui %eq3A_46 : i1 to i32
    %cond3A = arith.constant 0 : i32
    %cond3A_47 = arith.cmpi ne, %convert_element_type3A, %cond3A : i32
    scf.if %cond3A_47 {
      %mul3A_53 = arith.constant 624 : i32
      %mul3A_54 = arith.muli %arg1, %mul3A_53 : i32
      "tpu.region"() ({
        %run_scoped3A = tpu.sem_alloc : memref<!tpu.dma_semaphore, #tpu.memory_space<semaphore_mem>>
        %dma_start3A_60 = arith.constant 0 : i32
        %dma_start3A_61 = tpu.memref_slice %arg5[%mul3A_54, %dma_start3A_60] : memref<10000x128xf32, #tpu.memory_space<hbm>> -> memref<624x128xf32, #tpu.memory_space<hbm>>
        %dma_start3A_62 = arith.constant 0 : i32
        %dma_start3A_63 = tpu.memref_slice %arg7[%mul3A_54, %dma_start3A_62] : memref<10000x128xf32, #tpu.memory_space<vmem_shared>> -> memref<624x128xf32, #tpu.memory_space<vmem_shared>>
        tpu.enqueue_dma source(%dma_start3A_63 : memref<624x128xf32, #tpu.memory_space<vmem_shared>>) target(%dma_start3A_61 : memref<624x128xf32, #tpu.memory_space<hbm>>) target_semaphore(%run_scoped3A : memref<!tpu.dma_semaphore, #tpu.memory_space<semaphore_mem>>)
        %dma_wait3A_64 = arith.constant 0 : i32
        %dma_wait3A_65 = tpu.memref_slice %arg5[%mul3A_54, %dma_wait3A_64] : memref<10000x128xf32, #tpu.memory_space<hbm>> -> memref<624x128xf32, #tpu.memory_space<hbm>>
        %dma_wait3A_66 = arith.constant 0 : i32
        %dma_wait3A_67 = tpu.memref_slice %arg7[%mul3A_54, %dma_wait3A_66] : memref<10000x128xf32, #tpu.memory_space<vmem_shared>> -> memref<624x128xf32, #tpu.memory_space<vmem_shared>>
        tpu.wait_dma2 semaphore(%run_scoped3A : memref<!tpu.dma_semaphore, #tpu.memory_space<semaphore_mem>>) src(%dma_wait3A_67 : memref<624x128xf32, #tpu.memory_space<vmem_shared>>) dst(%dma_wait3A_65 : memref<624x128xf32, #tpu.memory_space<hbm>>)
        tpu.yield
      }) : () -> ()
      %eq3A_55 = arith.constant 15 : i32
      %eq3A_56 = arith.cmpi eq, %arg1, %eq3A_55 : i32
      %convert_element_type3A_57 = arith.extui %eq3A_56 : i1 to i32
      %cond3A_58 = arith.constant 0 : i32
      %cond3A_59 = arith.cmpi ne, %convert_element_type3A_57, %cond3A_58 : i32
      scf.if %cond3A_59 {
        "tpu.region"() ({
          %run_scoped3A = tpu.sem_alloc : memref<!tpu.dma_semaphore, #tpu.memory_space<semaphore_mem>>
          %dma_start3A_60 = arith.constant 9984 : i32
          %dma_start3A_61 = arith.constant 0 : i32
          %dma_start3A_62 = tpu.memref_slice %arg5[%dma_start3A_60, %dma_start3A_61] : memref<10000x128xf32, #tpu.memory_space<hbm>> -> memref<16x128xf32, #tpu.memory_space<hbm>>
          %dma_start3A_63 = arith.constant 9984 : i32
          %dma_start3A_64 = arith.constant 0 : i32
          %dma_start3A_65 = tpu.memref_slice %arg7[%dma_start3A_63, %dma_start3A_64] : memref<10000x128xf32, #tpu.memory_space<vmem_shared>> -> memref<16x128xf32, #tpu.memory_space<vmem_shared>>
          tpu.enqueue_dma source(%dma_start3A_65 : memref<16x128xf32, #tpu.memory_space<vmem_shared>>) target(%dma_start3A_62 : memref<16x128xf32, #tpu.memory_space<hbm>>) target_semaphore(%run_scoped3A : memref<!tpu.dma_semaphore, #tpu.memory_space<semaphore_mem>>)
          %dma_wait3A_66 = arith.constant 9984 : i32
          %dma_wait3A_67 = arith.constant 0 : i32
          %dma_wait3A_68 = tpu.memref_slice %arg5[%dma_wait3A_66, %dma_wait3A_67] : memref<10000x128xf32, #tpu.memory_space<hbm>> -> memref<16x128xf32, #tpu.memory_space<hbm>>
          %dma_wait3A_69 = arith.constant 9984 : i32
          %dma_wait3A_70 = arith.constant 0 : i32
          %dma_wait3A_71 = tpu.memref_slice %arg7[%dma_wait3A_69, %dma_wait3A_70] : memref<10000x128xf32, #tpu.memory_space<vmem_shared>> -> memref<16x128xf32, #tpu.memory_space<vmem_shared>>
          tpu.wait_dma2 semaphore(%run_scoped3A : memref<!tpu.dma_semaphore, #tpu.memory_space<semaphore_mem>>) src(%dma_wait3A_71 : memref<16x128xf32, #tpu.memory_space<vmem_shared>>) dst(%dma_wait3A_68 : memref<16x128xf32, #tpu.memory_space<hbm>>)
          tpu.yield
        }) : () -> ()
      } else {
      }
    } else {
    }
    %eq3A_48 = arith.constant 1 : i32
    %eq3A_49 = arith.cmpi eq, %arg0, %eq3A_48 : i32
    %convert_element_type3A_50 = arith.extui %eq3A_49 : i1 to i32
    %cond3A_51 = arith.constant 0 : i32
    %cond3A_52 = arith.cmpi ne, %convert_element_type3A_50, %cond3A_51 : i32
    scf.if %cond3A_52 {
      %mul3A_53 = arith.constant 624 : i32
      %mul3A_54 = arith.muli %arg1, %mul3A_53 : i32
      "tpu.region"() ({
        %run_scoped3A = tpu.sem_alloc : memref<!tpu.dma_semaphore, #tpu.memory_space<semaphore_mem>>
        %dma_start3A_60 = arith.constant 0 : i32
        %dma_start3A_61 = tpu.memref_slice %arg6[%mul3A_54, %dma_start3A_60] : memref<10000x128xf32, #tpu.memory_space<hbm>> -> memref<624x128xf32, #tpu.memory_space<hbm>>
        %dma_start3A_62 = arith.constant 0 : i32
        %dma_start3A_63 = tpu.memref_slice %arg7[%mul3A_54, %dma_start3A_62] : memref<10000x128xf32, #tpu.memory_space<vmem_shared>> -> memref<624x128xf32, #tpu.memory_space<vmem_shared>>
        tpu.enqueue_dma source(%dma_start3A_63 : memref<624x128xf32, #tpu.memory_space<vmem_shared>>) target(%dma_start3A_61 : memref<624x128xf32, #tpu.memory_space<hbm>>) target_semaphore(%run_scoped3A : memref<!tpu.dma_semaphore, #tpu.memory_space<semaphore_mem>>)
        %dma_wait3A_64 = arith.constant 0 : i32
        %dma_wait3A_65 = tpu.memref_slice %arg6[%mul3A_54, %dma_wait3A_64] : memref<10000x128xf32, #tpu.memory_space<hbm>> -> memref<624x128xf32, #tpu.memory_space<hbm>>
        %dma_wait3A_66 = arith.constant 0 : i32
        %dma_wait3A_67 = tpu.memref_slice %arg7[%mul3A_54, %dma_wait3A_66] : memref<10000x128xf32, #tpu.memory_space<vmem_shared>> -> memref<624x128xf32, #tpu.memory_space<vmem_shared>>
        tpu.wait_dma2 semaphore(%run_scoped3A : memref<!tpu.dma_semaphore, #tpu.memory_space<semaphore_mem>>) src(%dma_wait3A_67 : memref<624x128xf32, #tpu.memory_space<vmem_shared>>) dst(%dma_wait3A_65 : memref<624x128xf32, #tpu.memory_space<hbm>>)
        tpu.yield
      }) : () -> ()
      %eq3A_55 = arith.constant 15 : i32
      %eq3A_56 = arith.cmpi eq, %arg1, %eq3A_55 : i32
      %convert_element_type3A_57 = arith.extui %eq3A_56 : i1 to i32
      %cond3A_58 = arith.constant 0 : i32
      %cond3A_59 = arith.cmpi ne, %convert_element_type3A_57, %cond3A_58 : i32
      scf.if %cond3A_59 {
        "tpu.region"() ({
          %run_scoped3A = tpu.sem_alloc : memref<!tpu.dma_semaphore, #tpu.memory_space<semaphore_mem>>
          %dma_start3A_60 = arith.constant 9984 : i32
          %dma_start3A_61 = arith.constant 0 : i32
          %dma_start3A_62 = tpu.memref_slice %arg6[%dma_start3A_60, %dma_start3A_61] : memref<10000x128xf32, #tpu.memory_space<hbm>> -> memref<16x128xf32, #tpu.memory_space<hbm>>
          %dma_start3A_63 = arith.constant 9984 : i32
          %dma_start3A_64 = arith.constant 0 : i32
          %dma_start3A_65 = tpu.memref_slice %arg7[%dma_start3A_63, %dma_start3A_64] : memref<10000x128xf32, #tpu.memory_space<vmem_shared>> -> memref<16x128xf32, #tpu.memory_space<vmem_shared>>
          tpu.enqueue_dma source(%dma_start3A_65 : memref<16x128xf32, #tpu.memory_space<vmem_shared>>) target(%dma_start3A_62 : memref<16x128xf32, #tpu.memory_space<hbm>>) target_semaphore(%run_scoped3A : memref<!tpu.dma_semaphore, #tpu.memory_space<semaphore_mem>>)
          %dma_wait3A_66 = arith.constant 9984 : i32
          %dma_wait3A_67 = arith.constant 0 : i32
          %dma_wait3A_68 = tpu.memref_slice %arg6[%dma_wait3A_66, %dma_wait3A_67] : memref<10000x128xf32, #tpu.memory_space<hbm>> -> memref<16x128xf32, #tpu.memory_space<hbm>>
          %dma_wait3A_69 = arith.constant 9984 : i32
          %dma_wait3A_70 = arith.constant 0 : i32
          %dma_wait3A_71 = tpu.memref_slice %arg7[%dma_wait3A_69, %dma_wait3A_70] : memref<10000x128xf32, #tpu.memory_space<vmem_shared>> -> memref<16x128xf32, #tpu.memory_space<vmem_shared>>
          tpu.wait_dma2 semaphore(%run_scoped3A : memref<!tpu.dma_semaphore, #tpu.memory_space<semaphore_mem>>) src(%dma_wait3A_71 : memref<16x128xf32, #tpu.memory_space<vmem_shared>>) dst(%dma_wait3A_68 : memref<16x128xf32, #tpu.memory_space<hbm>>)
          tpu.yield
        }) : () -> ()
      } else {
      }
    } else {
    }
    return
  }
}

module attributes {stable_mosaic.version = 14 : i64} {
  func.func @_dense_body(%arg0: i32, %arg1: memref<1000x128xf32, #tpu.memory_space<vmem>>, %arg2: memref<1000x128xf32, #tpu.memory_space<vmem>>, %arg3: memref<1000x128xf32, #tpu.memory_space<vmem>>, %arg4: memref<1000x128xf32, #tpu.memory_space<vmem>>, %arg5: memref<1000x128xf32, #tpu.memory_space<vmem>>, %arg6: memref<128x128xf32, #tpu.memory_space<vmem>>, %arg7: memref<128x128xf32, #tpu.memory_space<vmem>>, %arg8: memref<1x128xf32, #tpu.memory_space<vmem>>, %arg9: memref<1000x128xf32, #tpu.memory_space<vmem>>) attributes {dimension_semantics = [#tpu.dimension_semantics<arbitrary>], iteration_bounds = array<i64: 10>, scalar_prefetch = 0 : i64, scratch_operands = 0 : i64, tpu.core_type = #tpu.core_type<tc>, window_params = [{transform_indices = @transform_0, window_bounds = array<i64: 1000, 128>}, {transform_indices = @transform_1, window_bounds = array<i64: 1000, 128>}, {transform_indices = @transform_2, window_bounds = array<i64: 1000, 128>}, {transform_indices = @transform_3, window_bounds = array<i64: 1000, 128>}, {transform_indices = @transform_4, window_bounds = array<i64: 1000, 128>}, {pipeline_mode = #tpu.pipeline_mode<synchronous>, transform_indices = @transform_5, window_bounds = array<i64: 128, 128>}, {pipeline_mode = #tpu.pipeline_mode<synchronous>, transform_indices = @transform_6, window_bounds = array<i64: 128, 128>}, {pipeline_mode = #tpu.pipeline_mode<synchronous>, transform_indices = @transform_7, window_bounds = array<i64: 1, 128>}, {transform_indices = @transform_8, window_bounds = array<i64: 1000, 128>}]} {
    %get3A = arith.constant 0 : index
    %get3A_0 = arith.constant 0 : index
    %get3A_1 = vector.load %arg4[%get3A, %get3A_0] : memref<1000x128xf32, #tpu.memory_space<vmem>>, vector<1000x1xf32>
    %get3A_2 = arith.constant 0 : index
    %get3A_3 = arith.constant 0 : index
    %get3A_4 = vector.load %arg5[%get3A_2, %get3A_3] : memref<1000x128xf32, #tpu.memory_space<vmem>>, vector<1000x1xf32>
    %add3A = arith.addf %get3A_1, %get3A_4 : vector<1000x1xf32>
    %max3A = arith.constant 1.000000e+00 : f32
    %max3A_5 = vector.broadcast %max3A : f32 to vector<1000x1xf32>
    %max3A_6 = arith.maximumf %add3A, %max3A_5 : vector<1000x1xf32>
    %get3A_7 = arith.constant 0 : index
    %get3A_8 = arith.constant 0 : index
    %get3A_9 = vector.load %arg2[%get3A_7, %get3A_8] : memref<1000x128xf32, #tpu.memory_space<vmem>>, vector<1000x128xf32>
    %get3A_10 = arith.constant 0 : index
    %get3A_11 = arith.constant 0 : index
    %get3A_12 = vector.load %arg3[%get3A_10, %get3A_11] : memref<1000x128xf32, #tpu.memory_space<vmem>>, vector<1000x128xf32>
    %add3A_13 = arith.addf %get3A_9, %get3A_12 : vector<1000x128xf32>
    %div3A = vector.broadcast %max3A_6 : vector<1000x1xf32> to vector<1000x128xf32>
    %div3A_14 = arith.divf %add3A_13, %div3A : vector<1000x128xf32>
    %get3A_15 = arith.constant 0 : index
    %get3A_16 = arith.constant 0 : index
    %get3A_17 = vector.load %arg1[%get3A_15, %get3A_16] : memref<1000x128xf32, #tpu.memory_space<vmem>>, vector<1000x128xf32>
    %get3A_18 = arith.constant 0 : index
    %get3A_19 = arith.constant 0 : index
    %get3A_20 = vector.load %arg6[%get3A_18, %get3A_19] : memref<128x128xf32, #tpu.memory_space<vmem>>, vector<128x128xf32>
    %dot_general3A = arith.constant dense<0.000000e+00> : vector<1000x128xf32>
    %dot_general3A_21 = tpu.matmul %get3A_17, %get3A_20, %dot_general3A {dimension_numbers = #tpu.dot_dimension_numbers<[1], [0], [0], [1], [0, 0, 1, 1], [], []>, precision = #tpu.contract_precision<fp32>, transpose_lhs_hint = false} : vector<1000x128xf32>, vector<128x128xf32>, vector<1000x128xf32> -> vector<1000x128xf32>
    %get3A_22 = arith.constant 0 : index
    %get3A_23 = arith.constant 0 : index
    %get3A_24 = vector.load %arg7[%get3A_22, %get3A_23] : memref<128x128xf32, #tpu.memory_space<vmem>>, vector<128x128xf32>
    %dot_general3A_25 = arith.constant dense<0.000000e+00> : vector<1000x128xf32>
    %dot_general3A_26 = tpu.matmul %div3A_14, %get3A_24, %dot_general3A_25 {dimension_numbers = #tpu.dot_dimension_numbers<[1], [0], [0], [1], [0, 0, 1, 1], [], []>, precision = #tpu.contract_precision<fp32>, transpose_lhs_hint = false} : vector<1000x128xf32>, vector<128x128xf32>, vector<1000x128xf32> -> vector<1000x128xf32>
    %add3A_27 = arith.addf %dot_general3A_21, %dot_general3A_26 : vector<1000x128xf32>
    %get3A_28 = arith.constant 0 : index
    %get3A_29 = arith.constant 0 : index
    %get3A_30 = vector.load %arg8[%get3A_28, %get3A_29] : memref<1x128xf32, #tpu.memory_space<vmem>>, vector<1x128xf32>
    %add3A_31 = vector.broadcast %get3A_30 : vector<1x128xf32> to vector<1000x128xf32>
    %add3A_32 = arith.addf %add3A_27, %add3A_31 : vector<1000x128xf32>
    %swap3A = arith.constant 0 : index
    %swap3A_33 = arith.constant 0 : index
    %swap3A_34 = vector.load %arg9[%swap3A, %swap3A_33] : memref<1000x128xf32, #tpu.memory_space<vmem>>, vector<1000x128xf32>
    tpu.vector_store %arg9[%swap3A, %swap3A_33], %add3A_32 {strides = array<i32>} : memref<1000x128xf32, #tpu.memory_space<vmem>>, vector<1000x128xf32>,
    return
  }
  func.func @transform_0(%arg0: i32) -> (i32, i32) {
    %c0_i32 = arith.constant 0 : i32
    %c0_i32_0 = arith.constant 0 : i32
    return %arg0, %c0_i32 : i32, i32
  }
  func.func @transform_1(%arg0: i32) -> (i32, i32) {
    %c0_i32 = arith.constant 0 : i32
    %c0_i32_0 = arith.constant 0 : i32
    return %arg0, %c0_i32 : i32, i32
  }
  func.func @transform_2(%arg0: i32) -> (i32, i32) {
    %c0_i32 = arith.constant 0 : i32
    %c0_i32_0 = arith.constant 0 : i32
    return %arg0, %c0_i32 : i32, i32
  }
  func.func @transform_3(%arg0: i32) -> (i32, i32) {
    %c0_i32 = arith.constant 0 : i32
    %c0_i32_0 = arith.constant 0 : i32
    return %arg0, %c0_i32 : i32, i32
  }
  func.func @transform_4(%arg0: i32) -> (i32, i32) {
    %c0_i32 = arith.constant 0 : i32
    %c0_i32_0 = arith.constant 0 : i32
    return %arg0, %c0_i32 : i32, i32
  }
  func.func @transform_5(%arg0: i32) -> (i32, i32) {
    %c0_i32 = arith.constant 0 : i32
    %c0_i32_0 = arith.constant 0 : i32
    %c0_i32_1 = arith.constant 0 : i32
    return %c0_i32, %c0_i32_0 : i32, i32
  }
  func.func @transform_6(%arg0: i32) -> (i32, i32) {
    %c0_i32 = arith.constant 0 : i32
    %c0_i32_0 = arith.constant 0 : i32
    %c0_i32_1 = arith.constant 0 : i32
    return %c0_i32, %c0_i32_0 : i32, i32
  }
  func.func @transform_7(%arg0: i32) -> (i32, i32) {
    %c0_i32 = arith.constant 0 : i32
    %c0_i32_0 = arith.constant 0 : i32
    %c0_i32_1 = arith.constant 0 : i32
    return %c0_i32, %c0_i32_0 : i32, i32
  }
  func.func @transform_8(%arg0: i32) -> (i32, i32) {
    %c0_i32 = arith.constant 0 : i32
    %c0_i32_0 = arith.constant 0 : i32
    return %arg0, %c0_i32 : i32, i32
  }
}

module attributes {stable_mosaic.version = 14 : i64} {
  func.func @_dense_body(%arg0: i32, %arg1: memref<1000x128xf32, #tpu.memory_space<vmem>>, %arg2: memref<1000x128xf32, #tpu.memory_space<vmem>>, %arg3: memref<1000x128xf32, #tpu.memory_space<vmem>>, %arg4: memref<1000x128xf32, #tpu.memory_space<vmem>>, %arg5: memref<1000x128xf32, #tpu.memory_space<vmem>>, %arg6: memref<128x128xf32, #tpu.memory_space<vmem>>, %arg7: memref<128x128xf32, #tpu.memory_space<vmem>>, %arg8: memref<1x128xf32, #tpu.memory_space<vmem>>, %arg9: memref<1000x128xf32, #tpu.memory_space<vmem>>) attributes {dimension_semantics = [#tpu.dimension_semantics<arbitrary>], iteration_bounds = array<i64: 10>, scalar_prefetch = 0 : i64, scratch_operands = 0 : i64, tpu.core_type = #tpu.core_type<tc>, window_params = [{transform_indices = @transform_0, window_bounds = array<i64: 1000, 128>}, {transform_indices = @transform_1, window_bounds = array<i64: 1000, 128>}, {transform_indices = @transform_2, window_bounds = array<i64: 1000, 128>}, {transform_indices = @transform_3, window_bounds = array<i64: 1000, 128>}, {transform_indices = @transform_4, window_bounds = array<i64: 1000, 128>}, {pipeline_mode = #tpu.pipeline_mode<synchronous>, transform_indices = @transform_5, window_bounds = array<i64: 128, 128>}, {pipeline_mode = #tpu.pipeline_mode<synchronous>, transform_indices = @transform_6, window_bounds = array<i64: 128, 128>}, {pipeline_mode = #tpu.pipeline_mode<synchronous>, transform_indices = @transform_7, window_bounds = array<i64: 1, 128>}, {transform_indices = @transform_8, window_bounds = array<i64: 1000, 128>}]} {
    %get3A = arith.constant 0 : index
    %get3A_0 = arith.constant 0 : index
    %get3A_1 = vector.load %arg4[%get3A, %get3A_0] : memref<1000x128xf32, #tpu.memory_space<vmem>>, vector<1000x1xf32>
    %get3A_2 = arith.constant 0 : index
    %get3A_3 = arith.constant 0 : index
    %get3A_4 = vector.load %arg5[%get3A_2, %get3A_3] : memref<1000x128xf32, #tpu.memory_space<vmem>>, vector<1000x1xf32>
    %add3A = arith.addf %get3A_1, %get3A_4 : vector<1000x1xf32>
    %max3A = arith.constant 1.000000e+00 : f32
    %max3A_5 = vector.broadcast %max3A : f32 to vector<1000x1xf32>
    %max3A_6 = arith.maximumf %add3A, %max3A_5 : vector<1000x1xf32>
    %get3A_7 = arith.constant 0 : index
    %get3A_8 = arith.constant 0 : index
    %get3A_9 = vector.load %arg2[%get3A_7, %get3A_8] : memref<1000x128xf32, #tpu.memory_space<vmem>>, vector<1000x128xf32>
    %get3A_10 = arith.constant 0 : index
    %get3A_11 = arith.constant 0 : index
    %get3A_12 = vector.load %arg3[%get3A_10, %get3A_11] : memref<1000x128xf32, #tpu.memory_space<vmem>>, vector<1000x128xf32>
    %add3A_13 = arith.addf %get3A_9, %get3A_12 : vector<1000x128xf32>
    %div3A = vector.broadcast %max3A_6 : vector<1000x1xf32> to vector<1000x128xf32>
    %div3A_14 = arith.divf %add3A_13, %div3A : vector<1000x128xf32>
    %get3A_15 = arith.constant 0 : index
    %get3A_16 = arith.constant 0 : index
    %get3A_17 = vector.load %arg1[%get3A_15, %get3A_16] : memref<1000x128xf32, #tpu.memory_space<vmem>>, vector<1000x128xf32>
    %get3A_18 = arith.constant 0 : index
    %get3A_19 = arith.constant 0 : index
    %get3A_20 = vector.load %arg6[%get3A_18, %get3A_19] : memref<128x128xf32, #tpu.memory_space<vmem>>, vector<128x128xf32>
    %dot_general3A = arith.constant dense<0.000000e+00> : vector<1000x128xf32>
    %dot_general3A_21 = tpu.matmul %get3A_17, %get3A_20, %dot_general3A {dimension_numbers = #tpu.dot_dimension_numbers<[1], [0], [0], [1], [0, 0, 1, 1], [], []>, precision = #tpu.contract_precision<fp32>, transpose_lhs_hint = false} : vector<1000x128xf32>, vector<128x128xf32>, vector<1000x128xf32> -> vector<1000x128xf32>
    %get3A_22 = arith.constant 0 : index
    %get3A_23 = arith.constant 0 : index
    %get3A_24 = vector.load %arg7[%get3A_22, %get3A_23] : memref<128x128xf32, #tpu.memory_space<vmem>>, vector<128x128xf32>
    %dot_general3A_25 = arith.constant dense<0.000000e+00> : vector<1000x128xf32>
    %dot_general3A_26 = tpu.matmul %div3A_14, %get3A_24, %dot_general3A_25 {dimension_numbers = #tpu.dot_dimension_numbers<[1], [0], [0], [1], [0, 0, 1, 1], [], []>, precision = #tpu.contract_precision<fp32>, transpose_lhs_hint = false} : vector<1000x128xf32>, vector<128x128xf32>, vector<1000x128xf32> -> vector<1000x128xf32>
    %add3A_27 = arith.addf %dot_general3A_21, %dot_general3A_26 : vector<1000x128xf32>
    %get3A_28 = arith.constant 0 : index
    %get3A_29 = arith.constant 0 : index
    %get3A_30 = vector.load %arg8[%get3A_28, %get3A_29] : memref<1x128xf32, #tpu.memory_space<vmem>>, vector<1x128xf32>
    %add3A_31 = vector.broadcast %get3A_30 : vector<1x128xf32> to vector<1000x128xf32>
    %add3A_32 = arith.addf %add3A_27, %add3A_31 : vector<1000x128xf32>
    %max3A_33 = arith.constant 0.000000e+00 : f32
    %max3A_34 = vector.broadcast %max3A_33 : f32 to vector<1000x128xf32>
    %max3A_35 = arith.maximumf %add3A_32, %max3A_34 : vector<1000x128xf32>
    %swap3A = arith.constant 0 : index
    %swap3A_36 = arith.constant 0 : index
    %swap3A_37 = vector.load %arg9[%swap3A, %swap3A_36] : memref<1000x128xf32, #tpu.memory_space<vmem>>, vector<1000x128xf32>
    tpu.vector_store %arg9[%swap3A, %swap3A_36], %max3A_35 {strides = array<i32>} : memref<1000x128xf32, #tpu.memory_space<vmem>>, vector<1000x128xf32>,
    return
  }
  func.func @transform_0(%arg0: i32) -> (i32, i32) {
    %c0_i32 = arith.constant 0 : i32
    %c0_i32_0 = arith.constant 0 : i32
    return %arg0, %c0_i32 : i32, i32
  }
  func.func @transform_1(%arg0: i32) -> (i32, i32) {
    %c0_i32 = arith.constant 0 : i32
    %c0_i32_0 = arith.constant 0 : i32
    return %arg0, %c0_i32 : i32, i32
  }
  func.func @transform_2(%arg0: i32) -> (i32, i32) {
    %c0_i32 = arith.constant 0 : i32
    %c0_i32_0 = arith.constant 0 : i32
    return %arg0, %c0_i32 : i32, i32
  }
  func.func @transform_3(%arg0: i32) -> (i32, i32) {
    %c0_i32 = arith.constant 0 : i32
    %c0_i32_0 = arith.constant 0 : i32
    return %arg0, %c0_i32 : i32, i32
  }
  func.func @transform_4(%arg0: i32) -> (i32, i32) {
    %c0_i32 = arith.constant 0 : i32
    %c0_i32_0 = arith.constant 0 : i32
    return %arg0, %c0_i32 : i32, i32
  }
  func.func @transform_5(%arg0: i32) -> (i32, i32) {
    %c0_i32 = arith.constant 0 : i32
    %c0_i32_0 = arith.constant 0 : i32
    %c0_i32_1 = arith.constant 0 : i32
    return %c0_i32, %c0_i32_0 : i32, i32
  }
  func.func @transform_6(%arg0: i32) -> (i32, i32) {
    %c0_i32 = arith.constant 0 : i32
    %c0_i32_0 = arith.constant 0 : i32
    %c0_i32_1 = arith.constant 0 : i32
    return %c0_i32, %c0_i32_0 : i32, i32
  }
  func.func @transform_7(%arg0: i32) -> (i32, i32) {
    %c0_i32 = arith.constant 0 : i32
    %c0_i32_0 = arith.constant 0 : i32
    %c0_i32_1 = arith.constant 0 : i32
    return %c0_i32, %c0_i32_0 : i32, i32
  }
  func.func @transform_8(%arg0: i32) -> (i32, i32) {
    %c0_i32 = arith.constant 0 : i32
    %c0_i32_0 = arith.constant 0 : i32
    return %arg0, %c0_i32 : i32, i32
  }
}

</mosaic_0001>

<sc_bundles>
// kernel: kernel.12.cloned.1.call-start
scs
__scs_entry_jumppad:
0x0: {  	(pc) =	sbr.rel $0x88, $3  }
0x1: {  	(tag) =	ssettag $0x0;
	lr =	simm.s32 $0x1  }
0x2: {  	[smem:$0x3F96] =	sst lr;
	_ =	strace $0xD0000000  }
0x3: {  	_ = 	snop  }
0x4: {  	_ = 	snop  }
0x5: {  	_ = 	snop  }
0x6: {  	_ = 	snop  }
0x7: {  	_ = 	snop  }
__scs_overlays_trampoline_lowered:
0x8: {  	[smem:$0x3FA5] =	sst s0  }
0x9: {  	[smem:$0x3FA6] =	sst s1  }
0xa: {  	[smem:$0x3FA7] =	sst s2  }
0xb: {  	[smem:$0x3FA8] =	sst s3  }
0xc: {  	[smem:$0x3FA9] =	sst s4  }
0xd: {  	[smem:$0x3FAA] =	sst s5  }
0xe: {  	[smem:$0x3FAB] =	sst s6  }
0xf: {  	[smem:$0x3FAC] =	sst s7  }
0x10: {  	[smem:$0x3FAD] =	sst s8  }
0x11: {  	[smem:$0x3FAE] =	sst s9;
	s0 =	simm.s32 @!p0 $0x0  }
0x12: {  	s1 =	sld [smem:$0x3F94];
	s0 =	simm.s32 @p0 $0x1  }
0x13: {  	[smem:$0x3FAF] =	sst s0;
	s0 =	simm.s32 @!p1 $0x0  }
0x14: {  	s2 =	sld [smem:$0x3F93];
	s0 =	simm.s32 @p1 $0x1  }
0x15: {  	[smem:$0x3FB0] =	sst s0;
	s0 =	simm.s32 @!p2 $0x0  }
0x16: {  	s3 =	sld [smem:$0x3FDB];
	s0 =	simm.s32 @p2 $0x1  }
0x17: {  	s4 =	simm.s32 $0x1BF5;
	[smem:$0x3FB2] =	sst s0  }
0x18: {  	s0 =	sld [smem:$0x3F95];
	_ =	swait.ge [sflag:s4], $0x0  }
0x19: {  	s7 =	sld [smem:$0x3F96]  }
0x1a: {  	s8 =	sadd.s32 $0xFFFFE003, lr  }
0x1b: {  	s9 =	sadd.s32 $0xFFFFFEF7, lr;
	s5 =	simm.s32 $0xFFFFFFFF;
	p2 =	slt.u32 s8, $0xFFFFF086  }
0x1c: {  	p1 =	slt.u32 s9, $0xF7A;
	s5 =	simm.s32 @!p2 $0x0  }
0x1d: {  	s5 =	simm.s32 @p1 $0x1;
	p0 =	seq.s32 s7, s2  }
0x1e: {  	s7 =	smul.u32 @!p0 $0xF7A, s2;
	p2 =	seq.s32 @!p0 s5, $0x0  }
0x1f: {  	s9 =	smul.u32 $0xF7A, s1;
	s8 =	simm.s32 @!p0 $0x1BF5;
	p2 =	por !p2, p0  }
0x20: {  	[sflag:s8] =	ssyncset.s32 @!p0 $0xFFFFF086;
	s6 =	sadd.s32 @!p0 s3, s7;
	s7 =	simm.s32 @!p0 $0x108  }
0x21: {  	s3 =	sadd.s32 s3, s9;
	s6 =	sadd.s32 @!p0 $0x88, s6;
	s7 =	simm.s32 @p2 $0x1082  }
0x22: {  	[simem:s7], [sflag:s8] =	dma.local @!p0 [hbm:s6], $0xF7A  }
0x23: {  	s9 =	sor.u32 $0xD0000000, s2;
	s6 =	simm.s32 $0x108;
	_ =	swait.ge @!p0 [sflag:s8], $0x0  }
0x24: {  	s3 =	sadd.s32 $0x88, s3;
	s6 =	simm.s32 @!p1 $0x1082;
	[sflag:s4] =	ssyncset.s32 $0xFFFFF086  }
0x25: {  	[simem:s6], [sflag:s4] =	dma.local [hbm:s3], $0xF7A  }
0x26: {  	[smem:$0x3F96] =	sst s1;
	(tag) =	ssettag s2;
	_ =	strace s9  }
0x27: {  	s1 =	sld [smem:$0x3FA6]  }
0x28: {  	s2 =	sld [smem:$0x3FA7]  }
0x29: {  	s4 =	sld [smem:$0x3FA9]  }
0x2a: {  	p0 =	seq.s32 s5, $0x0;
	s5 =	sld [smem:$0x3FAA]  }
0x2b: {  	s6 =	sld [smem:$0x3FAB]  }
0x2c: {  	s7 =	sld [smem:$0x3FAC]  }
0x2d: {  	s3 =	simm.s32 $0x108;
	s8 =	sld [smem:$0x3FAD]  }
0x2e: {  	s3 =	simm.s32 @!p0 $0x1082;
	s9 =	sld [smem:$0x3FAE]  }
0x2f: {  	lr =	sadd.s32 s0, s3;
	s0 =	sld [smem:$0x3FA5]  }
0x30: {  	s3 =	sld [smem:$0x3FA8]  }
0x31: {  	[smem:$0x3FB1] =	sst s10  }
0x32: {  	s10 =	sld [smem:$0x3FAF];
	_ =	sdelay $0x3  }
0x33: {  	p0 =	seq.s32 s10, $0x1;
	s10 =	sld [smem:$0x3FB1];
	_ =	sdelay $0x3  }
0x34: {  	[smem:$0x3FB1] =	sst s10  }
0x35: {  	s10 =	sld [smem:$0x3FB0];
	_ =	sdelay $0x3  }
0x36: {  	p1 =	seq.s32 s10, $0x1;
	s10 =	sld [smem:$0x3FB1];
	_ =	sdelay $0x3  }
0x37: {  	[smem:$0x3FB1] =	sst s10  }
0x38: {  	s10 =	sld [smem:$0x3FB2]  }
0x39: {  	_ = 	snop;
	(pc) =	sbr.ind lr, $3  }
0x3a: {  	_ = 	snop  }
0x3b: {  	_ = 	snop  }
0x3c: {  	p2 =	seq.s32 s10, $0x1;
	s10 =	sld [smem:$0x3FB1]  }
0x3d: {  	_ =	shalt  }
0x3e: {  	_ =	shalt  }
0x3f: {  	_ =	shalt  }
0x40: {  	_ =	shalt  }
0x41: {  	_ =	shalt  }
0x42: {  	_ =	shalt  }
0x43: {  	_ =	shalt  }
0x44: {  	_ =	shalt  }
0x45: {  	_ =	shalt  }
0x46: {  	_ =	shalt  }
0x47: {  	_ =	shalt  }
0x48: {  	_ =	shalt  }
0x49: {  	_ =	shalt  }
0x4a: {  	_ =	shalt  }
0x4b: {  	_ =	shalt  }
0x4c: {  	_ =	shalt  }
0x4d: {  	_ =	shalt  }
0x4e: {  	_ =	shalt  }
0x4f: {  	_ =	shalt  }
0x50: {  	_ =	shalt  }
0x51: {  	_ =	shalt  }
0x52: {  	_ =	shalt  }
0x53: {  	_ =	shalt  }
0x54: {  	_ =	shalt  }
0x55: {  	_ =	shalt  }
0x56: {  	_ =	shalt  }
0x57: {  	_ =	shalt  }
0x58: {  	_ =	shalt  }
0x59: {  	_ =	shalt  }
0x5a: {  	_ =	shalt  }
0x5b: {  	_ =	shalt  }
0x5c: {  	_ =	shalt  }
0x5d: {  	_ =	shalt  }
0x5e: {  	_ =	shalt  }
0x5f: {  	_ =	shalt  }
0x60: {  	_ =	shalt  }
0x61: {  	_ =	shalt  }
0x62: {  	_ =	shalt  }
0x63: {  	_ =	shalt  }
0x64: {  	_ =	shalt  }
0x65: {  	_ =	shalt  }
0x66: {  	_ =	shalt  }
0x67: {  	_ =	shalt  }
0x68: {  	_ =	shalt  }
0x69: {  	_ =	shalt  }
0x6a: {  	_ =	shalt  }
0x6b: {  	_ =	shalt  }
0x6c: {  	_ =	shalt  }
0x6d: {  	_ =	shalt  }
0x6e: {  	_ =	shalt  }
0x6f: {  	_ =	shalt  }
0x70: {  	_ =	shalt  }
0x71: {  	_ =	shalt  }
0x72: {  	_ =	shalt  }
0x73: {  	_ =	shalt  }
0x74: {  	_ =	shalt  }
0x75: {  	_ =	shalt  }
0x76: {  	_ =	shalt  }
0x77: {  	_ =	shalt  }
0x78: {  	_ =	shalt  }
0x79: {  	_ =	shalt  }
0x7a: {  	_ =	shalt  }
0x7b: {  	_ =	shalt  }
0x7c: {  	_ =	shalt  }
0x7d: {  	_ =	shalt  }
0x7e: {  	_ =	shalt  }
0x7f: {  	_ =	shalt  }
0x80: {  	_ =	shalt  }
0x81: {  	_ =	shalt  }
0x82: {  	_ =	shalt  }
0x83: {  	_ =	shalt  }
0x84: {  	_ =	shalt  }
0x85: {  	_ =	shalt  }
0x86: {  	_ =	shalt  }
0x87: {  	_ =	shalt  }
.Lfunc_end0:
.L_simem_size_0:
called_computation.1_lowered:
.L_overlay_start_0:
0x88: {  	s2 =	sld [smem:$0x3FD9]  }
0x89: {  	s3 =	sld [smem:$0x3FFE];
	_ =	sdelay $0x1  }
0x8a: {  	s1 =	srdreg.scid  }
0x8b: {  	s0 =	sand.u32 $0x1, s1  }
0x8c: {  	s17 =	sshll.u32 s0, $0xA;
	s2 =	sadd.s32 s3, s2  }
0x8d: {  	s2 =	sadd.s32 s2, s17  }
0x8e: {  	[smem:$0x3FBD] =	sst s2  }
0x8f: {  	_ = 	snop  }
0x90: {  	s2 =	sld [smem:$0x3FC9]  }
0x91: {  	s18 =	sld [smem:$0x3FD0];
	(tm) =	ssettm $0x1  }
0x92: {  	s4 =	sld [smem:$0x3FFB];
	_ =	sdelay $0x3  }
0x93: {  	_ =	strace s4  }
0x94: {  	s4 =	sld [smem:$0x3FFC];
	_ =	sdelay $0x3  }
0x95: {  	_ =	strace s4  }
0x96: {  	s4 =	sld [smem:$0x3FFD];
	_ =	sdelay $0x3  }
0x97: {  	_ =	strace s4  }
0x98: {  	_ =	strace $0x8FFFFFFF  }
0x99: {  	s19 =	sld [smem:$0x3FDB];
	_ =	sdelay $0x1  }
0x9a: {  	s5 =	simm.s32 $_scs_section_size  }
0x9b: {  	s6 =	simm.s32 $_size__tile_overlayer_lowered;
	s7 =	simm.s32 $_tile_overlayer_lowered  }
0x9c: {  	s22 =	simm.s32 $0x1BFF;
	s21 =	sshll.u32 s7, $0x1;
	s4 =	sadd.s32 s5, s19  }
0x9d: {  	s8 =	simm.s32 $0x0;
	s20 =	sshll.u32 s6, $0x1;
	s6 =	sadd.s32 s21, s4  }
0x9e: {  	[timem:s8], [sflag:s22] =	dma.local [hbm:s6], s20  }
0x9f: {  	_ =	swait.ge [sflag:s22], s20  }
0xa0: {  	s5 =	ssub.s32 $0x0, s20;
	[sflag:s22] =	ssyncset.done $0x0  }
0xa1: {  	[sflag:s22] =	ssyncadd.s32 s5;
	_ =	sdelay $0x1  }
0xa2: {  	s23 =	simm.s32 $0x1B8B  }
0xa3: {  	_ =	swait.ge [sflag:s23], $0x1  }
0xa4: {  	[sflag:s23] =	ssyncset.done $0x0  }
0xa5: {  	s25 =	simm.s32 $0x1B8E;
	s24 =	sld [smem:$0x3FFE];
	[sflag:s23] =	ssyncadd.s32 $0xFFFFFFFF  }
0xa6: {  	s26 =	simm.s32 $execute0_lowered;
	[smem:$0x3FD2] =	sst s25  }
0xa7: {  	s6 =	sshll.u32 s26, $0x1;
	_ =	strace $0x80000046;
	[dreg:$0x1] =	wrdreg $0xFFFFFFFF  }
0xa8: {  	s28 =	simm.s32 $_size_execute0_lowered;
	s4 =	sadd.s32 s4, s6;
	[dreg:$0x0] =	wrdreg $0x0  }
0xa9: {  	s6 =	sshll.u32 s28, $0x1;
	[dreg:$0x2] =	wrdreg s4  }
0xaa: {  	[dreg:$0x3] =	wrdreg s6  }
0xab: {  	[dreg:$0x4] =	wrdreg $0xC0  }
0xac: {  	_ =	task [dreg:s8], $0x5FFFF  }
0xad: {  	[dreg:$0x1] =	wrdreg $0xFFFFFFFF  }
0xae: {  	[dreg:$0x0] =	wrdreg $0x60  }
0xaf: {  	[dreg:$0x2] =	wrdreg s2  }
0xb0: {  	[dreg:$0x3] =	wrdreg s24  }
0xb1: {  	[dreg:$0x4] =	wrdreg s18  }
0xb2: {  	[dreg:$0x5] =	wrdreg $0x0  }
0xb3: {  	[dreg:$0x6] =	wrdreg $0xA  }
0xb4: {  	_ =	task.clear_ibuf [dreg:s8], $0x7FFFF;
	_ =	strace $0x90000046  }
0xb5: {  	s29 =	simm.s32 $0xA;
	_ =	strace $0x80000048  }
0xb6: {  	_ =	swait.ge [sflag:s29], $0x1  }
0xb7: {  	[sflag:s29] =	ssyncadd.s32 $0xFFFFFFFF  }
0xb8: {  	_ =	strace $0x90000048  }
0xb9: {  	_ =	sfence  }
0xba: {  	s30 =	sld [smem:$0x0];
	_ =	sdelay $0x2  }
0xbb: {  	s31 =	sshll.u32 s1, $0xD;
	s1 =	sshrl.u32 s1, $0x2  }
0xbc: {  	s3 =	sand.u32 $0x4000, s31;
	s1 =	sadd.s32 s1, s30  }
0xbd: {  	s0 =	sor.u32 s3, s0;
	s1 =	sshll.u32 s1, $0x11  }
0xbe: {  	s0 =	sor.u32 s1, s0  }
0xbf: {  	s0 =	sadd.s32 $0x8F2B, s0  }
0xc0: {  	[sflag:s0] =	ssyncadd.remote.s32 $0x1  }
0xc1: {  	_ =	sfence.sel $0xFFFF  }
0xc2: {  	[dreg:$0x0] =	wrdreg $0xFFFFFFFF;
	(pc) =	sbr.abs _section_cstart, $3  }
0xc3: {  	[dreg:$0x1] =	wrdreg $0xFFFFFFFF  }
0xc4: {  	_ =	task.clear_ibuf [dreg:s8], $0x2FFFF;
	_ =	strace $0x9FFFFFFF  }
0xc5: {  	(tm) =	ssettm $0x7FFFFFFF  }
tec
execute0_lowered:
.L_overlay_start_1:
0x0: {  	(tag) =	ssettag $0x1  }
0x1: {  	s1 =	rddreg [dreg:$0x0]  }
0x2: {  	s0 =	rddreg [dreg:$0x1]  }
0x3: {  	s13 =	rddreg [dreg:$0x2]  }
0x4: {  	s4 =	rddreg [dreg:$0x3];
	s2 =	srdreg.scid  }
0x5: {  	s12 =	stileid.u32;
	s5 =	simm.s32 $0x0;
	s28 =	simm.s32 $0x3  }
0x6: {  	s29 =	simm.s32 $0x6;
	s30 =	simm.s32 $0x4;
	s2 =	sand.u32 $0x1, s2  }
0x7: {  	s3 =	sshll.u32 s12, $0x1;
	[smem:$0x7FF] =	sst s5;
	s25 =	smul.u32 $0x4E000, s12  }
0x8: {  	s6 =	sadd.s32 $0xEC00, s0;
	s7 =	sadd.s32 $0x4E00, s0;
	s10 =	smul.u32 $0x2700, s12  }
0x9: {  	s14 =	sadd.s32 $0x18A00, s0;
	s31 =	smul.u32 $0x4E20, s12;
	p1 =	sne.s32 s12, $0xF  }
0xa: {  	p2 =	seq.s32 s12, $0xF;
	s3 =	sor.u32 s2, s3;
	s8 =	ssub.s32 $0x2, s2  }
0xb: {  	_ =	strace $0x80000047;
	[dreg:$0x5] =	wrdreg s14;
	s23 =	sshrl.u32 s8, $0x1  }
0xc: {  	s18 =	sshrl.u32 s25, $0x2;
	s19 =	sadd.s32 s13, s10;
	s0 =	ssub.s32 s8, s23  }
0xd: {  	s15 =	sadd.s32 s18, s4;
	[dreg:$0xc] =	wrdreg s19;
	s0 =	smax.u32 s0, $0x1  }
0xe: {  	s17 =	smul.u32 $0x2710, s2;
	s12 =	sadd.s32 $0x5000, s15;
	[dreg:$0xe] =	wrdreg s0  }
0xf: {  	s3 =	smul.u32 $0x2710, s3;
	s13 =	sadd.s32 $0x6400, s15;
	[dreg:$0x13] =	wrdreg s12  }
0x10: {  	s20 =	sadd.s32 s17, s31;
	s17 =	sadd.s32 $0xA000, s15;
	[dreg:$0x14] =	wrdreg s13  }
0x11: {  	s3 =	sshrl.u32 s3, $0x3;
	s18 =	sadd.s32 $0xB400, s15;
	[dreg:$0x17] =	wrdreg s17  }
0x12: {  	s25 =	sadd.s32 $0x180, s20;
	s19 =	sadd.s32 $0xC800, s15;
	[dreg:$0x18] =	wrdreg s18  }
0x13: {  	s24 =	sadd.s32 s6, s3;
	s9 =	sadd.s32 s7, s3;
	[dreg:$0x19] =	wrdreg s19  }
0x14: {  	s26 =	sadd.s32 $0x10, s3;
	s31 =	sshrl.u32 s25, $0x3;
	[dreg:$0x6] =	wrdreg s24  }
0x15: {  	s25 =	sadd.s32 $0x100, s20;
	s20 =	sadd.s32 $0xDC00, s15;
	[dreg:$0x7] =	wrdreg s9  }
0x16: {  	s21 =	sadd.s32 $0x138000, s4;
	s11 =	sadd.s32 s6, s26;
	[dreg:$0x1a] =	wrdreg s20  }
0x17: {  	s3 =	sadd.s32 $0x4E0, s3;
	s9 =	sadd.s32 s7, s26;
	[dreg:$0x8] =	wrdreg s11  }
0x18: {  	p0 =	seq.s32 s2, $0x1;
	s16 =	sadd.s32 s6, s3;
	[dreg:$0x9] =	wrdreg s9  }
0x19: {  	s12 =	simm.s32 $0x80;
	s3 =	sadd.s32 s7, s3;
	[dreg:$0xa] =	wrdreg s16  }
0x1a: {  	s13 =	simm.s32 $0x13B80;
	s24 =	sadd.s32 s14, s10;
	[dreg:$0xb] =	wrdreg s3  }
0x1b: {  	s18 =	simm.s32 $0x13900;
	s26 =	sadd.s32 $0x1400, s15;
	[dreg:$0xd] =	wrdreg s24  }
0x1c: {  	s19 =	simm.s32 $0x17B80;
	s10 =	sadd.s32 $0x3C00, s15;
	[dreg:$0xf] =	wrdreg s26  }
0x1d: {  	s22 =	sadd.s32 s31, s7;
	s14 =	sadd.s32 $0x7800, s15;
	[dreg:$0x11] =	wrdreg s10  }
0x1e: {  	s23 =	sadd.s32 s31, s6;
	s31 =	sadd.s32 $0x12C00, s15;
	[dreg:$0x15] =	wrdreg s14  }
0x1f: {  	s17 =	simm.s32 $0x0;
	s9 =	sadd.s32 $0x2800, s15;
	[dreg:$0x1e] =	wrdreg s31  }
0x20: {  	s20 =	simm.s32 $0x13A00;
	s11 =	sshrl.u32 s21, $0x3;
	[dreg:$0x10] =	wrdreg s9  }
0x21: {  	s16 =	sadd.s32 $0x8C00, s15;
	s21 =	sadd.s32 $0xF000, s15;
	[dreg:$0x12] =	wrdreg s11  }
.Ltmp0:
0x22: {  	s24 =	sadd.s32 $0x10400, s15;
	[dreg:$0x16] =	wrdreg s16;
	(pc) =	sbr.rel .LBB2_1-.Ltmp0, $4  }
0x23: {  	s26 =	sadd.s32 $0x11800, s15;
	s10 =	simm.s32 $0x5;
	[dreg:$0x1b] =	wrdreg s21  }
0x24: {  	s14 =	simm.s32 $0x13980;
	s3 =	simm.s32 $0x1BB80;
	[dreg:$0x1c] =	wrdreg s24  }
0x25: {  	[dreg:$0x1d] =	wrdreg s26;
	s9 =	simm.s32 $0x1C380;
	s11 =	simm.s32 $0x13880  }
0x26: {  	v0 =	vimm.f32 $0.0e+00;
	s21 =	simm.s32 $0x1;
	s26 =	simm.s32 $0x2;
	s16 =	simm.s32 $0x13B00  }
.LBB2_8:
0x27: {  	s0 =	sadd.s32 $0x27000, s8;
	s31 =	rddreg [dreg:$0x12]  }
0x28: {  	[hbm:s0], [sflag:s2] =	dma.local [spmem:s31], $0x100  }
0x29: {  	_ =	swait.ge [sflag:s10], $0x100  }
0x2a: {  	[sflag:s10] =	ssyncset.done $0x0  }
0x2b: {  	[sflag:s10] =	ssyncadd.s32 $0xFFFFFF00  }
.LBB2_9:
0x2c: {  	s17 =	sadd.s32 $0x1, s17;
	s0 =	rddreg [dreg:$0xe]  }
0x2d: {  	p3 =	sne.s32 s17, s0  }
.Ltmp1:
0x2e: {  	_ = 	snop;
	(pc) =	sbr.rel @!p3 .LBB2_10-.Ltmp1, $1  }
0x2f: {  	_ =	sdelay $0x3  }
.LBB2_1:
0x30: {  	s2 =	simm.s32 $0x0;
	s8 =	simm.s32 $0x200  }
.LBB2_2:
0x31: {  	p3 =	sne.s32 s8, $0x4E00;
	[tilespmem:s2+$0x1C3F0] =	vst v0  }
0x32: {  	[tilespmem:s2+$0x1C380] =	vst v0  }
0x33: {  	[tilespmem:s2+$0x1C390] =	vst v0  }
.Ltmp2:
0x34: {  	[tilespmem:s2+$0x1C3A0] =	vst v0;
	(pc) =	sbr.rel @p3 .LBB2_2-.Ltmp2, $4  }
0x35: {  	[tilespmem:s2+$0x1C3B0] =	vst v0  }
0x36: {  	[tilespmem:s2+$0x1C3C0] =	vst v0  }
0x37: {  	[tilespmem:s2+$0x1C3D0] =	vst v0  }
0x38: {  	[tilespmem:s2+$0x1C3E0] =	vst v0;
	s2 =	sshra.s32 s8, $0x2;
	s8 =	sadd.s32 $0x200, s8  }
0x39: {  	[tilespmem:s2+$0x1C3F0] =	vst v0  }
0x3a: {  	[tilespmem:s2+$0x1C380] =	vst v0  }
0x3b: {  	[tilespmem:s2+$0x1C390] =	vst v0  }
0x3c: {  	[tilespmem:s2+$0x1C3A0] =	vst v0  }
0x3d: {  	[tilespmem:s2+$0x1C3B0] =	vst v0  }
0x3e: {  	[tilespmem:s2+$0x1C3C0] =	vst v0  }
0x3f: {  	[tilespmem:s2+$0x1C3D0] =	vst v0  }
0x40: {  	[tilespmem:s2+$0x1C3E0] =	vst v0  }
0x41: {  	[spmem:s15] =	stream.linear.scatter [tilespmem:s9], [sflag:$0x5], $0x1400, $0x38;
	[tilespmem:$0x1D780] =	vst v63  }
0x42: {  	_ =	swait.ge [sflag:s10], $0x1400  }
0x43: {  	[sflag:s10] =	ssyncset.done $0x0  }
0x44: {  	s0 =	rddreg [dreg:$0xf];
	[sflag:s10] =	ssyncadd.s32 $0xFFFFEC00  }
0x45: {  	[spmem:s0] =	stream.linear.scatter [tilespmem:s9], [sflag:$0x5], $0x1400, $0x38;
	[tilespmem:$0x1D780] =	vst v63  }
0x46: {  	_ =	swait.ge [sflag:s10], $0x1400  }
0x47: {  	[sflag:s10] =	ssyncset.done $0x0  }
0x48: {  	s8 =	rddreg [dreg:$0x10];
	[sflag:s10] =	ssyncadd.s32 $0xFFFFEC00  }
0x49: {  	[spmem:s8] =	stream.linear.scatter [tilespmem:s9], [sflag:$0x5], $0x1400, $0x38;
	[tilespmem:$0x1D780] =	vst v63  }
0x4a: {  	_ =	swait.ge [sflag:s10], $0x1400  }
0x4b: {  	[sflag:s10] =	ssyncset.done $0x0  }
0x4c: {  	s24 =	rddreg [dreg:$0x11];
	[sflag:s10] =	ssyncadd.s32 $0xFFFFEC00  }
0x4d: {  	[spmem:s24] =	stream.linear.scatter [tilespmem:s9], [sflag:$0x5], $0x1400, $0x38;
	[tilespmem:$0x1D780] =	vst v63  }
0x4e: {  	_ =	swait.ge [sflag:s10], $0x1400  }
0x4f: {  	[sflag:s10] =	ssyncset.done $0x0  }
0x50: {  	s31 =	rddreg [dreg:$0x13];
	[sflag:s10] =	ssyncadd.s32 $0xFFFFEC00  }
0x51: {  	[spmem:s31] =	stream.linear.scatter [tilespmem:s9], [sflag:$0x5], $0x1400, $0x38;
	[tilespmem:$0x1D780] =	vst v63  }
0x52: {  	_ =	swait.ge [sflag:s10], $0x1400  }
0x53: {  	[sflag:s10] =	ssyncset.done $0x0  }
0x54: {  	s2 =	rddreg [dreg:$0x14];
	[sflag:s10] =	ssyncadd.s32 $0xFFFFEC00  }
0x55: {  	[spmem:s2] =	stream.linear.scatter [tilespmem:s9], [sflag:$0x5], $0x1400, $0x38;
	[tilespmem:$0x1D780] =	vst v63  }
0x56: {  	_ =	swait.ge [sflag:s10], $0x1400  }
0x57: {  	[sflag:s10] =	ssyncset.done $0x0  }
0x58: {  	s8 =	rddreg [dreg:$0x15];
	[sflag:s10] =	ssyncadd.s32 $0xFFFFEC00  }
0x59: {  	[spmem:s8] =	stream.linear.scatter [tilespmem:s9], [sflag:$0x5], $0x1400, $0x38;
	[tilespmem:$0x1D780] =	vst v63  }
0x5a: {  	_ =	swait.ge [sflag:s10], $0x1400  }
0x5b: {  	[sflag:s10] =	ssyncset.done $0x0  }
0x5c: {  	s24 =	rddreg [dreg:$0x16];
	[sflag:s10] =	ssyncadd.s32 $0xFFFFEC00  }
0x5d: {  	[spmem:s24] =	stream.linear.scatter [tilespmem:s9], [sflag:$0x5], $0x1400, $0x38;
	[tilespmem:$0x1D780] =	vst v63  }
0x5e: {  	_ =	swait.ge [sflag:s10], $0x1400  }
0x5f: {  	[sflag:s10] =	ssyncset.done $0x0  }
0x60: {  	s31 =	rddreg [dreg:$0x17];
	[sflag:s10] =	ssyncadd.s32 $0xFFFFEC00  }
0x61: {  	[spmem:s31] =	stream.linear.scatter [tilespmem:s9], [sflag:$0x5], $0x1400, $0x38;
	[tilespmem:$0x1D780] =	vst v63  }
0x62: {  	_ =	swait.ge [sflag:s10], $0x1400  }
0x63: {  	[sflag:s10] =	ssyncset.done $0x0  }
0x64: {  	s2 =	rddreg [dreg:$0x18];
	[sflag:s10] =	ssyncadd.s32 $0xFFFFEC00  }
0x65: {  	[spmem:s2] =	stream.linear.scatter [tilespmem:s9], [sflag:$0x5], $0x1400, $0x38;
	[tilespmem:$0x1D780] =	vst v63  }
0x66: {  	_ =	swait.ge [sflag:s10], $0x1400  }
0x67: {  	[sflag:s10] =	ssyncset.done $0x0  }
0x68: {  	s8 =	rddreg [dreg:$0x19];
	[sflag:s10] =	ssyncadd.s32 $0xFFFFEC00  }
0x69: {  	[spmem:s8] =	stream.linear.scatter [tilespmem:s9], [sflag:$0x5], $0x1400, $0x38;
	[tilespmem:$0x1D780] =	vst v63  }
0x6a: {  	_ =	swait.ge [sflag:s10], $0x1400  }
0x6b: {  	[sflag:s10] =	ssyncset.done $0x0  }
0x6c: {  	s24 =	rddreg [dreg:$0x1a];
	[sflag:s10] =	ssyncadd.s32 $0xFFFFEC00  }
0x6d: {  	[spmem:s24] =	stream.linear.scatter [tilespmem:s9], [sflag:$0x5], $0x1400, $0x38;
	[tilespmem:$0x1D780] =	vst v63  }
0x6e: {  	_ =	swait.ge [sflag:s10], $0x1400  }
0x6f: {  	[sflag:s10] =	ssyncset.done $0x0  }
0x70: {  	s31 =	rddreg [dreg:$0x1b];
	[sflag:s10] =	ssyncadd.s32 $0xFFFFEC00  }
0x71: {  	[spmem:s31] =	stream.linear.scatter [tilespmem:s9], [sflag:$0x5], $0x1400, $0x38;
	[tilespmem:$0x1D780] =	vst v63  }
0x72: {  	_ =	swait.ge [sflag:s10], $0x1400  }
0x73: {  	[sflag:s10] =	ssyncset.done $0x0  }
0x74: {  	s2 =	rddreg [dreg:$0x1c];
	[sflag:s10] =	ssyncadd.s32 $0xFFFFEC00  }
0x75: {  	[spmem:s2] =	stream.linear.scatter [tilespmem:s9], [sflag:$0x5], $0x1400, $0x38;
	[tilespmem:$0x1D780] =	vst v63  }
0x76: {  	_ =	swait.ge [sflag:s10], $0x1400  }
0x77: {  	[sflag:s10] =	ssyncset.done $0x0  }
0x78: {  	s8 =	rddreg [dreg:$0x1d];
	[sflag:s10] =	ssyncadd.s32 $0xFFFFEC00  }
0x79: {  	[spmem:s8] =	stream.linear.scatter [tilespmem:s9], [sflag:$0x5], $0x1400, $0x38;
	[tilespmem:$0x1D780] =	vst v63  }
0x7a: {  	_ =	swait.ge [sflag:s10], $0x1400  }
0x7b: {  	[sflag:s10] =	ssyncset.done $0x0  }
0x7c: {  	s24 =	rddreg [dreg:$0x1e];
	[sflag:s10] =	ssyncadd.s32 $0xFFFFEC00  }
0x7d: {  	[spmem:s24] =	stream.linear.scatter [tilespmem:s9], [sflag:$0x5], $0x1400, $0x38;
	[tilespmem:$0x1D780] =	vst v63  }
0x7e: {  	_ =	swait.ge [sflag:s10], $0x1400  }
0x7f: {  	[sflag:s10] =	ssyncset.done $0x0  }
0x80: {  	[sflag:s10] =	ssyncadd.s32 $0xFFFFEC00  }
0x81: {  	[bflag:$0x0] =	sbarrier.arrive $0xFFFF  }
0x82: {  	s2 =	simm.s32 $0x0;
	s31 =	rddreg [dreg:$0x6]  }
0x83: {  	[tilespmem:s11], [sflag:$0x5] =	stream.linear.gather [hbm4b:s31+s2], $0x80, $0x38;
	[tilespmem:$0x1D780] =	vst v63  }
0x84: {  	_ =	swait.ge [sflag:s10], $0x80  }
0x85: {  	[sflag:s10] =	ssyncset.done $0x0  }
0x86: {  	[sflag:s10] =	ssyncadd.s32 $0xFFFFFF80  }
0x87: {  	[tilespmem:s13], [sflag:$0x1] =	stream.indirect.gather [hbm4b:s1+s12], $0x80, s11, s12, $0xb8;
	[tilespmem:$0x1D780] =	vst v63  }
0x88: {  	s8 =	rddreg [dreg:$0x7]  }
0x89: {  	[tilespmem:s14], [sflag:$0x5] =	stream.linear.gather [hbm4b:s8+s2], $0x80, $0x38;
	[tilespmem:$0x1D780] =	vst v63  }
0x8a: {  	_ =	swait.ge [sflag:s10], $0x80  }
0x8b: {  	[sflag:s10] =	ssyncset.done $0x0  }
0x8c: {  	s24 =	rddreg [dreg:$0x8];
	[sflag:s10] =	ssyncadd.s32 $0xFFFFFF80  }
0x8d: {  	[tilespmem:s18], [sflag:$0x5] =	stream.linear.gather [hbm4b:s24+s2], $0x80, $0x38;
	[tilespmem:$0x1D780] =	vst v63  }
0x8e: {  	_ =	swait.ge [sflag:s10], $0x80  }
0x8f: {  	[sflag:s10] =	ssyncset.done $0x0  }
0x90: {  	[sflag:s10] =	ssyncadd.s32 $0xFFFFFF80  }
0x91: {  	[tilespmem:s19], [sflag:$0x2] =	stream.indirect.gather [hbm4b:s1+s12], $0x80, s18, s12, $0xb8;
	[tilespmem:$0x1D780] =	vst v63  }
0x92: {  	s31 =	rddreg [dreg:$0x9]  }
0x93: {  	[tilespmem:s20], [sflag:$0x5] =	stream.linear.gather [hbm4b:s31+s2], $0x80, $0x38;
	[tilespmem:$0x1D780] =	vst v63  }
0x94: {  	_ =	swait.ge [sflag:s10], $0x80  }
0x95: {  	[sflag:s10] =	ssyncset.done $0x0  }
0x96: {  	[sflag:s10] =	ssyncadd.s32 $0xFFFFFF80  }
0x97: {  	_ =	swait.ge [sflag:s21], $0x4000  }
0x98: {  	[sflag:s21] =	ssyncset.done $0x0  }
0x99: {  	[sflag:s21] =	ssyncadd.s32 $0xFFFFC000  }
0x9a: {  	[spmem:s4] =	stream.indirect.scatter.add.f32 [tilespmem:s13], [sflag:$0x3], $0x80, s14, s12, $0xb8;
	[tilespmem:$0x1D780] =	vst v63  }
0x9b: {  	_ =	swait.ge [sflag:s26], $0x4000  }
0x9c: {  	[sflag:s26] =	ssyncset.done $0x0  }
0x9d: {  	[sflag:s26] =	ssyncadd.s32 $0xFFFFC000  }
0x9e: {  	[spmem:s4] =	stream.indirect.scatter.add.f32 [tilespmem:s19], [sflag:$0x4], $0x80, s20, s12, $0xb8;
	[tilespmem:$0x1D780] =	vst v63  }
0x9f: {  	_ =	swait.ge [sflag:s28], $0x4000  }
0xa0: {  	s0 =	sshrl.u32 s25, $0x3;
	[sflag:s28] =	ssyncset.done $0x0  }
0xa1: {  	s8 =	sadd.s32 s6, s0;
	[sflag:s28] =	ssyncadd.s32 $0xFFFFC000  }
0xa2: {  	[tilespmem:s11], [sflag:$0x6] =	stream.linear.gather [hbm4b:s8+s5], $0x80, $0x38;
	[tilespmem:$0x1D780] =	vst v63  }
0xa3: {  	_ =	swait.ge [sflag:s29], $0x80  }
0xa4: {  	[sflag:s29] =	ssyncset.done $0x0  }
0xa5: {  	[sflag:s29] =	ssyncadd.s32 $0xFFFFFF80  }
0xa6: {  	[tilespmem:s13], [sflag:$0x1] =	stream.indirect.gather [hbm4b:s1+s12], $0x80, s11, s12, $0xb8;
	[tilespmem:$0x1D780] =	vst v63  }
0xa7: {  	s2 =	sadd.s32 s7, s0  }
0xa8: {  	[tilespmem:s14], [sflag:$0x6] =	stream.linear.gather [hbm4b:s2+s5], $0x80, $0x38;
	[tilespmem:$0x1D780] =	vst v63  }
0xa9: {  	_ =	swait.ge [sflag:s29], $0x80  }
0xaa: {  	[sflag:s29] =	ssyncset.done $0x0  }
0xab: {  	[sflag:s29] =	ssyncadd.s32 $0xFFFFFF80  }
0xac: {  	_ =	swait.ge [sflag:s30], $0x4000  }
0xad: {  	[sflag:s30] =	ssyncset.done $0x0  }
0xae: {  	s24 =	sadd.s32 $0x0, s23;
	[sflag:s30] =	ssyncadd.s32 $0xFFFFC000  }
0xaf: {  	[tilespmem:s18], [sflag:$0x6] =	stream.linear.gather [hbm4b:s24+s5], $0x80, $0x38;
	[tilespmem:$0x1D780] =	vst v63  }
0xb0: {  	_ =	swait.ge [sflag:s29], $0x80  }
0xb1: {  	[sflag:s29] =	ssyncset.done $0x0  }
0xb2: {  	[sflag:s29] =	ssyncadd.s32 $0xFFFFFF80  }
0xb3: {  	[tilespmem:s19], [sflag:$0x2] =	stream.indirect.gather [hbm4b:s1+s12], $0x80, s18, s12, $0xb8;
	[tilespmem:$0x1D780] =	vst v63  }
0xb4: {  	s31 =	sadd.s32 $0x0, s22  }
0xb5: {  	[tilespmem:s20], [sflag:$0x5] =	stream.linear.gather [hbm4b:s31+s5], $0x80, $0x38;
	[tilespmem:$0x1D780] =	vst v63  }
0xb6: {  	_ =	swait.ge [sflag:s10], $0x80  }
0xb7: {  	s8 =	simm.s32 $0x20;
	s24 =	smov.u32 s25;
	[sflag:s10] =	ssyncset.done $0x0  }
.LBB2_4:
0xb8: {  	p3 =	sne.s32 s8, $0x4A0;
	[sflag:s10] =	ssyncadd.s32 $0xFFFFFF80;
	s24 =	sadd.s32 $0x100, s24  }
0xb9: {  	s2 =	smov.u32 s8;
	s8 =	sadd.s32 $0x20, s8  }
0xba: {  	_ =	swait.ge [sflag:s21], $0x4000  }
0xbb: {  	[sflag:s21] =	ssyncset.done $0x0  }
0xbc: {  	[sflag:s21] =	ssyncadd.s32 $0xFFFFC000  }
0xbd: {  	[spmem:s4] =	stream.indirect.scatter.add.f32 [tilespmem:s13], [sflag:$0x3], $0x80, s14, s12, $0xb8;
	[tilespmem:$0x1D780] =	vst v63  }
0xbe: {  	_ =	swait.ge [sflag:s26], $0x4000  }
0xbf: {  	[sflag:s26] =	ssyncset.done $0x0  }
0xc0: {  	[sflag:s26] =	ssyncadd.s32 $0xFFFFC000  }
0xc1: {  	[spmem:s4] =	stream.indirect.scatter.add.f32 [tilespmem:s19], [sflag:$0x4], $0x80, s20, s12, $0xb8;
	[tilespmem:$0x1D780] =	vst v63  }
0xc2: {  	_ =	swait.ge [sflag:s28], $0x4000  }
0xc3: {  	s31 =	sshrl.u32 s24, $0x3;
	[sflag:s28] =	ssyncset.done $0x0  }
0xc4: {  	s0 =	sadd.s32 s6, s31;
	[sflag:s28] =	ssyncadd.s32 $0xFFFFC000  }
0xc5: {  	[tilespmem:s11], [sflag:$0x6] =	stream.linear.gather [hbm4b:s0+s5], $0x80, $0x38;
	[tilespmem:$0x1D780] =	vst v63  }
0xc6: {  	_ =	swait.ge [sflag:s29], $0x80  }
0xc7: {  	[sflag:s29] =	ssyncset.done $0x0  }
0xc8: {  	[sflag:s29] =	ssyncadd.s32 $0xFFFFFF80  }
0xc9: {  	[tilespmem:s13], [sflag:$0x1] =	stream.indirect.gather [hbm4b:s1+s12], $0x80, s11, s12, $0xb8;
	[tilespmem:$0x1D780] =	vst v63  }
0xca: {  	s0 =	sadd.s32 s7, s31  }
0xcb: {  	[tilespmem:s14], [sflag:$0x6] =	stream.linear.gather [hbm4b:s0+s5], $0x80, $0x38;
	[tilespmem:$0x1D780] =	vst v63  }
0xcc: {  	_ =	swait.ge [sflag:s29], $0x80  }
0xcd: {  	[sflag:s29] =	ssyncset.done $0x0  }
0xce: {  	[sflag:s29] =	ssyncadd.s32 $0xFFFFFF80  }
0xcf: {  	_ =	swait.ge [sflag:s30], $0x4000  }
0xd0: {  	[sflag:s30] =	ssyncset.done $0x0  }
0xd1: {  	s0 =	sadd.s32 s2, s23;
	[sflag:s30] =	ssyncadd.s32 $0xFFFFC000  }
0xd2: {  	[tilespmem:s18], [sflag:$0x6] =	stream.linear.gather [hbm4b:s0+s5], $0x80, $0x38;
	[tilespmem:$0x1D780] =	vst v63  }
0xd3: {  	_ =	swait.ge [sflag:s29], $0x80  }
0xd4: {  	[sflag:s29] =	ssyncset.done $0x0  }
0xd5: {  	[sflag:s29] =	ssyncadd.s32 $0xFFFFFF80  }
0xd6: {  	[tilespmem:s19], [sflag:$0x2] =	stream.indirect.gather [hbm4b:s1+s12], $0x80, s18, s12, $0xb8;
	[tilespmem:$0x1D780] =	vst v63  }
.Ltmp3:
0xd7: {  	_ = 	snop;
	(pc) =	sbr.rel @p3 .LBB2_4-.Ltmp3, $4  }
0xd8: {  	s0 =	sadd.s32 s2, s22  }
0xd9: {  	[tilespmem:s20], [sflag:$0x5] =	stream.linear.gather [hbm4b:s0+s5], $0x80, $0x38;
	[tilespmem:$0x1D780] =	vst v63  }
0xda: {  	_ =	swait.ge [sflag:s10], $0x80  }
0xdb: {  	[sflag:s10] =	ssyncset.done $0x0  }
0xdc: {  	[sflag:s10] =	ssyncadd.s32 $0xFFFFFF80  }
0xdd: {  	_ =	swait.ge [sflag:s21], $0x4000  }
0xde: {  	[sflag:s21] =	ssyncset.done $0x0  }
0xdf: {  	[sflag:s21] =	ssyncadd.s32 $0xFFFFC000  }
0xe0: {  	[spmem:s4] =	stream.indirect.scatter.add.f32 [tilespmem:s13], [sflag:$0x3], $0x80, s14, s12, $0xb8;
	[tilespmem:$0x1D780] =	vst v63  }
0xe1: {  	_ =	swait.ge [sflag:s26], $0x4000  }
0xe2: {  	[sflag:s26] =	ssyncset.done $0x0  }
0xe3: {  	[sflag:s26] =	ssyncadd.s32 $0xFFFFC000  }
0xe4: {  	[spmem:s4] =	stream.indirect.scatter.add.f32 [tilespmem:s19], [sflag:$0x4], $0x80, s20, s12, $0xb8;
	[tilespmem:$0x1D780] =	vst v63  }
0xe5: {  	_ =	swait.ge [sflag:s28], $0x4000  }
0xe6: {  	[sflag:s28] =	ssyncset.done $0x0  }
0xe7: {  	[sflag:s28] =	ssyncadd.s32 $0xFFFFC000  }
0xe8: {  	_ =	swait.ge [sflag:s30], $0x4000  }
0xe9: {  	[sflag:s30] =	ssyncset.done $0x0  }
0xea: {  	s2 =	simm.s32 $0x13A80;
	s0 =	rddreg [dreg:$0xa];
	[sflag:s30] =	ssyncadd.s32 $0xFFFFC000  }
0xeb: {  	[tilespmem:s2], [sflag:$0x5] =	stream.linear.gather [hbm4b:s0+s5], $0x10, $0x38;
	[tilespmem:$0x1D780] =	vst v63  }
0xec: {  	_ =	swait.ge [sflag:s10], $0x10  }
0xed: {  	[sflag:s10] =	ssyncset.done $0x0  }
0xee: {  	s8 =	simm.s32 $0x10;
	[sflag:s10] =	ssyncadd.s32 $0xFFFFFFF0  }
0xef: {  	[tilespmem:s3], [sflag:$0x1] =	stream.indirect.gather [hbm4b:s1+s8], $0x80, s2, s8, $0xb8;
	[tilespmem:$0x1D780] =	vst v63  }
0xf0: {  	_ =	swait.ge [sflag:s21], $0x800  }
0xf1: {  	[sflag:s21] =	ssyncset.done $0x0  }
0xf2: {  	s24 =	rddreg [dreg:$0xb];
	[sflag:s21] =	ssyncadd.s32 $0xFFFFF800  }
0xf3: {  	[tilespmem:s16], [sflag:$0x5] =	stream.linear.gather [hbm4b:s24+s5], $0x10, $0x38;
	[tilespmem:$0x1D780] =	vst v63  }
0xf4: {  	_ =	swait.ge [sflag:s10], $0x10  }
0xf5: {  	[sflag:s10] =	ssyncset.done $0x0  }
0xf6: {  	[sflag:s10] =	ssyncadd.s32 $0xFFFFFFF0  }
0xf7: {  	[spmem:s4] =	stream.indirect.scatter.add.f32 [tilespmem:s3], [sflag:$0x5], $0x80, s16, s8, $0xb8;
	[tilespmem:$0x1D780] =	vst v63  }
.Ltmp4:
0xf8: {  	_ =	swait.ge [sflag:s10], $0x800;
	(pc) =	sbr.rel @!p0 .LBB2_6-.Ltmp4, $4  }
0xf9: {  	[sflag:s10] =	ssyncset.done $0x0  }
0xfa: {  	s31 =	stileid.u32;
	[sflag:s10] =	ssyncadd.s32 $0xFFFFF800  }
0xfb: {  	s24 =	sshll.u32 s31, $0x6;
	[bflag:$0x0] =	sbarrier.arrive $0xFFFF  }
0xfc: {  	s2 =	sor.u32 $0x1C05, s24;
	s8 =	sshrl.u32 s15, $0x3  }
0xfd: {  	s2 =	sor.u32 $0x1C05, s24;
	s0 =	rddreg [dreg:$0xd]  }
0xfe: {  	[hbm:s0], [sflag:s2] =	dma.local [spmem:s8], $0x2700  }
.Ltmp5:
0xff: {  	_ = 	snop;
	(pc) =	sbr.rel @p1 .LBB2_9-.Ltmp5, $4  }
.Ltmp6:
0x100: {  	_ = 	snop;
	(pc) =	sbr.rel @!p1 .LBB2_8-.Ltmp6, $4  }
0x101: {  	_ =	swait.ge [sflag:s10], $0x2700  }
0x102: {  	[sflag:s10] =	ssyncset.done $0x0  }
0x103: {  	s8 =	rddreg [dreg:$0x5];
	[sflag:s10] =	ssyncadd.s32 $0xFFFFD900  }
0x104: {  	_ = 	snop  }
.LBB2_6:
0x105: {  	s0 =	rddreg [dreg:$0xc]  }
0x106: {  	[hbm:s0], [sflag:s2] =	dma.local [spmem:s8], $0x2700  }
.Ltmp7:
0x107: {  	_ = 	snop;
	(pc) =	sbr.rel @p2 .LBB2_8-.Ltmp7, $4  }
.Ltmp8:
0x108: {  	_ =	swait.ge [sflag:s10], $0x2700;
	(pc) =	sbr.rel @!p2 .LBB2_9-.Ltmp8, $4  }
0x109: {  	[sflag:s10] =	ssyncset.done $0x0  }
0x10a: {  	[sflag:s10] =	ssyncadd.s32 $0xFFFFD900  }
0x10b: {  	s8 =	rddreg [dreg:$0x2]  }
0x10c: {  	_ = 	snop  }
.LBB2_10:
0x10d: {  	_ =	sfence.sel $0x180000  }
0x10e: {  	[bflag:$0x0] =	sbarrier.arrive $0xFFFF  }
0x10f: {  	_ =	strace $0x90000047  }
0x110: {  	s0 =	stileid.u32;
	[bflag:$0x2] =	sbarrier.arrive $0xFFFF  }
0x111: {  	p0 =	sne.s32 s0, $0x0;
	s0 =	rddreg [dreg:$0x4]  }
0x112: {  	s0 =	sadd.s32 @!p0 $0x100000, s0  }
0x113: {  	[sflag:s0] =	ssyncadd.tile.s32 @!p0 $0x1;
	_ =	shalt  }
.Lfunc_end2:
_tile_overlayer_lowered:
.L_overlay_start_2:
0x114: {  	(tag) =	ssettag $0x2  }
0x115: {  	s0 =	rddreg [dreg:$0x0];
	s2 =	stileid.u32  }
0x116: {  	s1 =	rddreg [dreg:$0x1];
	p0 =	sne.s32 s2, $0x0  }
0x117: {  	s3 =	rddreg [dreg:$0x2];
	[bflag:$0x3] =	sbarrier.arrive $0xFFFF;
	s2 =	simm.s32 @!p0 $0x1C05  }
0x118: {  	[timem:s3], [sflag:s2] =	dma.local @!p0 [hbm:s0], s1  }
0x119: {  	s0 =	simm.s32 @!p0 $0x5  }
0x11a: {  	_ =	swait.ge @!p0 [sflag:s0], s1  }
0x11b: {  	s1 =	ssub.s32 @!p0 $0x0, s1;
	[sflag:s0] =	ssyncset.done @!p0 $0x0  }
0x11c: {  	[sflag:s0] =	ssyncadd.s32 @!p0 s1  }
0x11d: {  	[bflag:$0x3] =	sbarrier.arrive $0xFFFF  }
0x11e: {  	_ =	shalt  }

// kernel: kernel.15.cloned.1.call-start
scs
__scs_entry_jumppad:
0x0: {  	(pc) =	sbr.rel $0x88, $3  }
0x1: {  	(tag) =	ssettag $0x0;
	lr =	simm.s32 $0x1  }
0x2: {  	[smem:$0x3F96] =	sst lr;
	_ =	strace $0xD0000000  }
0x3: {  	_ = 	snop  }
0x4: {  	_ = 	snop  }
0x5: {  	_ = 	snop  }
0x6: {  	_ = 	snop  }
0x7: {  	_ = 	snop  }
__scs_overlays_trampoline_lowered:
0x8: {  	[smem:$0x3FA5] =	sst s0  }
0x9: {  	[smem:$0x3FA6] =	sst s1  }
0xa: {  	[smem:$0x3FA7] =	sst s2  }
0xb: {  	[smem:$0x3FA8] =	sst s3  }
0xc: {  	[smem:$0x3FA9] =	sst s4  }
0xd: {  	[smem:$0x3FAA] =	sst s5  }
0xe: {  	[smem:$0x3FAB] =	sst s6  }
0xf: {  	[smem:$0x3FAC] =	sst s7  }
0x10: {  	[smem:$0x3FAD] =	sst s8  }
0x11: {  	[smem:$0x3FAE] =	sst s9;
	s0 =	simm.s32 @!p0 $0x0  }
0x12: {  	s1 =	sld [smem:$0x3F94];
	s0 =	simm.s32 @p0 $0x1  }
0x13: {  	[smem:$0x3FAF] =	sst s0;
	s0 =	simm.s32 @!p1 $0x0  }
0x14: {  	s2 =	sld [smem:$0x3F93];
	s0 =	simm.s32 @p1 $0x1  }
0x15: {  	[smem:$0x3FB0] =	sst s0;
	s0 =	simm.s32 @!p2 $0x0  }
0x16: {  	s3 =	sld [smem:$0x3FDB];
	s0 =	simm.s32 @p2 $0x1  }
0x17: {  	s4 =	simm.s32 $0x1BF5;
	[smem:$0x3FB2] =	sst s0  }
0x18: {  	s0 =	sld [smem:$0x3F95];
	_ =	swait.ge [sflag:s4], $0x0  }
0x19: {  	s7 =	sld [smem:$0x3F96]  }
0x1a: {  	s8 =	sadd.s32 $0xFFFFE003, lr  }
0x1b: {  	s9 =	sadd.s32 $0xFFFFFEF7, lr;
	s5 =	simm.s32 $0xFFFFFFFF;
	p2 =	slt.u32 s8, $0xFFFFF086  }
0x1c: {  	p1 =	slt.u32 s9, $0xF7A;
	s5 =	simm.s32 @!p2 $0x0  }
0x1d: {  	s5 =	simm.s32 @p1 $0x1;
	p0 =	seq.s32 s7, s2  }
0x1e: {  	s7 =	smul.u32 @!p0 $0xF7A, s2;
	p2 =	seq.s32 @!p0 s5, $0x0  }
0x1f: {  	s9 =	smul.u32 $0xF7A, s1;
	s8 =	simm.s32 @!p0 $0x1BF5;
	p2 =	por !p2, p0  }
0x20: {  	[sflag:s8] =	ssyncset.s32 @!p0 $0xFFFFF086;
	s6 =	sadd.s32 @!p0 s3, s7;
	s7 =	simm.s32 @!p0 $0x108  }
0x21: {  	s3 =	sadd.s32 s3, s9;
	s6 =	sadd.s32 @!p0 $0x88, s6;
	s7 =	simm.s32 @p2 $0x1082  }
0x22: {  	[simem:s7], [sflag:s8] =	dma.local @!p0 [hbm:s6], $0xF7A  }
0x23: {  	s9 =	sor.u32 $0xD0000000, s2;
	s6 =	simm.s32 $0x108;
	_ =	swait.ge @!p0 [sflag:s8], $0x0  }
0x24: {  	s3 =	sadd.s32 $0x88, s3;
	s6 =	simm.s32 @!p1 $0x1082;
	[sflag:s4] =	ssyncset.s32 $0xFFFFF086  }
0x25: {  	[simem:s6], [sflag:s4] =	dma.local [hbm:s3], $0xF7A  }
0x26: {  	[smem:$0x3F96] =	sst s1;
	(tag) =	ssettag s2;
	_ =	strace s9  }
0x27: {  	s1 =	sld [smem:$0x3FA6]  }
0x28: {  	s2 =	sld [smem:$0x3FA7]  }
0x29: {  	s4 =	sld [smem:$0x3FA9]  }
0x2a: {  	p0 =	seq.s32 s5, $0x0;
	s5 =	sld [smem:$0x3FAA]  }
0x2b: {  	s6 =	sld [smem:$0x3FAB]  }
0x2c: {  	s7 =	sld [smem:$0x3FAC]  }
0x2d: {  	s3 =	simm.s32 $0x108;
	s8 =	sld [smem:$0x3FAD]  }
0x2e: {  	s3 =	simm.s32 @!p0 $0x1082;
	s9 =	sld [smem:$0x3FAE]  }
0x2f: {  	lr =	sadd.s32 s0, s3;
	s0 =	sld [smem:$0x3FA5]  }
0x30: {  	s3 =	sld [smem:$0x3FA8]  }
0x31: {  	[smem:$0x3FB1] =	sst s10  }
0x32: {  	s10 =	sld [smem:$0x3FAF];
	_ =	sdelay $0x3  }
0x33: {  	p0 =	seq.s32 s10, $0x1;
	s10 =	sld [smem:$0x3FB1];
	_ =	sdelay $0x3  }
0x34: {  	[smem:$0x3FB1] =	sst s10  }
0x35: {  	s10 =	sld [smem:$0x3FB0];
	_ =	sdelay $0x3  }
0x36: {  	p1 =	seq.s32 s10, $0x1;
	s10 =	sld [smem:$0x3FB1];
	_ =	sdelay $0x3  }
0x37: {  	[smem:$0x3FB1] =	sst s10  }
0x38: {  	s10 =	sld [smem:$0x3FB2]  }
0x39: {  	_ = 	snop;
	(pc) =	sbr.ind lr, $3  }
0x3a: {  	_ = 	snop  }
0x3b: {  	_ = 	snop  }
0x3c: {  	p2 =	seq.s32 s10, $0x1;
	s10 =	sld [smem:$0x3FB1]  }
0x3d: {  	_ =	shalt  }
0x3e: {  	_ =	shalt  }
0x3f: {  	_ =	shalt  }
0x40: {  	_ =	shalt  }
0x41: {  	_ =	shalt  }
0x42: {  	_ =	shalt  }
0x43: {  	_ =	shalt  }
0x44: {  	_ =	shalt  }
0x45: {  	_ =	shalt  }
0x46: {  	_ =	shalt  }
0x47: {  	_ =	shalt  }
0x48: {  	_ =	shalt  }
0x49: {  	_ =	shalt  }
0x4a: {  	_ =	shalt  }
0x4b: {  	_ =	shalt  }
0x4c: {  	_ =	shalt  }
0x4d: {  	_ =	shalt  }
0x4e: {  	_ =	shalt  }
0x4f: {  	_ =	shalt  }
0x50: {  	_ =	shalt  }
0x51: {  	_ =	shalt  }
0x52: {  	_ =	shalt  }
0x53: {  	_ =	shalt  }
0x54: {  	_ =	shalt  }
0x55: {  	_ =	shalt  }
0x56: {  	_ =	shalt  }
0x57: {  	_ =	shalt  }
0x58: {  	_ =	shalt  }
0x59: {  	_ =	shalt  }
0x5a: {  	_ =	shalt  }
0x5b: {  	_ =	shalt  }
0x5c: {  	_ =	shalt  }
0x5d: {  	_ =	shalt  }
0x5e: {  	_ =	shalt  }
0x5f: {  	_ =	shalt  }
0x60: {  	_ =	shalt  }
0x61: {  	_ =	shalt  }
0x62: {  	_ =	shalt  }
0x63: {  	_ =	shalt  }
0x64: {  	_ =	shalt  }
0x65: {  	_ =	shalt  }
0x66: {  	_ =	shalt  }
0x67: {  	_ =	shalt  }
0x68: {  	_ =	shalt  }
0x69: {  	_ =	shalt  }
0x6a: {  	_ =	shalt  }
0x6b: {  	_ =	shalt  }
0x6c: {  	_ =	shalt  }
0x6d: {  	_ =	shalt  }
0x6e: {  	_ =	shalt  }
0x6f: {  	_ =	shalt  }
0x70: {  	_ =	shalt  }
0x71: {  	_ =	shalt  }
0x72: {  	_ =	shalt  }
0x73: {  	_ =	shalt  }
0x74: {  	_ =	shalt  }
0x75: {  	_ =	shalt  }
0x76: {  	_ =	shalt  }
0x77: {  	_ =	shalt  }
0x78: {  	_ =	shalt  }
0x79: {  	_ =	shalt  }
0x7a: {  	_ =	shalt  }
0x7b: {  	_ =	shalt  }
0x7c: {  	_ =	shalt  }
0x7d: {  	_ =	shalt  }
0x7e: {  	_ =	shalt  }
0x7f: {  	_ =	shalt  }
0x80: {  	_ =	shalt  }
0x81: {  	_ =	shalt  }
0x82: {  	_ =	shalt  }
0x83: {  	_ =	shalt  }
0x84: {  	_ =	shalt  }
0x85: {  	_ =	shalt  }
0x86: {  	_ =	shalt  }
0x87: {  	_ =	shalt  }
.Lfunc_end0:
.L_simem_size_0:
called_computation.2_lowered:
.L_overlay_start_0:
0x88: {  	s2 =	sld [smem:$0x3FD9]  }
0x89: {  	s3 =	sld [smem:$0x3FFE];
	_ =	sdelay $0x1  }
0x8a: {  	s1 =	srdreg.scid  }
0x8b: {  	s0 =	sand.u32 $0x1, s1  }
0x8c: {  	s17 =	sshll.u32 s0, $0xA;
	s2 =	sadd.s32 s3, s2  }
0x8d: {  	s2 =	sadd.s32 s2, s17  }
0x8e: {  	[smem:$0x3FBD] =	sst s2  }
0x8f: {  	_ = 	snop  }
0x90: {  	s2 =	sld [smem:$0x3FD0];
	(tm) =	ssettm $0x1  }
0x91: {  	s18 =	sld [smem:$0x3FFB];
	_ =	sdelay $0x3  }
0x92: {  	_ =	strace s18  }
0x93: {  	s3 =	sld [smem:$0x3FFC];
	_ =	sdelay $0x3  }
0x94: {  	_ =	strace s3  }
0x95: {  	s3 =	sld [smem:$0x3FFD];
	_ =	sdelay $0x3  }
0x96: {  	_ =	strace s3  }
0x97: {  	_ =	strace $0x8FFFFFFF  }
0x98: {  	s19 =	sld [smem:$0x3FDB];
	_ =	sdelay $0x1  }
0x99: {  	s4 =	simm.s32 $_scs_section_size  }
0x9a: {  	s5 =	simm.s32 $_size__tile_overlayer_lowered;
	s6 =	simm.s32 $_tile_overlayer_lowered  }
0x9b: {  	s22 =	simm.s32 $0x1BFF;
	s21 =	sshll.u32 s6, $0x1;
	s3 =	sadd.s32 s4, s19  }
0x9c: {  	s7 =	simm.s32 $0x0;
	s20 =	sshll.u32 s5, $0x1;
	s5 =	sadd.s32 s21, s3  }
0x9d: {  	[timem:s7], [sflag:s22] =	dma.local [hbm:s5], s20  }
0x9e: {  	_ =	swait.ge [sflag:s22], s20  }
0x9f: {  	s4 =	ssub.s32 $0x0, s20;
	[sflag:s22] =	ssyncset.done $0x0  }
0xa0: {  	[sflag:s22] =	ssyncadd.s32 s4;
	_ =	sdelay $0x1  }
0xa1: {  	s23 =	simm.s32 $0x1B8B  }
0xa2: {  	_ =	swait.ge [sflag:s23], $0x1  }
0xa3: {  	[sflag:s23] =	ssyncset.done $0x0  }
0xa4: {  	s25 =	simm.s32 $0x1B8E;
	s24 =	sld [smem:$0x3FFE];
	[sflag:s23] =	ssyncadd.s32 $0xFFFFFFFF  }
0xa5: {  	s26 =	simm.s32 $execute0_lowered;
	[smem:$0x3FD2] =	sst s25  }
0xa6: {  	s5 =	sshll.u32 s26, $0x1;
	_ =	strace $0x8000004C;
	[dreg:$0x1] =	wrdreg $0xFFFFFFFF  }
0xa7: {  	s28 =	simm.s32 $_size_execute0_lowered;
	s3 =	sadd.s32 s3, s5;
	[dreg:$0x0] =	wrdreg $0x0  }
0xa8: {  	s5 =	sshll.u32 s28, $0x1;
	[dreg:$0x2] =	wrdreg s3  }
0xa9: {  	[dreg:$0x3] =	wrdreg s5  }
0xaa: {  	[dreg:$0x4] =	wrdreg $0xC0  }
0xab: {  	_ =	task [dreg:s7], $0x5FFFF  }
0xac: {  	[dreg:$0x1] =	wrdreg $0xFFFFFFFF  }
0xad: {  	[dreg:$0x0] =	wrdreg $0x60  }
0xae: {  	[dreg:$0x2] =	wrdreg s2  }
0xaf: {  	[dreg:$0x3] =	wrdreg s24  }
0xb0: {  	[dreg:$0x4] =	wrdreg $0x0  }
0xb1: {  	[dreg:$0x5] =	wrdreg $0x9  }
0xb2: {  	_ =	task.clear_ibuf [dreg:s7], $0x6FFFF;
	_ =	strace $0x9000004C  }
0xb3: {  	s29 =	simm.s32 $0x9;
	_ =	strace $0x8000004E  }
0xb4: {  	_ =	swait.ge [sflag:s29], $0x1  }
0xb5: {  	[sflag:s29] =	ssyncadd.s32 $0xFFFFFFFF  }
0xb6: {  	_ =	strace $0x9000004E  }
0xb7: {  	_ =	sfence  }
0xb8: {  	s30 =	sld [smem:$0x0];
	_ =	sdelay $0x2  }
0xb9: {  	s31 =	sshll.u32 s1, $0xD;
	s1 =	sshrl.u32 s1, $0x2  }
0xba: {  	s3 =	sand.u32 $0x4000, s31;
	s1 =	sadd.s32 s1, s30  }
0xbb: {  	s0 =	sor.u32 s3, s0;
	s1 =	sshll.u32 s1, $0x11  }
0xbc: {  	s0 =	sor.u32 s1, s0  }
0xbd: {  	s0 =	sadd.s32 $0x8F2B, s0  }
0xbe: {  	[sflag:s0] =	ssyncadd.remote.s32 $0x1  }
0xbf: {  	_ =	sfence.sel $0xFFFF  }
0xc0: {  	[dreg:$0x0] =	wrdreg $0xFFFFFFFF;
	(pc) =	sbr.abs _section_cstart, $3  }
0xc1: {  	[dreg:$0x1] =	wrdreg $0xFFFFFFFF  }
0xc2: {  	_ =	task.clear_ibuf [dreg:s7], $0x2FFFF;
	_ =	strace $0x9FFFFFFF  }
0xc3: {  	(tm) =	ssettm $0x7FFFFFFF  }
tec
execute0_lowered:
.L_overlay_start_1:
0x0: {  	(tag) =	ssettag $0x1  }
0x1: {  	s1 =	rddreg [dreg:$0x0]  }
0x2: {  	s0 =	rddreg [dreg:$0x1]  }
0x3: {  	s3 =	rddreg [dreg:$0x2]  }
0x4: {  	s2 =	srdreg.scid;
	s12 =	stileid.u32;
	s4 =	simm.s32 $0x0  }
0x5: {  	s28 =	simm.s32 $0x3;
	s29 =	simm.s32 $0x6;
	s2 =	sand.u32 $0x1, s2  }
0x6: {  	s5 =	sshll.u32 s12, $0x1;
	[smem:$0x7FF] =	sst s4;
	s25 =	smul.u32 $0x4E000, s12  }
0x7: {  	s13 =	sadd.s32 $0x18A00, s0;
	s14 =	sadd.s32 $0x8E000, s0;
	s10 =	smul.u32 $0x2700, s12  }
0x8: {  	s31 =	smul.u32 $0x4E20, s12;
	p1 =	sne.s32 s12, $0xF;
	p2 =	seq.s32 s12, $0xF  }
0x9: {  	s6 =	sor.u32 s2, s5;
	_ =	strace $0x8000004D;
	[dreg:$0x4] =	wrdreg s13  }
0xa: {  	s5 =	sadd.s32 $0xEC00, s0;
	s8 =	ssub.s32 $0x2, s2;
	[dreg:$0x5] =	wrdreg s14  }
0xb: {  	s7 =	smul.u32 $0x2710, s6;
	s6 =	sadd.s32 $0x4E00, s0;
	s23 =	sshrl.u32 s8, $0x1  }
0xc: {  	s18 =	sshrl.u32 s25, $0x2;
	s19 =	sadd.s32 s13, s10;
	s0 =	ssub.s32 s8, s23  }
0xd: {  	s15 =	sadd.s32 s18, s3;
	[dreg:$0xc] =	wrdreg s19;
	s0 =	smax.u32 s0, $0x1  }
0xe: {  	s17 =	smul.u32 $0x2710, s2;
	s12 =	sadd.s32 $0x5000, s15;
	[dreg:$0xe] =	wrdreg s0  }
0xf: {  	s30 =	simm.s32 $0x4;
	s13 =	sadd.s32 $0x6400, s15;
	[dreg:$0x13] =	wrdreg s12  }
0x10: {  	s20 =	sadd.s32 s17, s31;
	s17 =	sadd.s32 $0xA000, s15;
	[dreg:$0x14] =	wrdreg s13  }
0x11: {  	s7 =	sshrl.u32 s7, $0x3;
	s18 =	sadd.s32 $0xB400, s15;
	[dreg:$0x17] =	wrdreg s17  }
0x12: {  	s25 =	sadd.s32 $0x180, s20;
	s19 =	sadd.s32 $0xC800, s15;
	[dreg:$0x18] =	wrdreg s18  }
0x13: {  	s24 =	sadd.s32 s5, s7;
	s9 =	sadd.s32 s6, s7;
	[dreg:$0x19] =	wrdreg s19  }
0x14: {  	s26 =	sadd.s32 $0x10, s7;
	s31 =	sshrl.u32 s25, $0x3;
	[dreg:$0x6] =	wrdreg s24  }
0x15: {  	s25 =	sadd.s32 $0x100, s20;
	s20 =	sadd.s32 $0xDC00, s15;
	[dreg:$0x7] =	wrdreg s9  }
0x16: {  	s21 =	sadd.s32 $0x138000, s3;
	s11 =	sadd.s32 s5, s26;
	[dreg:$0x1a] =	wrdreg s20  }
0x17: {  	s7 =	sadd.s32 $0x4E0, s7;
	s9 =	sadd.s32 s6, s26;
	[dreg:$0x8] =	wrdreg s11  }
0x18: {  	p0 =	seq.s32 s2, $0x1;
	s16 =	sadd.s32 s5, s7;
	[dreg:$0x9] =	wrdreg s9  }
0x19: {  	s12 =	simm.s32 $0x80;
	s7 =	sadd.s32 s6, s7;
	[dreg:$0xa] =	wrdreg s16  }
0x1a: {  	s13 =	simm.s32 $0x13B80;
	s24 =	sadd.s32 s14, s10;
	[dreg:$0xb] =	wrdreg s7  }
0x1b: {  	s18 =	simm.s32 $0x13900;
	s26 =	sadd.s32 $0x1400, s15;
	[dreg:$0xd] =	wrdreg s24  }
0x1c: {  	s19 =	simm.s32 $0x17B80;
	s10 =	sadd.s32 $0x3C00, s15;
	[dreg:$0xf] =	wrdreg s26  }
0x1d: {  	s22 =	sadd.s32 s31, s6;
	s14 =	sadd.s32 $0x7800, s15;
	[dreg:$0x11] =	wrdreg s10  }
0x1e: {  	s23 =	sadd.s32 s31, s5;
	s31 =	sadd.s32 $0x12C00, s15;
	[dreg:$0x15] =	wrdreg s14  }
0x1f: {  	s17 =	simm.s32 $0x13B00;
	s9 =	sadd.s32 $0x2800, s15;
	[dreg:$0x1e] =	wrdreg s31  }
0x20: {  	s20 =	simm.s32 $0x13A00;
	s11 =	sshrl.u32 s21, $0x3;
	[dreg:$0x10] =	wrdreg s9  }
0x21: {  	s16 =	sadd.s32 $0x8C00, s15;
	s21 =	sadd.s32 $0xF000, s15;
	[dreg:$0x12] =	wrdreg s11  }
.Ltmp0:
0x22: {  	s24 =	sadd.s32 $0x10400, s15;
	[dreg:$0x16] =	wrdreg s16;
	(pc) =	sbr.rel .LBB2_1-.Ltmp0, $4  }
0x23: {  	s26 =	sadd.s32 $0x11800, s15;
	s10 =	simm.s32 $0x5;
	[dreg:$0x1b] =	wrdreg s21  }
0x24: {  	s14 =	simm.s32 $0x13980;
	s7 =	simm.s32 $0x0;
	[dreg:$0x1c] =	wrdreg s24  }
0x25: {  	[dreg:$0x1d] =	wrdreg s26;
	s9 =	simm.s32 $0x1C380;
	s11 =	simm.s32 $0x13880  }
0x26: {  	v0 =	vimm.f32 $0.0e+00;
	s21 =	simm.s32 $0x1;
	s26 =	simm.s32 $0x2;
	s16 =	simm.s32 $0x1BB80  }
.LBB2_8:
0x27: {  	s0 =	sadd.s32 $0x27000, s8;
	s31 =	rddreg [dreg:$0x12]  }
0x28: {  	[hbm:s0], [sflag:s2] =	dma.local [spmem:s31], $0x100  }
0x29: {  	_ =	swait.ge [sflag:s10], $0x100  }
0x2a: {  	[sflag:s10] =	ssyncset.done $0x0  }
0x2b: {  	[sflag:s10] =	ssyncadd.s32 $0xFFFFFF00  }
.LBB2_9:
0x2c: {  	s7 =	sadd.s32 $0x1, s7;
	s0 =	rddreg [dreg:$0xe]  }
0x2d: {  	p3 =	sne.s32 s7, s0  }
.Ltmp1:
0x2e: {  	_ = 	snop;
	(pc) =	sbr.rel @!p3 .LBB2_10-.Ltmp1, $1  }
0x2f: {  	_ =	sdelay $0x3  }
.LBB2_1:
0x30: {  	s2 =	simm.s32 $0x0;
	s8 =	simm.s32 $0x200  }
.LBB2_2:
0x31: {  	p3 =	sne.s32 s8, $0x4E00;
	[tilespmem:s2+$0x1C3F0] =	vst v0  }
0x32: {  	[tilespmem:s2+$0x1C380] =	vst v0  }
0x33: {  	[tilespmem:s2+$0x1C390] =	vst v0  }
.Ltmp2:
0x34: {  	[tilespmem:s2+$0x1C3A0] =	vst v0;
	(pc) =	sbr.rel @p3 .LBB2_2-.Ltmp2, $4  }
0x35: {  	[tilespmem:s2+$0x1C3B0] =	vst v0  }
0x36: {  	[tilespmem:s2+$0x1C3C0] =	vst v0  }
0x37: {  	[tilespmem:s2+$0x1C3D0] =	vst v0  }
0x38: {  	[tilespmem:s2+$0x1C3E0] =	vst v0;
	s2 =	sshra.s32 s8, $0x2;
	s8 =	sadd.s32 $0x200, s8  }
0x39: {  	[tilespmem:s2+$0x1C3F0] =	vst v0  }
0x3a: {  	[tilespmem:s2+$0x1C380] =	vst v0  }
0x3b: {  	[tilespmem:s2+$0x1C390] =	vst v0  }
0x3c: {  	[tilespmem:s2+$0x1C3A0] =	vst v0  }
0x3d: {  	[tilespmem:s2+$0x1C3B0] =	vst v0  }
0x3e: {  	[tilespmem:s2+$0x1C3C0] =	vst v0  }
0x3f: {  	[tilespmem:s2+$0x1C3D0] =	vst v0  }
0x40: {  	[tilespmem:s2+$0x1C3E0] =	vst v0  }
0x41: {  	[spmem:s15] =	stream.linear.scatter [tilespmem:s9], [sflag:$0x5], $0x1400, $0x38;
	[tilespmem:$0x1D780] =	vst v63  }
0x42: {  	_ =	swait.ge [sflag:s10], $0x1400  }
0x43: {  	[sflag:s10] =	ssyncset.done $0x0  }
0x44: {  	s0 =	rddreg [dreg:$0xf];
	[sflag:s10] =	ssyncadd.s32 $0xFFFFEC00  }
0x45: {  	[spmem:s0] =	stream.linear.scatter [tilespmem:s9], [sflag:$0x5], $0x1400, $0x38;
	[tilespmem:$0x1D780] =	vst v63  }
0x46: {  	_ =	swait.ge [sflag:s10], $0x1400  }
0x47: {  	[sflag:s10] =	ssyncset.done $0x0  }
0x48: {  	s8 =	rddreg [dreg:$0x10];
	[sflag:s10] =	ssyncadd.s32 $0xFFFFEC00  }
0x49: {  	[spmem:s8] =	stream.linear.scatter [tilespmem:s9], [sflag:$0x5], $0x1400, $0x38;
	[tilespmem:$0x1D780] =	vst v63  }
0x4a: {  	_ =	swait.ge [sflag:s10], $0x1400  }
0x4b: {  	[sflag:s10] =	ssyncset.done $0x0  }
0x4c: {  	s24 =	rddreg [dreg:$0x11];
	[sflag:s10] =	ssyncadd.s32 $0xFFFFEC00  }
0x4d: {  	[spmem:s24] =	stream.linear.scatter [tilespmem:s9], [sflag:$0x5], $0x1400, $0x38;
	[tilespmem:$0x1D780] =	vst v63  }
0x4e: {  	_ =	swait.ge [sflag:s10], $0x1400  }
0x4f: {  	[sflag:s10] =	ssyncset.done $0x0  }
0x50: {  	s31 =	rddreg [dreg:$0x13];
	[sflag:s10] =	ssyncadd.s32 $0xFFFFEC00  }
0x51: {  	[spmem:s31] =	stream.linear.scatter [tilespmem:s9], [sflag:$0x5], $0x1400, $0x38;
	[tilespmem:$0x1D780] =	vst v63  }
0x52: {  	_ =	swait.ge [sflag:s10], $0x1400  }
0x53: {  	[sflag:s10] =	ssyncset.done $0x0  }
0x54: {  	s2 =	rddreg [dreg:$0x14];
	[sflag:s10] =	ssyncadd.s32 $0xFFFFEC00  }
0x55: {  	[spmem:s2] =	stream.linear.scatter [tilespmem:s9], [sflag:$0x5], $0x1400, $0x38;
	[tilespmem:$0x1D780] =	vst v63  }
0x56: {  	_ =	swait.ge [sflag:s10], $0x1400  }
0x57: {  	[sflag:s10] =	ssyncset.done $0x0  }
0x58: {  	s8 =	rddreg [dreg:$0x15];
	[sflag:s10] =	ssyncadd.s32 $0xFFFFEC00  }
0x59: {  	[spmem:s8] =	stream.linear.scatter [tilespmem:s9], [sflag:$0x5], $0x1400, $0x38;
	[tilespmem:$0x1D780] =	vst v63  }
0x5a: {  	_ =	swait.ge [sflag:s10], $0x1400  }
0x5b: {  	[sflag:s10] =	ssyncset.done $0x0  }
0x5c: {  	s24 =	rddreg [dreg:$0x16];
	[sflag:s10] =	ssyncadd.s32 $0xFFFFEC00  }
0x5d: {  	[spmem:s24] =	stream.linear.scatter [tilespmem:s9], [sflag:$0x5], $0x1400, $0x38;
	[tilespmem:$0x1D780] =	vst v63  }
0x5e: {  	_ =	swait.ge [sflag:s10], $0x1400  }
0x5f: {  	[sflag:s10] =	ssyncset.done $0x0  }
0x60: {  	s31 =	rddreg [dreg:$0x17];
	[sflag:s10] =	ssyncadd.s32 $0xFFFFEC00  }
0x61: {  	[spmem:s31] =	stream.linear.scatter [tilespmem:s9], [sflag:$0x5], $0x1400, $0x38;
	[tilespmem:$0x1D780] =	vst v63  }
0x62: {  	_ =	swait.ge [sflag:s10], $0x1400  }
0x63: {  	[sflag:s10] =	ssyncset.done $0x0  }
0x64: {  	s2 =	rddreg [dreg:$0x18];
	[sflag:s10] =	ssyncadd.s32 $0xFFFFEC00  }
0x65: {  	[spmem:s2] =	stream.linear.scatter [tilespmem:s9], [sflag:$0x5], $0x1400, $0x38;
	[tilespmem:$0x1D780] =	vst v63  }
0x66: {  	_ =	swait.ge [sflag:s10], $0x1400  }
0x67: {  	[sflag:s10] =	ssyncset.done $0x0  }
0x68: {  	s8 =	rddreg [dreg:$0x19];
	[sflag:s10] =	ssyncadd.s32 $0xFFFFEC00  }
0x69: {  	[spmem:s8] =	stream.linear.scatter [tilespmem:s9], [sflag:$0x5], $0x1400, $0x38;
	[tilespmem:$0x1D780] =	vst v63  }
0x6a: {  	_ =	swait.ge [sflag:s10], $0x1400  }
0x6b: {  	[sflag:s10] =	ssyncset.done $0x0  }
0x6c: {  	s24 =	rddreg [dreg:$0x1a];
	[sflag:s10] =	ssyncadd.s32 $0xFFFFEC00  }
0x6d: {  	[spmem:s24] =	stream.linear.scatter [tilespmem:s9], [sflag:$0x5], $0x1400, $0x38;
	[tilespmem:$0x1D780] =	vst v63  }
0x6e: {  	_ =	swait.ge [sflag:s10], $0x1400  }
0x6f: {  	[sflag:s10] =	ssyncset.done $0x0  }
0x70: {  	s31 =	rddreg [dreg:$0x1b];
	[sflag:s10] =	ssyncadd.s32 $0xFFFFEC00  }
0x71: {  	[spmem:s31] =	stream.linear.scatter [tilespmem:s9], [sflag:$0x5], $0x1400, $0x38;
	[tilespmem:$0x1D780] =	vst v63  }
0x72: {  	_ =	swait.ge [sflag:s10], $0x1400  }
0x73: {  	[sflag:s10] =	ssyncset.done $0x0  }
0x74: {  	s2 =	rddreg [dreg:$0x1c];
	[sflag:s10] =	ssyncadd.s32 $0xFFFFEC00  }
0x75: {  	[spmem:s2] =	stream.linear.scatter [tilespmem:s9], [sflag:$0x5], $0x1400, $0x38;
	[tilespmem:$0x1D780] =	vst v63  }
0x76: {  	_ =	swait.ge [sflag:s10], $0x1400  }
0x77: {  	[sflag:s10] =	ssyncset.done $0x0  }
0x78: {  	s8 =	rddreg [dreg:$0x1d];
	[sflag:s10] =	ssyncadd.s32 $0xFFFFEC00  }
0x79: {  	[spmem:s8] =	stream.linear.scatter [tilespmem:s9], [sflag:$0x5], $0x1400, $0x38;
	[tilespmem:$0x1D780] =	vst v63  }
0x7a: {  	_ =	swait.ge [sflag:s10], $0x1400  }
0x7b: {  	[sflag:s10] =	ssyncset.done $0x0  }
0x7c: {  	s24 =	rddreg [dreg:$0x1e];
	[sflag:s10] =	ssyncadd.s32 $0xFFFFEC00  }
0x7d: {  	[spmem:s24] =	stream.linear.scatter [tilespmem:s9], [sflag:$0x5], $0x1400, $0x38;
	[tilespmem:$0x1D780] =	vst v63  }
0x7e: {  	_ =	swait.ge [sflag:s10], $0x1400  }
0x7f: {  	[sflag:s10] =	ssyncset.done $0x0  }
0x80: {  	[sflag:s10] =	ssyncadd.s32 $0xFFFFEC00  }
0x81: {  	[bflag:$0x0] =	sbarrier.arrive $0xFFFF  }
0x82: {  	s2 =	simm.s32 $0x0;
	s31 =	rddreg [dreg:$0x6]  }
0x83: {  	[tilespmem:s11], [sflag:$0x5] =	stream.linear.gather [hbm4b:s31+s2], $0x80, $0x38;
	[tilespmem:$0x1D780] =	vst v63  }
0x84: {  	_ =	swait.ge [sflag:s10], $0x80  }
0x85: {  	[sflag:s10] =	ssyncset.done $0x0  }
0x86: {  	[sflag:s10] =	ssyncadd.s32 $0xFFFFFF80  }
0x87: {  	[tilespmem:s13], [sflag:$0x1] =	stream.indirect.gather [hbm4b:s1+s12], $0x80, s11, s12, $0xb8;
	[tilespmem:$0x1D780] =	vst v63  }
0x88: {  	s8 =	rddreg [dreg:$0x7]  }
0x89: {  	[tilespmem:s14], [sflag:$0x5] =	stream.linear.gather [hbm4b:s8+s2], $0x80, $0x38;
	[tilespmem:$0x1D780] =	vst v63  }
0x8a: {  	_ =	swait.ge [sflag:s10], $0x80  }
0x8b: {  	[sflag:s10] =	ssyncset.done $0x0  }
0x8c: {  	s24 =	rddreg [dreg:$0x8];
	[sflag:s10] =	ssyncadd.s32 $0xFFFFFF80  }
0x8d: {  	[tilespmem:s18], [sflag:$0x5] =	stream.linear.gather [hbm4b:s24+s2], $0x80, $0x38;
	[tilespmem:$0x1D780] =	vst v63  }
0x8e: {  	_ =	swait.ge [sflag:s10], $0x80  }
0x8f: {  	[sflag:s10] =	ssyncset.done $0x0  }
0x90: {  	[sflag:s10] =	ssyncadd.s32 $0xFFFFFF80  }
0x91: {  	[tilespmem:s19], [sflag:$0x2] =	stream.indirect.gather [hbm4b:s1+s12], $0x80, s18, s12, $0xb8;
	[tilespmem:$0x1D780] =	vst v63  }
0x92: {  	s31 =	rddreg [dreg:$0x9]  }
0x93: {  	[tilespmem:s20], [sflag:$0x5] =	stream.linear.gather [hbm4b:s31+s2], $0x80, $0x38;
	[tilespmem:$0x1D780] =	vst v63  }
0x94: {  	_ =	swait.ge [sflag:s10], $0x80  }
0x95: {  	[sflag:s10] =	ssyncset.done $0x0  }
0x96: {  	[sflag:s10] =	ssyncadd.s32 $0xFFFFFF80  }
0x97: {  	_ =	swait.ge [sflag:s21], $0x4000  }
0x98: {  	[sflag:s21] =	ssyncset.done $0x0  }
0x99: {  	[sflag:s21] =	ssyncadd.s32 $0xFFFFC000  }
0x9a: {  	[spmem:s3] =	stream.indirect.scatter.add.f32 [tilespmem:s13], [sflag:$0x3], $0x80, s14, s12, $0xb8;
	[tilespmem:$0x1D780] =	vst v63  }
0x9b: {  	_ =	swait.ge [sflag:s26], $0x4000  }
0x9c: {  	[sflag:s26] =	ssyncset.done $0x0  }
0x9d: {  	[sflag:s26] =	ssyncadd.s32 $0xFFFFC000  }
0x9e: {  	[spmem:s3] =	stream.indirect.scatter.add.f32 [tilespmem:s19], [sflag:$0x4], $0x80, s20, s12, $0xb8;
	[tilespmem:$0x1D780] =	vst v63  }
0x9f: {  	_ =	swait.ge [sflag:s28], $0x4000  }
0xa0: {  	s0 =	sshrl.u32 s25, $0x3;
	[sflag:s28] =	ssyncset.done $0x0  }
0xa1: {  	s8 =	sadd.s32 s5, s0;
	[sflag:s28] =	ssyncadd.s32 $0xFFFFC000  }
0xa2: {  	[tilespmem:s11], [sflag:$0x6] =	stream.linear.gather [hbm4b:s8+s4], $0x80, $0x38;
	[tilespmem:$0x1D780] =	vst v63  }
0xa3: {  	_ =	swait.ge [sflag:s29], $0x80  }
0xa4: {  	[sflag:s29] =	ssyncset.done $0x0  }
0xa5: {  	[sflag:s29] =	ssyncadd.s32 $0xFFFFFF80  }
0xa6: {  	[tilespmem:s13], [sflag:$0x1] =	stream.indirect.gather [hbm4b:s1+s12], $0x80, s11, s12, $0xb8;
	[tilespmem:$0x1D780] =	vst v63  }
0xa7: {  	s2 =	sadd.s32 s6, s0  }
0xa8: {  	[tilespmem:s14], [sflag:$0x6] =	stream.linear.gather [hbm4b:s2+s4], $0x80, $0x38;
	[tilespmem:$0x1D780] =	vst v63  }
0xa9: {  	_ =	swait.ge [sflag:s29], $0x80  }
0xaa: {  	[sflag:s29] =	ssyncset.done $0x0  }
0xab: {  	[sflag:s29] =	ssyncadd.s32 $0xFFFFFF80  }
0xac: {  	_ =	swait.ge [sflag:s30], $0x4000  }
0xad: {  	[sflag:s30] =	ssyncset.done $0x0  }
0xae: {  	s24 =	sadd.s32 $0x0, s23;
	[sflag:s30] =	ssyncadd.s32 $0xFFFFC000  }
0xaf: {  	[tilespmem:s18], [sflag:$0x6] =	stream.linear.gather [hbm4b:s24+s4], $0x80, $0x38;
	[tilespmem:$0x1D780] =	vst v63  }
0xb0: {  	_ =	swait.ge [sflag:s29], $0x80  }
0xb1: {  	[sflag:s29] =	ssyncset.done $0x0  }
0xb2: {  	[sflag:s29] =	ssyncadd.s32 $0xFFFFFF80  }
0xb3: {  	[tilespmem:s19], [sflag:$0x2] =	stream.indirect.gather [hbm4b:s1+s12], $0x80, s18, s12, $0xb8;
	[tilespmem:$0x1D780] =	vst v63  }
0xb4: {  	s31 =	sadd.s32 $0x0, s22  }
0xb5: {  	[tilespmem:s20], [sflag:$0x5] =	stream.linear.gather [hbm4b:s31+s4], $0x80, $0x38;
	[tilespmem:$0x1D780] =	vst v63  }
0xb6: {  	_ =	swait.ge [sflag:s10], $0x80  }
0xb7: {  	s8 =	simm.s32 $0x20;
	s24 =	smov.u32 s25;
	[sflag:s10] =	ssyncset.done $0x0  }
.LBB2_4:
0xb8: {  	p3 =	sne.s32 s8, $0x4A0;
	[sflag:s10] =	ssyncadd.s32 $0xFFFFFF80;
	s24 =	sadd.s32 $0x100, s24  }
0xb9: {  	s2 =	smov.u32 s8;
	s8 =	sadd.s32 $0x20, s8  }
0xba: {  	_ =	swait.ge [sflag:s21], $0x4000  }
0xbb: {  	[sflag:s21] =	ssyncset.done $0x0  }
0xbc: {  	[sflag:s21] =	ssyncadd.s32 $0xFFFFC000  }
0xbd: {  	[spmem:s3] =	stream.indirect.scatter.add.f32 [tilespmem:s13], [sflag:$0x3], $0x80, s14, s12, $0xb8;
	[tilespmem:$0x1D780] =	vst v63  }
0xbe: {  	_ =	swait.ge [sflag:s26], $0x4000  }
0xbf: {  	[sflag:s26] =	ssyncset.done $0x0  }
0xc0: {  	[sflag:s26] =	ssyncadd.s32 $0xFFFFC000  }
0xc1: {  	[spmem:s3] =	stream.indirect.scatter.add.f32 [tilespmem:s19], [sflag:$0x4], $0x80, s20, s12, $0xb8;
	[tilespmem:$0x1D780] =	vst v63  }
0xc2: {  	_ =	swait.ge [sflag:s28], $0x4000  }
0xc3: {  	s31 =	sshrl.u32 s24, $0x3;
	[sflag:s28] =	ssyncset.done $0x0  }
0xc4: {  	s0 =	sadd.s32 s5, s31;
	[sflag:s28] =	ssyncadd.s32 $0xFFFFC000  }
0xc5: {  	[tilespmem:s11], [sflag:$0x6] =	stream.linear.gather [hbm4b:s0+s4], $0x80, $0x38;
	[tilespmem:$0x1D780] =	vst v63  }
0xc6: {  	_ =	swait.ge [sflag:s29], $0x80  }
0xc7: {  	[sflag:s29] =	ssyncset.done $0x0  }
0xc8: {  	[sflag:s29] =	ssyncadd.s32 $0xFFFFFF80  }
0xc9: {  	[tilespmem:s13], [sflag:$0x1] =	stream.indirect.gather [hbm4b:s1+s12], $0x80, s11, s12, $0xb8;
	[tilespmem:$0x1D780] =	vst v63  }
0xca: {  	s0 =	sadd.s32 s6, s31  }
0xcb: {  	[tilespmem:s14], [sflag:$0x6] =	stream.linear.gather [hbm4b:s0+s4], $0x80, $0x38;
	[tilespmem:$0x1D780] =	vst v63  }
0xcc: {  	_ =	swait.ge [sflag:s29], $0x80  }
0xcd: {  	[sflag:s29] =	ssyncset.done $0x0  }
0xce: {  	[sflag:s29] =	ssyncadd.s32 $0xFFFFFF80  }
0xcf: {  	_ =	swait.ge [sflag:s30], $0x4000  }
0xd0: {  	[sflag:s30] =	ssyncset.done $0x0  }
0xd1: {  	s0 =	sadd.s32 s2, s23;
	[sflag:s30] =	ssyncadd.s32 $0xFFFFC000  }
0xd2: {  	[tilespmem:s18], [sflag:$0x6] =	stream.linear.gather [hbm4b:s0+s4], $0x80, $0x38;
	[tilespmem:$0x1D780] =	vst v63  }
0xd3: {  	_ =	swait.ge [sflag:s29], $0x80  }
0xd4: {  	[sflag:s29] =	ssyncset.done $0x0  }
0xd5: {  	[sflag:s29] =	ssyncadd.s32 $0xFFFFFF80  }
0xd6: {  	[tilespmem:s19], [sflag:$0x2] =	stream.indirect.gather [hbm4b:s1+s12], $0x80, s18, s12, $0xb8;
	[tilespmem:$0x1D780] =	vst v63  }
.Ltmp3:
0xd7: {  	_ = 	snop;
	(pc) =	sbr.rel @p3 .LBB2_4-.Ltmp3, $4  }
0xd8: {  	s0 =	sadd.s32 s2, s22  }
0xd9: {  	[tilespmem:s20], [sflag:$0x5] =	stream.linear.gather [hbm4b:s0+s4], $0x80, $0x38;
	[tilespmem:$0x1D780] =	vst v63  }
0xda: {  	_ =	swait.ge [sflag:s10], $0x80  }
0xdb: {  	[sflag:s10] =	ssyncset.done $0x0  }
0xdc: {  	[sflag:s10] =	ssyncadd.s32 $0xFFFFFF80  }
0xdd: {  	_ =	swait.ge [sflag:s21], $0x4000  }
0xde: {  	[sflag:s21] =	ssyncset.done $0x0  }
0xdf: {  	[sflag:s21] =	ssyncadd.s32 $0xFFFFC000  }
0xe0: {  	[spmem:s3] =	stream.indirect.scatter.add.f32 [tilespmem:s13], [sflag:$0x3], $0x80, s14, s12, $0xb8;
	[tilespmem:$0x1D780] =	vst v63  }
0xe1: {  	_ =	swait.ge [sflag:s26], $0x4000  }
0xe2: {  	[sflag:s26] =	ssyncset.done $0x0  }
0xe3: {  	[sflag:s26] =	ssyncadd.s32 $0xFFFFC000  }
0xe4: {  	[spmem:s3] =	stream.indirect.scatter.add.f32 [tilespmem:s19], [sflag:$0x4], $0x80, s20, s12, $0xb8;
	[tilespmem:$0x1D780] =	vst v63  }
0xe5: {  	_ =	swait.ge [sflag:s28], $0x4000  }
0xe6: {  	[sflag:s28] =	ssyncset.done $0x0  }
0xe7: {  	[sflag:s28] =	ssyncadd.s32 $0xFFFFC000  }
0xe8: {  	_ =	swait.ge [sflag:s30], $0x4000  }
0xe9: {  	[sflag:s30] =	ssyncset.done $0x0  }
0xea: {  	s2 =	simm.s32 $0x13A80;
	s0 =	rddreg [dreg:$0xa];
	[sflag:s30] =	ssyncadd.s32 $0xFFFFC000  }
0xeb: {  	[tilespmem:s2], [sflag:$0x5] =	stream.linear.gather [hbm4b:s0+s4], $0x10, $0x38;
	[tilespmem:$0x1D780] =	vst v63  }
0xec: {  	_ =	swait.ge [sflag:s10], $0x10  }
0xed: {  	[sflag:s10] =	ssyncset.done $0x0  }
0xee: {  	s8 =	simm.s32 $0x10;
	[sflag:s10] =	ssyncadd.s32 $0xFFFFFFF0  }
0xef: {  	[tilespmem:s16], [sflag:$0x1] =	stream.indirect.gather [hbm4b:s1+s8], $0x80, s2, s8, $0xb8;
	[tilespmem:$0x1D780] =	vst v63  }
0xf0: {  	_ =	swait.ge [sflag:s21], $0x800  }
0xf1: {  	[sflag:s21] =	ssyncset.done $0x0  }
0xf2: {  	s24 =	rddreg [dreg:$0xb];
	[sflag:s21] =	ssyncadd.s32 $0xFFFFF800  }
0xf3: {  	[tilespmem:s17], [sflag:$0x5] =	stream.linear.gather [hbm4b:s24+s4], $0x10, $0x38;
	[tilespmem:$0x1D780] =	vst v63  }
0xf4: {  	_ =	swait.ge [sflag:s10], $0x10  }
0xf5: {  	[sflag:s10] =	ssyncset.done $0x0  }
0xf6: {  	[sflag:s10] =	ssyncadd.s32 $0xFFFFFFF0  }
0xf7: {  	[spmem:s3] =	stream.indirect.scatter.add.f32 [tilespmem:s16], [sflag:$0x5], $0x80, s17, s8, $0xb8;
	[tilespmem:$0x1D780] =	vst v63  }
.Ltmp4:
0xf8: {  	_ =	swait.ge [sflag:s10], $0x800;
	(pc) =	sbr.rel @!p0 .LBB2_6-.Ltmp4, $4  }
0xf9: {  	[sflag:s10] =	ssyncset.done $0x0  }
0xfa: {  	s31 =	stileid.u32;
	[sflag:s10] =	ssyncadd.s32 $0xFFFFF800  }
0xfb: {  	s24 =	sshll.u32 s31, $0x6;
	[bflag:$0x0] =	sbarrier.arrive $0xFFFF  }
0xfc: {  	s2 =	sor.u32 $0x1C05, s24;
	s8 =	sshrl.u32 s15, $0x3  }
0xfd: {  	s2 =	sor.u32 $0x1C05, s24;
	s0 =	rddreg [dreg:$0xd]  }
0xfe: {  	[hbm:s0], [sflag:s2] =	dma.local [spmem:s8], $0x2700  }
.Ltmp5:
0xff: {  	_ = 	snop;
	(pc) =	sbr.rel @p1 .LBB2_9-.Ltmp5, $4  }
.Ltmp6:
0x100: {  	_ = 	snop;
	(pc) =	sbr.rel @!p1 .LBB2_8-.Ltmp6, $4  }
0x101: {  	_ =	swait.ge [sflag:s10], $0x2700  }
0x102: {  	[sflag:s10] =	ssyncset.done $0x0  }
0x103: {  	s8 =	rddreg [dreg:$0x5];
	[sflag:s10] =	ssyncadd.s32 $0xFFFFD900  }
0x104: {  	_ = 	snop  }
.LBB2_6:
0x105: {  	s0 =	rddreg [dreg:$0xc]  }
0x106: {  	[hbm:s0], [sflag:s2] =	dma.local [spmem:s8], $0x2700  }
.Ltmp7:
0x107: {  	_ = 	snop;
	(pc) =	sbr.rel @p2 .LBB2_8-.Ltmp7, $4  }
.Ltmp8:
0x108: {  	_ = 	snop;
	(pc) =	sbr.rel @!p2 .LBB2_9-.Ltmp8, $4  }
0x109: {  	_ =	swait.ge [sflag:s10], $0x2700  }
0x10a: {  	[sflag:s10] =	ssyncset.done $0x0  }
0x10b: {  	s8 =	rddreg [dreg:$0x4];
	[sflag:s10] =	ssyncadd.s32 $0xFFFFD900  }
0x10c: {  	_ = 	snop  }
.LBB2_10:
0x10d: {  	_ =	sfence.sel $0x180000  }
0x10e: {  	[bflag:$0x0] =	sbarrier.arrive $0xFFFF  }
0x10f: {  	_ =	strace $0x9000004D  }
0x110: {  	s0 =	stileid.u32;
	[bflag:$0x2] =	sbarrier.arrive $0xFFFF  }
0x111: {  	p0 =	sne.s32 s0, $0x0;
	s0 =	rddreg [dreg:$0x3]  }
0x112: {  	s0 =	sadd.s32 @!p0 $0x100000, s0  }
0x113: {  	[sflag:s0] =	ssyncadd.tile.s32 @!p0 $0x1;
	_ =	shalt  }
.Lfunc_end2:
_tile_overlayer_lowered:
.L_overlay_start_2:
0x114: {  	(tag) =	ssettag $0x2  }
0x115: {  	s0 =	rddreg [dreg:$0x0];
	s2 =	stileid.u32  }
0x116: {  	s1 =	rddreg [dreg:$0x1];
	p0 =	sne.s32 s2, $0x0  }
0x117: {  	s3 =	rddreg [dreg:$0x2];
	[bflag:$0x3] =	sbarrier.arrive $0xFFFF;
	s2 =	simm.s32 @!p0 $0x1C05  }
0x118: {  	[timem:s3], [sflag:s2] =	dma.local @!p0 [hbm:s0], s1  }
0x119: {  	s0 =	simm.s32 @!p0 $0x5  }
0x11a: {  	_ =	swait.ge @!p0 [sflag:s0], s1  }
0x11b: {  	s1 =	ssub.s32 @!p0 $0x0, s1;
	[sflag:s0] =	ssyncset.done @!p0 $0x0  }
0x11c: {  	[sflag:s0] =	ssyncadd.s32 @!p0 s1  }
0x11d: {  	[bflag:$0x3] =	sbarrier.arrive $0xFFFF  }
0x11e: {  	_ =	shalt  }

// kernel: kernel.18.cloned.1.call-start
scs
__scs_entry_jumppad:
0x0: {  	(pc) =	sbr.rel $0x88, $3  }
0x1: {  	(tag) =	ssettag $0x0;
	lr =	simm.s32 $0x1  }
0x2: {  	[smem:$0x3F96] =	sst lr;
	_ =	strace $0xD0000000  }
0x3: {  	_ = 	snop  }
0x4: {  	_ = 	snop  }
0x5: {  	_ = 	snop  }
0x6: {  	_ = 	snop  }
0x7: {  	_ = 	snop  }
__scs_overlays_trampoline_lowered:
0x8: {  	[smem:$0x3FA5] =	sst s0  }
0x9: {  	[smem:$0x3FA6] =	sst s1  }
0xa: {  	[smem:$0x3FA7] =	sst s2  }
0xb: {  	[smem:$0x3FA8] =	sst s3  }
0xc: {  	[smem:$0x3FA9] =	sst s4  }
0xd: {  	[smem:$0x3FAA] =	sst s5  }
0xe: {  	[smem:$0x3FAB] =	sst s6  }
0xf: {  	[smem:$0x3FAC] =	sst s7  }
0x10: {  	[smem:$0x3FAD] =	sst s8  }
0x11: {  	[smem:$0x3FAE] =	sst s9;
	s0 =	simm.s32 @!p0 $0x0  }
0x12: {  	s1 =	sld [smem:$0x3F94];
	s0 =	simm.s32 @p0 $0x1  }
0x13: {  	[smem:$0x3FAF] =	sst s0;
	s0 =	simm.s32 @!p1 $0x0  }
0x14: {  	s2 =	sld [smem:$0x3F93];
	s0 =	simm.s32 @p1 $0x1  }
0x15: {  	[smem:$0x3FB0] =	sst s0;
	s0 =	simm.s32 @!p2 $0x0  }
0x16: {  	s3 =	sld [smem:$0x3FDB];
	s0 =	simm.s32 @p2 $0x1  }
0x17: {  	s4 =	simm.s32 $0x1BF5;
	[smem:$0x3FB2] =	sst s0  }
0x18: {  	s0 =	sld [smem:$0x3F95];
	_ =	swait.ge [sflag:s4], $0x0  }
0x19: {  	s7 =	sld [smem:$0x3F96]  }
0x1a: {  	s8 =	sadd.s32 $0xFFFFE003, lr  }
0x1b: {  	s9 =	sadd.s32 $0xFFFFFEF7, lr;
	s5 =	simm.s32 $0xFFFFFFFF;
	p2 =	slt.u32 s8, $0xFFFFF086  }
0x1c: {  	p1 =	slt.u32 s9, $0xF7A;
	s5 =	simm.s32 @!p2 $0x0  }
0x1d: {  	s5 =	simm.s32 @p1 $0x1;
	p0 =	seq.s32 s7, s2  }
0x1e: {  	s7 =	smul.u32 @!p0 $0xF7A, s2;
	p2 =	seq.s32 @!p0 s5, $0x0  }
0x1f: {  	s9 =	smul.u32 $0xF7A, s1;
	s8 =	simm.s32 @!p0 $0x1BF5;
	p2 =	por !p2, p0  }
0x20: {  	[sflag:s8] =	ssyncset.s32 @!p0 $0xFFFFF086;
	s6 =	sadd.s32 @!p0 s3, s7;
	s7 =	simm.s32 @!p0 $0x108  }
0x21: {  	s3 =	sadd.s32 s3, s9;
	s6 =	sadd.s32 @!p0 $0x88, s6;
	s7 =	simm.s32 @p2 $0x1082  }
0x22: {  	[simem:s7], [sflag:s8] =	dma.local @!p0 [hbm:s6], $0xF7A  }
0x23: {  	s9 =	sor.u32 $0xD0000000, s2;
	s6 =	simm.s32 $0x108;
	_ =	swait.ge @!p0 [sflag:s8], $0x0  }
0x24: {  	s3 =	sadd.s32 $0x88, s3;
	s6 =	simm.s32 @!p1 $0x1082;
	[sflag:s4] =	ssyncset.s32 $0xFFFFF086  }
0x25: {  	[simem:s6], [sflag:s4] =	dma.local [hbm:s3], $0xF7A  }
0x26: {  	[smem:$0x3F96] =	sst s1;
	(tag) =	ssettag s2;
	_ =	strace s9  }
0x27: {  	s1 =	sld [smem:$0x3FA6]  }
0x28: {  	s2 =	sld [smem:$0x3FA7]  }
0x29: {  	s4 =	sld [smem:$0x3FA9]  }
0x2a: {  	p0 =	seq.s32 s5, $0x0;
	s5 =	sld [smem:$0x3FAA]  }
0x2b: {  	s6 =	sld [smem:$0x3FAB]  }
0x2c: {  	s7 =	sld [smem:$0x3FAC]  }
0x2d: {  	s3 =	simm.s32 $0x108;
	s8 =	sld [smem:$0x3FAD]  }
0x2e: {  	s3 =	simm.s32 @!p0 $0x1082;
	s9 =	sld [smem:$0x3FAE]  }
0x2f: {  	lr =	sadd.s32 s0, s3;
	s0 =	sld [smem:$0x3FA5]  }
0x30: {  	s3 =	sld [smem:$0x3FA8]  }
0x31: {  	[smem:$0x3FB1] =	sst s10  }
0x32: {  	s10 =	sld [smem:$0x3FAF];
	_ =	sdelay $0x3  }
0x33: {  	p0 =	seq.s32 s10, $0x1;
	s10 =	sld [smem:$0x3FB1];
	_ =	sdelay $0x3  }
0x34: {  	[smem:$0x3FB1] =	sst s10  }
0x35: {  	s10 =	sld [smem:$0x3FB0];
	_ =	sdelay $0x3  }
0x36: {  	p1 =	seq.s32 s10, $0x1;
	s10 =	sld [smem:$0x3FB1];
	_ =	sdelay $0x3  }
0x37: {  	[smem:$0x3FB1] =	sst s10  }
0x38: {  	s10 =	sld [smem:$0x3FB2]  }
0x39: {  	_ = 	snop;
	(pc) =	sbr.ind lr, $3  }
0x3a: {  	_ = 	snop  }
0x3b: {  	_ = 	snop  }
0x3c: {  	p2 =	seq.s32 s10, $0x1;
	s10 =	sld [smem:$0x3FB1]  }
0x3d: {  	_ =	shalt  }
0x3e: {  	_ =	shalt  }
0x3f: {  	_ =	shalt  }
0x40: {  	_ =	shalt  }
0x41: {  	_ =	shalt  }
0x42: {  	_ =	shalt  }
0x43: {  	_ =	shalt  }
0x44: {  	_ =	shalt  }
0x45: {  	_ =	shalt  }
0x46: {  	_ =	shalt  }
0x47: {  	_ =	shalt  }
0x48: {  	_ =	shalt  }
0x49: {  	_ =	shalt  }
0x4a: {  	_ =	shalt  }
0x4b: {  	_ =	shalt  }
0x4c: {  	_ =	shalt  }
0x4d: {  	_ =	shalt  }
0x4e: {  	_ =	shalt  }
0x4f: {  	_ =	shalt  }
0x50: {  	_ =	shalt  }
0x51: {  	_ =	shalt  }
0x52: {  	_ =	shalt  }
0x53: {  	_ =	shalt  }
0x54: {  	_ =	shalt  }
0x55: {  	_ =	shalt  }
0x56: {  	_ =	shalt  }
0x57: {  	_ =	shalt  }
0x58: {  	_ =	shalt  }
0x59: {  	_ =	shalt  }
0x5a: {  	_ =	shalt  }
0x5b: {  	_ =	shalt  }
0x5c: {  	_ =	shalt  }
0x5d: {  	_ =	shalt  }
0x5e: {  	_ =	shalt  }
0x5f: {  	_ =	shalt  }
0x60: {  	_ =	shalt  }
0x61: {  	_ =	shalt  }
0x62: {  	_ =	shalt  }
0x63: {  	_ =	shalt  }
0x64: {  	_ =	shalt  }
0x65: {  	_ =	shalt  }
0x66: {  	_ =	shalt  }
0x67: {  	_ =	shalt  }
0x68: {  	_ =	shalt  }
0x69: {  	_ =	shalt  }
0x6a: {  	_ =	shalt  }
0x6b: {  	_ =	shalt  }
0x6c: {  	_ =	shalt  }
0x6d: {  	_ =	shalt  }
0x6e: {  	_ =	shalt  }
0x6f: {  	_ =	shalt  }
0x70: {  	_ =	shalt  }
0x71: {  	_ =	shalt  }
0x72: {  	_ =	shalt  }
0x73: {  	_ =	shalt  }
0x74: {  	_ =	shalt  }
0x75: {  	_ =	shalt  }
0x76: {  	_ =	shalt  }
0x77: {  	_ =	shalt  }
0x78: {  	_ =	shalt  }
0x79: {  	_ =	shalt  }
0x7a: {  	_ =	shalt  }
0x7b: {  	_ =	shalt  }
0x7c: {  	_ =	shalt  }
0x7d: {  	_ =	shalt  }
0x7e: {  	_ =	shalt  }
0x7f: {  	_ =	shalt  }
0x80: {  	_ =	shalt  }
0x81: {  	_ =	shalt  }
0x82: {  	_ =	shalt  }
0x83: {  	_ =	shalt  }
0x84: {  	_ =	shalt  }
0x85: {  	_ =	shalt  }
0x86: {  	_ =	shalt  }
0x87: {  	_ =	shalt  }
.Lfunc_end0:
.L_simem_size_0:
called_computation.3_lowered:
.L_overlay_start_0:
0x88: {  	s2 =	sld [smem:$0x3FD9]  }
0x89: {  	s3 =	sld [smem:$0x3FFE];
	_ =	sdelay $0x1  }
0x8a: {  	s1 =	srdreg.scid  }
0x8b: {  	s0 =	sand.u32 $0x1, s1  }
0x8c: {  	s17 =	sshll.u32 s0, $0xA;
	s2 =	sadd.s32 s3, s2  }
0x8d: {  	s2 =	sadd.s32 s2, s17  }
0x8e: {  	[smem:$0x3FBD] =	sst s2  }
0x8f: {  	_ = 	snop  }
0x90: {  	s2 =	sld [smem:$0x3FD0];
	(tm) =	ssettm $0x1  }
0x91: {  	s18 =	sld [smem:$0x3FFB];
	_ =	sdelay $0x3  }
0x92: {  	_ =	strace s18  }
0x93: {  	s3 =	sld [smem:$0x3FFC];
	_ =	sdelay $0x3  }
0x94: {  	_ =	strace s3  }
0x95: {  	s3 =	sld [smem:$0x3FFD];
	_ =	sdelay $0x3  }
0x96: {  	_ =	strace s3  }
0x97: {  	_ =	strace $0x8FFFFFFF  }
0x98: {  	s19 =	sld [smem:$0x3FDB];
	_ =	sdelay $0x1  }
0x99: {  	s4 =	simm.s32 $_scs_section_size  }
0x9a: {  	s5 =	simm.s32 $_size__tile_overlayer_lowered;
	s6 =	simm.s32 $_tile_overlayer_lowered  }
0x9b: {  	s22 =	simm.s32 $0x1BFF;
	s21 =	sshll.u32 s6, $0x1;
	s3 =	sadd.s32 s4, s19  }
0x9c: {  	s7 =	simm.s32 $0x0;
	s20 =	sshll.u32 s5, $0x1;
	s5 =	sadd.s32 s21, s3  }
0x9d: {  	[timem:s7], [sflag:s22] =	dma.local [hbm:s5], s20  }
0x9e: {  	_ =	swait.ge [sflag:s22], s20  }
0x9f: {  	s4 =	ssub.s32 $0x0, s20;
	[sflag:s22] =	ssyncset.done $0x0  }
0xa0: {  	[sflag:s22] =	ssyncadd.s32 s4;
	_ =	sdelay $0x1  }
0xa1: {  	s23 =	simm.s32 $0x1B8B  }
0xa2: {  	_ =	swait.ge [sflag:s23], $0x1  }
0xa3: {  	[sflag:s23] =	ssyncset.done $0x0  }
0xa4: {  	s25 =	simm.s32 $0x1B8E;
	s24 =	sld [smem:$0x3FFE];
	[sflag:s23] =	ssyncadd.s32 $0xFFFFFFFF  }
0xa5: {  	s26 =	simm.s32 $execute0_lowered;
	[smem:$0x3FD2] =	sst s25  }
0xa6: {  	s5 =	sshll.u32 s26, $0x1;
	_ =	strace $0x8000004F;
	[dreg:$0x1] =	wrdreg $0xFFFFFFFF  }
0xa7: {  	s28 =	simm.s32 $_size_execute0_lowered;
	s3 =	sadd.s32 s3, s5;
	[dreg:$0x0] =	wrdreg $0x0  }
0xa8: {  	s5 =	sshll.u32 s28, $0x1;
	[dreg:$0x2] =	wrdreg s3  }
0xa9: {  	[dreg:$0x3] =	wrdreg s5  }
0xaa: {  	[dreg:$0x4] =	wrdreg $0xC0  }
0xab: {  	_ =	task [dreg:s7], $0x5FFFF  }
0xac: {  	[dreg:$0x1] =	wrdreg $0xFFFFFFFF  }
0xad: {  	[dreg:$0x0] =	wrdreg $0x60  }
0xae: {  	[dreg:$0x2] =	wrdreg s2  }
0xaf: {  	[dreg:$0x3] =	wrdreg s24  }
0xb0: {  	[dreg:$0x4] =	wrdreg $0x0  }
0xb1: {  	[dreg:$0x5] =	wrdreg $0x9  }
0xb2: {  	_ =	task.clear_ibuf [dreg:s7], $0x6FFFF;
	_ =	strace $0x9000004F  }
0xb3: {  	s29 =	simm.s32 $0x9;
	_ =	strace $0x80000051  }
0xb4: {  	_ =	swait.ge [sflag:s29], $0x1  }
0xb5: {  	[sflag:s29] =	ssyncadd.s32 $0xFFFFFFFF  }
0xb6: {  	_ =	strace $0x90000051  }
0xb7: {  	_ =	sfence  }
0xb8: {  	s30 =	sld [smem:$0x0];
	_ =	sdelay $0x2  }
0xb9: {  	s31 =	sshll.u32 s1, $0xD;
	s1 =	sshrl.u32 s1, $0x2  }
0xba: {  	s3 =	sand.u32 $0x4000, s31;
	s1 =	sadd.s32 s1, s30  }
0xbb: {  	s0 =	sor.u32 s3, s0;
	s1 =	sshll.u32 s1, $0x11  }
0xbc: {  	s0 =	sor.u32 s1, s0  }
0xbd: {  	s0 =	sadd.s32 $0x8F2B, s0  }
0xbe: {  	[sflag:s0] =	ssyncadd.remote.s32 $0x1  }
0xbf: {  	_ =	sfence.sel $0xFFFF  }
0xc0: {  	[dreg:$0x0] =	wrdreg $0xFFFFFFFF;
	(pc) =	sbr.abs _section_cstart, $3  }
0xc1: {  	[dreg:$0x1] =	wrdreg $0xFFFFFFFF  }
0xc2: {  	_ =	task.clear_ibuf [dreg:s7], $0x2FFFF;
	_ =	strace $0x9FFFFFFF  }
0xc3: {  	(tm) =	ssettm $0x7FFFFFFF  }
tec
execute0_lowered:
.L_overlay_start_1:
0x0: {  	(tag) =	ssettag $0x1  }
0x1: {  	s1 =	rddreg [dreg:$0x0]  }
0x2: {  	s0 =	rddreg [dreg:$0x1]  }
0x3: {  	s3 =	rddreg [dreg:$0x2]  }
0x4: {  	s2 =	srdreg.scid;
	s12 =	stileid.u32;
	s4 =	simm.s32 $0x0  }
0x5: {  	s28 =	simm.s32 $0x3;
	s29 =	simm.s32 $0x6;
	s2 =	sand.u32 $0x1, s2  }
0x6: {  	s5 =	sshll.u32 s12, $0x1;
	[smem:$0x7FF] =	sst s4;
	s25 =	smul.u32 $0x4E000, s12  }
0x7: {  	s13 =	sadd.s32 $0x18A00, s0;
	s14 =	sadd.s32 $0x8E000, s0;
	s10 =	smul.u32 $0x2700, s12  }
0x8: {  	s31 =	smul.u32 $0x4E20, s12;
	p1 =	sne.s32 s12, $0xF;
	p2 =	seq.s32 s12, $0xF  }
0x9: {  	s6 =	sor.u32 s2, s5;
	_ =	strace $0x80000050;
	[dreg:$0x4] =	wrdreg s13  }
0xa: {  	s5 =	sadd.s32 $0xEC00, s0;
	s8 =	ssub.s32 $0x2, s2;
	[dreg:$0x5] =	wrdreg s14  }
0xb: {  	s7 =	smul.u32 $0x2710, s6;
	s6 =	sadd.s32 $0x4E00, s0;
	s23 =	sshrl.u32 s8, $0x1  }
0xc: {  	s18 =	sshrl.u32 s25, $0x2;
	s19 =	sadd.s32 s13, s10;
	s0 =	ssub.s32 s8, s23  }
0xd: {  	s15 =	sadd.s32 s18, s3;
	[dreg:$0xc] =	wrdreg s19;
	s0 =	smax.u32 s0, $0x1  }
0xe: {  	s17 =	smul.u32 $0x2710, s2;
	s12 =	sadd.s32 $0x5000, s15;
	[dreg:$0xe] =	wrdreg s0  }
0xf: {  	s30 =	simm.s32 $0x4;
	s13 =	sadd.s32 $0x6400, s15;
	[dreg:$0x13] =	wrdreg s12  }
0x10: {  	s20 =	sadd.s32 s17, s31;
	s17 =	sadd.s32 $0xA000, s15;
	[dreg:$0x14] =	wrdreg s13  }
0x11: {  	s7 =	sshrl.u32 s7, $0x3;
	s18 =	sadd.s32 $0xB400, s15;
	[dreg:$0x17] =	wrdreg s17  }
0x12: {  	s25 =	sadd.s32 $0x180, s20;
	s19 =	sadd.s32 $0xC800, s15;
	[dreg:$0x18] =	wrdreg s18  }
0x13: {  	s24 =	sadd.s32 s5, s7;
	s9 =	sadd.s32 s6, s7;
	[dreg:$0x19] =	wrdreg s19  }
0x14: {  	s26 =	sadd.s32 $0x10, s7;
	s31 =	sshrl.u32 s25, $0x3;
	[dreg:$0x6] =	wrdreg s24  }
0x15: {  	s25 =	sadd.s32 $0x100, s20;
	s20 =	sadd.s32 $0xDC00, s15;
	[dreg:$0x7] =	wrdreg s9  }
0x16: {  	s21 =	sadd.s32 $0x138000, s3;
	s11 =	sadd.s32 s5, s26;
	[dreg:$0x1a] =	wrdreg s20  }
0x17: {  	s7 =	sadd.s32 $0x4E0, s7;
	s9 =	sadd.s32 s6, s26;
	[dreg:$0x8] =	wrdreg s11  }
0x18: {  	p0 =	seq.s32 s2, $0x1;
	s16 =	sadd.s32 s5, s7;
	[dreg:$0x9] =	wrdreg s9  }
0x19: {  	s12 =	simm.s32 $0x80;
	s7 =	sadd.s32 s6, s7;
	[dreg:$0xa] =	wrdreg s16  }
0x1a: {  	s13 =	simm.s32 $0x13B80;
	s24 =	sadd.s32 s14, s10;
	[dreg:$0xb] =	wrdreg s7  }
0x1b: {  	s18 =	simm.s32 $0x13900;
	s26 =	sadd.s32 $0x1400, s15;
	[dreg:$0xd] =	wrdreg s24  }
0x1c: {  	s19 =	simm.s32 $0x17B80;
	s10 =	sadd.s32 $0x3C00, s15;
	[dreg:$0xf] =	wrdreg s26  }
0x1d: {  	s22 =	sadd.s32 s31, s6;
	s14 =	sadd.s32 $0x7800, s15;
	[dreg:$0x11] =	wrdreg s10  }
0x1e: {  	s23 =	sadd.s32 s31, s5;
	s31 =	sadd.s32 $0x12C00, s15;
	[dreg:$0x15] =	wrdreg s14  }
0x1f: {  	s17 =	simm.s32 $0x13B00;
	s9 =	sadd.s32 $0x2800, s15;
	[dreg:$0x1e] =	wrdreg s31  }
0x20: {  	s20 =	simm.s32 $0x13A00;
	s11 =	sshrl.u32 s21, $0x3;
	[dreg:$0x10] =	wrdreg s9  }
0x21: {  	s16 =	sadd.s32 $0x8C00, s15;
	s21 =	sadd.s32 $0xF000, s15;
	[dreg:$0x12] =	wrdreg s11  }
.Ltmp0:
0x22: {  	s24 =	sadd.s32 $0x10400, s15;
	[dreg:$0x16] =	wrdreg s16;
	(pc) =	sbr.rel .LBB2_1-.Ltmp0, $4  }
0x23: {  	s26 =	sadd.s32 $0x11800, s15;
	s10 =	simm.s32 $0x5;
	[dreg:$0x1b] =	wrdreg s21  }
0x24: {  	s14 =	simm.s32 $0x13980;
	s7 =	simm.s32 $0x0;
	[dreg:$0x1c] =	wrdreg s24  }
0x25: {  	[dreg:$0x1d] =	wrdreg s26;
	s9 =	simm.s32 $0x1C380;
	s11 =	simm.s32 $0x13880  }
0x26: {  	v0 =	vimm.f32 $0.0e+00;
	s21 =	simm.s32 $0x1;
	s26 =	simm.s32 $0x2;
	s16 =	simm.s32 $0x1BB80  }
.LBB2_8:
0x27: {  	s0 =	sadd.s32 $0x27000, s8;
	s31 =	rddreg [dreg:$0x12]  }
0x28: {  	[hbm:s0], [sflag:s2] =	dma.local [spmem:s31], $0x100  }
0x29: {  	_ =	swait.ge [sflag:s10], $0x100  }
0x2a: {  	[sflag:s10] =	ssyncset.done $0x0  }
0x2b: {  	[sflag:s10] =	ssyncadd.s32 $0xFFFFFF00  }
.LBB2_9:
0x2c: {  	s7 =	sadd.s32 $0x1, s7;
	s0 =	rddreg [dreg:$0xe]  }
0x2d: {  	p3 =	sne.s32 s7, s0  }
.Ltmp1:
0x2e: {  	_ = 	snop;
	(pc) =	sbr.rel @!p3 .LBB2_10-.Ltmp1, $1  }
0x2f: {  	_ =	sdelay $0x3  }
.LBB2_1:
0x30: {  	s2 =	simm.s32 $0x0;
	s8 =	simm.s32 $0x200  }
.LBB2_2:
0x31: {  	p3 =	sne.s32 s8, $0x4E00;
	[tilespmem:s2+$0x1C3F0] =	vst v0  }
0x32: {  	[tilespmem:s2+$0x1C380] =	vst v0  }
0x33: {  	[tilespmem:s2+$0x1C390] =	vst v0  }
.Ltmp2:
0x34: {  	[tilespmem:s2+$0x1C3A0] =	vst v0;
	(pc) =	sbr.rel @p3 .LBB2_2-.Ltmp2, $4  }
0x35: {  	[tilespmem:s2+$0x1C3B0] =	vst v0  }
0x36: {  	[tilespmem:s2+$0x1C3C0] =	vst v0  }
0x37: {  	[tilespmem:s2+$0x1C3D0] =	vst v0  }
0x38: {  	[tilespmem:s2+$0x1C3E0] =	vst v0;
	s2 =	sshra.s32 s8, $0x2;
	s8 =	sadd.s32 $0x200, s8  }
0x39: {  	[tilespmem:s2+$0x1C3F0] =	vst v0  }
0x3a: {  	[tilespmem:s2+$0x1C380] =	vst v0  }
0x3b: {  	[tilespmem:s2+$0x1C390] =	vst v0  }
0x3c: {  	[tilespmem:s2+$0x1C3A0] =	vst v0  }
0x3d: {  	[tilespmem:s2+$0x1C3B0] =	vst v0  }
0x3e: {  	[tilespmem:s2+$0x1C3C0] =	vst v0  }
0x3f: {  	[tilespmem:s2+$0x1C3D0] =	vst v0  }
0x40: {  	[tilespmem:s2+$0x1C3E0] =	vst v0  }
0x41: {  	[spmem:s15] =	stream.linear.scatter [tilespmem:s9], [sflag:$0x5], $0x1400, $0x38;
	[tilespmem:$0x1D780] =	vst v63  }
0x42: {  	_ =	swait.ge [sflag:s10], $0x1400  }
0x43: {  	[sflag:s10] =	ssyncset.done $0x0  }
0x44: {  	s0 =	rddreg [dreg:$0xf];
	[sflag:s10] =	ssyncadd.s32 $0xFFFFEC00  }
0x45: {  	[spmem:s0] =	stream.linear.scatter [tilespmem:s9], [sflag:$0x5], $0x1400, $0x38;
	[tilespmem:$0x1D780] =	vst v63  }
0x46: {  	_ =	swait.ge [sflag:s10], $0x1400  }
0x47: {  	[sflag:s10] =	ssyncset.done $0x0  }
0x48: {  	s8 =	rddreg [dreg:$0x10];
	[sflag:s10] =	ssyncadd.s32 $0xFFFFEC00  }
0x49: {  	[spmem:s8] =	stream.linear.scatter [tilespmem:s9], [sflag:$0x5], $0x1400, $0x38;
	[tilespmem:$0x1D780] =	vst v63  }
0x4a: {  	_ =	swait.ge [sflag:s10], $0x1400  }
0x4b: {  	[sflag:s10] =	ssyncset.done $0x0  }
0x4c: {  	s24 =	rddreg [dreg:$0x11];
	[sflag:s10] =	ssyncadd.s32 $0xFFFFEC00  }
0x4d: {  	[spmem:s24] =	stream.linear.scatter [tilespmem:s9], [sflag:$0x5], $0x1400, $0x38;
	[tilespmem:$0x1D780] =	vst v63  }
0x4e: {  	_ =	swait.ge [sflag:s10], $0x1400  }
0x4f: {  	[sflag:s10] =	ssyncset.done $0x0  }
0x50: {  	s31 =	rddreg [dreg:$0x13];
	[sflag:s10] =	ssyncadd.s32 $0xFFFFEC00  }
0x51: {  	[spmem:s31] =	stream.linear.scatter [tilespmem:s9], [sflag:$0x5], $0x1400, $0x38;
	[tilespmem:$0x1D780] =	vst v63  }
0x52: {  	_ =	swait.ge [sflag:s10], $0x1400  }
0x53: {  	[sflag:s10] =	ssyncset.done $0x0  }
0x54: {  	s2 =	rddreg [dreg:$0x14];
	[sflag:s10] =	ssyncadd.s32 $0xFFFFEC00  }
0x55: {  	[spmem:s2] =	stream.linear.scatter [tilespmem:s9], [sflag:$0x5], $0x1400, $0x38;
	[tilespmem:$0x1D780] =	vst v63  }
0x56: {  	_ =	swait.ge [sflag:s10], $0x1400  }
0x57: {  	[sflag:s10] =	ssyncset.done $0x0  }
0x58: {  	s8 =	rddreg [dreg:$0x15];
	[sflag:s10] =	ssyncadd.s32 $0xFFFFEC00  }
0x59: {  	[spmem:s8] =	stream.linear.scatter [tilespmem:s9], [sflag:$0x5], $0x1400, $0x38;
	[tilespmem:$0x1D780] =	vst v63  }
0x5a: {  	_ =	swait.ge [sflag:s10], $0x1400  }
0x5b: {  	[sflag:s10] =	ssyncset.done $0x0  }
0x5c: {  	s24 =	rddreg [dreg:$0x16];
	[sflag:s10] =	ssyncadd.s32 $0xFFFFEC00  }
0x5d: {  	[spmem:s24] =	stream.linear.scatter [tilespmem:s9], [sflag:$0x5], $0x1400, $0x38;
	[tilespmem:$0x1D780] =	vst v63  }
0x5e: {  	_ =	swait.ge [sflag:s10], $0x1400  }
0x5f: {  	[sflag:s10] =	ssyncset.done $0x0  }
0x60: {  	s31 =	rddreg [dreg:$0x17];
	[sflag:s10] =	ssyncadd.s32 $0xFFFFEC00  }
0x61: {  	[spmem:s31] =	stream.linear.scatter [tilespmem:s9], [sflag:$0x5], $0x1400, $0x38;
	[tilespmem:$0x1D780] =	vst v63  }
0x62: {  	_ =	swait.ge [sflag:s10], $0x1400  }
0x63: {  	[sflag:s10] =	ssyncset.done $0x0  }
0x64: {  	s2 =	rddreg [dreg:$0x18];
	[sflag:s10] =	ssyncadd.s32 $0xFFFFEC00  }
0x65: {  	[spmem:s2] =	stream.linear.scatter [tilespmem:s9], [sflag:$0x5], $0x1400, $0x38;
	[tilespmem:$0x1D780] =	vst v63  }
0x66: {  	_ =	swait.ge [sflag:s10], $0x1400  }
0x67: {  	[sflag:s10] =	ssyncset.done $0x0  }
0x68: {  	s8 =	rddreg [dreg:$0x19];
	[sflag:s10] =	ssyncadd.s32 $0xFFFFEC00  }
0x69: {  	[spmem:s8] =	stream.linear.scatter [tilespmem:s9], [sflag:$0x5], $0x1400, $0x38;
	[tilespmem:$0x1D780] =	vst v63  }
0x6a: {  	_ =	swait.ge [sflag:s10], $0x1400  }
0x6b: {  	[sflag:s10] =	ssyncset.done $0x0  }
0x6c: {  	s24 =	rddreg [dreg:$0x1a];
	[sflag:s10] =	ssyncadd.s32 $0xFFFFEC00  }
0x6d: {  	[spmem:s24] =	stream.linear.scatter [tilespmem:s9], [sflag:$0x5], $0x1400, $0x38;
	[tilespmem:$0x1D780] =	vst v63  }
0x6e: {  	_ =	swait.ge [sflag:s10], $0x1400  }
0x6f: {  	[sflag:s10] =	ssyncset.done $0x0  }
0x70: {  	s31 =	rddreg [dreg:$0x1b];
	[sflag:s10] =	ssyncadd.s32 $0xFFFFEC00  }
0x71: {  	[spmem:s31] =	stream.linear.scatter [tilespmem:s9], [sflag:$0x5], $0x1400, $0x38;
	[tilespmem:$0x1D780] =	vst v63  }
0x72: {  	_ =	swait.ge [sflag:s10], $0x1400  }
0x73: {  	[sflag:s10] =	ssyncset.done $0x0  }
0x74: {  	s2 =	rddreg [dreg:$0x1c];
	[sflag:s10] =	ssyncadd.s32 $0xFFFFEC00  }
0x75: {  	[spmem:s2] =	stream.linear.scatter [tilespmem:s9], [sflag:$0x5], $0x1400, $0x38;
	[tilespmem:$0x1D780] =	vst v63  }
0x76: {  	_ =	swait.ge [sflag:s10], $0x1400  }
0x77: {  	[sflag:s10] =	ssyncset.done $0x0  }
0x78: {  	s8 =	rddreg [dreg:$0x1d];
	[sflag:s10] =	ssyncadd.s32 $0xFFFFEC00  }
0x79: {  	[spmem:s8] =	stream.linear.scatter [tilespmem:s9], [sflag:$0x5], $0x1400, $0x38;
	[tilespmem:$0x1D780] =	vst v63  }
0x7a: {  	_ =	swait.ge [sflag:s10], $0x1400  }
0x7b: {  	[sflag:s10] =	ssyncset.done $0x0  }
0x7c: {  	s24 =	rddreg [dreg:$0x1e];
	[sflag:s10] =	ssyncadd.s32 $0xFFFFEC00  }
0x7d: {  	[spmem:s24] =	stream.linear.scatter [tilespmem:s9], [sflag:$0x5], $0x1400, $0x38;
	[tilespmem:$0x1D780] =	vst v63  }
0x7e: {  	_ =	swait.ge [sflag:s10], $0x1400  }
0x7f: {  	[sflag:s10] =	ssyncset.done $0x0  }
0x80: {  	[sflag:s10] =	ssyncadd.s32 $0xFFFFEC00  }
0x81: {  	[bflag:$0x0] =	sbarrier.arrive $0xFFFF  }
0x82: {  	s2 =	simm.s32 $0x0;
	s31 =	rddreg [dreg:$0x6]  }
0x83: {  	[tilespmem:s11], [sflag:$0x5] =	stream.linear.gather [hbm4b:s31+s2], $0x80, $0x38;
	[tilespmem:$0x1D780] =	vst v63  }
0x84: {  	_ =	swait.ge [sflag:s10], $0x80  }
0x85: {  	[sflag:s10] =	ssyncset.done $0x0  }
0x86: {  	[sflag:s10] =	ssyncadd.s32 $0xFFFFFF80  }
0x87: {  	[tilespmem:s13], [sflag:$0x1] =	stream.indirect.gather [hbm4b:s1+s12], $0x80, s11, s12, $0xb8;
	[tilespmem:$0x1D780] =	vst v63  }
0x88: {  	s8 =	rddreg [dreg:$0x7]  }
0x89: {  	[tilespmem:s14], [sflag:$0x5] =	stream.linear.gather [hbm4b:s8+s2], $0x80, $0x38;
	[tilespmem:$0x1D780] =	vst v63  }
0x8a: {  	_ =	swait.ge [sflag:s10], $0x80  }
0x8b: {  	[sflag:s10] =	ssyncset.done $0x0  }
0x8c: {  	s24 =	rddreg [dreg:$0x8];
	[sflag:s10] =	ssyncadd.s32 $0xFFFFFF80  }
0x8d: {  	[tilespmem:s18], [sflag:$0x5] =	stream.linear.gather [hbm4b:s24+s2], $0x80, $0x38;
	[tilespmem:$0x1D780] =	vst v63  }
0x8e: {  	_ =	swait.ge [sflag:s10], $0x80  }
0x8f: {  	[sflag:s10] =	ssyncset.done $0x0  }
0x90: {  	[sflag:s10] =	ssyncadd.s32 $0xFFFFFF80  }
0x91: {  	[tilespmem:s19], [sflag:$0x2] =	stream.indirect.gather [hbm4b:s1+s12], $0x80, s18, s12, $0xb8;
	[tilespmem:$0x1D780] =	vst v63  }
0x92: {  	s31 =	rddreg [dreg:$0x9]  }
0x93: {  	[tilespmem:s20], [sflag:$0x5] =	stream.linear.gather [hbm4b:s31+s2], $0x80, $0x38;
	[tilespmem:$0x1D780] =	vst v63  }
0x94: {  	_ =	swait.ge [sflag:s10], $0x80  }
0x95: {  	[sflag:s10] =	ssyncset.done $0x0  }
0x96: {  	[sflag:s10] =	ssyncadd.s32 $0xFFFFFF80  }
0x97: {  	_ =	swait.ge [sflag:s21], $0x4000  }
0x98: {  	[sflag:s21] =	ssyncset.done $0x0  }
0x99: {  	[sflag:s21] =	ssyncadd.s32 $0xFFFFC000  }
0x9a: {  	[spmem:s3] =	stream.indirect.scatter.add.f32 [tilespmem:s13], [sflag:$0x3], $0x80, s14, s12, $0xb8;
	[tilespmem:$0x1D780] =	vst v63  }
0x9b: {  	_ =	swait.ge [sflag:s26], $0x4000  }
0x9c: {  	[sflag:s26] =	ssyncset.done $0x0  }
0x9d: {  	[sflag:s26] =	ssyncadd.s32 $0xFFFFC000  }
0x9e: {  	[spmem:s3] =	stream.indirect.scatter.add.f32 [tilespmem:s19], [sflag:$0x4], $0x80, s20, s12, $0xb8;
	[tilespmem:$0x1D780] =	vst v63  }
0x9f: {  	_ =	swait.ge [sflag:s28], $0x4000  }
0xa0: {  	s0 =	sshrl.u32 s25, $0x3;
	[sflag:s28] =	ssyncset.done $0x0  }
0xa1: {  	s8 =	sadd.s32 s5, s0;
	[sflag:s28] =	ssyncadd.s32 $0xFFFFC000  }
0xa2: {  	[tilespmem:s11], [sflag:$0x6] =	stream.linear.gather [hbm4b:s8+s4], $0x80, $0x38;
	[tilespmem:$0x1D780] =	vst v63  }
0xa3: {  	_ =	swait.ge [sflag:s29], $0x80  }
0xa4: {  	[sflag:s29] =	ssyncset.done $0x0  }
0xa5: {  	[sflag:s29] =	ssyncadd.s32 $0xFFFFFF80  }
0xa6: {  	[tilespmem:s13], [sflag:$0x1] =	stream.indirect.gather [hbm4b:s1+s12], $0x80, s11, s12, $0xb8;
	[tilespmem:$0x1D780] =	vst v63  }
0xa7: {  	s2 =	sadd.s32 s6, s0  }
0xa8: {  	[tilespmem:s14], [sflag:$0x6] =	stream.linear.gather [hbm4b:s2+s4], $0x80, $0x38;
	[tilespmem:$0x1D780] =	vst v63  }
0xa9: {  	_ =	swait.ge [sflag:s29], $0x80  }
0xaa: {  	[sflag:s29] =	ssyncset.done $0x0  }
0xab: {  	[sflag:s29] =	ssyncadd.s32 $0xFFFFFF80  }
0xac: {  	_ =	swait.ge [sflag:s30], $0x4000  }
0xad: {  	[sflag:s30] =	ssyncset.done $0x0  }
0xae: {  	s24 =	sadd.s32 $0x0, s23;
	[sflag:s30] =	ssyncadd.s32 $0xFFFFC000  }
0xaf: {  	[tilespmem:s18], [sflag:$0x6] =	stream.linear.gather [hbm4b:s24+s4], $0x80, $0x38;
	[tilespmem:$0x1D780] =	vst v63  }
0xb0: {  	_ =	swait.ge [sflag:s29], $0x80  }
0xb1: {  	[sflag:s29] =	ssyncset.done $0x0  }
0xb2: {  	[sflag:s29] =	ssyncadd.s32 $0xFFFFFF80  }
0xb3: {  	[tilespmem:s19], [sflag:$0x2] =	stream.indirect.gather [hbm4b:s1+s12], $0x80, s18, s12, $0xb8;
	[tilespmem:$0x1D780] =	vst v63  }
0xb4: {  	s31 =	sadd.s32 $0x0, s22  }
0xb5: {  	[tilespmem:s20], [sflag:$0x5] =	stream.linear.gather [hbm4b:s31+s4], $0x80, $0x38;
	[tilespmem:$0x1D780] =	vst v63  }
0xb6: {  	_ =	swait.ge [sflag:s10], $0x80  }
0xb7: {  	s8 =	simm.s32 $0x20;
	s24 =	smov.u32 s25;
	[sflag:s10] =	ssyncset.done $0x0  }
.LBB2_4:
0xb8: {  	p3 =	sne.s32 s8, $0x4A0;
	[sflag:s10] =	ssyncadd.s32 $0xFFFFFF80;
	s24 =	sadd.s32 $0x100, s24  }
0xb9: {  	s2 =	smov.u32 s8;
	s8 =	sadd.s32 $0x20, s8  }
0xba: {  	_ =	swait.ge [sflag:s21], $0x4000  }
0xbb: {  	[sflag:s21] =	ssyncset.done $0x0  }
0xbc: {  	[sflag:s21] =	ssyncadd.s32 $0xFFFFC000  }
0xbd: {  	[spmem:s3] =	stream.indirect.scatter.add.f32 [tilespmem:s13], [sflag:$0x3], $0x80, s14, s12, $0xb8;
	[tilespmem:$0x1D780] =	vst v63  }
0xbe: {  	_ =	swait.ge [sflag:s26], $0x4000  }
0xbf: {  	[sflag:s26] =	ssyncset.done $0x0  }
0xc0: {  	[sflag:s26] =	ssyncadd.s32 $0xFFFFC000  }
0xc1: {  	[spmem:s3] =	stream.indirect.scatter.add.f32 [tilespmem:s19], [sflag:$0x4], $0x80, s20, s12, $0xb8;
	[tilespmem:$0x1D780] =	vst v63  }
0xc2: {  	_ =	swait.ge [sflag:s28], $0x4000  }
0xc3: {  	s31 =	sshrl.u32 s24, $0x3;
	[sflag:s28] =	ssyncset.done $0x0  }
0xc4: {  	s0 =	sadd.s32 s5, s31;
	[sflag:s28] =	ssyncadd.s32 $0xFFFFC000  }
0xc5: {  	[tilespmem:s11], [sflag:$0x6] =	stream.linear.gather [hbm4b:s0+s4], $0x80, $0x38;
	[tilespmem:$0x1D780] =	vst v63  }
0xc6: {  	_ =	swait.ge [sflag:s29], $0x80  }
0xc7: {  	[sflag:s29] =	ssyncset.done $0x0  }
0xc8: {  	[sflag:s29] =	ssyncadd.s32 $0xFFFFFF80  }
0xc9: {  	[tilespmem:s13], [sflag:$0x1] =	stream.indirect.gather [hbm4b:s1+s12], $0x80, s11, s12, $0xb8;
	[tilespmem:$0x1D780] =	vst v63  }
0xca: {  	s0 =	sadd.s32 s6, s31  }
0xcb: {  	[tilespmem:s14], [sflag:$0x6] =	stream.linear.gather [hbm4b:s0+s4], $0x80, $0x38;
	[tilespmem:$0x1D780] =	vst v63  }
0xcc: {  	_ =	swait.ge [sflag:s29], $0x80  }
0xcd: {  	[sflag:s29] =	ssyncset.done $0x0  }
0xce: {  	[sflag:s29] =	ssyncadd.s32 $0xFFFFFF80  }
0xcf: {  	_ =	swait.ge [sflag:s30], $0x4000  }
0xd0: {  	[sflag:s30] =	ssyncset.done $0x0  }
0xd1: {  	s0 =	sadd.s32 s2, s23;
	[sflag:s30] =	ssyncadd.s32 $0xFFFFC000  }
0xd2: {  	[tilespmem:s18], [sflag:$0x6] =	stream.linear.gather [hbm4b:s0+s4], $0x80, $0x38;
	[tilespmem:$0x1D780] =	vst v63  }
0xd3: {  	_ =	swait.ge [sflag:s29], $0x80  }
0xd4: {  	[sflag:s29] =	ssyncset.done $0x0  }
0xd5: {  	[sflag:s29] =	ssyncadd.s32 $0xFFFFFF80  }
0xd6: {  	[tilespmem:s19], [sflag:$0x2] =	stream.indirect.gather [hbm4b:s1+s12], $0x80, s18, s12, $0xb8;
	[tilespmem:$0x1D780] =	vst v63  }
.Ltmp3:
0xd7: {  	_ = 	snop;
	(pc) =	sbr.rel @p3 .LBB2_4-.Ltmp3, $4  }
0xd8: {  	s0 =	sadd.s32 s2, s22  }
0xd9: {  	[tilespmem:s20], [sflag:$0x5] =	stream.linear.gather [hbm4b:s0+s4], $0x80, $0x38;
	[tilespmem:$0x1D780] =	vst v63  }
0xda: {  	_ =	swait.ge [sflag:s10], $0x80  }
0xdb: {  	[sflag:s10] =	ssyncset.done $0x0  }
0xdc: {  	[sflag:s10] =	ssyncadd.s32 $0xFFFFFF80  }
0xdd: {  	_ =	swait.ge [sflag:s21], $0x4000  }
0xde: {  	[sflag:s21] =	ssyncset.done $0x0  }
0xdf: {  	[sflag:s21] =	ssyncadd.s32 $0xFFFFC000  }
0xe0: {  	[spmem:s3] =	stream.indirect.scatter.add.f32 [tilespmem:s13], [sflag:$0x3], $0x80, s14, s12, $0xb8;
	[tilespmem:$0x1D780] =	vst v63  }
0xe1: {  	_ =	swait.ge [sflag:s26], $0x4000  }
0xe2: {  	[sflag:s26] =	ssyncset.done $0x0  }
0xe3: {  	[sflag:s26] =	ssyncadd.s32 $0xFFFFC000  }
0xe4: {  	[spmem:s3] =	stream.indirect.scatter.add.f32 [tilespmem:s19], [sflag:$0x4], $0x80, s20, s12, $0xb8;
	[tilespmem:$0x1D780] =	vst v63  }
0xe5: {  	_ =	swait.ge [sflag:s28], $0x4000  }
0xe6: {  	[sflag:s28] =	ssyncset.done $0x0  }
0xe7: {  	[sflag:s28] =	ssyncadd.s32 $0xFFFFC000  }
0xe8: {  	_ =	swait.ge [sflag:s30], $0x4000  }
0xe9: {  	[sflag:s30] =	ssyncset.done $0x0  }
0xea: {  	s2 =	simm.s32 $0x13A80;
	s0 =	rddreg [dreg:$0xa];
	[sflag:s30] =	ssyncadd.s32 $0xFFFFC000  }
0xeb: {  	[tilespmem:s2], [sflag:$0x5] =	stream.linear.gather [hbm4b:s0+s4], $0x10, $0x38;
	[tilespmem:$0x1D780] =	vst v63  }
0xec: {  	_ =	swait.ge [sflag:s10], $0x10  }
0xed: {  	[sflag:s10] =	ssyncset.done $0x0  }
0xee: {  	s8 =	simm.s32 $0x10;
	[sflag:s10] =	ssyncadd.s32 $0xFFFFFFF0  }
0xef: {  	[tilespmem:s16], [sflag:$0x1] =	stream.indirect.gather [hbm4b:s1+s8], $0x80, s2, s8, $0xb8;
	[tilespmem:$0x1D780] =	vst v63  }
0xf0: {  	_ =	swait.ge [sflag:s21], $0x800  }
0xf1: {  	[sflag:s21] =	ssyncset.done $0x0  }
0xf2: {  	s24 =	rddreg [dreg:$0xb];
	[sflag:s21] =	ssyncadd.s32 $0xFFFFF800  }
0xf3: {  	[tilespmem:s17], [sflag:$0x5] =	stream.linear.gather [hbm4b:s24+s4], $0x10, $0x38;
	[tilespmem:$0x1D780] =	vst v63  }
0xf4: {  	_ =	swait.ge [sflag:s10], $0x10  }
0xf5: {  	[sflag:s10] =	ssyncset.done $0x0  }
0xf6: {  	[sflag:s10] =	ssyncadd.s32 $0xFFFFFFF0  }
0xf7: {  	[spmem:s3] =	stream.indirect.scatter.add.f32 [tilespmem:s16], [sflag:$0x5], $0x80, s17, s8, $0xb8;
	[tilespmem:$0x1D780] =	vst v63  }
.Ltmp4:
0xf8: {  	_ =	swait.ge [sflag:s10], $0x800;
	(pc) =	sbr.rel @!p0 .LBB2_6-.Ltmp4, $4  }
0xf9: {  	[sflag:s10] =	ssyncset.done $0x0  }
0xfa: {  	s31 =	stileid.u32;
	[sflag:s10] =	ssyncadd.s32 $0xFFFFF800  }
0xfb: {  	s24 =	sshll.u32 s31, $0x6;
	[bflag:$0x0] =	sbarrier.arrive $0xFFFF  }
0xfc: {  	s2 =	sor.u32 $0x1C05, s24;
	s8 =	sshrl.u32 s15, $0x3  }
0xfd: {  	s2 =	sor.u32 $0x1C05, s24;
	s0 =	rddreg [dreg:$0xd]  }
0xfe: {  	[hbm:s0], [sflag:s2] =	dma.local [spmem:s8], $0x2700  }
.Ltmp5:
0xff: {  	_ = 	snop;
	(pc) =	sbr.rel @p1 .LBB2_9-.Ltmp5, $4  }
.Ltmp6:
0x100: {  	_ = 	snop;
	(pc) =	sbr.rel @!p1 .LBB2_8-.Ltmp6, $4  }
0x101: {  	_ =	swait.ge [sflag:s10], $0x2700  }
0x102: {  	[sflag:s10] =	ssyncset.done $0x0  }
0x103: {  	s8 =	rddreg [dreg:$0x5];
	[sflag:s10] =	ssyncadd.s32 $0xFFFFD900  }
0x104: {  	_ = 	snop  }
.LBB2_6:
0x105: {  	s0 =	rddreg [dreg:$0xc]  }
0x106: {  	[hbm:s0], [sflag:s2] =	dma.local [spmem:s8], $0x2700  }
.Ltmp7:
0x107: {  	_ = 	snop;
	(pc) =	sbr.rel @p2 .LBB2_8-.Ltmp7, $4  }
.Ltmp8:
0x108: {  	_ = 	snop;
	(pc) =	sbr.rel @!p2 .LBB2_9-.Ltmp8, $4  }
0x109: {  	_ =	swait.ge [sflag:s10], $0x2700  }
0x10a: {  	[sflag:s10] =	ssyncset.done $0x0  }
0x10b: {  	s8 =	rddreg [dreg:$0x4];
	[sflag:s10] =	ssyncadd.s32 $0xFFFFD900  }
0x10c: {  	_ = 	snop  }
.LBB2_10:
0x10d: {  	_ =	sfence.sel $0x180000  }
0x10e: {  	[bflag:$0x0] =	sbarrier.arrive $0xFFFF  }
0x10f: {  	_ =	strace $0x90000050  }
0x110: {  	s0 =	stileid.u32;
	[bflag:$0x2] =	sbarrier.arrive $0xFFFF  }
0x111: {  	p0 =	sne.s32 s0, $0x0;
	s0 =	rddreg [dreg:$0x3]  }
0x112: {  	s0 =	sadd.s32 @!p0 $0x100000, s0  }
0x113: {  	[sflag:s0] =	ssyncadd.tile.s32 @!p0 $0x1;
	_ =	shalt  }
.Lfunc_end2:
_tile_overlayer_lowered:
.L_overlay_start_2:
0x114: {  	(tag) =	ssettag $0x2  }
0x115: {  	s0 =	rddreg [dreg:$0x0];
	s2 =	stileid.u32  }
0x116: {  	s1 =	rddreg [dreg:$0x1];
	p0 =	sne.s32 s2, $0x0  }
0x117: {  	s3 =	rddreg [dreg:$0x2];
	[bflag:$0x3] =	sbarrier.arrive $0xFFFF;
	s2 =	simm.s32 @!p0 $0x1C05  }
0x118: {  	[timem:s3], [sflag:s2] =	dma.local @!p0 [hbm:s0], s1  }
0x119: {  	s0 =	simm.s32 @!p0 $0x5  }
0x11a: {  	_ =	swait.ge @!p0 [sflag:s0], s1  }
0x11b: {  	s1 =	ssub.s32 @!p0 $0x0, s1;
	[sflag:s0] =	ssyncset.done @!p0 $0x0  }
0x11c: {  	[sflag:s0] =	ssyncadd.s32 @!p0 s1  }
0x11d: {  	[bflag:$0x3] =	sbarrier.arrive $0xFFFF  }
0x11e: {  	_ =	shalt  }

// kernel: kernel.9.cloned.1.call-start
scs
__scs_entry_jumppad:
0x0: {  	(pc) =	sbr.rel $0x88, $3  }
0x1: {  	(tag) =	ssettag $0x0;
	lr =	simm.s32 $0x1  }
0x2: {  	[smem:$0x3F96] =	sst lr;
	_ =	strace $0xD0000000  }
0x3: {  	_ = 	snop  }
0x4: {  	_ = 	snop  }
0x5: {  	_ = 	snop  }
0x6: {  	_ = 	snop  }
0x7: {  	_ = 	snop  }
__scs_overlays_trampoline_lowered:
0x8: {  	[smem:$0x3FA5] =	sst s0  }
0x9: {  	[smem:$0x3FA6] =	sst s1  }
0xa: {  	[smem:$0x3FA7] =	sst s2  }
0xb: {  	[smem:$0x3FA8] =	sst s3  }
0xc: {  	[smem:$0x3FA9] =	sst s4  }
0xd: {  	[smem:$0x3FAA] =	sst s5  }
0xe: {  	[smem:$0x3FAB] =	sst s6  }
0xf: {  	[smem:$0x3FAC] =	sst s7  }
0x10: {  	[smem:$0x3FAD] =	sst s8  }
0x11: {  	[smem:$0x3FAE] =	sst s9;
	s0 =	simm.s32 @!p0 $0x0  }
0x12: {  	s1 =	sld [smem:$0x3F94];
	s0 =	simm.s32 @p0 $0x1  }
0x13: {  	[smem:$0x3FAF] =	sst s0;
	s0 =	simm.s32 @!p1 $0x0  }
0x14: {  	s2 =	sld [smem:$0x3F93];
	s0 =	simm.s32 @p1 $0x1  }
0x15: {  	[smem:$0x3FB0] =	sst s0;
	s0 =	simm.s32 @!p2 $0x0  }
0x16: {  	s3 =	sld [smem:$0x3FDB];
	s0 =	simm.s32 @p2 $0x1  }
0x17: {  	s4 =	simm.s32 $0x1BF5;
	[smem:$0x3FB2] =	sst s0  }
0x18: {  	s0 =	sld [smem:$0x3F95];
	_ =	swait.ge [sflag:s4], $0x0  }
0x19: {  	s7 =	sld [smem:$0x3F96]  }
0x1a: {  	s8 =	sadd.s32 $0xFFFFE003, lr  }
0x1b: {  	s9 =	sadd.s32 $0xFFFFFEF7, lr;
	s5 =	simm.s32 $0xFFFFFFFF;
	p2 =	slt.u32 s8, $0xFFFFF086  }
0x1c: {  	p1 =	slt.u32 s9, $0xF7A;
	s5 =	simm.s32 @!p2 $0x0  }
0x1d: {  	s5 =	simm.s32 @p1 $0x1;
	p0 =	seq.s32 s7, s2  }
0x1e: {  	s7 =	smul.u32 @!p0 $0xF7A, s2;
	p2 =	seq.s32 @!p0 s5, $0x0  }
0x1f: {  	s9 =	smul.u32 $0xF7A, s1;
	s8 =	simm.s32 @!p0 $0x1BF5;
	p2 =	por !p2, p0  }
0x20: {  	[sflag:s8] =	ssyncset.s32 @!p0 $0xFFFFF086;
	s6 =	sadd.s32 @!p0 s3, s7;
	s7 =	simm.s32 @!p0 $0x108  }
0x21: {  	s3 =	sadd.s32 s3, s9;
	s6 =	sadd.s32 @!p0 $0x88, s6;
	s7 =	simm.s32 @p2 $0x1082  }
0x22: {  	[simem:s7], [sflag:s8] =	dma.local @!p0 [hbm:s6], $0xF7A  }
0x23: {  	s9 =	sor.u32 $0xD0000000, s2;
	s6 =	simm.s32 $0x108;
	_ =	swait.ge @!p0 [sflag:s8], $0x0  }
0x24: {  	s3 =	sadd.s32 $0x88, s3;
	s6 =	simm.s32 @!p1 $0x1082;
	[sflag:s4] =	ssyncset.s32 $0xFFFFF086  }
0x25: {  	[simem:s6], [sflag:s4] =	dma.local [hbm:s3], $0xF7A  }
0x26: {  	[smem:$0x3F96] =	sst s1;
	(tag) =	ssettag s2;
	_ =	strace s9  }
0x27: {  	s1 =	sld [smem:$0x3FA6]  }
0x28: {  	s2 =	sld [smem:$0x3FA7]  }
0x29: {  	s4 =	sld [smem:$0x3FA9]  }
0x2a: {  	p0 =	seq.s32 s5, $0x0;
	s5 =	sld [smem:$0x3FAA]  }
0x2b: {  	s6 =	sld [smem:$0x3FAB]  }
0x2c: {  	s7 =	sld [smem:$0x3FAC]  }
0x2d: {  	s3 =	simm.s32 $0x108;
	s8 =	sld [smem:$0x3FAD]  }
0x2e: {  	s3 =	simm.s32 @!p0 $0x1082;
	s9 =	sld [smem:$0x3FAE]  }
0x2f: {  	lr =	sadd.s32 s0, s3;
	s0 =	sld [smem:$0x3FA5]  }
0x30: {  	s3 =	sld [smem:$0x3FA8]  }
0x31: {  	[smem:$0x3FB1] =	sst s10  }
0x32: {  	s10 =	sld [smem:$0x3FAF];
	_ =	sdelay $0x3  }
0x33: {  	p0 =	seq.s32 s10, $0x1;
	s10 =	sld [smem:$0x3FB1];
	_ =	sdelay $0x3  }
0x34: {  	[smem:$0x3FB1] =	sst s10  }
0x35: {  	s10 =	sld [smem:$0x3FB0];
	_ =	sdelay $0x3  }
0x36: {  	p1 =	seq.s32 s10, $0x1;
	s10 =	sld [smem:$0x3FB1];
	_ =	sdelay $0x3  }
0x37: {  	[smem:$0x3FB1] =	sst s10  }
0x38: {  	s10 =	sld [smem:$0x3FB2]  }
0x39: {  	_ = 	snop;
	(pc) =	sbr.ind lr, $3  }
0x3a: {  	_ = 	snop  }
0x3b: {  	_ = 	snop  }
0x3c: {  	p2 =	seq.s32 s10, $0x1;
	s10 =	sld [smem:$0x3FB1]  }
0x3d: {  	_ =	shalt  }
0x3e: {  	_ =	shalt  }
0x3f: {  	_ =	shalt  }
0x40: {  	_ =	shalt  }
0x41: {  	_ =	shalt  }
0x42: {  	_ =	shalt  }
0x43: {  	_ =	shalt  }
0x44: {  	_ =	shalt  }
0x45: {  	_ =	shalt  }
0x46: {  	_ =	shalt  }
0x47: {  	_ =	shalt  }
0x48: {  	_ =	shalt  }
0x49: {  	_ =	shalt  }
0x4a: {  	_ =	shalt  }
0x4b: {  	_ =	shalt  }
0x4c: {  	_ =	shalt  }
0x4d: {  	_ =	shalt  }
0x4e: {  	_ =	shalt  }
0x4f: {  	_ =	shalt  }
0x50: {  	_ =	shalt  }
0x51: {  	_ =	shalt  }
0x52: {  	_ =	shalt  }
0x53: {  	_ =	shalt  }
0x54: {  	_ =	shalt  }
0x55: {  	_ =	shalt  }
0x56: {  	_ =	shalt  }
0x57: {  	_ =	shalt  }
0x58: {  	_ =	shalt  }
0x59: {  	_ =	shalt  }
0x5a: {  	_ =	shalt  }
0x5b: {  	_ =	shalt  }
0x5c: {  	_ =	shalt  }
0x5d: {  	_ =	shalt  }
0x5e: {  	_ =	shalt  }
0x5f: {  	_ =	shalt  }
0x60: {  	_ =	shalt  }
0x61: {  	_ =	shalt  }
0x62: {  	_ =	shalt  }
0x63: {  	_ =	shalt  }
0x64: {  	_ =	shalt  }
0x65: {  	_ =	shalt  }
0x66: {  	_ =	shalt  }
0x67: {  	_ =	shalt  }
0x68: {  	_ =	shalt  }
0x69: {  	_ =	shalt  }
0x6a: {  	_ =	shalt  }
0x6b: {  	_ =	shalt  }
0x6c: {  	_ =	shalt  }
0x6d: {  	_ =	shalt  }
0x6e: {  	_ =	shalt  }
0x6f: {  	_ =	shalt  }
0x70: {  	_ =	shalt  }
0x71: {  	_ =	shalt  }
0x72: {  	_ =	shalt  }
0x73: {  	_ =	shalt  }
0x74: {  	_ =	shalt  }
0x75: {  	_ =	shalt  }
0x76: {  	_ =	shalt  }
0x77: {  	_ =	shalt  }
0x78: {  	_ =	shalt  }
0x79: {  	_ =	shalt  }
0x7a: {  	_ =	shalt  }
0x7b: {  	_ =	shalt  }
0x7c: {  	_ =	shalt  }
0x7d: {  	_ =	shalt  }
0x7e: {  	_ =	shalt  }
0x7f: {  	_ =	shalt  }
0x80: {  	_ =	shalt  }
0x81: {  	_ =	shalt  }
0x82: {  	_ =	shalt  }
0x83: {  	_ =	shalt  }
0x84: {  	_ =	shalt  }
0x85: {  	_ =	shalt  }
0x86: {  	_ =	shalt  }
0x87: {  	_ =	shalt  }
.Lfunc_end0:
.L_simem_size_0:
called_computation_lowered:
.L_overlay_start_0:
0x88: {  	s2 =	sld [smem:$0x3FD9]  }
0x89: {  	s3 =	sld [smem:$0x3FFE];
	_ =	sdelay $0x1  }
0x8a: {  	s1 =	srdreg.scid  }
0x8b: {  	s0 =	sand.u32 $0x1, s1  }
0x8c: {  	s17 =	sshll.u32 s0, $0xA;
	s2 =	sadd.s32 s3, s2  }
0x8d: {  	s2 =	sadd.s32 s2, s17  }
0x8e: {  	[smem:$0x3FBD] =	sst s2  }
0x8f: {  	_ = 	snop  }
0x90: {  	(tm) =	ssettm $0x1  }
0x91: {  	s18 =	sld [smem:$0x3FFB];
	_ =	sdelay $0x3  }
0x92: {  	_ =	strace s18  }
0x93: {  	s2 =	sld [smem:$0x3FFC];
	_ =	sdelay $0x3  }
0x94: {  	_ =	strace s2  }
0x95: {  	s2 =	sld [smem:$0x3FFD];
	_ =	sdelay $0x3  }
0x96: {  	_ =	strace s2  }
0x97: {  	_ =	strace $0x8FFFFFFF  }
0x98: {  	s19 =	sld [smem:$0x3FDB];
	_ =	sdelay $0x1  }
0x99: {  	s20 =	simm.s32 $_scs_section_size  }
0x9a: {  	s4 =	simm.s32 $_size__tile_overlayer_lowered;
	s5 =	simm.s32 $_tile_overlayer_lowered  }
0x9b: {  	s6 =	simm.s32 $0x1BFF;
	s21 =	sshll.u32 s5, $0x1;
	s3 =	sadd.s32 s20, s19  }
0x9c: {  	s22 =	simm.s32 $0x0;
	s4 =	sshll.u32 s4, $0x1;
	s5 =	sadd.s32 s21, s3  }
0x9d: {  	[timem:s22], [sflag:s6] =	dma.local [hbm:s5], s4  }
0x9e: {  	_ =	swait.ge [sflag:s6], s4  }
0x9f: {  	s4 =	ssub.s32 $0x0, s4;
	[sflag:s6] =	ssyncset.done $0x0  }
0xa0: {  	[sflag:s6] =	ssyncadd.s32 s4;
	_ =	sdelay $0x1  }
0xa1: {  	s23 =	simm.s32 $0x1B8B  }
0xa2: {  	_ =	swait.ge [sflag:s23], $0x1  }
0xa3: {  	[sflag:s23] =	ssyncset.done $0x0  }
0xa4: {  	[sflag:s23] =	ssyncadd.s32 $0xFFFFFFFF  }
0xa5: {  	s4 =	sld [smem:$0x0]  }
0xa6: {  	s5 =	sand.u32 $0xFFFFFFFE, s1  }
0xa7: {  	p0 =	sne.s32 s1, s5  }
0xa8: {  	s5 =	sshll.u32 @p0 s5, $0xE  }
0xa9: {  	s5 =	sadd.s32 @p0 $0x11B8D, s5;
	s6 =	sshll.u32 @p0 s4, $0x11  }
0xaa: {  	s5 =	sor.u32 @p0 s6, s5  }
0xab: {  	[sflag:s5] =	ssyncadd.remote.s32 @p0 $0x1;
	_ =	sdelay $0x1  }
0xac: {  	s5 =	simm.s32 @p0 $0x1B8D  }
0xad: {  	_ =	swait.eq @p0 [sflag:s5], $0x1  }
0xae: {  	[sflag:s5] =	ssyncadd.s32 @p0 $0xFFFFFFFF  }
0xaf: {  	s6 =	sshll.u32 @!p0 s1, $0xE  }
0xb0: {  	s6 =	sor.u32 @!p0 $0x4000, s6;
	s5 =	simm.s32 @!p0 $0x1B8D  }
0xb1: {  	s4 =	sshll.u32 @!p0 s4, $0x11;
	s6 =	sadd.s32 @!p0 $0x11B8D, s6;
	_ =	swait.eq @!p0 [sflag:s5], $0x1  }
0xb2: {  	s4 =	sor.u32 @!p0 s4, s6;
	[sflag:s5] =	ssyncadd.s32 @!p0 $0xFFFFFFFF  }
0xb3: {  	s25 =	simm.s32 $0x1B8E;
	s24 =	sld [smem:$0x3FFE];
	[sflag:s4] =	ssyncadd.remote.s32 @!p0 $0x1  }
0xb4: {  	s26 =	simm.s32 $execute0_lowered;
	[smem:$0x3FD2] =	sst s25  }
0xb5: {  	s5 =	sshll.u32 s26, $0x1;
	_ =	strace $0x80000049;
	[dreg:$0x1] =	wrdreg $0xFFFFFFFF  }
0xb6: {  	s28 =	simm.s32 $_size_execute0_lowered;
	s3 =	sadd.s32 s3, s5;
	[dreg:$0x0] =	wrdreg $0x0  }
0xb7: {  	s5 =	sshll.u32 s28, $0x1;
	[dreg:$0x2] =	wrdreg s3  }
0xb8: {  	[dreg:$0x3] =	wrdreg s5  }
0xb9: {  	[dreg:$0x4] =	wrdreg $0xC0  }
0xba: {  	_ =	task [dreg:s22], $0x5FFFF  }
0xbb: {  	[dreg:$0x1] =	wrdreg $0xFFFFFFFF  }
0xbc: {  	[dreg:$0x0] =	wrdreg $0x60  }
0xbd: {  	[dreg:$0x2] =	wrdreg s24  }
0xbe: {  	[dreg:$0x3] =	wrdreg $0x0  }
0xbf: {  	[dreg:$0x4] =	wrdreg $0x9  }
0xc0: {  	_ =	task.clear_ibuf [dreg:s22], $0x5FFFF;
	_ =	strace $0x90000049  }
0xc1: {  	s29 =	simm.s32 $0x9;
	_ =	strace $0x8000004B  }
0xc2: {  	_ =	swait.ge [sflag:s29], $0x1  }
0xc3: {  	[sflag:s29] =	ssyncadd.s32 $0xFFFFFFFF  }
0xc4: {  	_ =	strace $0x9000004B  }
0xc5: {  	_ =	sfence  }
0xc6: {  	s30 =	sld [smem:$0x0];
	_ =	sdelay $0x2  }
0xc7: {  	s31 =	sshll.u32 s1, $0xD;
	s1 =	sshrl.u32 s1, $0x2  }
0xc8: {  	s4 =	sand.u32 $0x4000, s31;
	s1 =	sadd.s32 s1, s30  }
0xc9: {  	s0 =	sor.u32 s4, s0;
	s1 =	sshll.u32 s1, $0x11  }
0xca: {  	s0 =	sor.u32 s1, s0  }
0xcb: {  	s0 =	sadd.s32 $0x8F2B, s0  }
0xcc: {  	[sflag:s0] =	ssyncadd.remote.s32 $0x1  }
0xcd: {  	_ =	sfence.sel $0xFFFF  }
0xce: {  	[dreg:$0x0] =	wrdreg $0xFFFFFFFF;
	(pc) =	sbr.abs _section_cstart, $3  }
0xcf: {  	[dreg:$0x1] =	wrdreg $0xFFFFFFFF  }
0xd0: {  	_ =	task.clear_ibuf [dreg:s22], $0x2FFFF;
	_ =	strace $0x9FFFFFFF  }
0xd1: {  	(tm) =	ssettm $0x7FFFFFFF  }
tec
execute0_lowered:
.L_overlay_start_1:
0x0: {  	(tag) =	ssettag $0x1  }
0x1: {  	s0 =	rddreg [dreg:$0x0];
	s1 =	srdreg.scid  }
0x2: {  	s8 =	stileid.u32;
	s2 =	rddreg [dreg:$0x1]  }
0x3: {  	s3 =	simm.s32 $0x0;
	s1 =	sand.u32 $0x1, s1;
	s21 =	smul.u32 $0x4E000, s8  }
0x4: {  	s4 =	sshll.u32 s8, $0x1;
	[smem:$0x7FF] =	sst s3;
	s25 =	smul.u32 $0x2700, s8  }
0x5: {  	s9 =	sadd.s32 $0x3FC00, s0;
	s11 =	sadd.s32 $0x66E00, s0;
	s26 =	smul.u32 $0x4E20, s8  }
0x6: {  	s13 =	sadd.s32 $0x138000, s2;
	p1 =	sne.s32 s8, $0xF;
	p2 =	seq.s32 s8, $0xF  }
0x7: {  	s4 =	sor.u32 s1, s4;
	_ =	strace $0x8000004A;
	s6 =	ssub.s32 $0x2, s1  }
0x8: {  	p0 =	seq.s32 s1, $0x1;
	[dreg:$0x3] =	wrdreg s9;
	s1 =	smul.u32 $0x2710, s1  }
0x9: {  	s8 =	simm.s32 $0x1;
	[dreg:$0x5] =	wrdreg s11;
	s5 =	smul.u32 $0x2710, s4  }
0xa: {  	s4 =	sadd.s32 $0x4E00, s0;
	s7 =	sshrl.u32 s6, $0x1;
	s12 =	sadd.s32 s9, s25  }
0xb: {  	s9 =	simm.s32 $0x2;
	s22 =	ssub.s32 s6, s7;
	[dreg:$0x8] =	wrdreg s12  }
0xc: {  	s6 =	sadd.s32 s11, s25;
	s17 =	sadd.s32 s1, s26;
	s26 =	sshrl.u32 s13, $0x3  }
0xd: {  	s11 =	simm.s32 $0x17A00;
	s12 =	simm.s32 $0x3;
	s7 =	simm.s32 $0x80  }
0xe: {  	s13 =	simm.s32 $0x13980;
	s5 =	sshrl.u32 s5, $0x3;
	[dreg:$0x9] =	wrdreg s6  }
0xf: {  	s0 =	smax.u32 s22, $0x1;
	s25 =	sadd.s32 $0x180, s17;
	[dreg:$0xf] =	wrdreg s26  }
0x10: {  	s10 =	sadd.s32 s4, s5;
	s5 =	sshrl.u32 s21, $0x2;
	[dreg:$0xa] =	wrdreg s0  }
0x11: {  	s1 =	sshrl.u32 s25, $0x3;
	s25 =	simm.s32 $0x13A00;
	s0 =	simm.s32 $0x13900  }
0x12: {  	s23 =	sadd.s32 $0x10, s10;
	[dreg:$0x4] =	wrdreg s10;
	s24 =	sadd.s32 $0x4E0, s10  }
0x13: {  	s10 =	sadd.s32 s5, s2;
	s5 =	simm.s32 $0x13880;
	[dreg:$0x6] =	wrdreg s23  }
0x14: {  	[dreg:$0x7] =	wrdreg s24;
	s14 =	sadd.s32 $0x1400, s10;
	s15 =	sadd.s32 $0x2800, s10  }
0x15: {  	s16 =	sadd.s32 $0x3C00, s10;
	s24 =	sadd.s32 $0x5000, s10;
	s18 =	sadd.s32 $0x6400, s10  }
0x16: {  	s19 =	sadd.s32 $0x7800, s10;
	s20 =	sadd.s32 $0x8C00, s10;
	s21 =	sadd.s32 $0xA000, s10  }
.Ltmp0:
0x17: {  	s22 =	sadd.s32 $0xB400, s10;
	s23 =	sadd.s32 s1, s4;
	(pc) =	sbr.rel .LBB2_1-.Ltmp0, $4  }
0x18: {  	s26 =	sadd.s32 $0xC800, s10;
	s28 =	sadd.s32 $0xDC00, s10;
	[dreg:$0xb] =	wrdreg s14  }
0x19: {  	s29 =	sadd.s32 $0xF000, s10;
	s30 =	sadd.s32 $0x10400, s10;
	[dreg:$0xc] =	wrdreg s15  }
0x1a: {  	s31 =	sadd.s32 $0x11800, s10;
	s1 =	sadd.s32 $0x12C00, s10;
	[dreg:$0xd] =	wrdreg s16  }
0x1b: {  	v0 =	vimm.f32 $0.0e+00;
	v1 =	vimm.f32 $1.000000000e+00;
	[dreg:$0xe] =	wrdreg s24;
	s24 =	sadd.s32 $0x100, s17;
	s14 =	simm.s32 $0x0  }
.LBB2_10:
0x1c: {  	s6 =	sadd.s32 $0x27000, s6;
	s16 =	rddreg [dreg:$0xf]  }
0x1d: {  	[hbm:s6], [sflag:s15] =	dma.local [spmem:s16], $0x100  }
0x1e: {  	_ =	swait.ge [sflag:s12], $0x100  }
0x1f: {  	[sflag:s12] =	ssyncset.done $0x0  }
0x20: {  	[sflag:s12] =	ssyncadd.s32 $0xFFFFFF00  }
.LBB2_11:
0x21: {  	s14 =	sadd.s32 $0x1, s14;
	s6 =	rddreg [dreg:$0xa]  }
0x22: {  	p3 =	sne.s32 s14, s6  }
.Ltmp1:
0x23: {  	_ = 	snop;
	(pc) =	sbr.rel @!p3 .LBB2_12-.Ltmp1, $1  }
0x24: {  	_ =	sdelay $0x3  }
.LBB2_1:
0x25: {  	s15 =	simm.s32 $0x0;
	s16 =	simm.s32 $0x200  }
.LBB2_2:
0x26: {  	p3 =	sne.s32 s16, $0x4E00;
	[tilespmem:s15+$0x17A70] =	vst v0  }
0x27: {  	[tilespmem:s15+$0x17A00] =	vst v0  }
0x28: {  	[tilespmem:s15+$0x17A10] =	vst v0  }
.Ltmp2:
0x29: {  	[tilespmem:s15+$0x17A20] =	vst v0;
	(pc) =	sbr.rel @p3 .LBB2_2-.Ltmp2, $4  }
0x2a: {  	[tilespmem:s15+$0x17A30] =	vst v0  }
0x2b: {  	[tilespmem:s15+$0x17A40] =	vst v0  }
0x2c: {  	[tilespmem:s15+$0x17A50] =	vst v0  }
0x2d: {  	[tilespmem:s15+$0x17A60] =	vst v0;
	s15 =	sshra.s32 s16, $0x2;
	s16 =	sadd.s32 $0x200, s16  }
0x2e: {  	[tilespmem:s15+$0x17A70] =	vst v0  }
0x2f: {  	[tilespmem:s15+$0x17A00] =	vst v0  }
0x30: {  	[tilespmem:s15+$0x17A10] =	vst v0  }
0x31: {  	[tilespmem:s15+$0x17A20] =	vst v0  }
0x32: {  	[tilespmem:s15+$0x17A30] =	vst v0  }
0x33: {  	[tilespmem:s15+$0x17A40] =	vst v0  }
0x34: {  	[tilespmem:s15+$0x17A50] =	vst v0  }
0x35: {  	[tilespmem:s15+$0x17A60] =	vst v0;
	s15 =	simm.s32 $0x0;
	s16 =	simm.s32 $0x200  }
.LBB2_4:
0x36: {  	p3 =	sne.s32 s16, $0xFE00;
	[tilespmem:s15+$0x13A70] =	vst v1  }
0x37: {  	[tilespmem:s15+$0x13A00] =	vst v1  }
0x38: {  	[tilespmem:s15+$0x13A10] =	vst v1  }
.Ltmp3:
0x39: {  	[tilespmem:s15+$0x13A20] =	vst v1;
	(pc) =	sbr.rel @p3 .LBB2_4-.Ltmp3, $4  }
0x3a: {  	[tilespmem:s15+$0x13A30] =	vst v1  }
0x3b: {  	[tilespmem:s15+$0x13A40] =	vst v1  }
0x3c: {  	[tilespmem:s15+$0x13A50] =	vst v1  }
0x3d: {  	[tilespmem:s15+$0x13A60] =	vst v1;
	s15 =	sshra.s32 s16, $0x2;
	s16 =	sadd.s32 $0x200, s16  }
0x3e: {  	[tilespmem:s15+$0x13A70] =	vst v1  }
0x3f: {  	[tilespmem:s15+$0x13A00] =	vst v1  }
0x40: {  	[tilespmem:s15+$0x13A10] =	vst v1  }
0x41: {  	[tilespmem:s15+$0x13A20] =	vst v1  }
0x42: {  	[tilespmem:s15+$0x13A30] =	vst v1  }
0x43: {  	[tilespmem:s15+$0x13A40] =	vst v1  }
0x44: {  	[tilespmem:s15+$0x13A50] =	vst v1  }
0x45: {  	[tilespmem:s15+$0x13A60] =	vst v1  }
0x46: {  	[spmem:s10] =	stream.linear.scatter [tilespmem:s11], [sflag:$0x3], $0x1400, $0x38;
	[tilespmem:$0x18E00] =	vst v63  }
0x47: {  	_ =	swait.ge [sflag:s12], $0x1400  }
0x48: {  	[sflag:s12] =	ssyncset.done $0x0  }
0x49: {  	s6 =	rddreg [dreg:$0xb];
	[sflag:s12] =	ssyncadd.s32 $0xFFFFEC00  }
0x4a: {  	[spmem:s6] =	stream.linear.scatter [tilespmem:s11], [sflag:$0x3], $0x1400, $0x38;
	[tilespmem:$0x18E00] =	vst v63  }
0x4b: {  	_ =	swait.ge [sflag:s12], $0x1400  }
0x4c: {  	[sflag:s12] =	ssyncset.done $0x0  }
0x4d: {  	s16 =	rddreg [dreg:$0xc];
	[sflag:s12] =	ssyncadd.s32 $0xFFFFEC00  }
0x4e: {  	[spmem:s16] =	stream.linear.scatter [tilespmem:s11], [sflag:$0x3], $0x1400, $0x38;
	[tilespmem:$0x18E00] =	vst v63  }
0x4f: {  	_ =	swait.ge [sflag:s12], $0x1400  }
0x50: {  	[sflag:s12] =	ssyncset.done $0x0  }
0x51: {  	s17 =	rddreg [dreg:$0xd];
	[sflag:s12] =	ssyncadd.s32 $0xFFFFEC00  }
0x52: {  	[spmem:s17] =	stream.linear.scatter [tilespmem:s11], [sflag:$0x3], $0x1400, $0x38;
	[tilespmem:$0x18E00] =	vst v63  }
0x53: {  	_ =	swait.ge [sflag:s12], $0x1400  }
0x54: {  	[sflag:s12] =	ssyncset.done $0x0  }
0x55: {  	s15 =	rddreg [dreg:$0xe];
	[sflag:s12] =	ssyncadd.s32 $0xFFFFEC00  }
0x56: {  	[spmem:s15] =	stream.linear.scatter [tilespmem:s11], [sflag:$0x3], $0x1400, $0x38;
	[tilespmem:$0x18E00] =	vst v63  }
0x57: {  	_ =	swait.ge [sflag:s12], $0x1400  }
0x58: {  	[sflag:s12] =	ssyncset.done $0x0  }
0x59: {  	[sflag:s12] =	ssyncadd.s32 $0xFFFFEC00  }
0x5a: {  	[spmem:s18] =	stream.linear.scatter [tilespmem:s11], [sflag:$0x3], $0x1400, $0x38;
	[tilespmem:$0x18E00] =	vst v63  }
0x5b: {  	_ =	swait.ge [sflag:s12], $0x1400  }
0x5c: {  	[sflag:s12] =	ssyncset.done $0x0  }
0x5d: {  	[sflag:s12] =	ssyncadd.s32 $0xFFFFEC00  }
0x5e: {  	[spmem:s19] =	stream.linear.scatter [tilespmem:s11], [sflag:$0x3], $0x1400, $0x38;
	[tilespmem:$0x18E00] =	vst v63  }
0x5f: {  	_ =	swait.ge [sflag:s12], $0x1400  }
0x60: {  	[sflag:s12] =	ssyncset.done $0x0  }
0x61: {  	[sflag:s12] =	ssyncadd.s32 $0xFFFFEC00  }
0x62: {  	[spmem:s20] =	stream.linear.scatter [tilespmem:s11], [sflag:$0x3], $0x1400, $0x38;
	[tilespmem:$0x18E00] =	vst v63  }
0x63: {  	_ =	swait.ge [sflag:s12], $0x1400  }
0x64: {  	[sflag:s12] =	ssyncset.done $0x0  }
0x65: {  	[sflag:s12] =	ssyncadd.s32 $0xFFFFEC00  }
0x66: {  	[spmem:s21] =	stream.linear.scatter [tilespmem:s11], [sflag:$0x3], $0x1400, $0x38;
	[tilespmem:$0x18E00] =	vst v63  }
0x67: {  	_ =	swait.ge [sflag:s12], $0x1400  }
0x68: {  	[sflag:s12] =	ssyncset.done $0x0  }
0x69: {  	[sflag:s12] =	ssyncadd.s32 $0xFFFFEC00  }
0x6a: {  	[spmem:s22] =	stream.linear.scatter [tilespmem:s11], [sflag:$0x3], $0x1400, $0x38;
	[tilespmem:$0x18E00] =	vst v63  }
0x6b: {  	_ =	swait.ge [sflag:s12], $0x1400  }
0x6c: {  	[sflag:s12] =	ssyncset.done $0x0  }
0x6d: {  	[sflag:s12] =	ssyncadd.s32 $0xFFFFEC00  }
0x6e: {  	[spmem:s26] =	stream.linear.scatter [tilespmem:s11], [sflag:$0x3], $0x1400, $0x38;
	[tilespmem:$0x18E00] =	vst v63  }
0x6f: {  	_ =	swait.ge [sflag:s12], $0x1400  }
0x70: {  	[sflag:s12] =	ssyncset.done $0x0  }
0x71: {  	[sflag:s12] =	ssyncadd.s32 $0xFFFFEC00  }
0x72: {  	[spmem:s28] =	stream.linear.scatter [tilespmem:s11], [sflag:$0x3], $0x1400, $0x38;
	[tilespmem:$0x18E00] =	vst v63  }
0x73: {  	_ =	swait.ge [sflag:s12], $0x1400  }
0x74: {  	[sflag:s12] =	ssyncset.done $0x0  }
0x75: {  	[sflag:s12] =	ssyncadd.s32 $0xFFFFEC00  }
0x76: {  	[spmem:s29] =	stream.linear.scatter [tilespmem:s11], [sflag:$0x3], $0x1400, $0x38;
	[tilespmem:$0x18E00] =	vst v63  }
0x77: {  	_ =	swait.ge [sflag:s12], $0x1400  }
0x78: {  	[sflag:s12] =	ssyncset.done $0x0  }
0x79: {  	[sflag:s12] =	ssyncadd.s32 $0xFFFFEC00  }
0x7a: {  	[spmem:s30] =	stream.linear.scatter [tilespmem:s11], [sflag:$0x3], $0x1400, $0x38;
	[tilespmem:$0x18E00] =	vst v63  }
0x7b: {  	_ =	swait.ge [sflag:s12], $0x1400  }
0x7c: {  	[sflag:s12] =	ssyncset.done $0x0  }
0x7d: {  	[sflag:s12] =	ssyncadd.s32 $0xFFFFEC00  }
0x7e: {  	[spmem:s31] =	stream.linear.scatter [tilespmem:s11], [sflag:$0x3], $0x1400, $0x38;
	[tilespmem:$0x18E00] =	vst v63  }
0x7f: {  	_ =	swait.ge [sflag:s12], $0x1400  }
0x80: {  	[sflag:s12] =	ssyncset.done $0x0  }
0x81: {  	[sflag:s12] =	ssyncadd.s32 $0xFFFFEC00  }
0x82: {  	[spmem:s1] =	stream.linear.scatter [tilespmem:s11], [sflag:$0x3], $0x1400, $0x38;
	[tilespmem:$0x18E00] =	vst v63  }
0x83: {  	_ =	swait.ge [sflag:s12], $0x1400  }
0x84: {  	[sflag:s12] =	ssyncset.done $0x0  }
0x85: {  	[sflag:s12] =	ssyncadd.s32 $0xFFFFEC00  }
0x86: {  	[bflag:$0x0] =	sbarrier.arrive $0xFFFF  }
0x87: {  	s6 =	simm.s32 $0x0;
	s16 =	rddreg [dreg:$0x4]  }
0x88: {  	[tilespmem:s5], [sflag:$0x3] =	stream.linear.gather [hbm4b:s16+s6], $0x80, $0x38;
	[tilespmem:$0x18E00] =	vst v63  }
0x89: {  	_ =	swait.ge [sflag:s12], $0x80  }
0x8a: {  	[sflag:s12] =	ssyncset.done $0x0  }
0x8b: {  	[sflag:s12] =	ssyncadd.s32 $0xFFFFFF80  }
0x8c: {  	[spmem:s2] =	stream.indirect.scatter.add.f32 [tilespmem:s25], [sflag:$0x1], $0x80, s5, s7, $0xb8;
	[tilespmem:$0x18E00] =	vst v63  }
0x8d: {  	s17 =	rddreg [dreg:$0x6]  }
0x8e: {  	[tilespmem:s0], [sflag:$0x3] =	stream.linear.gather [hbm4b:s17+s6], $0x80, $0x38;
	[tilespmem:$0x18E00] =	vst v63  }
0x8f: {  	_ =	swait.ge [sflag:s12], $0x80  }
0x90: {  	[sflag:s12] =	ssyncset.done $0x0  }
0x91: {  	[sflag:s12] =	ssyncadd.s32 $0xFFFFFF80  }
0x92: {  	[spmem:s2] =	stream.indirect.scatter.add.f32 [tilespmem:s25], [sflag:$0x2], $0x80, s0, s7, $0xb8;
	[tilespmem:$0x18E00] =	vst v63  }
0x93: {  	_ =	swait.ge [sflag:s8], $0x4000  }
0x94: {  	s16 =	sshrl.u32 s24, $0x3;
	[sflag:s8] =	ssyncset.done $0x0  }
0x95: {  	s6 =	sadd.s32 s4, s16;
	[sflag:s8] =	ssyncadd.s32 $0xFFFFC000  }
0x96: {  	[tilespmem:s5], [sflag:$0x3] =	stream.linear.gather [hbm4b:s6+s3], $0x80, $0x38;
	[tilespmem:$0x18E00] =	vst v63  }
0x97: {  	_ =	swait.ge [sflag:s12], $0x80  }
0x98: {  	[sflag:s12] =	ssyncset.done $0x0  }
0x99: {  	[sflag:s12] =	ssyncadd.s32 $0xFFFFFF80  }
0x9a: {  	[spmem:s2] =	stream.indirect.scatter.add.f32 [tilespmem:s25], [sflag:$0x1], $0x80, s5, s7, $0xb8;
	[tilespmem:$0x18E00] =	vst v63  }
0x9b: {  	_ =	swait.ge [sflag:s9], $0x4000  }
0x9c: {  	[sflag:s9] =	ssyncset.done $0x0  }
0x9d: {  	s17 =	sadd.s32 $0x0, s23;
	[sflag:s9] =	ssyncadd.s32 $0xFFFFC000  }
0x9e: {  	[tilespmem:s0], [sflag:$0x3] =	stream.linear.gather [hbm4b:s17+s3], $0x80, $0x38;
	[tilespmem:$0x18E00] =	vst v63  }
0x9f: {  	_ =	swait.ge [sflag:s12], $0x80  }
0xa0: {  	[sflag:s12] =	ssyncset.done $0x0  }
0xa1: {  	s15 =	simm.s32 $0x20;
	s16 =	sadd.s32 $0x100, s24;
	[sflag:s12] =	ssyncadd.s32 $0xFFFFFF80  }
.LBB2_6:
0xa2: {  	[spmem:s2] =	stream.indirect.scatter.add.f32 [tilespmem:s25], [sflag:$0x2], $0x80, s0, s7, $0xb8;
	[tilespmem:$0x18E00] =	vst v63  }
0xa3: {  	s6 =	smov.u32 s15  }
0xa4: {  	p3 =	sne.s32 s15, $0x4A0;
	s15 =	sadd.s32 $0x20, s15;
	_ =	swait.ge [sflag:s8], $0x4000  }
0xa5: {  	s17 =	sshrl.u32 s16, $0x3;
	[sflag:s8] =	ssyncset.done $0x0  }
0xa6: {  	s17 =	sadd.s32 s4, s17;
	[sflag:s8] =	ssyncadd.s32 $0xFFFFC000  }
0xa7: {  	[tilespmem:s5], [sflag:$0x3] =	stream.linear.gather [hbm4b:s17+s3], $0x80, $0x38;
	[tilespmem:$0x18E00] =	vst v63  }
0xa8: {  	_ =	swait.ge [sflag:s12], $0x80  }
0xa9: {  	[sflag:s12] =	ssyncset.done $0x0  }
0xaa: {  	[sflag:s12] =	ssyncadd.s32 $0xFFFFFF80  }
0xab: {  	[spmem:s2] =	stream.indirect.scatter.add.f32 [tilespmem:s25], [sflag:$0x1], $0x80, s5, s7, $0xb8;
	[tilespmem:$0x18E00] =	vst v63  }
0xac: {  	_ =	swait.ge [sflag:s9], $0x4000  }
0xad: {  	[sflag:s9] =	ssyncset.done $0x0  }
.Ltmp4:
0xae: {  	s6 =	sadd.s32 s6, s23;
	[sflag:s9] =	ssyncadd.s32 $0xFFFFC000;
	(pc) =	sbr.rel @p3 .LBB2_6-.Ltmp4, $4  }
0xaf: {  	[tilespmem:s0], [sflag:$0x3] =	stream.linear.gather [hbm4b:s6+s3], $0x80, $0x38;
	[tilespmem:$0x18E00] =	vst v63  }
0xb0: {  	_ =	swait.ge [sflag:s12], $0x80  }
0xb1: {  	[sflag:s12] =	ssyncset.done $0x0  }
0xb2: {  	s16 =	sadd.s32 $0x100, s16;
	[sflag:s12] =	ssyncadd.s32 $0xFFFFFF80  }
0xb3: {  	[spmem:s2] =	stream.indirect.scatter.add.f32 [tilespmem:s25], [sflag:$0x2], $0x80, s0, s7, $0xb8;
	[tilespmem:$0x18E00] =	vst v63  }
0xb4: {  	_ =	swait.ge [sflag:s8], $0x4000  }
0xb5: {  	[sflag:s8] =	ssyncset.done $0x0  }
0xb6: {  	[sflag:s8] =	ssyncadd.s32 $0xFFFFC000  }
0xb7: {  	_ =	swait.ge [sflag:s9], $0x4000  }
0xb8: {  	[sflag:s9] =	ssyncset.done $0x0  }
0xb9: {  	s6 =	rddreg [dreg:$0x7];
	[sflag:s9] =	ssyncadd.s32 $0xFFFFC000  }
0xba: {  	[tilespmem:s13], [sflag:$0x3] =	stream.linear.gather [hbm4b:s6+s3], $0x10, $0x38;
	[tilespmem:$0x18E00] =	vst v63  }
0xbb: {  	_ =	swait.ge [sflag:s12], $0x10  }
0xbc: {  	[sflag:s12] =	ssyncset.done $0x0  }
0xbd: {  	s16 =	simm.s32 $0x10;
	[sflag:s12] =	ssyncadd.s32 $0xFFFFFFF0  }
0xbe: {  	[spmem:s2] =	stream.indirect.scatter.add.f32 [tilespmem:s25], [sflag:$0x3], $0x80, s13, s16, $0xb8;
	[tilespmem:$0x18E00] =	vst v63  }
.Ltmp5:
0xbf: {  	_ =	swait.ge [sflag:s12], $0x800;
	(pc) =	sbr.rel @!p0 .LBB2_8-.Ltmp5, $4  }
0xc0: {  	[sflag:s12] =	ssyncset.done $0x0  }
0xc1: {  	s17 =	stileid.u32;
	[sflag:s12] =	ssyncadd.s32 $0xFFFFF800  }
0xc2: {  	s6 =	sshll.u32 s17, $0x6;
	[bflag:$0x0] =	sbarrier.arrive $0xFFFF  }
0xc3: {  	s15 =	sor.u32 $0x1C03, s6;
	s16 =	sshrl.u32 s10, $0x3  }
0xc4: {  	s15 =	sor.u32 $0x1C03, s6;
	s17 =	rddreg [dreg:$0x9]  }
0xc5: {  	[hbm:s17], [sflag:s15] =	dma.local [spmem:s16], $0x2700  }
.Ltmp6:
0xc6: {  	_ = 	snop;
	(pc) =	sbr.rel @p1 .LBB2_11-.Ltmp6, $4  }
.Ltmp7:
0xc7: {  	_ = 	snop;
	(pc) =	sbr.rel @!p1 .LBB2_10-.Ltmp7, $4  }
0xc8: {  	_ =	swait.ge [sflag:s12], $0x2700  }
0xc9: {  	[sflag:s12] =	ssyncset.done $0x0  }
0xca: {  	s6 =	rddreg [dreg:$0x5];
	[sflag:s12] =	ssyncadd.s32 $0xFFFFD900  }
0xcb: {  	_ = 	snop  }
.LBB2_8:
0xcc: {  	s6 =	rddreg [dreg:$0x8]  }
0xcd: {  	[hbm:s6], [sflag:s15] =	dma.local [spmem:s16], $0x2700  }
.Ltmp8:
0xce: {  	_ = 	snop;
	(pc) =	sbr.rel @p2 .LBB2_10-.Ltmp8, $4  }
.Ltmp9:
0xcf: {  	_ = 	snop;
	(pc) =	sbr.rel @!p2 .LBB2_11-.Ltmp9, $4  }
0xd0: {  	_ =	swait.ge [sflag:s12], $0x2700  }
0xd1: {  	[sflag:s12] =	ssyncset.done $0x0  }
0xd2: {  	s6 =	rddreg [dreg:$0x3];
	[sflag:s12] =	ssyncadd.s32 $0xFFFFD900  }
0xd3: {  	_ = 	snop  }
.LBB2_12:
0xd4: {  	_ =	sfence.sel $0x180000  }
0xd5: {  	[bflag:$0x0] =	sbarrier.arrive $0xFFFF  }
0xd6: {  	_ =	strace $0x9000004A  }
0xd7: {  	s0 =	stileid.u32;
	[bflag:$0x2] =	sbarrier.arrive $0xFFFF  }
0xd8: {  	p0 =	sne.s32 s0, $0x0;
	s0 =	rddreg [dreg:$0x2]  }
0xd9: {  	s0 =	sadd.s32 @!p0 $0x100000, s0  }
0xda: {  	[sflag:s0] =	ssyncadd.tile.s32 @!p0 $0x1;
	_ =	shalt  }
.Lfunc_end2:
_tile_overlayer_lowered:
.L_overlay_start_2:
0xdb: {  	(tag) =	ssettag $0x2  }
0xdc: {  	s0 =	rddreg [dreg:$0x0];
	s2 =	stileid.u32  }
0xdd: {  	s1 =	rddreg [dreg:$0x1];
	p0 =	sne.s32 s2, $0x0  }
0xde: {  	s3 =	rddreg [dreg:$0x2];
	[bflag:$0x3] =	sbarrier.arrive $0xFFFF;
	s2 =	simm.s32 @!p0 $0x1C03  }
0xdf: {  	[timem:s3], [sflag:s2] =	dma.local @!p0 [hbm:s0], s1  }
0xe0: {  	s0 =	simm.s32 @!p0 $0x3  }
0xe1: {  	_ =	swait.ge @!p0 [sflag:s0], s1  }
0xe2: {  	s1 =	ssub.s32 @!p0 $0x0, s1;
	[sflag:s0] =	ssyncset.done @!p0 $0x0  }
0xe3: {  	[sflag:s0] =	ssyncadd.s32 @!p0 s1  }
0xe4: {  	[bflag:$0x3] =	sbarrier.arrive $0xFFFF  }
0xe5: {  	_ =	shalt  }

</sc_bundles>
